<compile_context>
chip_gen: v7x
topology: tpu7x:2x2x1
jax: 0.10.2.dev20260603
libtpu: 0.0.44.dev20260713+nightly
codegen_flags: <defaults>
</compile_context>

<pallas_src>
import jax
import jax.numpy as jnp
from jax import lax
from jax.experimental import pallas as pl
from jax.experimental.pallas import tpu as pltpu
from jax.experimental.pallas import tpu_sc as plsc

N = 10000
E = 320000
HID = 128
OUT = 64
EPS = 0.3

NC = 2
NS = 16
NW = NC * NS
BB = 128
NBATCH = 80
EPT = BB * NBATCH
EPAD = EPT * NW
NPAD = 10112
ROWZ = NPAD // NS

_SC_PARAMS = dict(
    compiler_params=pltpu.CompilerParams(needs_layout_passes=False))


def _sc_mesh():
  return plsc.VectorSubcoreMesh(core_axis_name="c", subcore_axis_name="s",
                                num_cores=NC, num_subcores=NS)


NDEG = 10240
RDEG = NDEG // NS


def _deg_body(dst_hbm, degp_hbm, dst_v, degl_v, acc_v, tmp_v, all_sh):
  c = lax.axis_index("c")
  s = lax.axis_index("s")
  wid = c * NS + s
  pltpu.sync_copy(dst_hbm.at[wid], dst_v)

  def zbody(i, carry):
    degl_v[pl.ds(i * 16, 16)] = jnp.zeros((16,), jnp.float32)
    return carry

  lax.fori_loop(0, NDEG // 16, zbody, 0)

  ones16 = jnp.ones((16,), jnp.float32)

  def body(b, carry):
    for g in range(BB // 16):
      dv = dst_v[b, pl.ds(g * 16, 16)]
      plsc.addupdate_scatter(degl_v, [dv], ones16)
    return carry

  lax.fori_loop(0, NBATCH, body, 0)
  pltpu.sync_copy(degl_v, all_sh.at[s])
  plsc.subcore_barrier()

  def z2body(i, carry):
    acc_v[pl.ds(i * 16, 16)] = jnp.zeros((16,), jnp.float32)
    return carry

  lax.fori_loop(0, RDEG // 16, z2body, 0)
  for t in range(NS):
    pltpu.sync_copy(all_sh.at[t, pl.ds(s * RDEG, RDEG)], tmp_v)

    def abody(i, carry):
      sl = pl.ds(i * 16, 16)
      acc_v[sl] = acc_v[sl] + tmp_v[sl]
      return carry

    lax.fori_loop(0, RDEG // 16, abody, 0)
  pltpu.sync_copy(acc_v, degp_hbm.at[c, pl.ds(s * RDEG, RDEG)])


def _make_deg_kernel():
  return pl.kernel(
      _deg_body,
      out_type=jax.ShapeDtypeStruct((NC, NDEG), jnp.float32),
      mesh=_sc_mesh(),
      scratch_types=[
          pltpu.VMEM((NBATCH, BB), jnp.int32),
          pltpu.VMEM((NDEG,), jnp.float32),
          pltpu.VMEM((RDEG,), jnp.float32),
          pltpu.VMEM((RDEG,), jnp.float32),
          pltpu.VMEM_SHARED((NS, NDEG), jnp.float32),
      ],
      **_SC_PARAMS,
  )


def _gate_body(p_hbm, q_hbm, src_hbm, dst_hbm, e_hbm,
               p_v, q_v, src_v, dst_v, e_v):
  c = lax.axis_index("c")
  s = lax.axis_index("s")
  wid = c * NS + s
  pltpu.sync_copy(p_hbm, p_v)
  pltpu.sync_copy(q_hbm, q_v)
  pltpu.sync_copy(src_hbm.at[wid], src_v)
  pltpu.sync_copy(dst_hbm.at[wid], dst_v)

  def ebody(b, carry):
    for g in range(BB // 16):
      sl = pl.ds(g * 16, 16)
      sv = src_v[b, sl]
      dv = dst_v[b, sl]
      u = plsc.load_gather(p_v, [dv]) + plsc.load_gather(q_v, [sv])
      a = jnp.minimum(jnp.abs(u), 20.0)
      e_v[b, sl] = jnp.sign(u) * (1.0 - 2.0 / (jnp.exp(2.0 * a) + 1.0))
    return carry

  lax.fori_loop(0, NBATCH, ebody, 0)
  pltpu.sync_copy(e_v, e_hbm.at[wid])


def _make_gate_kernel():
  return pl.kernel(
      _gate_body,
      out_type=jax.ShapeDtypeStruct((NW, NBATCH, BB), jnp.float32),
      mesh=_sc_mesh(),
      scratch_types=[
          pltpu.VMEM((NPAD,), jnp.float32),
          pltpu.VMEM((NPAD,), jnp.float32),
          pltpu.VMEM((NBATCH, BB), jnp.int32),
          pltpu.VMEM((NBATCH, BB), jnp.int32),
          pltpu.VMEM((NBATCH, BB), jnp.float32),
      ],
      **_SC_PARAMS,
  )


NB0 = 128
NB1 = 32
NBMAX = max(NB0, NB1)
TOTB = NW * NBATCH


def _edge_body(y_hbm, e_hbm, src_hbm, dst_hbm, zeros_hbm,
               zp_hbm, dst_v, sbuf, ebuf, rows0, rows1,
               z_sh, gsem0, gsem1, ssem0, ssem1, isem0, isem1, esem0, esem1):
  c = lax.axis_index("c")
  s = lax.axis_index("s")
  base = jnp.where(c == 0, s * NB0, NS * NB0 + s * NB1)
  nb = jnp.where(c == 0, NB0, NB1)

  gsems = (gsem0, gsem1)
  ssems = (ssem0, ssem1)
  isems = (isem0, isem1)
  esems = (esem0, esem1)
  rows = (rows0, rows1)

  def start_idx(b, j):
    pltpu.async_copy(src_hbm.at[base + b], sbuf.at[j], isems[j])
    pltpu.async_copy(e_hbm.at[base + b], ebuf.at[j], esems[j])

  start_idx(0, 0)
  start_idx(1, 1)
  pltpu.sync_copy(dst_hbm.at[pl.ds(base, NBMAX)], dst_v)
  pltpu.sync_copy(zeros_hbm, z_sh.at[pl.ds(s * ROWZ, ROWZ)])
  plsc.subcore_barrier()

  def wait_idx(b, j):
    pltpu.make_async_copy(src_hbm.at[base + b], sbuf.at[j], isems[j]).wait()
    pltpu.make_async_copy(e_hbm.at[base + b], ebuf.at[j], esems[j]).wait()

  def start_gather(j):
    pltpu.async_copy(y_hbm.at[sbuf.at[j]], rows[j], gsems[j])

  def wait_gather(j):
    pltpu.make_async_copy(y_hbm.at[sbuf.at[j]], rows[j], gsems[j]).wait()

  def scale(j):
    buf = rows[j]

    def rbody(i, carry):
      ev = plsc.load_gather(
          ebuf, [jnp.full((16,), j, jnp.int32), jnp.full((16,), i, jnp.int32)])
      for v in range(HID // 16):
        csl = pl.ds(v * 16, 16)
        buf[i, csl] = buf[i, csl] * ev
      return carry

    lax.fori_loop(0, BB, rbody, 0)

  wait_idx(0, 0)
  start_gather(0)
  wait_idx(1, 1)
  start_gather(1)

  def mbody(k, carry):
    for j in range(2):
      b = 2 * k + j
      wait_gather(j)
      scale(j)
      pltpu.async_copy(rows[j], z_sh.at[dst_v.at[b]], ssems[j], add=True)
      nxt = jnp.where(b + 2 >= nb, b + 2 - nb, b + 2)
      start_idx(nxt, j)
    for j in range(2):
      b = 2 * k + j
      nxt = jnp.where(b + 2 >= nb, b + 2 - nb, b + 2)
      pltpu.make_async_copy(rows[j], z_sh.at[dst_v.at[b]], ssems[j]).wait()
      wait_idx(nxt, j)
      start_gather(j)
    return carry

  lax.fori_loop(0, nb // 2, mbody, 0)
  wait_gather(0)
  wait_gather(1)
  plsc.subcore_barrier()
  pltpu.sync_copy(z_sh.at[pl.ds(s * ROWZ, ROWZ)],
                  zp_hbm.at[c, pl.ds(s * ROWZ, ROWZ)])


def _make_edge_kernel():
  return pl.kernel(
      _edge_body,
      out_type=jax.ShapeDtypeStruct((NC, NPAD, HID), jnp.float32),
      mesh=_sc_mesh(),
      scratch_types=[
          pltpu.VMEM((NBMAX, BB), jnp.int32),
          pltpu.VMEM((2, BB), jnp.int32),
          pltpu.VMEM((2, BB), jnp.float32),
          pltpu.VMEM((BB, HID), jnp.float32),
          pltpu.VMEM((BB, HID), jnp.float32),
          pltpu.VMEM_SHARED((NPAD, HID), jnp.float32),
          pltpu.SemaphoreType.DMA,
          pltpu.SemaphoreType.DMA,
          pltpu.SemaphoreType.DMA,
          pltpu.SemaphoreType.DMA,
          pltpu.SemaphoreType.DMA,
          pltpu.SemaphoreType.DMA,
          pltpu.SemaphoreType.DMA,
          pltpu.SemaphoreType.DMA,
      ],
      **_SC_PARAMS,
  )


def _tc1_body(h_ref, w1_ref, b1_ref, wg_ref, bgv_ref, degp_ref,
              x_ref, pq_ref, d_ref, y_ref):
  x = lax.dot_general(h_ref[...], w1_ref[...], (((1,), (1,)), ((), ())),
                      preferred_element_type=jnp.float32)
  x = jnp.maximum(x + b1_ref[...], 0.0)
  x_ref[...] = x
  pq_ref[...] = lax.dot_general(x, wg_ref[...], (((1,), (1,)), ((), ())),
                                preferred_element_type=jnp.float32) + bgv_ref[...]
  deg = degp_ref[0] + degp_ref[1]
  d = lax.rsqrt(jnp.maximum(deg, 1.0))
  d_ref[...] = d
  y_ref[...] = d * x


def _tc2_body(raw_ref, d_ref, zp_ref, wg_ref, bgv_ref, pq_ref, y_ref):
  d = d_ref[...]
  z = d * (zp_ref[0] + zp_ref[1])
  x = EPS * raw_ref[...] + z
  pq_ref[...] = lax.dot_general(x, wg_ref[...], (((1,), (1,)), ((), ())),
                                preferred_element_type=jnp.float32) + bgv_ref[...]
  y_ref[...] = d * x


def _tc3_body(raw_ref, d_ref, zp_ref, w2_ref, b2_ref, out_ref):
  z = d_ref[...] * (zp_ref[0] + zp_ref[1])
  x = EPS * raw_ref[...] + z
  out_ref[...] = lax.dot_general(x, w2_ref[...], (((1,), (1,)), ((), ())),
                                 preferred_element_type=jnp.float32) + b2_ref[...]


_tc1 = pl.pallas_call(
    _tc1_body,
    out_shape=[
        jax.ShapeDtypeStruct((N, HID), jnp.float32),
        jax.ShapeDtypeStruct((N, 2), jnp.float32),
        jax.ShapeDtypeStruct((N, 1), jnp.float32),
        jax.ShapeDtypeStruct((N, HID), jnp.float32),
    ],
)

_tc2 = pl.pallas_call(
    _tc2_body,
    out_shape=[
        jax.ShapeDtypeStruct((N, 2), jnp.float32),
        jax.ShapeDtypeStruct((N, HID), jnp.float32),
    ],
)

_tc3 = pl.pallas_call(
    _tc3_body,
    out_shape=jax.ShapeDtypeStruct((N, OUT), jnp.float32),
)


def _pad_nodes(v):
  return jnp.concatenate([v, jnp.zeros((NPAD - N,), jnp.float32)])


@jax.jit
def kernel(h, edge_index, W1, b1, W2, b2, Wg1, bg1, Wg2, bg2):
  src = edge_index[0]
  dst = edge_index[1]
  src_p = jnp.concatenate([src, jnp.zeros((EPAD - E,), jnp.int32)])
  dst_p = jnp.concatenate([dst, jnp.full((EPAD - E,), N, jnp.int32)])
  src3 = src_p.reshape(NW, NBATCH, BB)
  dst3 = dst_p.reshape(NW, NBATCH, BB)

  zeros_rows = jnp.zeros((ROWZ, HID), jnp.float32)

  degp = _make_deg_kernel()(dst3)

  wg1 = Wg1.reshape(2, HID)
  wg2 = Wg2.reshape(2, HID)
  bgv1 = jnp.stack([bg1, jnp.zeros((), jnp.float32)]).reshape(1, 2)
  bgv2 = jnp.stack([bg2, jnp.zeros((), jnp.float32)]).reshape(1, 2)

  raw, pq, d, y = _tc1(h, W1, b1.reshape(1, HID), wg1, bgv1,
                       degp[:, :N, None])

  gate = _make_gate_kernel()
  edge = _make_edge_kernel()

  src2 = src_p.reshape(TOTB, BB)
  dst2 = dst_p.reshape(TOTB, BB)

  e1 = gate(_pad_nodes(pq[:, 0]), _pad_nodes(pq[:, 1]), src3, dst3)
  zp = edge(y, e1.reshape(TOTB, BB), src2, dst2, zeros_rows)
  pq2, y2 = _tc2(raw, d, zp[:, :N, :], wg2, bgv2)

  e2 = gate(_pad_nodes(pq2[:, 0]), _pad_nodes(pq2[:, 1]), src3, dst3)
  zp2 = edge(y2, e2.reshape(TOTB, BB), src2, dst2, zeros_rows)
  out = _tc3(raw, d, zp2[:, :N, :], W2, b2.reshape(1, OUT))
  return out

# --- scband reference (transcript-rebuilt; emitter-appended) ---
"""Pipeline reference for scband-fagcn-43078521979007 (READ-ONLY COPY).

The authoritative reference and input builder live on the scoring server;
editing this copy changes nothing except your own understanding.
"""

import jax, jax.numpy as jnp
import numpy as np

N = 10000
E = 320000
IN_DIM = 128
HID = 128
OUT = 64
EPS = 0.3


def setup_inputs(seed: int = 0) -> dict:
    key = jax.random.key(seed)
    ks = jax.random.split(key, 12)
    h = jax.random.normal(ks[0], (N, IN_DIM), dtype=jnp.float32)
    edge_index = jax.random.randint(ks[1], (2, E), 0, N, dtype=jnp.int32)
    # t1: Linear(IN_DIM -> HID), xavier-normal-ish
    W1 = jax.random.normal(ks[2], (HID, IN_DIM), dtype=jnp.float32) * (1.414 * np.sqrt(2.0 / (IN_DIM + HID)))
    b1 = jnp.zeros((HID,), dtype=jnp.float32)
    # t2: Linear(HID -> OUT)
    W2 = jax.random.normal(ks[3], (OUT, HID), dtype=jnp.float32) * (1.414 * np.sqrt(2.0 / (HID + OUT)))
    b2 = jnp.zeros((OUT,), dtype=jnp.float32)
    # FALayer gates: Linear(2*HID -> 1), one per layer (layer_num=2)
    Wg1 = jax.random.normal(ks[4], (2 * HID,), dtype=jnp.float32) * (1.414 * np.sqrt(2.0 / (2 * HID + 1)))
    bg1 = jnp.zeros((), dtype=jnp.float32)
    Wg2 = jax.random.normal(ks[5], (2 * HID,), dtype=jnp.float32) * (1.414 * np.sqrt(2.0 / (2 * HID + 1)))
    bg2 = jnp.zeros((), dtype=jnp.float32)
    return {"h": h, "edge_index": edge_index, "W1": W1, "b1": b1, "W2": W2, "b2": b2,
            "Wg1": Wg1, "bg1": bg1, "Wg2": Wg2, "bg2": bg2}


def reference(h, edge_index, W1, b1, W2, b2, Wg1, bg1, Wg2, bg2):
    # FAGCN forward (eval mode; dropout p=0.0 is identity)
    src = edge_index[0]
    dst = edge_index[1]
    x = jax.nn.relu(h @ W1.T + b1)
    raw = x
    # symmetric degree normalization d = deg^{-1/2} (in-degrees, clamped to >=1)
    deg = jnp.zeros((N,), dtype=jnp.float32).at[dst].add(1.0)
    d = jnp.power(jnp.clip(deg, 1.0, None), -0.5)
    for Wg, bg in ((Wg1, bg1), (Wg2, bg2)):
        hs = x[src]          # gather src features [E, HID]
        hd = x[dst]          # gather dst features [E, HID]
        g = jnp.tanh(jnp.concatenate([hd, hs], axis=1) @ Wg + bg)  # [E]
        e = g * d[src] * d[dst]                                     # [E]
        msg = e[:, None] * hs                                       # [E, HID]
        z = jax.ops.segment_sum(msg, dst, num_segments=N)           # scatter-add -> [N, HID]
        x = EPS * raw + z
    out = x @ W2.T + b2
    return out

if __name__ == "__main__":
    import jax
    _d = setup_inputs()
    print(jax.jit(kernel)(*tuple(_d.values())))

</pallas_src>

<mosaic_0001>
#map = affine_map<(d0, d1) -> (0, 0, 0)>
#map1 = affine_map<(d0, d1) -> (0, 0)>
module attributes {stable_mosaic.version = 14 : i64} {
  func.func @_deg_body(%arg0: i32, %arg1: i32, %arg2: memref<32x80x128xi32, #tpu.memory_space<hbm>>, %arg3: memref<2x10240xf32, #tpu.memory_space<hbm>>, %arg4: memref<80x128xi32, #tpu.memory_space<vmem>>, %arg5: memref<10240xf32, #tpu.memory_space<vmem>>, %arg6: memref<640xf32, #tpu.memory_space<vmem>>, %arg7: memref<640xf32, #tpu.memory_space<vmem>>, %arg8: memref<16x10240xf32, #tpu.memory_space<vmem_shared>>) attributes {dimension_semantics = [#tpu.dimension_semantics<core_parallel>, #tpu.dimension_semantics<subcore_parallel>], iteration_bounds = array<i64: 2, 16>, scalar_prefetch = 0 : i64, scratch_operands = 5 : i64, tpu.core_type = #tpu.core_type<sc_vector_subcore>, window_params = [{transform_indices = #map}, {transform_indices = #map1}]} {
    %mul3A = arith.constant 16 : i32
    %mul3A_0 = arith.muli %arg0, %mul3A : i32
    %add3A = arith.addi %mul3A_0, %arg1 : i32
    "tpu.region"() ({
      %run_scoped3A_164 = tpu.sem_alloc : memref<!tpu.dma_semaphore, #tpu.memory_space<semaphore_mem>>
      %dma_start3A = arith.constant 0 : i32
      %dma_start3A_165 = arith.constant 0 : i32
      %dma_start3A_166 = tpu.memref_slice %arg2[%add3A, %dma_start3A, %dma_start3A_165] : memref<32x80x128xi32, #tpu.memory_space<hbm>> -> memref<1x80x128xi32, #tpu.memory_space<hbm>>
      %dma_start3A_167 = tpu.memref_squeeze %dma_start3A_166 : memref<1x80x128xi32, #tpu.memory_space<hbm>> -> memref<80x128xi32, #tpu.memory_space<hbm>>
      %dma_start3A_168 = arith.constant 0 : i32
      %dma_start3A_169 = arith.constant 0 : i32
      %dma_start3A_170 = tpu.memref_slice %arg2[%add3A, %dma_start3A_168, %dma_start3A_169] : memref<32x80x128xi32, #tpu.memory_space<hbm>> -> memref<1x80x128xi32, #tpu.memory_space<hbm>>
      %dma_start3A_171 = tpu.memref_squeeze %dma_start3A_170 : memref<1x80x128xi32, #tpu.memory_space<hbm>> -> memref<80x128xi32, #tpu.memory_space<hbm>>
      tpu.enqueue_dma source(%dma_start3A_171 : memref<80x128xi32, #tpu.memory_space<hbm>>) target(%arg4 : memref<80x128xi32, #tpu.memory_space<vmem>>) target_semaphore(%run_scoped3A_164 : memref<!tpu.dma_semaphore, #tpu.memory_space<semaphore_mem>>)
      %dma_wait3A = arith.constant 0 : i32
      %dma_wait3A_172 = arith.constant 0 : i32
      %dma_wait3A_173 = tpu.memref_slice %arg2[%add3A, %dma_wait3A, %dma_wait3A_172] : memref<32x80x128xi32, #tpu.memory_space<hbm>> -> memref<1x80x128xi32, #tpu.memory_space<hbm>>
      %dma_wait3A_174 = tpu.memref_squeeze %dma_wait3A_173 : memref<1x80x128xi32, #tpu.memory_space<hbm>> -> memref<80x128xi32, #tpu.memory_space<hbm>>
      %dma_wait3A_175 = arith.constant 0 : i32
      %dma_wait3A_176 = arith.constant 0 : i32
      %dma_wait3A_177 = tpu.memref_slice %arg2[%add3A, %dma_wait3A_175, %dma_wait3A_176] : memref<32x80x128xi32, #tpu.memory_space<hbm>> -> memref<1x80x128xi32, #tpu.memory_space<hbm>>
      %dma_wait3A_178 = tpu.memref_squeeze %dma_wait3A_177 : memref<1x80x128xi32, #tpu.memory_space<hbm>> -> memref<80x128xi32, #tpu.memory_space<hbm>>
      tpu.wait_dma2 semaphore(%run_scoped3A_164 : memref<!tpu.dma_semaphore, #tpu.memory_space<semaphore_mem>>) src(%dma_wait3A_178 : memref<80x128xi32, #tpu.memory_space<hbm>>) dst(%arg4 : memref<80x128xi32, #tpu.memory_space<vmem>>)
      tpu.yield
    }) : () -> ()
    %scan3A = arith.constant 0 : i32
    %scan3A_1 = arith.constant 0 : i32
    %scan3A_2 = arith.constant 640 : i32
    %scan3A_3 = arith.addi %scan3A_1, %scan3A_2 : i32
    %scan3A_4 = arith.constant 1 : i32
    scf.for %scan3A_164 = %scan3A_1 to %scan3A_3 step %scan3A_4  : i32 {
      %broadcast_in_dim3A_165 = arith.constant 0.000000e+00 : f32
      %broadcast_in_dim3A_166 = vector.broadcast %broadcast_in_dim3A_165 : f32 to vector<16xf32>
      %mul3A_167 = arith.constant 16 : i32
      %mul3A_168 = arith.muli %scan3A_164, %mul3A_167 : i32
      %swap3A = arith.index_cast %mul3A_168 : i32 to index
      %swap3A_169 = tpu.vector_load %arg5[%swap3A] {strides = array<i32>} : memref<10240xf32, #tpu.memory_space<vmem>>, vector<16xf32>,
      tpu.vector_store %arg5[%swap3A], %broadcast_in_dim3A_166 {strides = array<i32>} : memref<10240xf32, #tpu.memory_space<vmem>>, vector<16xf32>,
    }
    %scan3A_5 = arith.constant 640 : i32
    %broadcast_in_dim3A = arith.constant 1.000000e+00 : f32
    %broadcast_in_dim3A_6 = vector.broadcast %broadcast_in_dim3A : f32 to vector<16xf32>
    %scan3A_7 = arith.constant 0 : i32
    %scan3A_8 = arith.constant 0 : i32
    %scan3A_9 = arith.constant 80 : i32
    %scan3A_10 = arith.addi %scan3A_8, %scan3A_9 : i32
    %scan3A_11 = arith.constant 1 : i32
    scf.for %scan3A_164 = %scan3A_8 to %scan3A_10 step %scan3A_11  : i32 {
      %get3A = arith.index_cast %scan3A_164 : i32 to index
      %get3A_165 = arith.constant 0 : index
      %get3A_166 = tpu.vector_load %arg4[%get3A, %get3A_165] {strides = array<i32>} : memref<80x128xi32, #tpu.memory_space<vmem>>, vector<16xi32>,
      tpu.vector_store_idx %arg5[%get3A_166], %broadcast_in_dim3A_6 {add = true} : memref<10240xf32, #tpu.memory_space<vmem>>[vector<16xi32>], vector<16xf32>,
      %get3A_167 = arith.index_cast %scan3A_164 : i32 to index
      %get3A_168 = arith.constant 16 : index
      %get3A_169 = tpu.vector_load %arg4[%get3A_167, %get3A_168] {strides = array<i32>} : memref<80x128xi32, #tpu.memory_space<vmem>>, vector<16xi32>,
      tpu.vector_store_idx %arg5[%get3A_169], %broadcast_in_dim3A_6 {add = true} : memref<10240xf32, #tpu.memory_space<vmem>>[vector<16xi32>], vector<16xf32>,
      %get3A_170 = arith.index_cast %scan3A_164 : i32 to index
      %get3A_171 = arith.constant 32 : index
      %get3A_172 = tpu.vector_load %arg4[%get3A_170, %get3A_171] {strides = array<i32>} : memref<80x128xi32, #tpu.memory_space<vmem>>, vector<16xi32>,
      tpu.vector_store_idx %arg5[%get3A_172], %broadcast_in_dim3A_6 {add = true} : memref<10240xf32, #tpu.memory_space<vmem>>[vector<16xi32>], vector<16xf32>,
      %get3A_173 = arith.index_cast %scan3A_164 : i32 to index
      %get3A_174 = arith.constant 48 : index
      %get3A_175 = tpu.vector_load %arg4[%get3A_173, %get3A_174] {strides = array<i32>} : memref<80x128xi32, #tpu.memory_space<vmem>>, vector<16xi32>,
      tpu.vector_store_idx %arg5[%get3A_175], %broadcast_in_dim3A_6 {add = true} : memref<10240xf32, #tpu.memory_space<vmem>>[vector<16xi32>], vector<16xf32>,
      %get3A_176 = arith.index_cast %scan3A_164 : i32 to index
      %get3A_177 = arith.constant 64 : index
      %get3A_178 = tpu.vector_load %arg4[%get3A_176, %get3A_177] {strides = array<i32>} : memref<80x128xi32, #tpu.memory_space<vmem>>, vector<16xi32>,
      tpu.vector_store_idx %arg5[%get3A_178], %broadcast_in_dim3A_6 {add = true} : memref<10240xf32, #tpu.memory_space<vmem>>[vector<16xi32>], vector<16xf32>,
      %get3A_179 = arith.index_cast %scan3A_164 : i32 to index
      %get3A_180 = arith.constant 80 : index
      %get3A_181 = tpu.vector_load %arg4[%get3A_179, %get3A_180] {strides = array<i32>} : memref<80x128xi32, #tpu.memory_space<vmem>>, vector<16xi32>,
      tpu.vector_store_idx %arg5[%get3A_181], %broadcast_in_dim3A_6 {add = true} : memref<10240xf32, #tpu.memory_space<vmem>>[vector<16xi32>], vector<16xf32>,
      %get3A_182 = arith.index_cast %scan3A_164 : i32 to index
      %get3A_183 = arith.constant 96 : index
      %get3A_184 = tpu.vector_load %arg4[%get3A_182, %get3A_183] {strides = array<i32>} : memref<80x128xi32, #tpu.memory_space<vmem>>, vector<16xi32>,
      tpu.vector_store_idx %arg5[%get3A_184], %broadcast_in_dim3A_6 {add = true} : memref<10240xf32, #tpu.memory_space<vmem>>[vector<16xi32>], vector<16xf32>,
      %get3A_185 = arith.index_cast %scan3A_164 : i32 to index
      %get3A_186 = arith.constant 112 : index
      %get3A_187 = tpu.vector_load %arg4[%get3A_185, %get3A_186] {strides = array<i32>} : memref<80x128xi32, #tpu.memory_space<vmem>>, vector<16xi32>,
      tpu.vector_store_idx %arg5[%get3A_187], %broadcast_in_dim3A_6 {add = true} : memref<10240xf32, #tpu.memory_space<vmem>>[vector<16xi32>], vector<16xf32>,
    }
    %scan3A_12 = arith.constant 80 : i32
    "tpu.region"() ({
      %run_scoped3A_164 = tpu.sem_alloc : memref<!tpu.dma_semaphore, #tpu.memory_space<semaphore_mem>>
      %dma_start3A = arith.constant 0 : i32
      %dma_start3A_165 = tpu.memref_slice %arg8[%arg1, %dma_start3A] : memref<16x10240xf32, #tpu.memory_space<vmem_shared>> -> memref<1x10240xf32, #tpu.memory_space<vmem_shared>>
      %dma_start3A_166 = tpu.memref_squeeze %dma_start3A_165 : memref<1x10240xf32, #tpu.memory_space<vmem_shared>> -> memref<10240xf32, #tpu.memory_space<vmem_shared>>
      %dma_start3A_167 = arith.constant 0 : i32
      %dma_start3A_168 = tpu.memref_slice %arg8[%arg1, %dma_start3A_167] : memref<16x10240xf32, #tpu.memory_space<vmem_shared>> -> memref<1x10240xf32, #tpu.memory_space<vmem_shared>>
      %dma_start3A_169 = tpu.memref_squeeze %dma_start3A_168 : memref<1x10240xf32, #tpu.memory_space<vmem_shared>> -> memref<10240xf32, #tpu.memory_space<vmem_shared>>
      tpu.enqueue_dma source(%arg5 : memref<10240xf32, #tpu.memory_space<vmem>>) target(%dma_start3A_169 : memref<10240xf32, #tpu.memory_space<vmem_shared>>) target_semaphore(%run_scoped3A_164 : memref<!tpu.dma_semaphore, #tpu.memory_space<semaphore_mem>>)
      %dma_wait3A = arith.constant 0 : i32
      %dma_wait3A_170 = tpu.memref_slice %arg8[%arg1, %dma_wait3A] : memref<16x10240xf32, #tpu.memory_space<vmem_shared>> -> memref<1x10240xf32, #tpu.memory_space<vmem_shared>>
      %dma_wait3A_171 = tpu.memref_squeeze %dma_wait3A_170 : memref<1x10240xf32, #tpu.memory_space<vmem_shared>> -> memref<10240xf32, #tpu.memory_space<vmem_shared>>
      %dma_wait3A_172 = arith.constant 0 : i32
      %dma_wait3A_173 = tpu.memref_slice %arg8[%arg1, %dma_wait3A_172] : memref<16x10240xf32, #tpu.memory_space<vmem_shared>> -> memref<1x10240xf32, #tpu.memory_space<vmem_shared>>
      %dma_wait3A_174 = tpu.memref_squeeze %dma_wait3A_173 : memref<1x10240xf32, #tpu.memory_space<vmem_shared>> -> memref<10240xf32, #tpu.memory_space<vmem_shared>>
      tpu.wait_dma2 semaphore(%run_scoped3A_164 : memref<!tpu.dma_semaphore, #tpu.memory_space<semaphore_mem>>) src(%arg5 : memref<10240xf32, #tpu.memory_space<vmem>>) dst(%dma_wait3A_174 : memref<10240xf32, #tpu.memory_space<vmem_shared>>)
      tpu.yield
    }) : () -> ()
    %barrier3A = arith.constant 0 : index
    tpu.barrier barrier_id(%barrier3A)
    %scan3A_13 = arith.constant 0 : i32
    %scan3A_14 = arith.constant 0 : i32
    %scan3A_15 = arith.constant 40 : i32
    %scan3A_16 = arith.addi %scan3A_14, %scan3A_15 : i32
    %scan3A_17 = arith.constant 1 : i32
    scf.for %scan3A_164 = %scan3A_14 to %scan3A_16 step %scan3A_17  : i32 {
      %broadcast_in_dim3A_165 = arith.constant 0.000000e+00 : f32
      %broadcast_in_dim3A_166 = vector.broadcast %broadcast_in_dim3A_165 : f32 to vector<16xf32>
      %mul3A_167 = arith.constant 16 : i32
      %mul3A_168 = arith.muli %scan3A_164, %mul3A_167 : i32
      %swap3A = arith.index_cast %mul3A_168 : i32 to index
      %swap3A_169 = tpu.vector_load %arg6[%swap3A] {strides = array<i32>} : memref<640xf32, #tpu.memory_space<vmem>>, vector<16xf32>,
      tpu.vector_store %arg6[%swap3A], %broadcast_in_dim3A_166 {strides = array<i32>} : memref<640xf32, #tpu.memory_space<vmem>>, vector<16xf32>,
    }
    %scan3A_18 = arith.constant 40 : i32
    %mul3A_19 = arith.constant 640 : i32
    %mul3A_20 = arith.muli %arg1, %mul3A_19 : i32
    %run_scoped3A = arith.constant 0 : i32
    "tpu.region"() ({
      %run_scoped3A_164 = tpu.sem_alloc : memref<!tpu.dma_semaphore, #tpu.memory_space<semaphore_mem>>
      %dma_start3A = tpu.memref_slice %arg8[%run_scoped3A, %mul3A_20] : memref<16x10240xf32, #tpu.memory_space<vmem_shared>> -> memref<1x640xf32, #tpu.memory_space<vmem_shared>>
      %dma_start3A_165 = tpu.memref_squeeze %dma_start3A : memref<1x640xf32, #tpu.memory_space<vmem_shared>> -> memref<640xf32, #tpu.memory_space<vmem_shared>>
      %dma_start3A_166 = tpu.memref_slice %arg8[%run_scoped3A, %mul3A_20] : memref<16x10240xf32, #tpu.memory_space<vmem_shared>> -> memref<1x640xf32, #tpu.memory_space<vmem_shared>>
      %dma_start3A_167 = tpu.memref_squeeze %dma_start3A_166 : memref<1x640xf32, #tpu.memory_space<vmem_shared>> -> memref<640xf32, #tpu.memory_space<vmem_shared>>
      tpu.enqueue_dma source(%dma_start3A_167 : memref<640xf32, #tpu.memory_space<vmem_shared>>) target(%arg7 : memref<640xf32, #tpu.memory_space<vmem>>) target_semaphore(%run_scoped3A_164 : memref<!tpu.dma_semaphore, #tpu.memory_space<semaphore_mem>>)
      %dma_wait3A = tpu.memref_slice %arg8[%run_scoped3A, %mul3A_20] : memref<16x10240xf32, #tpu.memory_space<vmem_shared>> -> memref<1x640xf32, #tpu.memory_space<vmem_shared>>
      %dma_wait3A_168 = tpu.memref_squeeze %dma_wait3A : memref<1x640xf32, #tpu.memory_space<vmem_shared>> -> memref<640xf32, #tpu.memory_space<vmem_shared>>
      %dma_wait3A_169 = tpu.memref_slice %arg8[%run_scoped3A, %mul3A_20] : memref<16x10240xf32, #tpu.memory_space<vmem_shared>> -> memref<1x640xf32, #tpu.memory_space<vmem_shared>>
      %dma_wait3A_170 = tpu.memref_squeeze %dma_wait3A_169 : memref<1x640xf32, #tpu.memory_space<vmem_shared>> -> memref<640xf32, #tpu.memory_space<vmem_shared>>
      tpu.wait_dma2 semaphore(%run_scoped3A_164 : memref<!tpu.dma_semaphore, #tpu.memory_space<semaphore_mem>>) src(%dma_wait3A_170 : memref<640xf32, #tpu.memory_space<vmem_shared>>) dst(%arg7 : memref<640xf32, #tpu.memory_space<vmem>>)
      tpu.yield
    }) : () -> ()
    %scan3A_21 = arith.constant 0 : i32
    %scan3A_22 = arith.constant 0 : i32
    %scan3A_23 = arith.constant 40 : i32
    %scan3A_24 = arith.addi %scan3A_22, %scan3A_23 : i32
    %scan3A_25 = arith.constant 1 : i32
    scf.for %scan3A_164 = %scan3A_22 to %scan3A_24 step %scan3A_25  : i32 {
      %mul3A_165 = arith.constant 16 : i32
      %mul3A_166 = arith.muli %scan3A_164, %mul3A_165 : i32
      %get3A = arith.index_cast %mul3A_166 : i32 to index
      %get3A_167 = tpu.vector_load %arg6[%get3A] {strides = array<i32>} : memref<640xf32, #tpu.memory_space<vmem>>, vector<16xf32>,
      %get3A_168 = arith.index_cast %mul3A_166 : i32 to index
      %get3A_169 = tpu.vector_load %arg7[%get3A_168] {strides = array<i32>} : memref<640xf32, #tpu.memory_space<vmem>>, vector<16xf32>,
      %add3A_170 = arith.addf %get3A_167, %get3A_169 : vector<16xf32>
      %swap3A = arith.index_cast %mul3A_166 : i32 to index
      %swap3A_171 = tpu.vector_load %arg6[%swap3A] {strides = array<i32>} : memref<640xf32, #tpu.memory_space<vmem>>, vector<16xf32>,
      tpu.vector_store %arg6[%swap3A], %add3A_170 {strides = array<i32>} : memref<640xf32, #tpu.memory_space<vmem>>, vector<16xf32>,
    }
    %scan3A_26 = arith.constant 40 : i32
    %mul3A_27 = arith.constant 640 : i32
    %mul3A_28 = arith.muli %arg1, %mul3A_27 : i32
    %run_scoped3A_29 = arith.constant 1 : i32
    "tpu.region"() ({
      %run_scoped3A_164 = tpu.sem_alloc : memref<!tpu.dma_semaphore, #tpu.memory_space<semaphore_mem>>
      %dma_start3A = tpu.memref_slice %arg8[%run_scoped3A_29, %mul3A_28] : memref<16x10240xf32, #tpu.memory_space<vmem_shared>> -> memref<1x640xf32, #tpu.memory_space<vmem_shared>>
      %dma_start3A_165 = tpu.memref_squeeze %dma_start3A : memref<1x640xf32, #tpu.memory_space<vmem_shared>> -> memref<640xf32, #tpu.memory_space<vmem_shared>>
      %dma_start3A_166 = tpu.memref_slice %arg8[%run_scoped3A_29, %mul3A_28] : memref<16x10240xf32, #tpu.memory_space<vmem_shared>> -> memref<1x640xf32, #tpu.memory_space<vmem_shared>>
      %dma_start3A_167 = tpu.memref_squeeze %dma_start3A_166 : memref<1x640xf32, #tpu.memory_space<vmem_shared>> -> memref<640xf32, #tpu.memory_space<vmem_shared>>
      tpu.enqueue_dma source(%dma_start3A_167 : memref<640xf32, #tpu.memory_space<vmem_shared>>) target(%arg7 : memref<640xf32, #tpu.memory_space<vmem>>) target_semaphore(%run_scoped3A_164 : memref<!tpu.dma_semaphore, #tpu.memory_space<semaphore_mem>>)
      %dma_wait3A = tpu.memref_slice %arg8[%run_scoped3A_29, %mul3A_28] : memref<16x10240xf32, #tpu.memory_space<vmem_shared>> -> memref<1x640xf32, #tpu.memory_space<vmem_shared>>
      %dma_wait3A_168 = tpu.memref_squeeze %dma_wait3A : memref<1x640xf32, #tpu.memory_space<vmem_shared>> -> memref<640xf32, #tpu.memory_space<vmem_shared>>
      %dma_wait3A_169 = tpu.memref_slice %arg8[%run_scoped3A_29, %mul3A_28] : memref<16x10240xf32, #tpu.memory_space<vmem_shared>> -> memref<1x640xf32, #tpu.memory_space<vmem_shared>>
      %dma_wait3A_170 = tpu.memref_squeeze %dma_wait3A_169 : memref<1x640xf32, #tpu.memory_space<vmem_shared>> -> memref<640xf32, #tpu.memory_space<vmem_shared>>
      tpu.wait_dma2 semaphore(%run_scoped3A_164 : memref<!tpu.dma_semaphore, #tpu.memory_space<semaphore_mem>>) src(%dma_wait3A_170 : memref<640xf32, #tpu.memory_space<vmem_shared>>) dst(%arg7 : memref<640xf32, #tpu.memory_space<vmem>>)
      tpu.yield
    }) : () -> ()
    %scan3A_30 = arith.constant 0 : i32
    %scan3A_31 = arith.constant 0 : i32
    %scan3A_32 = arith.constant 40 : i32
    %scan3A_33 = arith.addi %scan3A_31, %scan3A_32 : i32
    %scan3A_34 = arith.constant 1 : i32
    scf.for %scan3A_164 = %scan3A_31 to %scan3A_33 step %scan3A_34  : i32 {
      %mul3A_165 = arith.constant 16 : i32
      %mul3A_166 = arith.muli %scan3A_164, %mul3A_165 : i32
      %get3A = arith.index_cast %mul3A_166 : i32 to index
      %get3A_167 = tpu.vector_load %arg6[%get3A] {strides = array<i32>} : memref<640xf32, #tpu.memory_space<vmem>>, vector<16xf32>,
      %get3A_168 = arith.index_cast %mul3A_166 : i32 to index
      %get3A_169 = tpu.vector_load %arg7[%get3A_168] {strides = array<i32>} : memref<640xf32, #tpu.memory_space<vmem>>, vector<16xf32>,
      %add3A_170 = arith.addf %get3A_167, %get3A_169 : vector<16xf32>
      %swap3A = arith.index_cast %mul3A_166 : i32 to index
      %swap3A_171 = tpu.vector_load %arg6[%swap3A] {strides = array<i32>} : memref<640xf32, #tpu.memory_space<vmem>>, vector<16xf32>,
      tpu.vector_store %arg6[%swap3A], %add3A_170 {strides = array<i32>} : memref<640xf32, #tpu.memory_space<vmem>>, vector<16xf32>,
    }
    %scan3A_35 = arith.constant 40 : i32
    %mul3A_36 = arith.constant 640 : i32
    %mul3A_37 = arith.muli %arg1, %mul3A_36 : i32
    %run_scoped3A_38 = arith.constant 2 : i32
    "tpu.region"() ({
      %run_scoped3A_164 = tpu.sem_alloc : memref<!tpu.dma_semaphore, #tpu.memory_space<semaphore_mem>>
      %dma_start3A = tpu.memref_slice %arg8[%run_scoped3A_38, %mul3A_37] : memref<16x10240xf32, #tpu.memory_space<vmem_shared>> -> memref<1x640xf32, #tpu.memory_space<vmem_shared>>
      %dma_start3A_165 = tpu.memref_squeeze %dma_start3A : memref<1x640xf32, #tpu.memory_space<vmem_shared>> -> memref<640xf32, #tpu.memory_space<vmem_shared>>
      %dma_start3A_166 = tpu.memref_slice %arg8[%run_scoped3A_38, %mul3A_37] : memref<16x10240xf32, #tpu.memory_space<vmem_shared>> -> memref<1x640xf32, #tpu.memory_space<vmem_shared>>
      %dma_start3A_167 = tpu.memref_squeeze %dma_start3A_166 : memref<1x640xf32, #tpu.memory_space<vmem_shared>> -> memref<640xf32, #tpu.memory_space<vmem_shared>>
      tpu.enqueue_dma source(%dma_start3A_167 : memref<640xf32, #tpu.memory_space<vmem_shared>>) target(%arg7 : memref<640xf32, #tpu.memory_space<vmem>>) target_semaphore(%run_scoped3A_164 : memref<!tpu.dma_semaphore, #tpu.memory_space<semaphore_mem>>)
      %dma_wait3A = tpu.memref_slice %arg8[%run_scoped3A_38, %mul3A_37] : memref<16x10240xf32, #tpu.memory_space<vmem_shared>> -> memref<1x640xf32, #tpu.memory_space<vmem_shared>>
      %dma_wait3A_168 = tpu.memref_squeeze %dma_wait3A : memref<1x640xf32, #tpu.memory_space<vmem_shared>> -> memref<640xf32, #tpu.memory_space<vmem_shared>>
      %dma_wait3A_169 = tpu.memref_slice %arg8[%run_scoped3A_38, %mul3A_37] : memref<16x10240xf32, #tpu.memory_space<vmem_shared>> -> memref<1x640xf32, #tpu.memory_space<vmem_shared>>
      %dma_wait3A_170 = tpu.memref_squeeze %dma_wait3A_169 : memref<1x640xf32, #tpu.memory_space<vmem_shared>> -> memref<640xf32, #tpu.memory_space<vmem_shared>>
      tpu.wait_dma2 semaphore(%run_scoped3A_164 : memref<!tpu.dma_semaphore, #tpu.memory_space<semaphore_mem>>) src(%dma_wait3A_170 : memref<640xf32, #tpu.memory_space<vmem_shared>>) dst(%arg7 : memref<640xf32, #tpu.memory_space<vmem>>)
      tpu.yield
    }) : () -> ()
    %scan3A_39 = arith.constant 0 : i32
    %scan3A_40 = arith.constant 0 : i32
    %scan3A_41 = arith.constant 40 : i32
    %scan3A_42 = arith.addi %scan3A_40, %scan3A_41 : i32
    %scan3A_43 = arith.constant 1 : i32
    scf.for %scan3A_164 = %scan3A_40 to %scan3A_42 step %scan3A_43  : i32 {
      %mul3A_165 = arith.constant 16 : i32
      %mul3A_166 = arith.muli %scan3A_164, %mul3A_165 : i32
      %get3A = arith.index_cast %mul3A_166 : i32 to index
      %get3A_167 = tpu.vector_load %arg6[%get3A] {strides = array<i32>} : memref<640xf32, #tpu.memory_space<vmem>>, vector<16xf32>,
      %get3A_168 = arith.index_cast %mul3A_166 : i32 to index
      %get3A_169 = tpu.vector_load %arg7[%get3A_168] {strides = array<i32>} : memref<640xf32, #tpu.memory_space<vmem>>, vector<16xf32>,
      %add3A_170 = arith.addf %get3A_167, %get3A_169 : vector<16xf32>
      %swap3A = arith.index_cast %mul3A_166 : i32 to index
      %swap3A_171 = tpu.vector_load %arg6[%swap3A] {strides = array<i32>} : memref<640xf32, #tpu.memory_space<vmem>>, vector<16xf32>,
      tpu.vector_store %arg6[%swap3A], %add3A_170 {strides = array<i32>} : memref<640xf32, #tpu.memory_space<vmem>>, vector<16xf32>,
    }
    %scan3A_44 = arith.constant 40 : i32
    %mul3A_45 = arith.constant 640 : i32
    %mul3A_46 = arith.muli %arg1, %mul3A_45 : i32
    %run_scoped3A_47 = arith.constant 3 : i32
    "tpu.region"() ({
      %run_scoped3A_164 = tpu.sem_alloc : memref<!tpu.dma_semaphore, #tpu.memory_space<semaphore_mem>>
      %dma_start3A = tpu.memref_slice %arg8[%run_scoped3A_47, %mul3A_46] : memref<16x10240xf32, #tpu.memory_space<vmem_shared>> -> memref<1x640xf32, #tpu.memory_space<vmem_shared>>
      %dma_start3A_165 = tpu.memref_squeeze %dma_start3A : memref<1x640xf32, #tpu.memory_space<vmem_shared>> -> memref<640xf32, #tpu.memory_space<vmem_shared>>
      %dma_start3A_166 = tpu.memref_slice %arg8[%run_scoped3A_47, %mul3A_46] : memref<16x10240xf32, #tpu.memory_space<vmem_shared>> -> memref<1x640xf32, #tpu.memory_space<vmem_shared>>
      %dma_start3A_167 = tpu.memref_squeeze %dma_start3A_166 : memref<1x640xf32, #tpu.memory_space<vmem_shared>> -> memref<640xf32, #tpu.memory_space<vmem_shared>>
      tpu.enqueue_dma source(%dma_start3A_167 : memref<640xf32, #tpu.memory_space<vmem_shared>>) target(%arg7 : memref<640xf32, #tpu.memory_space<vmem>>) target_semaphore(%run_scoped3A_164 : memref<!tpu.dma_semaphore, #tpu.memory_space<semaphore_mem>>)
      %dma_wait3A = tpu.memref_slice %arg8[%run_scoped3A_47, %mul3A_46] : memref<16x10240xf32, #tpu.memory_space<vmem_shared>> -> memref<1x640xf32, #tpu.memory_space<vmem_shared>>
      %dma_wait3A_168 = tpu.memref_squeeze %dma_wait3A : memref<1x640xf32, #tpu.memory_space<vmem_shared>> -> memref<640xf32, #tpu.memory_space<vmem_shared>>
      %dma_wait3A_169 = tpu.memref_slice %arg8[%run_scoped3A_47, %mul3A_46] : memref<16x10240xf32, #tpu.memory_space<vmem_shared>> -> memref<1x640xf32, #tpu.memory_space<vmem_shared>>
      %dma_wait3A_170 = tpu.memref_squeeze %dma_wait3A_169 : memref<1x640xf32, #tpu.memory_space<vmem_shared>> -> memref<640xf32, #tpu.memory_space<vmem_shared>>
      tpu.wait_dma2 semaphore(%run_scoped3A_164 : memref<!tpu.dma_semaphore, #tpu.memory_space<semaphore_mem>>) src(%dma_wait3A_170 : memref<640xf32, #tpu.memory_space<vmem_shared>>) dst(%arg7 : memref<640xf32, #tpu.memory_space<vmem>>)
      tpu.yield
    }) : () -> ()
    %scan3A_48 = arith.constant 0 : i32
    %scan3A_49 = arith.constant 0 : i32
    %scan3A_50 = arith.constant 40 : i32
    %scan3A_51 = arith.addi %scan3A_49, %scan3A_50 : i32
    %scan3A_52 = arith.constant 1 : i32
    scf.for %scan3A_164 = %scan3A_49 to %scan3A_51 step %scan3A_52  : i32 {
      %mul3A_165 = arith.constant 16 : i32
      %mul3A_166 = arith.muli %scan3A_164, %mul3A_165 : i32
      %get3A = arith.index_cast %mul3A_166 : i32 to index
      %get3A_167 = tpu.vector_load %arg6[%get3A] {strides = array<i32>} : memref<640xf32, #tpu.memory_space<vmem>>, vector<16xf32>,
      %get3A_168 = arith.index_cast %mul3A_166 : i32 to index
      %get3A_169 = tpu.vector_load %arg7[%get3A_168] {strides = array<i32>} : memref<640xf32, #tpu.memory_space<vmem>>, vector<16xf32>,
      %add3A_170 = arith.addf %get3A_167, %get3A_169 : vector<16xf32>
      %swap3A = arith.index_cast %mul3A_166 : i32 to index
      %swap3A_171 = tpu.vector_load %arg6[%swap3A] {strides = array<i32>} : memref<640xf32, #tpu.memory_space<vmem>>, vector<16xf32>,
      tpu.vector_store %arg6[%swap3A], %add3A_170 {strides = array<i32>} : memref<640xf32, #tpu.memory_space<vmem>>, vector<16xf32>,
    }
    %scan3A_53 = arith.constant 40 : i32
    %mul3A_54 = arith.constant 640 : i32
    %mul3A_55 = arith.muli %arg1, %mul3A_54 : i32
    %run_scoped3A_56 = arith.constant 4 : i32
    "tpu.region"() ({
      %run_scoped3A_164 = tpu.sem_alloc : memref<!tpu.dma_semaphore, #tpu.memory_space<semaphore_mem>>
      %dma_start3A = tpu.memref_slice %arg8[%run_scoped3A_56, %mul3A_55] : memref<16x10240xf32, #tpu.memory_space<vmem_shared>> -> memref<1x640xf32, #tpu.memory_space<vmem_shared>>
      %dma_start3A_165 = tpu.memref_squeeze %dma_start3A : memref<1x640xf32, #tpu.memory_space<vmem_shared>> -> memref<640xf32, #tpu.memory_space<vmem_shared>>
      %dma_start3A_166 = tpu.memref_slice %arg8[%run_scoped3A_56, %mul3A_55] : memref<16x10240xf32, #tpu.memory_space<vmem_shared>> -> memref<1x640xf32, #tpu.memory_space<vmem_shared>>
      %dma_start3A_167 = tpu.memref_squeeze %dma_start3A_166 : memref<1x640xf32, #tpu.memory_space<vmem_shared>> -> memref<640xf32, #tpu.memory_space<vmem_shared>>
      tpu.enqueue_dma source(%dma_start3A_167 : memref<640xf32, #tpu.memory_space<vmem_shared>>) target(%arg7 : memref<640xf32, #tpu.memory_space<vmem>>) target_semaphore(%run_scoped3A_164 : memref<!tpu.dma_semaphore, #tpu.memory_space<semaphore_mem>>)
      %dma_wait3A = tpu.memref_slice %arg8[%run_scoped3A_56, %mul3A_55] : memref<16x10240xf32, #tpu.memory_space<vmem_shared>> -> memref<1x640xf32, #tpu.memory_space<vmem_shared>>
      %dma_wait3A_168 = tpu.memref_squeeze %dma_wait3A : memref<1x640xf32, #tpu.memory_space<vmem_shared>> -> memref<640xf32, #tpu.memory_space<vmem_shared>>
      %dma_wait3A_169 = tpu.memref_slice %arg8[%run_scoped3A_56, %mul3A_55] : memref<16x10240xf32, #tpu.memory_space<vmem_shared>> -> memref<1x640xf32, #tpu.memory_space<vmem_shared>>
      %dma_wait3A_170 = tpu.memref_squeeze %dma_wait3A_169 : memref<1x640xf32, #tpu.memory_space<vmem_shared>> -> memref<640xf32, #tpu.memory_space<vmem_shared>>
      tpu.wait_dma2 semaphore(%run_scoped3A_164 : memref<!tpu.dma_semaphore, #tpu.memory_space<semaphore_mem>>) src(%dma_wait3A_170 : memref<640xf32, #tpu.memory_space<vmem_shared>>) dst(%arg7 : memref<640xf32, #tpu.memory_space<vmem>>)
      tpu.yield
    }) : () -> ()
    %scan3A_57 = arith.constant 0 : i32
    %scan3A_58 = arith.constant 0 : i32
    %scan3A_59 = arith.constant 40 : i32
    %scan3A_60 = arith.addi %scan3A_58, %scan3A_59 : i32
    %scan3A_61 = arith.constant 1 : i32
    scf.for %scan3A_164 = %scan3A_58 to %scan3A_60 step %scan3A_61  : i32 {
      %mul3A_165 = arith.constant 16 : i32
      %mul3A_166 = arith.muli %scan3A_164, %mul3A_165 : i32
      %get3A = arith.index_cast %mul3A_166 : i32 to index
      %get3A_167 = tpu.vector_load %arg6[%get3A] {strides = array<i32>} : memref<640xf32, #tpu.memory_space<vmem>>, vector<16xf32>,
      %get3A_168 = arith.index_cast %mul3A_166 : i32 to index
      %get3A_169 = tpu.vector_load %arg7[%get3A_168] {strides = array<i32>} : memref<640xf32, #tpu.memory_space<vmem>>, vector<16xf32>,
      %add3A_170 = arith.addf %get3A_167, %get3A_169 : vector<16xf32>
      %swap3A = arith.index_cast %mul3A_166 : i32 to index
      %swap3A_171 = tpu.vector_load %arg6[%swap3A] {strides = array<i32>} : memref<640xf32, #tpu.memory_space<vmem>>, vector<16xf32>,
      tpu.vector_store %arg6[%swap3A], %add3A_170 {strides = array<i32>} : memref<640xf32, #tpu.memory_space<vmem>>, vector<16xf32>,
    }
    %scan3A_62 = arith.constant 40 : i32
    %mul3A_63 = arith.constant 640 : i32
    %mul3A_64 = arith.muli %arg1, %mul3A_63 : i32
    %run_scoped3A_65 = arith.constant 5 : i32
    "tpu.region"() ({
      %run_scoped3A_164 = tpu.sem_alloc : memref<!tpu.dma_semaphore, #tpu.memory_space<semaphore_mem>>
      %dma_start3A = tpu.memref_slice %arg8[%run_scoped3A_65, %mul3A_64] : memref<16x10240xf32, #tpu.memory_space<vmem_shared>> -> memref<1x640xf32, #tpu.memory_space<vmem_shared>>
      %dma_start3A_165 = tpu.memref_squeeze %dma_start3A : memref<1x640xf32, #tpu.memory_space<vmem_shared>> -> memref<640xf32, #tpu.memory_space<vmem_shared>>
      %dma_start3A_166 = tpu.memref_slice %arg8[%run_scoped3A_65, %mul3A_64] : memref<16x10240xf32, #tpu.memory_space<vmem_shared>> -> memref<1x640xf32, #tpu.memory_space<vmem_shared>>
      %dma_start3A_167 = tpu.memref_squeeze %dma_start3A_166 : memref<1x640xf32, #tpu.memory_space<vmem_shared>> -> memref<640xf32, #tpu.memory_space<vmem_shared>>
      tpu.enqueue_dma source(%dma_start3A_167 : memref<640xf32, #tpu.memory_space<vmem_shared>>) target(%arg7 : memref<640xf32, #tpu.memory_space<vmem>>) target_semaphore(%run_scoped3A_164 : memref<!tpu.dma_semaphore, #tpu.memory_space<semaphore_mem>>)
      %dma_wait3A = tpu.memref_slice %arg8[%run_scoped3A_65, %mul3A_64] : memref<16x10240xf32, #tpu.memory_space<vmem_shared>> -> memref<1x640xf32, #tpu.memory_space<vmem_shared>>
      %dma_wait3A_168 = tpu.memref_squeeze %dma_wait3A : memref<1x640xf32, #tpu.memory_space<vmem_shared>> -> memref<640xf32, #tpu.memory_space<vmem_shared>>
      %dma_wait3A_169 = tpu.memref_slice %arg8[%run_scoped3A_65, %mul3A_64] : memref<16x10240xf32, #tpu.memory_space<vmem_shared>> -> memref<1x640xf32, #tpu.memory_space<vmem_shared>>
      %dma_wait3A_170 = tpu.memref_squeeze %dma_wait3A_169 : memref<1x640xf32, #tpu.memory_space<vmem_shared>> -> memref<640xf32, #tpu.memory_space<vmem_shared>>
      tpu.wait_dma2 semaphore(%run_scoped3A_164 : memref<!tpu.dma_semaphore, #tpu.memory_space<semaphore_mem>>) src(%dma_wait3A_170 : memref<640xf32, #tpu.memory_space<vmem_shared>>) dst(%arg7 : memref<640xf32, #tpu.memory_space<vmem>>)
      tpu.yield
    }) : () -> ()
    %scan3A_66 = arith.constant 0 : i32
    %scan3A_67 = arith.constant 0 : i32
    %scan3A_68 = arith.constant 40 : i32
    %scan3A_69 = arith.addi %scan3A_67, %scan3A_68 : i32
    %scan3A_70 = arith.constant 1 : i32
    scf.for %scan3A_164 = %scan3A_67 to %scan3A_69 step %scan3A_70  : i32 {
      %mul3A_165 = arith.constant 16 : i32
      %mul3A_166 = arith.muli %scan3A_164, %mul3A_165 : i32
      %get3A = arith.index_cast %mul3A_166 : i32 to index
      %get3A_167 = tpu.vector_load %arg6[%get3A] {strides = array<i32>} : memref<640xf32, #tpu.memory_space<vmem>>, vector<16xf32>,
      %get3A_168 = arith.index_cast %mul3A_166 : i32 to index
      %get3A_169 = tpu.vector_load %arg7[%get3A_168] {strides = array<i32>} : memref<640xf32, #tpu.memory_space<vmem>>, vector<16xf32>,
      %add3A_170 = arith.addf %get3A_167, %get3A_169 : vector<16xf32>
      %swap3A = arith.index_cast %mul3A_166 : i32 to index
      %swap3A_171 = tpu.vector_load %arg6[%swap3A] {strides = array<i32>} : memref<640xf32, #tpu.memory_space<vmem>>, vector<16xf32>,
      tpu.vector_store %arg6[%swap3A], %add3A_170 {strides = array<i32>} : memref<640xf32, #tpu.memory_space<vmem>>, vector<16xf32>,
    }
    %scan3A_71 = arith.constant 40 : i32
    %mul3A_72 = arith.constant 640 : i32
    %mul3A_73 = arith.muli %arg1, %mul3A_72 : i32
    %run_scoped3A_74 = arith.constant 6 : i32
    "tpu.region"() ({
      %run_scoped3A_164 = tpu.sem_alloc : memref<!tpu.dma_semaphore, #tpu.memory_space<semaphore_mem>>
      %dma_start3A = tpu.memref_slice %arg8[%run_scoped3A_74, %mul3A_73] : memref<16x10240xf32, #tpu.memory_space<vmem_shared>> -> memref<1x640xf32, #tpu.memory_space<vmem_shared>>
      %dma_start3A_165 = tpu.memref_squeeze %dma_start3A : memref<1x640xf32, #tpu.memory_space<vmem_shared>> -> memref<640xf32, #tpu.memory_space<vmem_shared>>
      %dma_start3A_166 = tpu.memref_slice %arg8[%run_scoped3A_74, %mul3A_73] : memref<16x10240xf32, #tpu.memory_space<vmem_shared>> -> memref<1x640xf32, #tpu.memory_space<vmem_shared>>
      %dma_start3A_167 = tpu.memref_squeeze %dma_start3A_166 : memref<1x640xf32, #tpu.memory_space<vmem_shared>> -> memref<640xf32, #tpu.memory_space<vmem_shared>>
      tpu.enqueue_dma source(%dma_start3A_167 : memref<640xf32, #tpu.memory_space<vmem_shared>>) target(%arg7 : memref<640xf32, #tpu.memory_space<vmem>>) target_semaphore(%run_scoped3A_164 : memref<!tpu.dma_semaphore, #tpu.memory_space<semaphore_mem>>)
      %dma_wait3A = tpu.memref_slice %arg8[%run_scoped3A_74, %mul3A_73] : memref<16x10240xf32, #tpu.memory_space<vmem_shared>> -> memref<1x640xf32, #tpu.memory_space<vmem_shared>>
      %dma_wait3A_168 = tpu.memref_squeeze %dma_wait3A : memref<1x640xf32, #tpu.memory_space<vmem_shared>> -> memref<640xf32, #tpu.memory_space<vmem_shared>>
      %dma_wait3A_169 = tpu.memref_slice %arg8[%run_scoped3A_74, %mul3A_73] : memref<16x10240xf32, #tpu.memory_space<vmem_shared>> -> memref<1x640xf32, #tpu.memory_space<vmem_shared>>
      %dma_wait3A_170 = tpu.memref_squeeze %dma_wait3A_169 : memref<1x640xf32, #tpu.memory_space<vmem_shared>> -> memref<640xf32, #tpu.memory_space<vmem_shared>>
      tpu.wait_dma2 semaphore(%run_scoped3A_164 : memref<!tpu.dma_semaphore, #tpu.memory_space<semaphore_mem>>) src(%dma_wait3A_170 : memref<640xf32, #tpu.memory_space<vmem_shared>>) dst(%arg7 : memref<640xf32, #tpu.memory_space<vmem>>)
      tpu.yield
    }) : () -> ()
    %scan3A_75 = arith.constant 0 : i32
    %scan3A_76 = arith.constant 0 : i32
    %scan3A_77 = arith.constant 40 : i32
    %scan3A_78 = arith.addi %scan3A_76, %scan3A_77 : i32
    %scan3A_79 = arith.constant 1 : i32
    scf.for %scan3A_164 = %scan3A_76 to %scan3A_78 step %scan3A_79  : i32 {
      %mul3A_165 = arith.constant 16 : i32
      %mul3A_166 = arith.muli %scan3A_164, %mul3A_165 : i32
      %get3A = arith.index_cast %mul3A_166 : i32 to index
      %get3A_167 = tpu.vector_load %arg6[%get3A] {strides = array<i32>} : memref<640xf32, #tpu.memory_space<vmem>>, vector<16xf32>,
      %get3A_168 = arith.index_cast %mul3A_166 : i32 to index
      %get3A_169 = tpu.vector_load %arg7[%get3A_168] {strides = array<i32>} : memref<640xf32, #tpu.memory_space<vmem>>, vector<16xf32>,
      %add3A_170 = arith.addf %get3A_167, %get3A_169 : vector<16xf32>
      %swap3A = arith.index_cast %mul3A_166 : i32 to index
      %swap3A_171 = tpu.vector_load %arg6[%swap3A] {strides = array<i32>} : memref<640xf32, #tpu.memory_space<vmem>>, vector<16xf32>,
      tpu.vector_store %arg6[%swap3A], %add3A_170 {strides = array<i32>} : memref<640xf32, #tpu.memory_space<vmem>>, vector<16xf32>,
    }
    %scan3A_80 = arith.constant 40 : i32
    %mul3A_81 = arith.constant 640 : i32
    %mul3A_82 = arith.muli %arg1, %mul3A_81 : i32
    %run_scoped3A_83 = arith.constant 7 : i32
    "tpu.region"() ({
      %run_scoped3A_164 = tpu.sem_alloc : memref<!tpu.dma_semaphore, #tpu.memory_space<semaphore_mem>>
      %dma_start3A = tpu.memref_slice %arg8[%run_scoped3A_83, %mul3A_82] : memref<16x10240xf32, #tpu.memory_space<vmem_shared>> -> memref<1x640xf32, #tpu.memory_space<vmem_shared>>
      %dma_start3A_165 = tpu.memref_squeeze %dma_start3A : memref<1x640xf32, #tpu.memory_space<vmem_shared>> -> memref<640xf32, #tpu.memory_space<vmem_shared>>
      %dma_start3A_166 = tpu.memref_slice %arg8[%run_scoped3A_83, %mul3A_82] : memref<16x10240xf32, #tpu.memory_space<vmem_shared>> -> memref<1x640xf32, #tpu.memory_space<vmem_shared>>
      %dma_start3A_167 = tpu.memref_squeeze %dma_start3A_166 : memref<1x640xf32, #tpu.memory_space<vmem_shared>> -> memref<640xf32, #tpu.memory_space<vmem_shared>>
      tpu.enqueue_dma source(%dma_start3A_167 : memref<640xf32, #tpu.memory_space<vmem_shared>>) target(%arg7 : memref<640xf32, #tpu.memory_space<vmem>>) target_semaphore(%run_scoped3A_164 : memref<!tpu.dma_semaphore, #tpu.memory_space<semaphore_mem>>)
      %dma_wait3A = tpu.memref_slice %arg8[%run_scoped3A_83, %mul3A_82] : memref<16x10240xf32, #tpu.memory_space<vmem_shared>> -> memref<1x640xf32, #tpu.memory_space<vmem_shared>>
      %dma_wait3A_168 = tpu.memref_squeeze %dma_wait3A : memref<1x640xf32, #tpu.memory_space<vmem_shared>> -> memref<640xf32, #tpu.memory_space<vmem_shared>>
      %dma_wait3A_169 = tpu.memref_slice %arg8[%run_scoped3A_83, %mul3A_82] : memref<16x10240xf32, #tpu.memory_space<vmem_shared>> -> memref<1x640xf32, #tpu.memory_space<vmem_shared>>
      %dma_wait3A_170 = tpu.memref_squeeze %dma_wait3A_169 : memref<1x640xf32, #tpu.memory_space<vmem_shared>> -> memref<640xf32, #tpu.memory_space<vmem_shared>>
      tpu.wait_dma2 semaphore(%run_scoped3A_164 : memref<!tpu.dma_semaphore, #tpu.memory_space<semaphore_mem>>) src(%dma_wait3A_170 : memref<640xf32, #tpu.memory_space<vmem_shared>>) dst(%arg7 : memref<640xf32, #tpu.memory_space<vmem>>)
      tpu.yield
    }) : () -> ()
    %scan3A_84 = arith.constant 0 : i32
    %scan3A_85 = arith.constant 0 : i32
    %scan3A_86 = arith.constant 40 : i32
    %scan3A_87 = arith.addi %scan3A_85, %scan3A_86 : i32
    %scan3A_88 = arith.constant 1 : i32
    scf.for %scan3A_164 = %scan3A_85 to %scan3A_87 step %scan3A_88  : i32 {
      %mul3A_165 = arith.constant 16 : i32
      %mul3A_166 = arith.muli %scan3A_164, %mul3A_165 : i32
      %get3A = arith.index_cast %mul3A_166 : i32 to index
      %get3A_167 = tpu.vector_load %arg6[%get3A] {strides = array<i32>} : memref<640xf32, #tpu.memory_space<vmem>>, vector<16xf32>,
      %get3A_168 = arith.index_cast %mul3A_166 : i32 to index
      %get3A_169 = tpu.vector_load %arg7[%get3A_168] {strides = array<i32>} : memref<640xf32, #tpu.memory_space<vmem>>, vector<16xf32>,
      %add3A_170 = arith.addf %get3A_167, %get3A_169 : vector<16xf32>
      %swap3A = arith.index_cast %mul3A_166 : i32 to index
      %swap3A_171 = tpu.vector_load %arg6[%swap3A] {strides = array<i32>} : memref<640xf32, #tpu.memory_space<vmem>>, vector<16xf32>,
      tpu.vector_store %arg6[%swap3A], %add3A_170 {strides = array<i32>} : memref<640xf32, #tpu.memory_space<vmem>>, vector<16xf32>,
    }
    %scan3A_89 = arith.constant 40 : i32
    %mul3A_90 = arith.constant 640 : i32
    %mul3A_91 = arith.muli %arg1, %mul3A_90 : i32
    %run_scoped3A_92 = arith.constant 8 : i32
    "tpu.region"() ({
      %run_scoped3A_164 = tpu.sem_alloc : memref<!tpu.dma_semaphore, #tpu.memory_space<semaphore_mem>>
      %dma_start3A = tpu.memref_slice %arg8[%run_scoped3A_92, %mul3A_91] : memref<16x10240xf32, #tpu.memory_space<vmem_shared>> -> memref<1x640xf32, #tpu.memory_space<vmem_shared>>
      %dma_start3A_165 = tpu.memref_squeeze %dma_start3A : memref<1x640xf32, #tpu.memory_space<vmem_shared>> -> memref<640xf32, #tpu.memory_space<vmem_shared>>
      %dma_start3A_166 = tpu.memref_slice %arg8[%run_scoped3A_92, %mul3A_91] : memref<16x10240xf32, #tpu.memory_space<vmem_shared>> -> memref<1x640xf32, #tpu.memory_space<vmem_shared>>
      %dma_start3A_167 = tpu.memref_squeeze %dma_start3A_166 : memref<1x640xf32, #tpu.memory_space<vmem_shared>> -> memref<640xf32, #tpu.memory_space<vmem_shared>>
      tpu.enqueue_dma source(%dma_start3A_167 : memref<640xf32, #tpu.memory_space<vmem_shared>>) target(%arg7 : memref<640xf32, #tpu.memory_space<vmem>>) target_semaphore(%run_scoped3A_164 : memref<!tpu.dma_semaphore, #tpu.memory_space<semaphore_mem>>)
      %dma_wait3A = tpu.memref_slice %arg8[%run_scoped3A_92, %mul3A_91] : memref<16x10240xf32, #tpu.memory_space<vmem_shared>> -> memref<1x640xf32, #tpu.memory_space<vmem_shared>>
      %dma_wait3A_168 = tpu.memref_squeeze %dma_wait3A : memref<1x640xf32, #tpu.memory_space<vmem_shared>> -> memref<640xf32, #tpu.memory_space<vmem_shared>>
      %dma_wait3A_169 = tpu.memref_slice %arg8[%run_scoped3A_92, %mul3A_91] : memref<16x10240xf32, #tpu.memory_space<vmem_shared>> -> memref<1x640xf32, #tpu.memory_space<vmem_shared>>
      %dma_wait3A_170 = tpu.memref_squeeze %dma_wait3A_169 : memref<1x640xf32, #tpu.memory_space<vmem_shared>> -> memref<640xf32, #tpu.memory_space<vmem_shared>>
      tpu.wait_dma2 semaphore(%run_scoped3A_164 : memref<!tpu.dma_semaphore, #tpu.memory_space<semaphore_mem>>) src(%dma_wait3A_170 : memref<640xf32, #tpu.memory_space<vmem_shared>>) dst(%arg7 : memref<640xf32, #tpu.memory_space<vmem>>)
      tpu.yield
    }) : () -> ()
    %scan3A_93 = arith.constant 0 : i32
    %scan3A_94 = arith.constant 0 : i32
    %scan3A_95 = arith.constant 40 : i32
    %scan3A_96 = arith.addi %scan3A_94, %scan3A_95 : i32
    %scan3A_97 = arith.constant 1 : i32
    scf.for %scan3A_164 = %scan3A_94 to %scan3A_96 step %scan3A_97  : i32 {
      %mul3A_165 = arith.constant 16 : i32
      %mul3A_166 = arith.muli %scan3A_164, %mul3A_165 : i32
      %get3A = arith.index_cast %mul3A_166 : i32 to index
      %get3A_167 = tpu.vector_load %arg6[%get3A] {strides = array<i32>} : memref<640xf32, #tpu.memory_space<vmem>>, vector<16xf32>,
      %get3A_168 = arith.index_cast %mul3A_166 : i32 to index
      %get3A_169 = tpu.vector_load %arg7[%get3A_168] {strides = array<i32>} : memref<640xf32, #tpu.memory_space<vmem>>, vector<16xf32>,
      %add3A_170 = arith.addf %get3A_167, %get3A_169 : vector<16xf32>
      %swap3A = arith.index_cast %mul3A_166 : i32 to index
      %swap3A_171 = tpu.vector_load %arg6[%swap3A] {strides = array<i32>} : memref<640xf32, #tpu.memory_space<vmem>>, vector<16xf32>,
      tpu.vector_store %arg6[%swap3A], %add3A_170 {strides = array<i32>} : memref<640xf32, #tpu.memory_space<vmem>>, vector<16xf32>,
    }
    %scan3A_98 = arith.constant 40 : i32
    %mul3A_99 = arith.constant 640 : i32
    %mul3A_100 = arith.muli %arg1, %mul3A_99 : i32
    %run_scoped3A_101 = arith.constant 9 : i32
    "tpu.region"() ({
      %run_scoped3A_164 = tpu.sem_alloc : memref<!tpu.dma_semaphore, #tpu.memory_space<semaphore_mem>>
      %dma_start3A = tpu.memref_slice %arg8[%run_scoped3A_101, %mul3A_100] : memref<16x10240xf32, #tpu.memory_space<vmem_shared>> -> memref<1x640xf32, #tpu.memory_space<vmem_shared>>
      %dma_start3A_165 = tpu.memref_squeeze %dma_start3A : memref<1x640xf32, #tpu.memory_space<vmem_shared>> -> memref<640xf32, #tpu.memory_space<vmem_shared>>
      %dma_start3A_166 = tpu.memref_slice %arg8[%run_scoped3A_101, %mul3A_100] : memref<16x10240xf32, #tpu.memory_space<vmem_shared>> -> memref<1x640xf32, #tpu.memory_space<vmem_shared>>
      %dma_start3A_167 = tpu.memref_squeeze %dma_start3A_166 : memref<1x640xf32, #tpu.memory_space<vmem_shared>> -> memref<640xf32, #tpu.memory_space<vmem_shared>>
      tpu.enqueue_dma source(%dma_start3A_167 : memref<640xf32, #tpu.memory_space<vmem_shared>>) target(%arg7 : memref<640xf32, #tpu.memory_space<vmem>>) target_semaphore(%run_scoped3A_164 : memref<!tpu.dma_semaphore, #tpu.memory_space<semaphore_mem>>)
      %dma_wait3A = tpu.memref_slice %arg8[%run_scoped3A_101, %mul3A_100] : memref<16x10240xf32, #tpu.memory_space<vmem_shared>> -> memref<1x640xf32, #tpu.memory_space<vmem_shared>>
      %dma_wait3A_168 = tpu.memref_squeeze %dma_wait3A : memref<1x640xf32, #tpu.memory_space<vmem_shared>> -> memref<640xf32, #tpu.memory_space<vmem_shared>>
      %dma_wait3A_169 = tpu.memref_slice %arg8[%run_scoped3A_101, %mul3A_100] : memref<16x10240xf32, #tpu.memory_space<vmem_shared>> -> memref<1x640xf32, #tpu.memory_space<vmem_shared>>
      %dma_wait3A_170 = tpu.memref_squeeze %dma_wait3A_169 : memref<1x640xf32, #tpu.memory_space<vmem_shared>> -> memref<640xf32, #tpu.memory_space<vmem_shared>>
      tpu.wait_dma2 semaphore(%run_scoped3A_164 : memref<!tpu.dma_semaphore, #tpu.memory_space<semaphore_mem>>) src(%dma_wait3A_170 : memref<640xf32, #tpu.memory_space<vmem_shared>>) dst(%arg7 : memref<640xf32, #tpu.memory_space<vmem>>)
      tpu.yield
    }) : () -> ()
    %scan3A_102 = arith.constant 0 : i32
    %scan3A_103 = arith.constant 0 : i32
    %scan3A_104 = arith.constant 40 : i32
    %scan3A_105 = arith.addi %scan3A_103, %scan3A_104 : i32
    %scan3A_106 = arith.constant 1 : i32
    scf.for %scan3A_164 = %scan3A_103 to %scan3A_105 step %scan3A_106  : i32 {
      %mul3A_165 = arith.constant 16 : i32
      %mul3A_166 = arith.muli %scan3A_164, %mul3A_165 : i32
      %get3A = arith.index_cast %mul3A_166 : i32 to index
      %get3A_167 = tpu.vector_load %arg6[%get3A] {strides = array<i32>} : memref<640xf32, #tpu.memory_space<vmem>>, vector<16xf32>,
      %get3A_168 = arith.index_cast %mul3A_166 : i32 to index
      %get3A_169 = tpu.vector_load %arg7[%get3A_168] {strides = array<i32>} : memref<640xf32, #tpu.memory_space<vmem>>, vector<16xf32>,
      %add3A_170 = arith.addf %get3A_167, %get3A_169 : vector<16xf32>
      %swap3A = arith.index_cast %mul3A_166 : i32 to index
      %swap3A_171 = tpu.vector_load %arg6[%swap3A] {strides = array<i32>} : memref<640xf32, #tpu.memory_space<vmem>>, vector<16xf32>,
      tpu.vector_store %arg6[%swap3A], %add3A_170 {strides = array<i32>} : memref<640xf32, #tpu.memory_space<vmem>>, vector<16xf32>,
    }
    %scan3A_107 = arith.constant 40 : i32
    %mul3A_108 = arith.constant 640 : i32
    %mul3A_109 = arith.muli %arg1, %mul3A_108 : i32
    %run_scoped3A_110 = arith.constant 10 : i32
    "tpu.region"() ({
      %run_scoped3A_164 = tpu.sem_alloc : memref<!tpu.dma_semaphore, #tpu.memory_space<semaphore_mem>>
      %dma_start3A = tpu.memref_slice %arg8[%run_scoped3A_110, %mul3A_109] : memref<16x10240xf32, #tpu.memory_space<vmem_shared>> -> memref<1x640xf32, #tpu.memory_space<vmem_shared>>
      %dma_start3A_165 = tpu.memref_squeeze %dma_start3A : memref<1x640xf32, #tpu.memory_space<vmem_shared>> -> memref<640xf32, #tpu.memory_space<vmem_shared>>
      %dma_start3A_166 = tpu.memref_slice %arg8[%run_scoped3A_110, %mul3A_109] : memref<16x10240xf32, #tpu.memory_space<vmem_shared>> -> memref<1x640xf32, #tpu.memory_space<vmem_shared>>
      %dma_start3A_167 = tpu.memref_squeeze %dma_start3A_166 : memref<1x640xf32, #tpu.memory_space<vmem_shared>> -> memref<640xf32, #tpu.memory_space<vmem_shared>>
      tpu.enqueue_dma source(%dma_start3A_167 : memref<640xf32, #tpu.memory_space<vmem_shared>>) target(%arg7 : memref<640xf32, #tpu.memory_space<vmem>>) target_semaphore(%run_scoped3A_164 : memref<!tpu.dma_semaphore, #tpu.memory_space<semaphore_mem>>)
      %dma_wait3A = tpu.memref_slice %arg8[%run_scoped3A_110, %mul3A_109] : memref<16x10240xf32, #tpu.memory_space<vmem_shared>> -> memref<1x640xf32, #tpu.memory_space<vmem_shared>>
      %dma_wait3A_168 = tpu.memref_squeeze %dma_wait3A : memref<1x640xf32, #tpu.memory_space<vmem_shared>> -> memref<640xf32, #tpu.memory_space<vmem_shared>>
      %dma_wait3A_169 = tpu.memref_slice %arg8[%run_scoped3A_110, %mul3A_109] : memref<16x10240xf32, #tpu.memory_space<vmem_shared>> -> memref<1x640xf32, #tpu.memory_space<vmem_shared>>
      %dma_wait3A_170 = tpu.memref_squeeze %dma_wait3A_169 : memref<1x640xf32, #tpu.memory_space<vmem_shared>> -> memref<640xf32, #tpu.memory_space<vmem_shared>>
      tpu.wait_dma2 semaphore(%run_scoped3A_164 : memref<!tpu.dma_semaphore, #tpu.memory_space<semaphore_mem>>) src(%dma_wait3A_170 : memref<640xf32, #tpu.memory_space<vmem_shared>>) dst(%arg7 : memref<640xf32, #tpu.memory_space<vmem>>)
      tpu.yield
    }) : () -> ()
    %scan3A_111 = arith.constant 0 : i32
    %scan3A_112 = arith.constant 0 : i32
    %scan3A_113 = arith.constant 40 : i32
    %scan3A_114 = arith.addi %scan3A_112, %scan3A_113 : i32
    %scan3A_115 = arith.constant 1 : i32
    scf.for %scan3A_164 = %scan3A_112 to %scan3A_114 step %scan3A_115  : i32 {
      %mul3A_165 = arith.constant 16 : i32
      %mul3A_166 = arith.muli %scan3A_164, %mul3A_165 : i32
      %get3A = arith.index_cast %mul3A_166 : i32 to index
      %get3A_167 = tpu.vector_load %arg6[%get3A] {strides = array<i32>} : memref<640xf32, #tpu.memory_space<vmem>>, vector<16xf32>,
      %get3A_168 = arith.index_cast %mul3A_166 : i32 to index
      %get3A_169 = tpu.vector_load %arg7[%get3A_168] {strides = array<i32>} : memref<640xf32, #tpu.memory_space<vmem>>, vector<16xf32>,
      %add3A_170 = arith.addf %get3A_167, %get3A_169 : vector<16xf32>
      %swap3A = arith.index_cast %mul3A_166 : i32 to index
      %swap3A_171 = tpu.vector_load %arg6[%swap3A] {strides = array<i32>} : memref<640xf32, #tpu.memory_space<vmem>>, vector<16xf32>,
      tpu.vector_store %arg6[%swap3A], %add3A_170 {strides = array<i32>} : memref<640xf32, #tpu.memory_space<vmem>>, vector<16xf32>,
    }
    %scan3A_116 = arith.constant 40 : i32
    %mul3A_117 = arith.constant 640 : i32
    %mul3A_118 = arith.muli %arg1, %mul3A_117 : i32
    %run_scoped3A_119 = arith.constant 11 : i32
    "tpu.region"() ({
      %run_scoped3A_164 = tpu.sem_alloc : memref<!tpu.dma_semaphore, #tpu.memory_space<semaphore_mem>>
      %dma_start3A = tpu.memref_slice %arg8[%run_scoped3A_119, %mul3A_118] : memref<16x10240xf32, #tpu.memory_space<vmem_shared>> -> memref<1x640xf32, #tpu.memory_space<vmem_shared>>
      %dma_start3A_165 = tpu.memref_squeeze %dma_start3A : memref<1x640xf32, #tpu.memory_space<vmem_shared>> -> memref<640xf32, #tpu.memory_space<vmem_shared>>
      %dma_start3A_166 = tpu.memref_slice %arg8[%run_scoped3A_119, %mul3A_118] : memref<16x10240xf32, #tpu.memory_space<vmem_shared>> -> memref<1x640xf32, #tpu.memory_space<vmem_shared>>
      %dma_start3A_167 = tpu.memref_squeeze %dma_start3A_166 : memref<1x640xf32, #tpu.memory_space<vmem_shared>> -> memref<640xf32, #tpu.memory_space<vmem_shared>>
      tpu.enqueue_dma source(%dma_start3A_167 : memref<640xf32, #tpu.memory_space<vmem_shared>>) target(%arg7 : memref<640xf32, #tpu.memory_space<vmem>>) target_semaphore(%run_scoped3A_164 : memref<!tpu.dma_semaphore, #tpu.memory_space<semaphore_mem>>)
      %dma_wait3A = tpu.memref_slice %arg8[%run_scoped3A_119, %mul3A_118] : memref<16x10240xf32, #tpu.memory_space<vmem_shared>> -> memref<1x640xf32, #tpu.memory_space<vmem_shared>>
      %dma_wait3A_168 = tpu.memref_squeeze %dma_wait3A : memref<1x640xf32, #tpu.memory_space<vmem_shared>> -> memref<640xf32, #tpu.memory_space<vmem_shared>>
      %dma_wait3A_169 = tpu.memref_slice %arg8[%run_scoped3A_119, %mul3A_118] : memref<16x10240xf32, #tpu.memory_space<vmem_shared>> -> memref<1x640xf32, #tpu.memory_space<vmem_shared>>
      %dma_wait3A_170 = tpu.memref_squeeze %dma_wait3A_169 : memref<1x640xf32, #tpu.memory_space<vmem_shared>> -> memref<640xf32, #tpu.memory_space<vmem_shared>>
      tpu.wait_dma2 semaphore(%run_scoped3A_164 : memref<!tpu.dma_semaphore, #tpu.memory_space<semaphore_mem>>) src(%dma_wait3A_170 : memref<640xf32, #tpu.memory_space<vmem_shared>>) dst(%arg7 : memref<640xf32, #tpu.memory_space<vmem>>)
      tpu.yield
    }) : () -> ()
    %scan3A_120 = arith.constant 0 : i32
    %scan3A_121 = arith.constant 0 : i32
    %scan3A_122 = arith.constant 40 : i32
    %scan3A_123 = arith.addi %scan3A_121, %scan3A_122 : i32
    %scan3A_124 = arith.constant 1 : i32
    scf.for %scan3A_164 = %scan3A_121 to %scan3A_123 step %scan3A_124  : i32 {
      %mul3A_165 = arith.constant 16 : i32
      %mul3A_166 = arith.muli %scan3A_164, %mul3A_165 : i32
      %get3A = arith.index_cast %mul3A_166 : i32 to index
      %get3A_167 = tpu.vector_load %arg6[%get3A] {strides = array<i32>} : memref<640xf32, #tpu.memory_space<vmem>>, vector<16xf32>,
      %get3A_168 = arith.index_cast %mul3A_166 : i32 to index
      %get3A_169 = tpu.vector_load %arg7[%get3A_168] {strides = array<i32>} : memref<640xf32, #tpu.memory_space<vmem>>, vector<16xf32>,
      %add3A_170 = arith.addf %get3A_167, %get3A_169 : vector<16xf32>
      %swap3A = arith.index_cast %mul3A_166 : i32 to index
      %swap3A_171 = tpu.vector_load %arg6[%swap3A] {strides = array<i32>} : memref<640xf32, #tpu.memory_space<vmem>>, vector<16xf32>,
      tpu.vector_store %arg6[%swap3A], %add3A_170 {strides = array<i32>} : memref<640xf32, #tpu.memory_space<vmem>>, vector<16xf32>,
    }
    %scan3A_125 = arith.constant 40 : i32
    %mul3A_126 = arith.constant 640 : i32
    %mul3A_127 = arith.muli %arg1, %mul3A_126 : i32
    %run_scoped3A_128 = arith.constant 12 : i32
    "tpu.region"() ({
      %run_scoped3A_164 = tpu.sem_alloc : memref<!tpu.dma_semaphore, #tpu.memory_space<semaphore_mem>>
      %dma_start3A = tpu.memref_slice %arg8[%run_scoped3A_128, %mul3A_127] : memref<16x10240xf32, #tpu.memory_space<vmem_shared>> -> memref<1x640xf32, #tpu.memory_space<vmem_shared>>
      %dma_start3A_165 = tpu.memref_squeeze %dma_start3A : memref<1x640xf32, #tpu.memory_space<vmem_shared>> -> memref<640xf32, #tpu.memory_space<vmem_shared>>
      %dma_start3A_166 = tpu.memref_slice %arg8[%run_scoped3A_128, %mul3A_127] : memref<16x10240xf32, #tpu.memory_space<vmem_shared>> -> memref<1x640xf32, #tpu.memory_space<vmem_shared>>
      %dma_start3A_167 = tpu.memref_squeeze %dma_start3A_166 : memref<1x640xf32, #tpu.memory_space<vmem_shared>> -> memref<640xf32, #tpu.memory_space<vmem_shared>>
      tpu.enqueue_dma source(%dma_start3A_167 : memref<640xf32, #tpu.memory_space<vmem_shared>>) target(%arg7 : memref<640xf32, #tpu.memory_space<vmem>>) target_semaphore(%run_scoped3A_164 : memref<!tpu.dma_semaphore, #tpu.memory_space<semaphore_mem>>)
      %dma_wait3A = tpu.memref_slice %arg8[%run_scoped3A_128, %mul3A_127] : memref<16x10240xf32, #tpu.memory_space<vmem_shared>> -> memref<1x640xf32, #tpu.memory_space<vmem_shared>>
      %dma_wait3A_168 = tpu.memref_squeeze %dma_wait3A : memref<1x640xf32, #tpu.memory_space<vmem_shared>> -> memref<640xf32, #tpu.memory_space<vmem_shared>>
      %dma_wait3A_169 = tpu.memref_slice %arg8[%run_scoped3A_128, %mul3A_127] : memref<16x10240xf32, #tpu.memory_space<vmem_shared>> -> memref<1x640xf32, #tpu.memory_space<vmem_shared>>
      %dma_wait3A_170 = tpu.memref_squeeze %dma_wait3A_169 : memref<1x640xf32, #tpu.memory_space<vmem_shared>> -> memref<640xf32, #tpu.memory_space<vmem_shared>>
      tpu.wait_dma2 semaphore(%run_scoped3A_164 : memref<!tpu.dma_semaphore, #tpu.memory_space<semaphore_mem>>) src(%dma_wait3A_170 : memref<640xf32, #tpu.memory_space<vmem_shared>>) dst(%arg7 : memref<640xf32, #tpu.memory_space<vmem>>)
      tpu.yield
    }) : () -> ()
    %scan3A_129 = arith.constant 0 : i32
    %scan3A_130 = arith.constant 0 : i32
    %scan3A_131 = arith.constant 40 : i32
    %scan3A_132 = arith.addi %scan3A_130, %scan3A_131 : i32
    %scan3A_133 = arith.constant 1 : i32
    scf.for %scan3A_164 = %scan3A_130 to %scan3A_132 step %scan3A_133  : i32 {
      %mul3A_165 = arith.constant 16 : i32
      %mul3A_166 = arith.muli %scan3A_164, %mul3A_165 : i32
      %get3A = arith.index_cast %mul3A_166 : i32 to index
      %get3A_167 = tpu.vector_load %arg6[%get3A] {strides = array<i32>} : memref<640xf32, #tpu.memory_space<vmem>>, vector<16xf32>,
      %get3A_168 = arith.index_cast %mul3A_166 : i32 to index
      %get3A_169 = tpu.vector_load %arg7[%get3A_168] {strides = array<i32>} : memref<640xf32, #tpu.memory_space<vmem>>, vector<16xf32>,
      %add3A_170 = arith.addf %get3A_167, %get3A_169 : vector<16xf32>
      %swap3A = arith.index_cast %mul3A_166 : i32 to index
      %swap3A_171 = tpu.vector_load %arg6[%swap3A] {strides = array<i32>} : memref<640xf32, #tpu.memory_space<vmem>>, vector<16xf32>,
      tpu.vector_store %arg6[%swap3A], %add3A_170 {strides = array<i32>} : memref<640xf32, #tpu.memory_space<vmem>>, vector<16xf32>,
    }
    %scan3A_134 = arith.constant 40 : i32
    %mul3A_135 = arith.constant 640 : i32
    %mul3A_136 = arith.muli %arg1, %mul3A_135 : i32
    %run_scoped3A_137 = arith.constant 13 : i32
    "tpu.region"() ({
      %run_scoped3A_164 = tpu.sem_alloc : memref<!tpu.dma_semaphore, #tpu.memory_space<semaphore_mem>>
      %dma_start3A = tpu.memref_slice %arg8[%run_scoped3A_137, %mul3A_136] : memref<16x10240xf32, #tpu.memory_space<vmem_shared>> -> memref<1x640xf32, #tpu.memory_space<vmem_shared>>
      %dma_start3A_165 = tpu.memref_squeeze %dma_start3A : memref<1x640xf32, #tpu.memory_space<vmem_shared>> -> memref<640xf32, #tpu.memory_space<vmem_shared>>
      %dma_start3A_166 = tpu.memref_slice %arg8[%run_scoped3A_137, %mul3A_136] : memref<16x10240xf32, #tpu.memory_space<vmem_shared>> -> memref<1x640xf32, #tpu.memory_space<vmem_shared>>
      %dma_start3A_167 = tpu.memref_squeeze %dma_start3A_166 : memref<1x640xf32, #tpu.memory_space<vmem_shared>> -> memref<640xf32, #tpu.memory_space<vmem_shared>>
      tpu.enqueue_dma source(%dma_start3A_167 : memref<640xf32, #tpu.memory_space<vmem_shared>>) target(%arg7 : memref<640xf32, #tpu.memory_space<vmem>>) target_semaphore(%run_scoped3A_164 : memref<!tpu.dma_semaphore, #tpu.memory_space<semaphore_mem>>)
      %dma_wait3A = tpu.memref_slice %arg8[%run_scoped3A_137, %mul3A_136] : memref<16x10240xf32, #tpu.memory_space<vmem_shared>> -> memref<1x640xf32, #tpu.memory_space<vmem_shared>>
      %dma_wait3A_168 = tpu.memref_squeeze %dma_wait3A : memref<1x640xf32, #tpu.memory_space<vmem_shared>> -> memref<640xf32, #tpu.memory_space<vmem_shared>>
      %dma_wait3A_169 = tpu.memref_slice %arg8[%run_scoped3A_137, %mul3A_136] : memref<16x10240xf32, #tpu.memory_space<vmem_shared>> -> memref<1x640xf32, #tpu.memory_space<vmem_shared>>
      %dma_wait3A_170 = tpu.memref_squeeze %dma_wait3A_169 : memref<1x640xf32, #tpu.memory_space<vmem_shared>> -> memref<640xf32, #tpu.memory_space<vmem_shared>>
      tpu.wait_dma2 semaphore(%run_scoped3A_164 : memref<!tpu.dma_semaphore, #tpu.memory_space<semaphore_mem>>) src(%dma_wait3A_170 : memref<640xf32, #tpu.memory_space<vmem_shared>>) dst(%arg7 : memref<640xf32, #tpu.memory_space<vmem>>)
      tpu.yield
    }) : () -> ()
    %scan3A_138 = arith.constant 0 : i32
    %scan3A_139 = arith.constant 0 : i32
    %scan3A_140 = arith.constant 40 : i32
    %scan3A_141 = arith.addi %scan3A_139, %scan3A_140 : i32
    %scan3A_142 = arith.constant 1 : i32
    scf.for %scan3A_164 = %scan3A_139 to %scan3A_141 step %scan3A_142  : i32 {
      %mul3A_165 = arith.constant 16 : i32
      %mul3A_166 = arith.muli %scan3A_164, %mul3A_165 : i32
      %get3A = arith.index_cast %mul3A_166 : i32 to index
      %get3A_167 = tpu.vector_load %arg6[%get3A] {strides = array<i32>} : memref<640xf32, #tpu.memory_space<vmem>>, vector<16xf32>,
      %get3A_168 = arith.index_cast %mul3A_166 : i32 to index
      %get3A_169 = tpu.vector_load %arg7[%get3A_168] {strides = array<i32>} : memref<640xf32, #tpu.memory_space<vmem>>, vector<16xf32>,
      %add3A_170 = arith.addf %get3A_167, %get3A_169 : vector<16xf32>
      %swap3A = arith.index_cast %mul3A_166 : i32 to index
      %swap3A_171 = tpu.vector_load %arg6[%swap3A] {strides = array<i32>} : memref<640xf32, #tpu.memory_space<vmem>>, vector<16xf32>,
      tpu.vector_store %arg6[%swap3A], %add3A_170 {strides = array<i32>} : memref<640xf32, #tpu.memory_space<vmem>>, vector<16xf32>,
    }
    %scan3A_143 = arith.constant 40 : i32
    %mul3A_144 = arith.constant 640 : i32
    %mul3A_145 = arith.muli %arg1, %mul3A_144 : i32
    %run_scoped3A_146 = arith.constant 14 : i32
    "tpu.region"() ({
      %run_scoped3A_164 = tpu.sem_alloc : memref<!tpu.dma_semaphore, #tpu.memory_space<semaphore_mem>>
      %dma_start3A = tpu.memref_slice %arg8[%run_scoped3A_146, %mul3A_145] : memref<16x10240xf32, #tpu.memory_space<vmem_shared>> -> memref<1x640xf32, #tpu.memory_space<vmem_shared>>
      %dma_start3A_165 = tpu.memref_squeeze %dma_start3A : memref<1x640xf32, #tpu.memory_space<vmem_shared>> -> memref<640xf32, #tpu.memory_space<vmem_shared>>
      %dma_start3A_166 = tpu.memref_slice %arg8[%run_scoped3A_146, %mul3A_145] : memref<16x10240xf32, #tpu.memory_space<vmem_shared>> -> memref<1x640xf32, #tpu.memory_space<vmem_shared>>
      %dma_start3A_167 = tpu.memref_squeeze %dma_start3A_166 : memref<1x640xf32, #tpu.memory_space<vmem_shared>> -> memref<640xf32, #tpu.memory_space<vmem_shared>>
      tpu.enqueue_dma source(%dma_start3A_167 : memref<640xf32, #tpu.memory_space<vmem_shared>>) target(%arg7 : memref<640xf32, #tpu.memory_space<vmem>>) target_semaphore(%run_scoped3A_164 : memref<!tpu.dma_semaphore, #tpu.memory_space<semaphore_mem>>)
      %dma_wait3A = tpu.memref_slice %arg8[%run_scoped3A_146, %mul3A_145] : memref<16x10240xf32, #tpu.memory_space<vmem_shared>> -> memref<1x640xf32, #tpu.memory_space<vmem_shared>>
      %dma_wait3A_168 = tpu.memref_squeeze %dma_wait3A : memref<1x640xf32, #tpu.memory_space<vmem_shared>> -> memref<640xf32, #tpu.memory_space<vmem_shared>>
      %dma_wait3A_169 = tpu.memref_slice %arg8[%run_scoped3A_146, %mul3A_145] : memref<16x10240xf32, #tpu.memory_space<vmem_shared>> -> memref<1x640xf32, #tpu.memory_space<vmem_shared>>
      %dma_wait3A_170 = tpu.memref_squeeze %dma_wait3A_169 : memref<1x640xf32, #tpu.memory_space<vmem_shared>> -> memref<640xf32, #tpu.memory_space<vmem_shared>>
      tpu.wait_dma2 semaphore(%run_scoped3A_164 : memref<!tpu.dma_semaphore, #tpu.memory_space<semaphore_mem>>) src(%dma_wait3A_170 : memref<640xf32, #tpu.memory_space<vmem_shared>>) dst(%arg7 : memref<640xf32, #tpu.memory_space<vmem>>)
      tpu.yield
    }) : () -> ()
    %scan3A_147 = arith.constant 0 : i32
    %scan3A_148 = arith.constant 0 : i32
    %scan3A_149 = arith.constant 40 : i32
    %scan3A_150 = arith.addi %scan3A_148, %scan3A_149 : i32
    %scan3A_151 = arith.constant 1 : i32
    scf.for %scan3A_164 = %scan3A_148 to %scan3A_150 step %scan3A_151  : i32 {
      %mul3A_165 = arith.constant 16 : i32
      %mul3A_166 = arith.muli %scan3A_164, %mul3A_165 : i32
      %get3A = arith.index_cast %mul3A_166 : i32 to index
      %get3A_167 = tpu.vector_load %arg6[%get3A] {strides = array<i32>} : memref<640xf32, #tpu.memory_space<vmem>>, vector<16xf32>,
      %get3A_168 = arith.index_cast %mul3A_166 : i32 to index
      %get3A_169 = tpu.vector_load %arg7[%get3A_168] {strides = array<i32>} : memref<640xf32, #tpu.memory_space<vmem>>, vector<16xf32>,
      %add3A_170 = arith.addf %get3A_167, %get3A_169 : vector<16xf32>
      %swap3A = arith.index_cast %mul3A_166 : i32 to index
      %swap3A_171 = tpu.vector_load %arg6[%swap3A] {strides = array<i32>} : memref<640xf32, #tpu.memory_space<vmem>>, vector<16xf32>,
      tpu.vector_store %arg6[%swap3A], %add3A_170 {strides = array<i32>} : memref<640xf32, #tpu.memory_space<vmem>>, vector<16xf32>,
    }
    %scan3A_152 = arith.constant 40 : i32
    %mul3A_153 = arith.constant 640 : i32
    %mul3A_154 = arith.muli %arg1, %mul3A_153 : i32
    %run_scoped3A_155 = arith.constant 15 : i32
    "tpu.region"() ({
      %run_scoped3A_164 = tpu.sem_alloc : memref<!tpu.dma_semaphore, #tpu.memory_space<semaphore_mem>>
      %dma_start3A = tpu.memref_slice %arg8[%run_scoped3A_155, %mul3A_154] : memref<16x10240xf32, #tpu.memory_space<vmem_shared>> -> memref<1x640xf32, #tpu.memory_space<vmem_shared>>
      %dma_start3A_165 = tpu.memref_squeeze %dma_start3A : memref<1x640xf32, #tpu.memory_space<vmem_shared>> -> memref<640xf32, #tpu.memory_space<vmem_shared>>
      %dma_start3A_166 = tpu.memref_slice %arg8[%run_scoped3A_155, %mul3A_154] : memref<16x10240xf32, #tpu.memory_space<vmem_shared>> -> memref<1x640xf32, #tpu.memory_space<vmem_shared>>
      %dma_start3A_167 = tpu.memref_squeeze %dma_start3A_166 : memref<1x640xf32, #tpu.memory_space<vmem_shared>> -> memref<640xf32, #tpu.memory_space<vmem_shared>>
      tpu.enqueue_dma source(%dma_start3A_167 : memref<640xf32, #tpu.memory_space<vmem_shared>>) target(%arg7 : memref<640xf32, #tpu.memory_space<vmem>>) target_semaphore(%run_scoped3A_164 : memref<!tpu.dma_semaphore, #tpu.memory_space<semaphore_mem>>)
      %dma_wait3A = tpu.memref_slice %arg8[%run_scoped3A_155, %mul3A_154] : memref<16x10240xf32, #tpu.memory_space<vmem_shared>> -> memref<1x640xf32, #tpu.memory_space<vmem_shared>>
      %dma_wait3A_168 = tpu.memref_squeeze %dma_wait3A : memref<1x640xf32, #tpu.memory_space<vmem_shared>> -> memref<640xf32, #tpu.memory_space<vmem_shared>>
      %dma_wait3A_169 = tpu.memref_slice %arg8[%run_scoped3A_155, %mul3A_154] : memref<16x10240xf32, #tpu.memory_space<vmem_shared>> -> memref<1x640xf32, #tpu.memory_space<vmem_shared>>
      %dma_wait3A_170 = tpu.memref_squeeze %dma_wait3A_169 : memref<1x640xf32, #tpu.memory_space<vmem_shared>> -> memref<640xf32, #tpu.memory_space<vmem_shared>>
      tpu.wait_dma2 semaphore(%run_scoped3A_164 : memref<!tpu.dma_semaphore, #tpu.memory_space<semaphore_mem>>) src(%dma_wait3A_170 : memref<640xf32, #tpu.memory_space<vmem_shared>>) dst(%arg7 : memref<640xf32, #tpu.memory_space<vmem>>)
      tpu.yield
    }) : () -> ()
    %scan3A_156 = arith.constant 0 : i32
    %scan3A_157 = arith.constant 0 : i32
    %scan3A_158 = arith.constant 40 : i32
    %scan3A_159 = arith.addi %scan3A_157, %scan3A_158 : i32
    %scan3A_160 = arith.constant 1 : i32
    scf.for %scan3A_164 = %scan3A_157 to %scan3A_159 step %scan3A_160  : i32 {
      %mul3A_165 = arith.constant 16 : i32
      %mul3A_166 = arith.muli %scan3A_164, %mul3A_165 : i32
      %get3A = arith.index_cast %mul3A_166 : i32 to index
      %get3A_167 = tpu.vector_load %arg6[%get3A] {strides = array<i32>} : memref<640xf32, #tpu.memory_space<vmem>>, vector<16xf32>,
      %get3A_168 = arith.index_cast %mul3A_166 : i32 to index
      %get3A_169 = tpu.vector_load %arg7[%get3A_168] {strides = array<i32>} : memref<640xf32, #tpu.memory_space<vmem>>, vector<16xf32>,
      %add3A_170 = arith.addf %get3A_167, %get3A_169 : vector<16xf32>
      %swap3A = arith.index_cast %mul3A_166 : i32 to index
      %swap3A_171 = tpu.vector_load %arg6[%swap3A] {strides = array<i32>} : memref<640xf32, #tpu.memory_space<vmem>>, vector<16xf32>,
      tpu.vector_store %arg6[%swap3A], %add3A_170 {strides = array<i32>} : memref<640xf32, #tpu.memory_space<vmem>>, vector<16xf32>,
    }
    %scan3A_161 = arith.constant 40 : i32
    %mul3A_162 = arith.constant 640 : i32
    %mul3A_163 = arith.muli %arg1, %mul3A_162 : i32
    "tpu.region"() ({
      %run_scoped3A_164 = tpu.sem_alloc : memref<!tpu.dma_semaphore, #tpu.memory_space<semaphore_mem>>
      %dma_start3A = tpu.memref_slice %arg3[%arg0, %mul3A_163] : memref<2x10240xf32, #tpu.memory_space<hbm>> -> memref<1x640xf32, #tpu.memory_space<hbm>>
      %dma_start3A_165 = tpu.memref_squeeze %dma_start3A : memref<1x640xf32, #tpu.memory_space<hbm>> -> memref<640xf32, #tpu.memory_space<hbm>>
      %dma_start3A_166 = tpu.memref_slice %arg3[%arg0, %mul3A_163] : memref<2x10240xf32, #tpu.memory_space<hbm>> -> memref<1x640xf32, #tpu.memory_space<hbm>>
      %dma_start3A_167 = tpu.memref_squeeze %dma_start3A_166 : memref<1x640xf32, #tpu.memory_space<hbm>> -> memref<640xf32, #tpu.memory_space<hbm>>
      tpu.enqueue_dma source(%arg6 : memref<640xf32, #tpu.memory_space<vmem>>) target(%dma_start3A_167 : memref<640xf32, #tpu.memory_space<hbm>>) target_semaphore(%run_scoped3A_164 : memref<!tpu.dma_semaphore, #tpu.memory_space<semaphore_mem>>)
      %dma_wait3A = tpu.memref_slice %arg3[%arg0, %mul3A_163] : memref<2x10240xf32, #tpu.memory_space<hbm>> -> memref<1x640xf32, #tpu.memory_space<hbm>>
      %dma_wait3A_168 = tpu.memref_squeeze %dma_wait3A : memref<1x640xf32, #tpu.memory_space<hbm>> -> memref<640xf32, #tpu.memory_space<hbm>>
      %dma_wait3A_169 = tpu.memref_slice %arg3[%arg0, %mul3A_163] : memref<2x10240xf32, #tpu.memory_space<hbm>> -> memref<1x640xf32, #tpu.memory_space<hbm>>
      %dma_wait3A_170 = tpu.memref_squeeze %dma_wait3A_169 : memref<1x640xf32, #tpu.memory_space<hbm>> -> memref<640xf32, #tpu.memory_space<hbm>>
      tpu.wait_dma2 semaphore(%run_scoped3A_164 : memref<!tpu.dma_semaphore, #tpu.memory_space<semaphore_mem>>) src(%arg6 : memref<640xf32, #tpu.memory_space<vmem>>) dst(%dma_wait3A_170 : memref<640xf32, #tpu.memory_space<hbm>>)
      tpu.yield
    }) : () -> ()
    return
  }
}

#map = affine_map<(d0, d1) -> (0, 0)>
#map1 = affine_map<(d0, d1) -> (0, 0, 0)>
module attributes {stable_mosaic.version = 14 : i64} {
  func.func @_edge_body(%arg0: i32, %arg1: i32, %arg2: memref<10000x128xf32, #tpu.memory_space<hbm>>, %arg3: memref<2560x128xf32, #tpu.memory_space<hbm>>, %arg4: memref<2560x128xi32, #tpu.memory_space<hbm>>, %arg5: memref<2560x128xi32, #tpu.memory_space<hbm>>, %arg6: memref<632x128xf32, #tpu.memory_space<hbm>>, %arg7: memref<2x10112x128xf32, #tpu.memory_space<hbm>>, %arg8: memref<128x128xi32, #tpu.memory_space<vmem>>, %arg9: memref<2x128xi32, #tpu.memory_space<vmem>>, %arg10: memref<2x128xf32, #tpu.memory_space<vmem>>, %arg11: memref<128x128xf32, #tpu.memory_space<vmem>>, %arg12: memref<128x128xf32, #tpu.memory_space<vmem>>, %arg13: memref<10112x128xf32, #tpu.memory_space<vmem_shared>>, %arg14: memref<!tpu.dma_semaphore, #tpu.memory_space<semaphore_mem>>, %arg15: memref<!tpu.dma_semaphore, #tpu.memory_space<semaphore_mem>>, %arg16: memref<!tpu.dma_semaphore, #tpu.memory_space<semaphore_mem>>, %arg17: memref<!tpu.dma_semaphore, #tpu.memory_space<semaphore_mem>>, %arg18: memref<!tpu.dma_semaphore, #tpu.memory_space<semaphore_mem>>, %arg19: memref<!tpu.dma_semaphore, #tpu.memory_space<semaphore_mem>>, %arg20: memref<!tpu.dma_semaphore, #tpu.memory_space<semaphore_mem>>, %arg21: memref<!tpu.dma_semaphore, #tpu.memory_space<semaphore_mem>>) attributes {dimension_semantics = [#tpu.dimension_semantics<core_parallel>, #tpu.dimension_semantics<subcore_parallel>], iteration_bounds = array<i64: 2, 16>, scalar_prefetch = 0 : i64, scratch_operands = 14 : i64, tpu.core_type = #tpu.core_type<sc_vector_subcore>, window_params = [{transform_indices = #map}, {transform_indices = #map}, {transform_indices = #map}, {transform_indices = #map}, {transform_indices = #map}, {transform_indices = #map1}]} {
    %eq3A = arith.constant 0 : i32
    %eq3A_0 = arith.cmpi eq, %arg0, %eq3A : i32
    %mul3A = arith.constant 128 : i32
    %mul3A_1 = arith.muli %arg1, %mul3A : i32
    %mul3A_2 = arith.constant 32 : i32
    %mul3A_3 = arith.muli %arg1, %mul3A_2 : i32
    %add3A = arith.constant 2048 : i32
    %add3A_4 = arith.addi %add3A, %mul3A_3 : i32
    %select_n3A = arith.select %eq3A_0, %mul3A_1, %add3A_4 : i32
    %eq3A_5 = arith.constant 0 : i32
    %eq3A_6 = arith.cmpi eq, %arg0, %eq3A_5 : i32
    %jit3A = arith.constant 128 : i32
    %jit3A_7 = arith.constant 32 : i32
    %select_n3A_8 = arith.select %eq3A_6, %jit3A, %jit3A_7 : i32
    %add3A_9 = arith.constant 0 : i32
    %add3A_10 = arith.addi %select_n3A, %add3A_9 : i32
    %dma_start3A = arith.constant 0 : i32
    %dma_start3A_11 = arith.constant 0 : i32
    %dma_start3A_12 = tpu.memref_slice %arg9[%dma_start3A, %dma_start3A_11] : memref<2x128xi32, #tpu.memory_space<vmem>> -> memref<1x128xi32, #tpu.memory_space<vmem>>
    %dma_start3A_13 = tpu.memref_squeeze %dma_start3A_12 : memref<1x128xi32, #tpu.memory_space<vmem>> -> memref<128xi32, #tpu.memory_space<vmem>>
    %dma_start3A_14 = arith.constant 0 : i32
    %dma_start3A_15 = tpu.memref_slice %arg4[%add3A_10, %dma_start3A_14] : memref<2560x128xi32, #tpu.memory_space<hbm>> -> memref<1x128xi32, #tpu.memory_space<hbm>>
    %dma_start3A_16 = tpu.memref_squeeze %dma_start3A_15 : memref<1x128xi32, #tpu.memory_space<hbm>> -> memref<128xi32, #tpu.memory_space<hbm>>
    %dma_start3A_17 = arith.constant 0 : i32
    %dma_start3A_18 = tpu.memref_slice %arg9[%dma_start3A, %dma_start3A_17] : memref<2x128xi32, #tpu.memory_space<vmem>> -> memref<1x128xi32, #tpu.memory_space<vmem>>
    %dma_start3A_19 = tpu.memref_squeeze %dma_start3A_18 : memref<1x128xi32, #tpu.memory_space<vmem>> -> memref<128xi32, #tpu.memory_space<vmem>>
    %dma_start3A_20 = arith.constant 0 : i32
    %dma_start3A_21 = tpu.memref_slice %arg4[%add3A_10, %dma_start3A_20] : memref<2560x128xi32, #tpu.memory_space<hbm>> -> memref<1x128xi32, #tpu.memory_space<hbm>>
    %dma_start3A_22 = tpu.memref_squeeze %dma_start3A_21 : memref<1x128xi32, #tpu.memory_space<hbm>> -> memref<128xi32, #tpu.memory_space<hbm>>
    tpu.enqueue_dma source(%dma_start3A_22 : memref<128xi32, #tpu.memory_space<hbm>>) target(%dma_start3A_19 : memref<128xi32, #tpu.memory_space<vmem>>) target_semaphore(%arg18 : memref<!tpu.dma_semaphore, #tpu.memory_space<semaphore_mem>>)
    %add3A_23 = arith.constant 0 : i32
    %add3A_24 = arith.addi %select_n3A, %add3A_23 : i32
    %dma_start3A_25 = arith.constant 0 : i32
    %dma_start3A_26 = arith.constant 0 : i32
    %dma_start3A_27 = tpu.memref_slice %arg10[%dma_start3A_25, %dma_start3A_26] : memref<2x128xf32, #tpu.memory_space<vmem>> -> memref<1x128xf32, #tpu.memory_space<vmem>>
    %dma_start3A_28 = tpu.memref_squeeze %dma_start3A_27 : memref<1x128xf32, #tpu.memory_space<vmem>> -> memref<128xf32, #tpu.memory_space<vmem>>
    %dma_start3A_29 = arith.constant 0 : i32
    %dma_start3A_30 = tpu.memref_slice %arg3[%add3A_24, %dma_start3A_29] : memref<2560x128xf32, #tpu.memory_space<hbm>> -> memref<1x128xf32, #tpu.memory_space<hbm>>
    %dma_start3A_31 = tpu.memref_squeeze %dma_start3A_30 : memref<1x128xf32, #tpu.memory_space<hbm>> -> memref<128xf32, #tpu.memory_space<hbm>>
    %dma_start3A_32 = arith.constant 0 : i32
    %dma_start3A_33 = tpu.memref_slice %arg10[%dma_start3A_25, %dma_start3A_32] : memref<2x128xf32, #tpu.memory_space<vmem>> -> memref<1x128xf32, #tpu.memory_space<vmem>>
    %dma_start3A_34 = tpu.memref_squeeze %dma_start3A_33 : memref<1x128xf32, #tpu.memory_space<vmem>> -> memref<128xf32, #tpu.memory_space<vmem>>
    %dma_start3A_35 = arith.constant 0 : i32
    %dma_start3A_36 = tpu.memref_slice %arg3[%add3A_24, %dma_start3A_35] : memref<2560x128xf32, #tpu.memory_space<hbm>> -> memref<1x128xf32, #tpu.memory_space<hbm>>
    %dma_start3A_37 = tpu.memref_squeeze %dma_start3A_36 : memref<1x128xf32, #tpu.memory_space<hbm>> -> memref<128xf32, #tpu.memory_space<hbm>>
    tpu.enqueue_dma source(%dma_start3A_37 : memref<128xf32, #tpu.memory_space<hbm>>) target(%dma_start3A_34 : memref<128xf32, #tpu.memory_space<vmem>>) target_semaphore(%arg20 : memref<!tpu.dma_semaphore, #tpu.memory_space<semaphore_mem>>)
    %add3A_38 = arith.constant 1 : i32
    %add3A_39 = arith.addi %select_n3A, %add3A_38 : i32
    %dma_start3A_40 = arith.constant 1 : i32
    %dma_start3A_41 = arith.constant 0 : i32
    %dma_start3A_42 = tpu.memref_slice %arg9[%dma_start3A_40, %dma_start3A_41] : memref<2x128xi32, #tpu.memory_space<vmem>> -> memref<1x128xi32, #tpu.memory_space<vmem>>
    %dma_start3A_43 = tpu.memref_squeeze %dma_start3A_42 : memref<1x128xi32, #tpu.memory_space<vmem>> -> memref<128xi32, #tpu.memory_space<vmem>>
    %dma_start3A_44 = arith.constant 0 : i32
    %dma_start3A_45 = tpu.memref_slice %arg4[%add3A_39, %dma_start3A_44] : memref<2560x128xi32, #tpu.memory_space<hbm>> -> memref<1x128xi32, #tpu.memory_space<hbm>>
    %dma_start3A_46 = tpu.memref_squeeze %dma_start3A_45 : memref<1x128xi32, #tpu.memory_space<hbm>> -> memref<128xi32, #tpu.memory_space<hbm>>
    %dma_start3A_47 = arith.constant 0 : i32
    %dma_start3A_48 = tpu.memref_slice %arg9[%dma_start3A_40, %dma_start3A_47] : memref<2x128xi32, #tpu.memory_space<vmem>> -> memref<1x128xi32, #tpu.memory_space<vmem>>
    %dma_start3A_49 = tpu.memref_squeeze %dma_start3A_48 : memref<1x128xi32, #tpu.memory_space<vmem>> -> memref<128xi32, #tpu.memory_space<vmem>>
    %dma_start3A_50 = arith.constant 0 : i32
    %dma_start3A_51 = tpu.memref_slice %arg4[%add3A_39, %dma_start3A_50] : memref<2560x128xi32, #tpu.memory_space<hbm>> -> memref<1x128xi32, #tpu.memory_space<hbm>>
    %dma_start3A_52 = tpu.memref_squeeze %dma_start3A_51 : memref<1x128xi32, #tpu.memory_space<hbm>> -> memref<128xi32, #tpu.memory_space<hbm>>
    tpu.enqueue_dma source(%dma_start3A_52 : memref<128xi32, #tpu.memory_space<hbm>>) target(%dma_start3A_49 : memref<128xi32, #tpu.memory_space<vmem>>) target_semaphore(%arg19 : memref<!tpu.dma_semaphore, #tpu.memory_space<semaphore_mem>>)
    %add3A_53 = arith.constant 1 : i32
    %add3A_54 = arith.addi %select_n3A, %add3A_53 : i32
    %dma_start3A_55 = arith.constant 1 : i32
    %dma_start3A_56 = arith.constant 0 : i32
    %dma_start3A_57 = tpu.memref_slice %arg10[%dma_start3A_55, %dma_start3A_56] : memref<2x128xf32, #tpu.memory_space<vmem>> -> memref<1x128xf32, #tpu.memory_space<vmem>>
    %dma_start3A_58 = tpu.memref_squeeze %dma_start3A_57 : memref<1x128xf32, #tpu.memory_space<vmem>> -> memref<128xf32, #tpu.memory_space<vmem>>
    %dma_start3A_59 = arith.constant 0 : i32
    %dma_start3A_60 = tpu.memref_slice %arg3[%add3A_54, %dma_start3A_59] : memref<2560x128xf32, #tpu.memory_space<hbm>> -> memref<1x128xf32, #tpu.memory_space<hbm>>
    %dma_start3A_61 = tpu.memref_squeeze %dma_start3A_60 : memref<1x128xf32, #tpu.memory_space<hbm>> -> memref<128xf32, #tpu.memory_space<hbm>>
    %dma_start3A_62 = arith.constant 0 : i32
    %dma_start3A_63 = tpu.memref_slice %arg10[%dma_start3A_55, %dma_start3A_62] : memref<2x128xf32, #tpu.memory_space<vmem>> -> memref<1x128xf32, #tpu.memory_space<vmem>>
    %dma_start3A_64 = tpu.memref_squeeze %dma_start3A_63 : memref<1x128xf32, #tpu.memory_space<vmem>> -> memref<128xf32, #tpu.memory_space<vmem>>
    %dma_start3A_65 = arith.constant 0 : i32
    %dma_start3A_66 = tpu.memref_slice %arg3[%add3A_54, %dma_start3A_65] : memref<2560x128xf32, #tpu.memory_space<hbm>> -> memref<1x128xf32, #tpu.memory_space<hbm>>
    %dma_start3A_67 = tpu.memref_squeeze %dma_start3A_66 : memref<1x128xf32, #tpu.memory_space<hbm>> -> memref<128xf32, #tpu.memory_space<hbm>>
    tpu.enqueue_dma source(%dma_start3A_67 : memref<128xf32, #tpu.memory_space<hbm>>) target(%dma_start3A_64 : memref<128xf32, #tpu.memory_space<vmem>>) target_semaphore(%arg21 : memref<!tpu.dma_semaphore, #tpu.memory_space<semaphore_mem>>)
    "tpu.region"() ({
      %run_scoped3A = tpu.sem_alloc : memref<!tpu.dma_semaphore, #tpu.memory_space<semaphore_mem>>
      %dma_start3A_189 = arith.constant 0 : i32
      %dma_start3A_190 = tpu.memref_slice %arg5[%select_n3A, %dma_start3A_189] : memref<2560x128xi32, #tpu.memory_space<hbm>> -> memref<128x128xi32, #tpu.memory_space<hbm>>
      %dma_start3A_191 = arith.constant 0 : i32
      %dma_start3A_192 = tpu.memref_slice %arg5[%select_n3A, %dma_start3A_191] : memref<2560x128xi32, #tpu.memory_space<hbm>> -> memref<128x128xi32, #tpu.memory_space<hbm>>
      tpu.enqueue_dma source(%dma_start3A_192 : memref<128x128xi32, #tpu.memory_space<hbm>>) target(%arg8 : memref<128x128xi32, #tpu.memory_space<vmem>>) target_semaphore(%run_scoped3A : memref<!tpu.dma_semaphore, #tpu.memory_space<semaphore_mem>>)
      %dma_wait3A_193 = arith.constant 0 : i32
      %dma_wait3A_194 = tpu.memref_slice %arg5[%select_n3A, %dma_wait3A_193] : memref<2560x128xi32, #tpu.memory_space<hbm>> -> memref<128x128xi32, #tpu.memory_space<hbm>>
      %dma_wait3A_195 = arith.constant 0 : i32
      %dma_wait3A_196 = tpu.memref_slice %arg5[%select_n3A, %dma_wait3A_195] : memref<2560x128xi32, #tpu.memory_space<hbm>> -> memref<128x128xi32, #tpu.memory_space<hbm>>
      tpu.wait_dma2 semaphore(%run_scoped3A : memref<!tpu.dma_semaphore, #tpu.memory_space<semaphore_mem>>) src(%dma_wait3A_196 : memref<128x128xi32, #tpu.memory_space<hbm>>) dst(%arg8 : memref<128x128xi32, #tpu.memory_space<vmem>>)
      tpu.yield
    }) : () -> ()
    %mul3A_68 = arith.constant 632 : i32
    %mul3A_69 = arith.muli %arg1, %mul3A_68 : i32
    "tpu.region"() ({
      %run_scoped3A = tpu.sem_alloc : memref<!tpu.dma_semaphore, #tpu.memory_space<semaphore_mem>>
      %dma_start3A_189 = arith.constant 0 : i32
      %dma_start3A_190 = tpu.memref_slice %arg13[%mul3A_69, %dma_start3A_189] : memref<10112x128xf32, #tpu.memory_space<vmem_shared>> -> memref<632x128xf32, #tpu.memory_space<vmem_shared>>
      tpu.enqueue_dma source(%arg6 : memref<632x128xf32, #tpu.memory_space<hbm>>) target(%dma_start3A_190 : memref<632x128xf32, #tpu.memory_space<vmem_shared>>) target_semaphore(%run_scoped3A : memref<!tpu.dma_semaphore, #tpu.memory_space<semaphore_mem>>)
      %dma_wait3A_191 = arith.constant 0 : i32
      %dma_wait3A_192 = tpu.memref_slice %arg13[%mul3A_69, %dma_wait3A_191] : memref<10112x128xf32, #tpu.memory_space<vmem_shared>> -> memref<632x128xf32, #tpu.memory_space<vmem_shared>>
      tpu.wait_dma2 semaphore(%run_scoped3A : memref<!tpu.dma_semaphore, #tpu.memory_space<semaphore_mem>>) src(%arg6 : memref<632x128xf32, #tpu.memory_space<hbm>>) dst(%dma_wait3A_192 : memref<632x128xf32, #tpu.memory_space<vmem_shared>>)
      tpu.yield
    }) : () -> ()
    %barrier3A = arith.constant 0 : index
    tpu.barrier barrier_id(%barrier3A)
    %add3A_70 = arith.constant 0 : i32
    %add3A_71 = arith.addi %select_n3A, %add3A_70 : i32
    %dma_wait3A = arith.constant 0 : i32
    %dma_wait3A_72 = arith.constant 0 : i32
    %dma_wait3A_73 = tpu.memref_slice %arg9[%dma_wait3A, %dma_wait3A_72] : memref<2x128xi32, #tpu.memory_space<vmem>> -> memref<1x128xi32, #tpu.memory_space<vmem>>
    %dma_wait3A_74 = tpu.memref_squeeze %dma_wait3A_73 : memref<1x128xi32, #tpu.memory_space<vmem>> -> memref<128xi32, #tpu.memory_space<vmem>>
    %dma_wait3A_75 = arith.constant 0 : i32
    %dma_wait3A_76 = tpu.memref_slice %arg4[%add3A_71, %dma_wait3A_75] : memref<2560x128xi32, #tpu.memory_space<hbm>> -> memref<1x128xi32, #tpu.memory_space<hbm>>
    %dma_wait3A_77 = tpu.memref_squeeze %dma_wait3A_76 : memref<1x128xi32, #tpu.memory_space<hbm>> -> memref<128xi32, #tpu.memory_space<hbm>>
    %dma_wait3A_78 = arith.constant 0 : i32
    %dma_wait3A_79 = tpu.memref_slice %arg9[%dma_wait3A, %dma_wait3A_78] : memref<2x128xi32, #tpu.memory_space<vmem>> -> memref<1x128xi32, #tpu.memory_space<vmem>>
    %dma_wait3A_80 = tpu.memref_squeeze %dma_wait3A_79 : memref<1x128xi32, #tpu.memory_space<vmem>> -> memref<128xi32, #tpu.memory_space<vmem>>
    %dma_wait3A_81 = arith.constant 0 : i32
    %dma_wait3A_82 = tpu.memref_slice %arg4[%add3A_71, %dma_wait3A_81] : memref<2560x128xi32, #tpu.memory_space<hbm>> -> memref<1x128xi32, #tpu.memory_space<hbm>>
    %dma_wait3A_83 = tpu.memref_squeeze %dma_wait3A_82 : memref<1x128xi32, #tpu.memory_space<hbm>> -> memref<128xi32, #tpu.memory_space<hbm>>
    tpu.wait_dma2 semaphore(%arg18 : memref<!tpu.dma_semaphore, #tpu.memory_space<semaphore_mem>>) src(%dma_wait3A_83 : memref<128xi32, #tpu.memory_space<hbm>>) dst(%dma_wait3A_80 : memref<128xi32, #tpu.memory_space<vmem>>)
    %add3A_84 = arith.constant 0 : i32
    %add3A_85 = arith.addi %select_n3A, %add3A_84 : i32
    %dma_wait3A_86 = arith.constant 0 : i32
    %dma_wait3A_87 = arith.constant 0 : i32
    %dma_wait3A_88 = tpu.memref_slice %arg10[%dma_wait3A_86, %dma_wait3A_87] : memref<2x128xf32, #tpu.memory_space<vmem>> -> memref<1x128xf32, #tpu.memory_space<vmem>>
    %dma_wait3A_89 = tpu.memref_squeeze %dma_wait3A_88 : memref<1x128xf32, #tpu.memory_space<vmem>> -> memref<128xf32, #tpu.memory_space<vmem>>
    %dma_wait3A_90 = arith.constant 0 : i32
    %dma_wait3A_91 = tpu.memref_slice %arg3[%add3A_85, %dma_wait3A_90] : memref<2560x128xf32, #tpu.memory_space<hbm>> -> memref<1x128xf32, #tpu.memory_space<hbm>>
    %dma_wait3A_92 = tpu.memref_squeeze %dma_wait3A_91 : memref<1x128xf32, #tpu.memory_space<hbm>> -> memref<128xf32, #tpu.memory_space<hbm>>
    %dma_wait3A_93 = arith.constant 0 : i32
    %dma_wait3A_94 = tpu.memref_slice %arg10[%dma_wait3A_86, %dma_wait3A_93] : memref<2x128xf32, #tpu.memory_space<vmem>> -> memref<1x128xf32, #tpu.memory_space<vmem>>
    %dma_wait3A_95 = tpu.memref_squeeze %dma_wait3A_94 : memref<1x128xf32, #tpu.memory_space<vmem>> -> memref<128xf32, #tpu.memory_space<vmem>>
    %dma_wait3A_96 = arith.constant 0 : i32
    %dma_wait3A_97 = tpu.memref_slice %arg3[%add3A_85, %dma_wait3A_96] : memref<2560x128xf32, #tpu.memory_space<hbm>> -> memref<1x128xf32, #tpu.memory_space<hbm>>
    %dma_wait3A_98 = tpu.memref_squeeze %dma_wait3A_97 : memref<1x128xf32, #tpu.memory_space<hbm>> -> memref<128xf32, #tpu.memory_space<hbm>>
    tpu.wait_dma2 semaphore(%arg20 : memref<!tpu.dma_semaphore, #tpu.memory_space<semaphore_mem>>) src(%dma_wait3A_98 : memref<128xf32, #tpu.memory_space<hbm>>) dst(%dma_wait3A_95 : memref<128xf32, #tpu.memory_space<vmem>>)
    %dma_start3A_99 = arith.constant 0 : i32
    %dma_start3A_100 = arith.constant 0 : i32
    %dma_start3A_101 = tpu.memref_slice %arg9[%dma_start3A_99, %dma_start3A_100] : memref<2x128xi32, #tpu.memory_space<vmem>> -> memref<1x128xi32, #tpu.memory_space<vmem>>
    %dma_start3A_102 = tpu.memref_squeeze %dma_start3A_101 : memref<1x128xi32, #tpu.memory_space<vmem>> -> memref<128xi32, #tpu.memory_space<vmem>>
    %dma_start3A_103 = arith.constant 0 : i32
    %dma_start3A_104 = arith.constant 0 : i32
    %dma_start3A_105 = tpu.memref_slice %arg2[%dma_start3A_103, %dma_start3A_104] : memref<10000x128xf32, #tpu.memory_space<hbm>> -> memref<10000x128xf32, #tpu.memory_space<hbm>>
    tpu.enqueue_indirect_dma source(%dma_start3A_105 : memref<10000x128xf32, #tpu.memory_space<hbm>>) target(%arg11 : memref<128x128xf32, #tpu.memory_space<vmem>>) offsets(%dma_start3A_102 : memref<128xi32, #tpu.memory_space<vmem>>) semaphore(%arg14 : memref<!tpu.dma_semaphore, #tpu.memory_space<semaphore_mem>>)
    %add3A_106 = arith.constant 1 : i32
    %add3A_107 = arith.addi %select_n3A, %add3A_106 : i32
    %dma_wait3A_108 = arith.constant 1 : i32
    %dma_wait3A_109 = arith.constant 0 : i32
    %dma_wait3A_110 = tpu.memref_slice %arg9[%dma_wait3A_108, %dma_wait3A_109] : memref<2x128xi32, #tpu.memory_space<vmem>> -> memref<1x128xi32, #tpu.memory_space<vmem>>
    %dma_wait3A_111 = tpu.memref_squeeze %dma_wait3A_110 : memref<1x128xi32, #tpu.memory_space<vmem>> -> memref<128xi32, #tpu.memory_space<vmem>>
    %dma_wait3A_112 = arith.constant 0 : i32
    %dma_wait3A_113 = tpu.memref_slice %arg4[%add3A_107, %dma_wait3A_112] : memref<2560x128xi32, #tpu.memory_space<hbm>> -> memref<1x128xi32, #tpu.memory_space<hbm>>
    %dma_wait3A_114 = tpu.memref_squeeze %dma_wait3A_113 : memref<1x128xi32, #tpu.memory_space<hbm>> -> memref<128xi32, #tpu.memory_space<hbm>>
    %dma_wait3A_115 = arith.constant 0 : i32
    %dma_wait3A_116 = tpu.memref_slice %arg9[%dma_wait3A_108, %dma_wait3A_115] : memref<2x128xi32, #tpu.memory_space<vmem>> -> memref<1x128xi32, #tpu.memory_space<vmem>>
    %dma_wait3A_117 = tpu.memref_squeeze %dma_wait3A_116 : memref<1x128xi32, #tpu.memory_space<vmem>> -> memref<128xi32, #tpu.memory_space<vmem>>
    %dma_wait3A_118 = arith.constant 0 : i32
    %dma_wait3A_119 = tpu.memref_slice %arg4[%add3A_107, %dma_wait3A_118] : memref<2560x128xi32, #tpu.memory_space<hbm>> -> memref<1x128xi32, #tpu.memory_space<hbm>>
    %dma_wait3A_120 = tpu.memref_squeeze %dma_wait3A_119 : memref<1x128xi32, #tpu.memory_space<hbm>> -> memref<128xi32, #tpu.memory_space<hbm>>
    tpu.wait_dma2 semaphore(%arg19 : memref<!tpu.dma_semaphore, #tpu.memory_space<semaphore_mem>>) src(%dma_wait3A_120 : memref<128xi32, #tpu.memory_space<hbm>>) dst(%dma_wait3A_117 : memref<128xi32, #tpu.memory_space<vmem>>)
    %add3A_121 = arith.constant 1 : i32
    %add3A_122 = arith.addi %select_n3A, %add3A_121 : i32
    %dma_wait3A_123 = arith.constant 1 : i32
    %dma_wait3A_124 = arith.constant 0 : i32
    %dma_wait3A_125 = tpu.memref_slice %arg10[%dma_wait3A_123, %dma_wait3A_124] : memref<2x128xf32, #tpu.memory_space<vmem>> -> memref<1x128xf32, #tpu.memory_space<vmem>>
    %dma_wait3A_126 = tpu.memref_squeeze %dma_wait3A_125 : memref<1x128xf32, #tpu.memory_space<vmem>> -> memref<128xf32, #tpu.memory_space<vmem>>
    %dma_wait3A_127 = arith.constant 0 : i32
    %dma_wait3A_128 = tpu.memref_slice %arg3[%add3A_122, %dma_wait3A_127] : memref<2560x128xf32, #tpu.memory_space<hbm>> -> memref<1x128xf32, #tpu.memory_space<hbm>>
    %dma_wait3A_129 = tpu.memref_squeeze %dma_wait3A_128 : memref<1x128xf32, #tpu.memory_space<hbm>> -> memref<128xf32, #tpu.memory_space<hbm>>
    %dma_wait3A_130 = arith.constant 0 : i32
    %dma_wait3A_131 = tpu.memref_slice %arg10[%dma_wait3A_123, %dma_wait3A_130] : memref<2x128xf32, #tpu.memory_space<vmem>> -> memref<1x128xf32, #tpu.memory_space<vmem>>
    %dma_wait3A_132 = tpu.memref_squeeze %dma_wait3A_131 : memref<1x128xf32, #tpu.memory_space<vmem>> -> memref<128xf32, #tpu.memory_space<vmem>>
    %dma_wait3A_133 = arith.constant 0 : i32
    %dma_wait3A_134 = tpu.memref_slice %arg3[%add3A_122, %dma_wait3A_133] : memref<2560x128xf32, #tpu.memory_space<hbm>> -> memref<1x128xf32, #tpu.memory_space<hbm>>
    %dma_wait3A_135 = tpu.memref_squeeze %dma_wait3A_134 : memref<1x128xf32, #tpu.memory_space<hbm>> -> memref<128xf32, #tpu.memory_space<hbm>>
    tpu.wait_dma2 semaphore(%arg21 : memref<!tpu.dma_semaphore, #tpu.memory_space<semaphore_mem>>) src(%dma_wait3A_135 : memref<128xf32, #tpu.memory_space<hbm>>) dst(%dma_wait3A_132 : memref<128xf32, #tpu.memory_space<vmem>>)
    %dma_start3A_136 = arith.constant 1 : i32
    %dma_start3A_137 = arith.constant 0 : i32
    %dma_start3A_138 = tpu.memref_slice %arg9[%dma_start3A_136, %dma_start3A_137] : memref<2x128xi32, #tpu.memory_space<vmem>> -> memref<1x128xi32, #tpu.memory_space<vmem>>
    %dma_start3A_139 = tpu.memref_squeeze %dma_start3A_138 : memref<1x128xi32, #tpu.memory_space<vmem>> -> memref<128xi32, #tpu.memory_space<vmem>>
    %dma_start3A_140 = arith.constant 0 : i32
    %dma_start3A_141 = arith.constant 0 : i32
    %dma_start3A_142 = tpu.memref_slice %arg2[%dma_start3A_140, %dma_start3A_141] : memref<10000x128xf32, #tpu.memory_space<hbm>> -> memref<10000x128xf32, #tpu.memory_space<hbm>>
    tpu.enqueue_indirect_dma source(%dma_start3A_142 : memref<10000x128xf32, #tpu.memory_space<hbm>>) target(%arg12 : memref<128x128xf32, #tpu.memory_space<vmem>>) offsets(%dma_start3A_139 : memref<128xi32, #tpu.memory_space<vmem>>) semaphore(%arg15 : memref<!tpu.dma_semaphore, #tpu.memory_space<semaphore_mem>>)
    %jit3A_143 = arith.constant 2 : i32
    %div3A = arith.divsi %select_n3A_8, %jit3A_143 : i32
    %sign3A = arith.constant 0 : i32
    %sign3A_144 = arith.cmpi sgt, %select_n3A_8, %sign3A : i32
    %sign3A_145 = arith.extui %sign3A_144 : i1 to i32
    %sign3A_146 = arith.constant 0 : i32
    %sign3A_147 = arith.cmpi slt, %select_n3A_8, %sign3A_146 : i32
    %sign3A_148 = arith.extui %sign3A_147 : i1 to i32
    %sign3A_149 = arith.subi %sign3A_145, %sign3A_148 : i32
    %sign3A_150 = arith.constant 0 : i32
    %sign3A_151 = arith.cmpi sgt, %jit3A_143, %sign3A_150 : i32
    %sign3A_152 = arith.extui %sign3A_151 : i1 to i32
    %sign3A_153 = arith.constant 0 : i32
    %sign3A_154 = arith.cmpi slt, %jit3A_143, %sign3A_153 : i32
    %sign3A_155 = arith.extui %sign3A_154 : i1 to i32
    %sign3A_156 = arith.subi %sign3A_152, %sign3A_155 : i32
    %ne3A = arith.cmpi ne, %sign3A_149, %sign3A_156 : i32
    %rem3A = arith.remsi %select_n3A_8, %jit3A_143 : i32
    %ne3A_157 = arith.constant 0 : i32
    %ne3A_158 = arith.cmpi ne, %rem3A, %ne3A_157 : i32
    %and3A = arith.andi %ne3A, %ne3A_158 : i1
    %sub3A = arith.constant 1 : i32
    %sub3A_159 = arith.subi %div3A, %sub3A : i32
    %select_n3A_160 = arith.select %and3A, %sub3A_159, %div3A : i32
    %while3A = arith.constant 0 : i32
    %while3A_161 = arith.constant 0 : i32
    %while3A_162 = arith.subi %select_n3A_160, %while3A_161 : i32
    %while3A_163 = arith.addi %while3A_161, %while3A_162 : i32
    %while3A_164 = arith.constant 1 : i32
    %while3A_165 = arith.divsi %while3A_162, %while3A_164 : i32
    %while3A_166 = arith.muli %while3A_165, %while3A_164 : i32
    %while3A_167 = arith.addi %while3A_161, %while3A_166 : i32
    %while3A_168 = arith.constant 1 : i32
    scf.for %while3A_189 = %while3A_161 to %while3A_167 step %while3A_168  : i32 {
      %mul3A_190 = arith.constant 2 : i32
      %mul3A_191 = arith.muli %mul3A_190, %while3A_189 : i32
      %add3A_192 = arith.constant 0 : i32
      %add3A_193 = arith.addi %mul3A_191, %add3A_192 : i32
      %dma_wait3A_194 = arith.constant 0 : i32
      %dma_wait3A_195 = arith.constant 0 : i32
      %dma_wait3A_196 = tpu.memref_slice %arg9[%dma_wait3A_194, %dma_wait3A_195] : memref<2x128xi32, #tpu.memory_space<vmem>> -> memref<1x128xi32, #tpu.memory_space<vmem>>
      %dma_wait3A_197 = tpu.memref_squeeze %dma_wait3A_196 : memref<1x128xi32, #tpu.memory_space<vmem>> -> memref<128xi32, #tpu.memory_space<vmem>>
      %dma_wait3A_198 = arith.constant 0 : i32
      %dma_wait3A_199 = arith.constant 0 : i32
      %dma_wait3A_200 = tpu.memref_slice %arg2[%dma_wait3A_198, %dma_wait3A_199] : memref<10000x128xf32, #tpu.memory_space<hbm>> -> memref<10000x128xf32, #tpu.memory_space<hbm>>
      tpu.wait_indirect_dma semaphore(%arg14 : memref<!tpu.dma_semaphore, #tpu.memory_space<semaphore_mem>>) src(%dma_wait3A_200 : memref<10000x128xf32, #tpu.memory_space<hbm>>) dst(%arg11 : memref<128x128xf32, #tpu.memory_space<vmem>>)
      %scan3A = arith.constant 0 : i32
      %scan3A_201 = arith.constant 0 : i32
      %scan3A_202 = arith.constant 128 : i32
      %scan3A_203 = arith.addi %scan3A_201, %scan3A_202 : i32
      %scan3A_204 = arith.constant 1 : i32
      scf.for %scan3A_416 = %scan3A_201 to %scan3A_203 step %scan3A_204  : i32 {
        %broadcast_in_dim3A = arith.constant 0 : i32
        %broadcast_in_dim3A_417 = vector.broadcast %broadcast_in_dim3A : i32 to vector<16xi32>
        %broadcast_in_dim3A_418 = vector.broadcast %scan3A_416 : i32 to vector<16xi32>
        %gather3A = tpu.vector_load_idx %arg10[%broadcast_in_dim3A_417, %broadcast_in_dim3A_418] : memref<2x128xf32, #tpu.memory_space<vmem>>[vector<16xi32>, vector<16xi32>], vector<16xf32>,
        %get3A = arith.index_cast %scan3A_416 : i32 to index
        %get3A_419 = arith.constant 0 : index
        %get3A_420 = tpu.vector_load %arg11[%get3A, %get3A_419] {strides = array<i32>} : memref<128x128xf32, #tpu.memory_space<vmem>>, vector<16xf32>,
        %mul3A_421 = arith.mulf %get3A_420, %gather3A : vector<16xf32>
        %swap3A = arith.index_cast %scan3A_416 : i32 to index
        %swap3A_422 = arith.constant 0 : index
        %swap3A_423 = tpu.vector_load %arg11[%swap3A, %swap3A_422] {strides = array<i32>} : memref<128x128xf32, #tpu.memory_space<vmem>>, vector<16xf32>,
        tpu.vector_store %arg11[%swap3A, %swap3A_422], %mul3A_421 {strides = array<i32>} : memref<128x128xf32, #tpu.memory_space<vmem>>, vector<16xf32>,
        %get3A_424 = arith.index_cast %scan3A_416 : i32 to index
        %get3A_425 = arith.constant 16 : index
        %get3A_426 = tpu.vector_load %arg11[%get3A_424, %get3A_425] {strides = array<i32>} : memref<128x128xf32, #tpu.memory_space<vmem>>, vector<16xf32>,
        %mul3A_427 = arith.mulf %get3A_426, %gather3A : vector<16xf32>
        %swap3A_428 = arith.index_cast %scan3A_416 : i32 to index
        %swap3A_429 = arith.constant 16 : index
        %swap3A_430 = tpu.vector_load %arg11[%swap3A_428, %swap3A_429] {strides = array<i32>} : memref<128x128xf32, #tpu.memory_space<vmem>>, vector<16xf32>,
        tpu.vector_store %arg11[%swap3A_428, %swap3A_429], %mul3A_427 {strides = array<i32>} : memref<128x128xf32, #tpu.memory_space<vmem>>, vector<16xf32>,
        %get3A_431 = arith.index_cast %scan3A_416 : i32 to index
        %get3A_432 = arith.constant 32 : index
        %get3A_433 = tpu.vector_load %arg11[%get3A_431, %get3A_432] {strides = array<i32>} : memref<128x128xf32, #tpu.memory_space<vmem>>, vector<16xf32>,
        %mul3A_434 = arith.mulf %get3A_433, %gather3A : vector<16xf32>
        %swap3A_435 = arith.index_cast %scan3A_416 : i32 to index
        %swap3A_436 = arith.constant 32 : index
        %swap3A_437 = tpu.vector_load %arg11[%swap3A_435, %swap3A_436] {strides = array<i32>} : memref<128x128xf32, #tpu.memory_space<vmem>>, vector<16xf32>,
        tpu.vector_store %arg11[%swap3A_435, %swap3A_436], %mul3A_434 {strides = array<i32>} : memref<128x128xf32, #tpu.memory_space<vmem>>, vector<16xf32>,
        %get3A_438 = arith.index_cast %scan3A_416 : i32 to index
        %get3A_439 = arith.constant 48 : index
        %get3A_440 = tpu.vector_load %arg11[%get3A_438, %get3A_439] {strides = array<i32>} : memref<128x128xf32, #tpu.memory_space<vmem>>, vector<16xf32>,
        %mul3A_441 = arith.mulf %get3A_440, %gather3A : vector<16xf32>
        %swap3A_442 = arith.index_cast %scan3A_416 : i32 to index
        %swap3A_443 = arith.constant 48 : index
        %swap3A_444 = tpu.vector_load %arg11[%swap3A_442, %swap3A_443] {strides = array<i32>} : memref<128x128xf32, #tpu.memory_space<vmem>>, vector<16xf32>,
        tpu.vector_store %arg11[%swap3A_442, %swap3A_443], %mul3A_441 {strides = array<i32>} : memref<128x128xf32, #tpu.memory_space<vmem>>, vector<16xf32>,
        %get3A_445 = arith.index_cast %scan3A_416 : i32 to index
        %get3A_446 = arith.constant 64 : index
        %get3A_447 = tpu.vector_load %arg11[%get3A_445, %get3A_446] {strides = array<i32>} : memref<128x128xf32, #tpu.memory_space<vmem>>, vector<16xf32>,
        %mul3A_448 = arith.mulf %get3A_447, %gather3A : vector<16xf32>
        %swap3A_449 = arith.index_cast %scan3A_416 : i32 to index
        %swap3A_450 = arith.constant 64 : index
        %swap3A_451 = tpu.vector_load %arg11[%swap3A_449, %swap3A_450] {strides = array<i32>} : memref<128x128xf32, #tpu.memory_space<vmem>>, vector<16xf32>,
        tpu.vector_store %arg11[%swap3A_449, %swap3A_450], %mul3A_448 {strides = array<i32>} : memref<128x128xf32, #tpu.memory_space<vmem>>, vector<16xf32>,
        %get3A_452 = arith.index_cast %scan3A_416 : i32 to index
        %get3A_453 = arith.constant 80 : index
        %get3A_454 = tpu.vector_load %arg11[%get3A_452, %get3A_453] {strides = array<i32>} : memref<128x128xf32, #tpu.memory_space<vmem>>, vector<16xf32>,
        %mul3A_455 = arith.mulf %get3A_454, %gather3A : vector<16xf32>
        %swap3A_456 = arith.index_cast %scan3A_416 : i32 to index
        %swap3A_457 = arith.constant 80 : index
        %swap3A_458 = tpu.vector_load %arg11[%swap3A_456, %swap3A_457] {strides = array<i32>} : memref<128x128xf32, #tpu.memory_space<vmem>>, vector<16xf32>,
        tpu.vector_store %arg11[%swap3A_456, %swap3A_457], %mul3A_455 {strides = array<i32>} : memref<128x128xf32, #tpu.memory_space<vmem>>, vector<16xf32>,
        %get3A_459 = arith.index_cast %scan3A_416 : i32 to index
        %get3A_460 = arith.constant 96 : index
        %get3A_461 = tpu.vector_load %arg11[%get3A_459, %get3A_460] {strides = array<i32>} : memref<128x128xf32, #tpu.memory_space<vmem>>, vector<16xf32>,
        %mul3A_462 = arith.mulf %get3A_461, %gather3A : vector<16xf32>
        %swap3A_463 = arith.index_cast %scan3A_416 : i32 to index
        %swap3A_464 = arith.constant 96 : index
        %swap3A_465 = tpu.vector_load %arg11[%swap3A_463, %swap3A_464] {strides = array<i32>} : memref<128x128xf32, #tpu.memory_space<vmem>>, vector<16xf32>,
        tpu.vector_store %arg11[%swap3A_463, %swap3A_464], %mul3A_462 {strides = array<i32>} : memref<128x128xf32, #tpu.memory_space<vmem>>, vector<16xf32>,
        %get3A_466 = arith.index_cast %scan3A_416 : i32 to index
        %get3A_467 = arith.constant 112 : index
        %get3A_468 = tpu.vector_load %arg11[%get3A_466, %get3A_467] {strides = array<i32>} : memref<128x128xf32, #tpu.memory_space<vmem>>, vector<16xf32>,
        %mul3A_469 = arith.mulf %get3A_468, %gather3A : vector<16xf32>
        %swap3A_470 = arith.index_cast %scan3A_416 : i32 to index
        %swap3A_471 = arith.constant 112 : index
        %swap3A_472 = tpu.vector_load %arg11[%swap3A_470, %swap3A_471] {strides = array<i32>} : memref<128x128xf32, #tpu.memory_space<vmem>>, vector<16xf32>,
        tpu.vector_store %arg11[%swap3A_470, %swap3A_471], %mul3A_469 {strides = array<i32>} : memref<128x128xf32, #tpu.memory_space<vmem>>, vector<16xf32>,
      }
      %scan3A_205 = arith.constant 128 : i32
      %dma_start3A_206 = arith.constant 0 : i32
      %dma_start3A_207 = tpu.memref_slice %arg8[%add3A_193, %dma_start3A_206] : memref<128x128xi32, #tpu.memory_space<vmem>> -> memref<1x128xi32, #tpu.memory_space<vmem>>
      %dma_start3A_208 = tpu.memref_squeeze %dma_start3A_207 : memref<1x128xi32, #tpu.memory_space<vmem>> -> memref<128xi32, #tpu.memory_space<vmem>>
      %dma_start3A_209 = arith.constant 0 : i32
      %dma_start3A_210 = arith.constant 0 : i32
      %dma_start3A_211 = tpu.memref_slice %arg13[%dma_start3A_209, %dma_start3A_210] : memref<10112x128xf32, #tpu.memory_space<vmem_shared>> -> memref<10112x128xf32, #tpu.memory_space<vmem_shared>>
      tpu.enqueue_indirect_dma source(%arg11 : memref<128x128xf32, #tpu.memory_space<vmem>>) target(%dma_start3A_211 : memref<10112x128xf32, #tpu.memory_space<vmem_shared>>) offsets(%dma_start3A_208 : memref<128xi32, #tpu.memory_space<vmem>>) semaphore(%arg16 : memref<!tpu.dma_semaphore, #tpu.memory_space<semaphore_mem>>) {add = true}
      %add3A_212 = arith.constant 2 : i32
      %add3A_213 = arith.addi %add3A_193, %add3A_212 : i32
      %ge3A = arith.cmpi sge, %add3A_213, %select_n3A_8 : i32
      %add3A_214 = arith.constant 2 : i32
      %add3A_215 = arith.addi %add3A_193, %add3A_214 : i32
      %sub3A_216 = arith.subi %add3A_215, %select_n3A_8 : i32
      %add3A_217 = arith.constant 2 : i32
      %add3A_218 = arith.addi %add3A_193, %add3A_217 : i32
      %select_n3A_219 = arith.select %ge3A, %sub3A_216, %add3A_218 : i32
      %add3A_220 = arith.addi %select_n3A, %select_n3A_219 : i32
      %dma_start3A_221 = arith.constant 0 : i32
      %dma_start3A_222 = arith.constant 0 : i32
      %dma_start3A_223 = tpu.memref_slice %arg9[%dma_start3A_221, %dma_start3A_222] : memref<2x128xi32, #tpu.memory_space<vmem>> -> memref<1x128xi32, #tpu.memory_space<vmem>>
      %dma_start3A_224 = tpu.memref_squeeze %dma_start3A_223 : memref<1x128xi32, #tpu.memory_space<vmem>> -> memref<128xi32, #tpu.memory_space<vmem>>
      %dma_start3A_225 = arith.constant 0 : i32
      %dma_start3A_226 = tpu.memref_slice %arg4[%add3A_220, %dma_start3A_225] : memref<2560x128xi32, #tpu.memory_space<hbm>> -> memref<1x128xi32, #tpu.memory_space<hbm>>
      %dma_start3A_227 = tpu.memref_squeeze %dma_start3A_226 : memref<1x128xi32, #tpu.memory_space<hbm>> -> memref<128xi32, #tpu.memory_space<hbm>>
      %dma_start3A_228 = arith.constant 0 : i32
      %dma_start3A_229 = tpu.memref_slice %arg9[%dma_start3A_221, %dma_start3A_228] : memref<2x128xi32, #tpu.memory_space<vmem>> -> memref<1x128xi32, #tpu.memory_space<vmem>>
      %dma_start3A_230 = tpu.memref_squeeze %dma_start3A_229 : memref<1x128xi32, #tpu.memory_space<vmem>> -> memref<128xi32, #tpu.memory_space<vmem>>
      %dma_start3A_231 = arith.constant 0 : i32
      %dma_start3A_232 = tpu.memref_slice %arg4[%add3A_220, %dma_start3A_231] : memref<2560x128xi32, #tpu.memory_space<hbm>> -> memref<1x128xi32, #tpu.memory_space<hbm>>
      %dma_start3A_233 = tpu.memref_squeeze %dma_start3A_232 : memref<1x128xi32, #tpu.memory_space<hbm>> -> memref<128xi32, #tpu.memory_space<hbm>>
      tpu.enqueue_dma source(%dma_start3A_233 : memref<128xi32, #tpu.memory_space<hbm>>) target(%dma_start3A_230 : memref<128xi32, #tpu.memory_space<vmem>>) target_semaphore(%arg18 : memref<!tpu.dma_semaphore, #tpu.memory_space<semaphore_mem>>)
      %add3A_234 = arith.addi %select_n3A, %select_n3A_219 : i32
      %dma_start3A_235 = arith.constant 0 : i32
      %dma_start3A_236 = arith.constant 0 : i32
      %dma_start3A_237 = tpu.memref_slice %arg10[%dma_start3A_235, %dma_start3A_236] : memref<2x128xf32, #tpu.memory_space<vmem>> -> memref<1x128xf32, #tpu.memory_space<vmem>>
      %dma_start3A_238 = tpu.memref_squeeze %dma_start3A_237 : memref<1x128xf32, #tpu.memory_space<vmem>> -> memref<128xf32, #tpu.memory_space<vmem>>
      %dma_start3A_239 = arith.constant 0 : i32
      %dma_start3A_240 = tpu.memref_slice %arg3[%add3A_234, %dma_start3A_239] : memref<2560x128xf32, #tpu.memory_space<hbm>> -> memref<1x128xf32, #tpu.memory_space<hbm>>
      %dma_start3A_241 = tpu.memref_squeeze %dma_start3A_240 : memref<1x128xf32, #tpu.memory_space<hbm>> -> memref<128xf32, #tpu.memory_space<hbm>>
      %dma_start3A_242 = arith.constant 0 : i32
      %dma_start3A_243 = tpu.memref_slice %arg10[%dma_start3A_235, %dma_start3A_242] : memref<2x128xf32, #tpu.memory_space<vmem>> -> memref<1x128xf32, #tpu.memory_space<vmem>>
      %dma_start3A_244 = tpu.memref_squeeze %dma_start3A_243 : memref<1x128xf32, #tpu.memory_space<vmem>> -> memref<128xf32, #tpu.memory_space<vmem>>
      %dma_start3A_245 = arith.constant 0 : i32
      %dma_start3A_246 = tpu.memref_slice %arg3[%add3A_234, %dma_start3A_245] : memref<2560x128xf32, #tpu.memory_space<hbm>> -> memref<1x128xf32, #tpu.memory_space<hbm>>
      %dma_start3A_247 = tpu.memref_squeeze %dma_start3A_246 : memref<1x128xf32, #tpu.memory_space<hbm>> -> memref<128xf32, #tpu.memory_space<hbm>>
      tpu.enqueue_dma source(%dma_start3A_247 : memref<128xf32, #tpu.memory_space<hbm>>) target(%dma_start3A_244 : memref<128xf32, #tpu.memory_space<vmem>>) target_semaphore(%arg20 : memref<!tpu.dma_semaphore, #tpu.memory_space<semaphore_mem>>)
      %mul3A_248 = arith.constant 2 : i32
      %mul3A_249 = arith.muli %mul3A_248, %while3A_189 : i32
      %add3A_250 = arith.constant 1 : i32
      %add3A_251 = arith.addi %mul3A_249, %add3A_250 : i32
      %dma_wait3A_252 = arith.constant 1 : i32
      %dma_wait3A_253 = arith.constant 0 : i32
      %dma_wait3A_254 = tpu.memref_slice %arg9[%dma_wait3A_252, %dma_wait3A_253] : memref<2x128xi32, #tpu.memory_space<vmem>> -> memref<1x128xi32, #tpu.memory_space<vmem>>
      %dma_wait3A_255 = tpu.memref_squeeze %dma_wait3A_254 : memref<1x128xi32, #tpu.memory_space<vmem>> -> memref<128xi32, #tpu.memory_space<vmem>>
      %dma_wait3A_256 = arith.constant 0 : i32
      %dma_wait3A_257 = arith.constant 0 : i32
      %dma_wait3A_258 = tpu.memref_slice %arg2[%dma_wait3A_256, %dma_wait3A_257] : memref<10000x128xf32, #tpu.memory_space<hbm>> -> memref<10000x128xf32, #tpu.memory_space<hbm>>
      tpu.wait_indirect_dma semaphore(%arg15 : memref<!tpu.dma_semaphore, #tpu.memory_space<semaphore_mem>>) src(%dma_wait3A_258 : memref<10000x128xf32, #tpu.memory_space<hbm>>) dst(%arg12 : memref<128x128xf32, #tpu.memory_space<vmem>>)
      %scan3A_259 = arith.constant 0 : i32
      %scan3A_260 = arith.constant 0 : i32
      %scan3A_261 = arith.constant 128 : i32
      %scan3A_262 = arith.addi %scan3A_260, %scan3A_261 : i32
      %scan3A_263 = arith.constant 1 : i32
      scf.for %scan3A_416 = %scan3A_260 to %scan3A_262 step %scan3A_263  : i32 {
        %broadcast_in_dim3A = arith.constant 1 : i32
        %broadcast_in_dim3A_417 = vector.broadcast %broadcast_in_dim3A : i32 to vector<16xi32>
        %broadcast_in_dim3A_418 = vector.broadcast %scan3A_416 : i32 to vector<16xi32>
        %gather3A = tpu.vector_load_idx %arg10[%broadcast_in_dim3A_417, %broadcast_in_dim3A_418] : memref<2x128xf32, #tpu.memory_space<vmem>>[vector<16xi32>, vector<16xi32>], vector<16xf32>,
        %get3A = arith.index_cast %scan3A_416 : i32 to index
        %get3A_419 = arith.constant 0 : index
        %get3A_420 = tpu.vector_load %arg12[%get3A, %get3A_419] {strides = array<i32>} : memref<128x128xf32, #tpu.memory_space<vmem>>, vector<16xf32>,
        %mul3A_421 = arith.mulf %get3A_420, %gather3A : vector<16xf32>
        %swap3A = arith.index_cast %scan3A_416 : i32 to index
        %swap3A_422 = arith.constant 0 : index
        %swap3A_423 = tpu.vector_load %arg12[%swap3A, %swap3A_422] {strides = array<i32>} : memref<128x128xf32, #tpu.memory_space<vmem>>, vector<16xf32>,
        tpu.vector_store %arg12[%swap3A, %swap3A_422], %mul3A_421 {strides = array<i32>} : memref<128x128xf32, #tpu.memory_space<vmem>>, vector<16xf32>,
        %get3A_424 = arith.index_cast %scan3A_416 : i32 to index
        %get3A_425 = arith.constant 16 : index
        %get3A_426 = tpu.vector_load %arg12[%get3A_424, %get3A_425] {strides = array<i32>} : memref<128x128xf32, #tpu.memory_space<vmem>>, vector<16xf32>,
        %mul3A_427 = arith.mulf %get3A_426, %gather3A : vector<16xf32>
        %swap3A_428 = arith.index_cast %scan3A_416 : i32 to index
        %swap3A_429 = arith.constant 16 : index
        %swap3A_430 = tpu.vector_load %arg12[%swap3A_428, %swap3A_429] {strides = array<i32>} : memref<128x128xf32, #tpu.memory_space<vmem>>, vector<16xf32>,
        tpu.vector_store %arg12[%swap3A_428, %swap3A_429], %mul3A_427 {strides = array<i32>} : memref<128x128xf32, #tpu.memory_space<vmem>>, vector<16xf32>,
        %get3A_431 = arith.index_cast %scan3A_416 : i32 to index
        %get3A_432 = arith.constant 32 : index
        %get3A_433 = tpu.vector_load %arg12[%get3A_431, %get3A_432] {strides = array<i32>} : memref<128x128xf32, #tpu.memory_space<vmem>>, vector<16xf32>,
        %mul3A_434 = arith.mulf %get3A_433, %gather3A : vector<16xf32>
        %swap3A_435 = arith.index_cast %scan3A_416 : i32 to index
        %swap3A_436 = arith.constant 32 : index
        %swap3A_437 = tpu.vector_load %arg12[%swap3A_435, %swap3A_436] {strides = array<i32>} : memref<128x128xf32, #tpu.memory_space<vmem>>, vector<16xf32>,
        tpu.vector_store %arg12[%swap3A_435, %swap3A_436], %mul3A_434 {strides = array<i32>} : memref<128x128xf32, #tpu.memory_space<vmem>>, vector<16xf32>,
        %get3A_438 = arith.index_cast %scan3A_416 : i32 to index
        %get3A_439 = arith.constant 48 : index
        %get3A_440 = tpu.vector_load %arg12[%get3A_438, %get3A_439] {strides = array<i32>} : memref<128x128xf32, #tpu.memory_space<vmem>>, vector<16xf32>,
        %mul3A_441 = arith.mulf %get3A_440, %gather3A : vector<16xf32>
        %swap3A_442 = arith.index_cast %scan3A_416 : i32 to index
        %swap3A_443 = arith.constant 48 : index
        %swap3A_444 = tpu.vector_load %arg12[%swap3A_442, %swap3A_443] {strides = array<i32>} : memref<128x128xf32, #tpu.memory_space<vmem>>, vector<16xf32>,
        tpu.vector_store %arg12[%swap3A_442, %swap3A_443], %mul3A_441 {strides = array<i32>} : memref<128x128xf32, #tpu.memory_space<vmem>>, vector<16xf32>,
        %get3A_445 = arith.index_cast %scan3A_416 : i32 to index
        %get3A_446 = arith.constant 64 : index
        %get3A_447 = tpu.vector_load %arg12[%get3A_445, %get3A_446] {strides = array<i32>} : memref<128x128xf32, #tpu.memory_space<vmem>>, vector<16xf32>,
        %mul3A_448 = arith.mulf %get3A_447, %gather3A : vector<16xf32>
        %swap3A_449 = arith.index_cast %scan3A_416 : i32 to index
        %swap3A_450 = arith.constant 64 : index
        %swap3A_451 = tpu.vector_load %arg12[%swap3A_449, %swap3A_450] {strides = array<i32>} : memref<128x128xf32, #tpu.memory_space<vmem>>, vector<16xf32>,
        tpu.vector_store %arg12[%swap3A_449, %swap3A_450], %mul3A_448 {strides = array<i32>} : memref<128x128xf32, #tpu.memory_space<vmem>>, vector<16xf32>,
        %get3A_452 = arith.index_cast %scan3A_416 : i32 to index
        %get3A_453 = arith.constant 80 : index
        %get3A_454 = tpu.vector_load %arg12[%get3A_452, %get3A_453] {strides = array<i32>} : memref<128x128xf32, #tpu.memory_space<vmem>>, vector<16xf32>,
        %mul3A_455 = arith.mulf %get3A_454, %gather3A : vector<16xf32>
        %swap3A_456 = arith.index_cast %scan3A_416 : i32 to index
        %swap3A_457 = arith.constant 80 : index
        %swap3A_458 = tpu.vector_load %arg12[%swap3A_456, %swap3A_457] {strides = array<i32>} : memref<128x128xf32, #tpu.memory_space<vmem>>, vector<16xf32>,
        tpu.vector_store %arg12[%swap3A_456, %swap3A_457], %mul3A_455 {strides = array<i32>} : memref<128x128xf32, #tpu.memory_space<vmem>>, vector<16xf32>,
        %get3A_459 = arith.index_cast %scan3A_416 : i32 to index
        %get3A_460 = arith.constant 96 : index
        %get3A_461 = tpu.vector_load %arg12[%get3A_459, %get3A_460] {strides = array<i32>} : memref<128x128xf32, #tpu.memory_space<vmem>>, vector<16xf32>,
        %mul3A_462 = arith.mulf %get3A_461, %gather3A : vector<16xf32>
        %swap3A_463 = arith.index_cast %scan3A_416 : i32 to index
        %swap3A_464 = arith.constant 96 : index
        %swap3A_465 = tpu.vector_load %arg12[%swap3A_463, %swap3A_464] {strides = array<i32>} : memref<128x128xf32, #tpu.memory_space<vmem>>, vector<16xf32>,
        tpu.vector_store %arg12[%swap3A_463, %swap3A_464], %mul3A_462 {strides = array<i32>} : memref<128x128xf32, #tpu.memory_space<vmem>>, vector<16xf32>,
        %get3A_466 = arith.index_cast %scan3A_416 : i32 to index
        %get3A_467 = arith.constant 112 : index
        %get3A_468 = tpu.vector_load %arg12[%get3A_466, %get3A_467] {strides = array<i32>} : memref<128x128xf32, #tpu.memory_space<vmem>>, vector<16xf32>,
        %mul3A_469 = arith.mulf %get3A_468, %gather3A : vector<16xf32>
        %swap3A_470 = arith.index_cast %scan3A_416 : i32 to index
        %swap3A_471 = arith.constant 112 : index
        %swap3A_472 = tpu.vector_load %arg12[%swap3A_470, %swap3A_471] {strides = array<i32>} : memref<128x128xf32, #tpu.memory_space<vmem>>, vector<16xf32>,
        tpu.vector_store %arg12[%swap3A_470, %swap3A_471], %mul3A_469 {strides = array<i32>} : memref<128x128xf32, #tpu.memory_space<vmem>>, vector<16xf32>,
      }
      %scan3A_264 = arith.constant 128 : i32
      %dma_start3A_265 = arith.constant 0 : i32
      %dma_start3A_266 = tpu.memref_slice %arg8[%add3A_251, %dma_start3A_265] : memref<128x128xi32, #tpu.memory_space<vmem>> -> memref<1x128xi32, #tpu.memory_space<vmem>>
      %dma_start3A_267 = tpu.memref_squeeze %dma_start3A_266 : memref<1x128xi32, #tpu.memory_space<vmem>> -> memref<128xi32, #tpu.memory_space<vmem>>
      %dma_start3A_268 = arith.constant 0 : i32
      %dma_start3A_269 = arith.constant 0 : i32
      %dma_start3A_270 = tpu.memref_slice %arg13[%dma_start3A_268, %dma_start3A_269] : memref<10112x128xf32, #tpu.memory_space<vmem_shared>> -> memref<10112x128xf32, #tpu.memory_space<vmem_shared>>
      tpu.enqueue_indirect_dma source(%arg12 : memref<128x128xf32, #tpu.memory_space<vmem>>) target(%dma_start3A_270 : memref<10112x128xf32, #tpu.memory_space<vmem_shared>>) offsets(%dma_start3A_267 : memref<128xi32, #tpu.memory_space<vmem>>) semaphore(%arg17 : memref<!tpu.dma_semaphore, #tpu.memory_space<semaphore_mem>>) {add = true}
      %add3A_271 = arith.constant 2 : i32
      %add3A_272 = arith.addi %add3A_251, %add3A_271 : i32
      %ge3A_273 = arith.cmpi sge, %add3A_272, %select_n3A_8 : i32
      %add3A_274 = arith.constant 2 : i32
      %add3A_275 = arith.addi %add3A_251, %add3A_274 : i32
      %sub3A_276 = arith.subi %add3A_275, %select_n3A_8 : i32
      %add3A_277 = arith.constant 2 : i32
      %add3A_278 = arith.addi %add3A_251, %add3A_277 : i32
      %select_n3A_279 = arith.select %ge3A_273, %sub3A_276, %add3A_278 : i32
      %add3A_280 = arith.addi %select_n3A, %select_n3A_279 : i32
      %dma_start3A_281 = arith.constant 1 : i32
      %dma_start3A_282 = arith.constant 0 : i32
      %dma_start3A_283 = tpu.memref_slice %arg9[%dma_start3A_281, %dma_start3A_282] : memref<2x128xi32, #tpu.memory_space<vmem>> -> memref<1x128xi32, #tpu.memory_space<vmem>>
      %dma_start3A_284 = tpu.memref_squeeze %dma_start3A_283 : memref<1x128xi32, #tpu.memory_space<vmem>> -> memref<128xi32, #tpu.memory_space<vmem>>
      %dma_start3A_285 = arith.constant 0 : i32
      %dma_start3A_286 = tpu.memref_slice %arg4[%add3A_280, %dma_start3A_285] : memref<2560x128xi32, #tpu.memory_space<hbm>> -> memref<1x128xi32, #tpu.memory_space<hbm>>
      %dma_start3A_287 = tpu.memref_squeeze %dma_start3A_286 : memref<1x128xi32, #tpu.memory_space<hbm>> -> memref<128xi32, #tpu.memory_space<hbm>>
      %dma_start3A_288 = arith.constant 0 : i32
      %dma_start3A_289 = tpu.memref_slice %arg9[%dma_start3A_281, %dma_start3A_288] : memref<2x128xi32, #tpu.memory_space<vmem>> -> memref<1x128xi32, #tpu.memory_space<vmem>>
      %dma_start3A_290 = tpu.memref_squeeze %dma_start3A_289 : memref<1x128xi32, #tpu.memory_space<vmem>> -> memref<128xi32, #tpu.memory_space<vmem>>
      %dma_start3A_291 = arith.constant 0 : i32
      %dma_start3A_292 = tpu.memref_slice %arg4[%add3A_280, %dma_start3A_291] : memref<2560x128xi32, #tpu.memory_space<hbm>> -> memref<1x128xi32, #tpu.memory_space<hbm>>
      %dma_start3A_293 = tpu.memref_squeeze %dma_start3A_292 : memref<1x128xi32, #tpu.memory_space<hbm>> -> memref<128xi32, #tpu.memory_space<hbm>>
      tpu.enqueue_dma source(%dma_start3A_293 : memref<128xi32, #tpu.memory_space<hbm>>) target(%dma_start3A_290 : memref<128xi32, #tpu.memory_space<vmem>>) target_semaphore(%arg19 : memref<!tpu.dma_semaphore, #tpu.memory_space<semaphore_mem>>)
      %add3A_294 = arith.addi %select_n3A, %select_n3A_279 : i32
      %dma_start3A_295 = arith.constant 1 : i32
      %dma_start3A_296 = arith.constant 0 : i32
      %dma_start3A_297 = tpu.memref_slice %arg10[%dma_start3A_295, %dma_start3A_296] : memref<2x128xf32, #tpu.memory_space<vmem>> -> memref<1x128xf32, #tpu.memory_space<vmem>>
      %dma_start3A_298 = tpu.memref_squeeze %dma_start3A_297 : memref<1x128xf32, #tpu.memory_space<vmem>> -> memref<128xf32, #tpu.memory_space<vmem>>
      %dma_start3A_299 = arith.constant 0 : i32
      %dma_start3A_300 = tpu.memref_slice %arg3[%add3A_294, %dma_start3A_299] : memref<2560x128xf32, #tpu.memory_space<hbm>> -> memref<1x128xf32, #tpu.memory_space<hbm>>
      %dma_start3A_301 = tpu.memref_squeeze %dma_start3A_300 : memref<1x128xf32, #tpu.memory_space<hbm>> -> memref<128xf32, #tpu.memory_space<hbm>>
      %dma_start3A_302 = arith.constant 0 : i32
      %dma_start3A_303 = tpu.memref_slice %arg10[%dma_start3A_295, %dma_start3A_302] : memref<2x128xf32, #tpu.memory_space<vmem>> -> memref<1x128xf32, #tpu.memory_space<vmem>>
      %dma_start3A_304 = tpu.memref_squeeze %dma_start3A_303 : memref<1x128xf32, #tpu.memory_space<vmem>> -> memref<128xf32, #tpu.memory_space<vmem>>
      %dma_start3A_305 = arith.constant 0 : i32
      %dma_start3A_306 = tpu.memref_slice %arg3[%add3A_294, %dma_start3A_305] : memref<2560x128xf32, #tpu.memory_space<hbm>> -> memref<1x128xf32, #tpu.memory_space<hbm>>
      %dma_start3A_307 = tpu.memref_squeeze %dma_start3A_306 : memref<1x128xf32, #tpu.memory_space<hbm>> -> memref<128xf32, #tpu.memory_space<hbm>>
      tpu.enqueue_dma source(%dma_start3A_307 : memref<128xf32, #tpu.memory_space<hbm>>) target(%dma_start3A_304 : memref<128xf32, #tpu.memory_space<vmem>>) target_semaphore(%arg21 : memref<!tpu.dma_semaphore, #tpu.memory_space<semaphore_mem>>)
      %mul3A_308 = arith.constant 2 : i32
      %mul3A_309 = arith.muli %mul3A_308, %while3A_189 : i32
      %add3A_310 = arith.constant 0 : i32
      %add3A_311 = arith.addi %mul3A_309, %add3A_310 : i32
      %add3A_312 = arith.constant 2 : i32
      %add3A_313 = arith.addi %add3A_311, %add3A_312 : i32
      %ge3A_314 = arith.cmpi sge, %add3A_313, %select_n3A_8 : i32
      %add3A_315 = arith.constant 2 : i32
      %add3A_316 = arith.addi %add3A_311, %add3A_315 : i32
      %sub3A_317 = arith.subi %add3A_316, %select_n3A_8 : i32
      %add3A_318 = arith.constant 2 : i32
      %add3A_319 = arith.addi %add3A_311, %add3A_318 : i32
      %select_n3A_320 = arith.select %ge3A_314, %sub3A_317, %add3A_319 : i32
      %dma_wait3A_321 = arith.constant 0 : i32
      %dma_wait3A_322 = tpu.memref_slice %arg8[%add3A_311, %dma_wait3A_321] : memref<128x128xi32, #tpu.memory_space<vmem>> -> memref<1x128xi32, #tpu.memory_space<vmem>>
      %dma_wait3A_323 = tpu.memref_squeeze %dma_wait3A_322 : memref<1x128xi32, #tpu.memory_space<vmem>> -> memref<128xi32, #tpu.memory_space<vmem>>
      %dma_wait3A_324 = arith.constant 0 : i32
      %dma_wait3A_325 = arith.constant 0 : i32
      %dma_wait3A_326 = tpu.memref_slice %arg13[%dma_wait3A_324, %dma_wait3A_325] : memref<10112x128xf32, #tpu.memory_space<vmem_shared>> -> memref<10112x128xf32, #tpu.memory_space<vmem_shared>>
      tpu.wait_indirect_dma semaphore(%arg16 : memref<!tpu.dma_semaphore, #tpu.memory_space<semaphore_mem>>) src(%arg11 : memref<128x128xf32, #tpu.memory_space<vmem>>) dst(%dma_wait3A_326 : memref<10112x128xf32, #tpu.memory_space<vmem_shared>>)
      %add3A_327 = arith.addi %select_n3A, %select_n3A_320 : i32
      %dma_wait3A_328 = arith.constant 0 : i32
      %dma_wait3A_329 = arith.constant 0 : i32
      %dma_wait3A_330 = tpu.memref_slice %arg9[%dma_wait3A_328, %dma_wait3A_329] : memref<2x128xi32, #tpu.memory_space<vmem>> -> memref<1x128xi32, #tpu.memory_space<vmem>>
      %dma_wait3A_331 = tpu.memref_squeeze %dma_wait3A_330 : memref<1x128xi32, #tpu.memory_space<vmem>> -> memref<128xi32, #tpu.memory_space<vmem>>
      %dma_wait3A_332 = arith.constant 0 : i32
      %dma_wait3A_333 = tpu.memref_slice %arg4[%add3A_327, %dma_wait3A_332] : memref<2560x128xi32, #tpu.memory_space<hbm>> -> memref<1x128xi32, #tpu.memory_space<hbm>>
      %dma_wait3A_334 = tpu.memref_squeeze %dma_wait3A_333 : memref<1x128xi32, #tpu.memory_space<hbm>> -> memref<128xi32, #tpu.memory_space<hbm>>
      %dma_wait3A_335 = arith.constant 0 : i32
      %dma_wait3A_336 = tpu.memref_slice %arg9[%dma_wait3A_328, %dma_wait3A_335] : memref<2x128xi32, #tpu.memory_space<vmem>> -> memref<1x128xi32, #tpu.memory_space<vmem>>
      %dma_wait3A_337 = tpu.memref_squeeze %dma_wait3A_336 : memref<1x128xi32, #tpu.memory_space<vmem>> -> memref<128xi32, #tpu.memory_space<vmem>>
      %dma_wait3A_338 = arith.constant 0 : i32
      %dma_wait3A_339 = tpu.memref_slice %arg4[%add3A_327, %dma_wait3A_338] : memref<2560x128xi32, #tpu.memory_space<hbm>> -> memref<1x128xi32, #tpu.memory_space<hbm>>
      %dma_wait3A_340 = tpu.memref_squeeze %dma_wait3A_339 : memref<1x128xi32, #tpu.memory_space<hbm>> -> memref<128xi32, #tpu.memory_space<hbm>>
      tpu.wait_dma2 semaphore(%arg18 : memref<!tpu.dma_semaphore, #tpu.memory_space<semaphore_mem>>) src(%dma_wait3A_340 : memref<128xi32, #tpu.memory_space<hbm>>) dst(%dma_wait3A_337 : memref<128xi32, #tpu.memory_space<vmem>>)
      %add3A_341 = arith.addi %select_n3A, %select_n3A_320 : i32
      %dma_wait3A_342 = arith.constant 0 : i32
      %dma_wait3A_343 = arith.constant 0 : i32
      %dma_wait3A_344 = tpu.memref_slice %arg10[%dma_wait3A_342, %dma_wait3A_343] : memref<2x128xf32, #tpu.memory_space<vmem>> -> memref<1x128xf32, #tpu.memory_space<vmem>>
      %dma_wait3A_345 = tpu.memref_squeeze %dma_wait3A_344 : memref<1x128xf32, #tpu.memory_space<vmem>> -> memref<128xf32, #tpu.memory_space<vmem>>
      %dma_wait3A_346 = arith.constant 0 : i32
      %dma_wait3A_347 = tpu.memref_slice %arg3[%add3A_341, %dma_wait3A_346] : memref<2560x128xf32, #tpu.memory_space<hbm>> -> memref<1x128xf32, #tpu.memory_space<hbm>>
      %dma_wait3A_348 = tpu.memref_squeeze %dma_wait3A_347 : memref<1x128xf32, #tpu.memory_space<hbm>> -> memref<128xf32, #tpu.memory_space<hbm>>
      %dma_wait3A_349 = arith.constant 0 : i32
      %dma_wait3A_350 = tpu.memref_slice %arg10[%dma_wait3A_342, %dma_wait3A_349] : memref<2x128xf32, #tpu.memory_space<vmem>> -> memref<1x128xf32, #tpu.memory_space<vmem>>
      %dma_wait3A_351 = tpu.memref_squeeze %dma_wait3A_350 : memref<1x128xf32, #tpu.memory_space<vmem>> -> memref<128xf32, #tpu.memory_space<vmem>>
      %dma_wait3A_352 = arith.constant 0 : i32
      %dma_wait3A_353 = tpu.memref_slice %arg3[%add3A_341, %dma_wait3A_352] : memref<2560x128xf32, #tpu.memory_space<hbm>> -> memref<1x128xf32, #tpu.memory_space<hbm>>
      %dma_wait3A_354 = tpu.memref_squeeze %dma_wait3A_353 : memref<1x128xf32, #tpu.memory_space<hbm>> -> memref<128xf32, #tpu.memory_space<hbm>>
      tpu.wait_dma2 semaphore(%arg20 : memref<!tpu.dma_semaphore, #tpu.memory_space<semaphore_mem>>) src(%dma_wait3A_354 : memref<128xf32, #tpu.memory_space<hbm>>) dst(%dma_wait3A_351 : memref<128xf32, #tpu.memory_space<vmem>>)
      %dma_start3A_355 = arith.constant 0 : i32
      %dma_start3A_356 = arith.constant 0 : i32
      %dma_start3A_357 = tpu.memref_slice %arg9[%dma_start3A_355, %dma_start3A_356] : memref<2x128xi32, #tpu.memory_space<vmem>> -> memref<1x128xi32, #tpu.memory_space<vmem>>
      %dma_start3A_358 = tpu.memref_squeeze %dma_start3A_357 : memref<1x128xi32, #tpu.memory_space<vmem>> -> memref<128xi32, #tpu.memory_space<vmem>>
      %dma_start3A_359 = arith.constant 0 : i32
      %dma_start3A_360 = arith.constant 0 : i32
      %dma_start3A_361 = tpu.memref_slice %arg2[%dma_start3A_359, %dma_start3A_360] : memref<10000x128xf32, #tpu.memory_space<hbm>> -> memref<10000x128xf32, #tpu.memory_space<hbm>>
      tpu.enqueue_indirect_dma source(%dma_start3A_361 : memref<10000x128xf32, #tpu.memory_space<hbm>>) target(%arg11 : memref<128x128xf32, #tpu.memory_space<vmem>>) offsets(%dma_start3A_358 : memref<128xi32, #tpu.memory_space<vmem>>) semaphore(%arg14 : memref<!tpu.dma_semaphore, #tpu.memory_space<semaphore_mem>>)
      %mul3A_362 = arith.constant 2 : i32
      %mul3A_363 = arith.muli %mul3A_362, %while3A_189 : i32
      %add3A_364 = arith.constant 1 : i32
      %add3A_365 = arith.addi %mul3A_363, %add3A_364 : i32
      %add3A_366 = arith.constant 2 : i32
      %add3A_367 = arith.addi %add3A_365, %add3A_366 : i32
      %ge3A_368 = arith.cmpi sge, %add3A_367, %select_n3A_8 : i32
      %add3A_369 = arith.constant 2 : i32
      %add3A_370 = arith.addi %add3A_365, %add3A_369 : i32
      %sub3A_371 = arith.subi %add3A_370, %select_n3A_8 : i32
      %add3A_372 = arith.constant 2 : i32
      %add3A_373 = arith.addi %add3A_365, %add3A_372 : i32
      %select_n3A_374 = arith.select %ge3A_368, %sub3A_371, %add3A_373 : i32
      %dma_wait3A_375 = arith.constant 0 : i32
      %dma_wait3A_376 = tpu.memref_slice %arg8[%add3A_365, %dma_wait3A_375] : memref<128x128xi32, #tpu.memory_space<vmem>> -> memref<1x128xi32, #tpu.memory_space<vmem>>
      %dma_wait3A_377 = tpu.memref_squeeze %dma_wait3A_376 : memref<1x128xi32, #tpu.memory_space<vmem>> -> memref<128xi32, #tpu.memory_space<vmem>>
      %dma_wait3A_378 = arith.constant 0 : i32
      %dma_wait3A_379 = arith.constant 0 : i32
      %dma_wait3A_380 = tpu.memref_slice %arg13[%dma_wait3A_378, %dma_wait3A_379] : memref<10112x128xf32, #tpu.memory_space<vmem_shared>> -> memref<10112x128xf32, #tpu.memory_space<vmem_shared>>
      tpu.wait_indirect_dma semaphore(%arg17 : memref<!tpu.dma_semaphore, #tpu.memory_space<semaphore_mem>>) src(%arg12 : memref<128x128xf32, #tpu.memory_space<vmem>>) dst(%dma_wait3A_380 : memref<10112x128xf32, #tpu.memory_space<vmem_shared>>)
      %add3A_381 = arith.addi %select_n3A, %select_n3A_374 : i32
      %dma_wait3A_382 = arith.constant 1 : i32
      %dma_wait3A_383 = arith.constant 0 : i32
      %dma_wait3A_384 = tpu.memref_slice %arg9[%dma_wait3A_382, %dma_wait3A_383] : memref<2x128xi32, #tpu.memory_space<vmem>> -> memref<1x128xi32, #tpu.memory_space<vmem>>
      %dma_wait3A_385 = tpu.memref_squeeze %dma_wait3A_384 : memref<1x128xi32, #tpu.memory_space<vmem>> -> memref<128xi32, #tpu.memory_space<vmem>>
      %dma_wait3A_386 = arith.constant 0 : i32
      %dma_wait3A_387 = tpu.memref_slice %arg4[%add3A_381, %dma_wait3A_386] : memref<2560x128xi32, #tpu.memory_space<hbm>> -> memref<1x128xi32, #tpu.memory_space<hbm>>
      %dma_wait3A_388 = tpu.memref_squeeze %dma_wait3A_387 : memref<1x128xi32, #tpu.memory_space<hbm>> -> memref<128xi32, #tpu.memory_space<hbm>>
      %dma_wait3A_389 = arith.constant 0 : i32
      %dma_wait3A_390 = tpu.memref_slice %arg9[%dma_wait3A_382, %dma_wait3A_389] : memref<2x128xi32, #tpu.memory_space<vmem>> -> memref<1x128xi32, #tpu.memory_space<vmem>>
      %dma_wait3A_391 = tpu.memref_squeeze %dma_wait3A_390 : memref<1x128xi32, #tpu.memory_space<vmem>> -> memref<128xi32, #tpu.memory_space<vmem>>
      %dma_wait3A_392 = arith.constant 0 : i32
      %dma_wait3A_393 = tpu.memref_slice %arg4[%add3A_381, %dma_wait3A_392] : memref<2560x128xi32, #tpu.memory_space<hbm>> -> memref<1x128xi32, #tpu.memory_space<hbm>>
      %dma_wait3A_394 = tpu.memref_squeeze %dma_wait3A_393 : memref<1x128xi32, #tpu.memory_space<hbm>> -> memref<128xi32, #tpu.memory_space<hbm>>
      tpu.wait_dma2 semaphore(%arg19 : memref<!tpu.dma_semaphore, #tpu.memory_space<semaphore_mem>>) src(%dma_wait3A_394 : memref<128xi32, #tpu.memory_space<hbm>>) dst(%dma_wait3A_391 : memref<128xi32, #tpu.memory_space<vmem>>)
      %add3A_395 = arith.addi %select_n3A, %select_n3A_374 : i32
      %dma_wait3A_396 = arith.constant 1 : i32
      %dma_wait3A_397 = arith.constant 0 : i32
      %dma_wait3A_398 = tpu.memref_slice %arg10[%dma_wait3A_396, %dma_wait3A_397] : memref<2x128xf32, #tpu.memory_space<vmem>> -> memref<1x128xf32, #tpu.memory_space<vmem>>
      %dma_wait3A_399 = tpu.memref_squeeze %dma_wait3A_398 : memref<1x128xf32, #tpu.memory_space<vmem>> -> memref<128xf32, #tpu.memory_space<vmem>>
      %dma_wait3A_400 = arith.constant 0 : i32
      %dma_wait3A_401 = tpu.memref_slice %arg3[%add3A_395, %dma_wait3A_400] : memref<2560x128xf32, #tpu.memory_space<hbm>> -> memref<1x128xf32, #tpu.memory_space<hbm>>
      %dma_wait3A_402 = tpu.memref_squeeze %dma_wait3A_401 : memref<1x128xf32, #tpu.memory_space<hbm>> -> memref<128xf32, #tpu.memory_space<hbm>>
      %dma_wait3A_403 = arith.constant 0 : i32
      %dma_wait3A_404 = tpu.memref_slice %arg10[%dma_wait3A_396, %dma_wait3A_403] : memref<2x128xf32, #tpu.memory_space<vmem>> -> memref<1x128xf32, #tpu.memory_space<vmem>>
      %dma_wait3A_405 = tpu.memref_squeeze %dma_wait3A_404 : memref<1x128xf32, #tpu.memory_space<vmem>> -> memref<128xf32, #tpu.memory_space<vmem>>
      %dma_wait3A_406 = arith.constant 0 : i32
      %dma_wait3A_407 = tpu.memref_slice %arg3[%add3A_395, %dma_wait3A_406] : memref<2560x128xf32, #tpu.memory_space<hbm>> -> memref<1x128xf32, #tpu.memory_space<hbm>>
      %dma_wait3A_408 = tpu.memref_squeeze %dma_wait3A_407 : memref<1x128xf32, #tpu.memory_space<hbm>> -> memref<128xf32, #tpu.memory_space<hbm>>
      tpu.wait_dma2 semaphore(%arg21 : memref<!tpu.dma_semaphore, #tpu.memory_space<semaphore_mem>>) src(%dma_wait3A_408 : memref<128xf32, #tpu.memory_space<hbm>>) dst(%dma_wait3A_405 : memref<128xf32, #tpu.memory_space<vmem>>)
      %dma_start3A_409 = arith.constant 1 : i32
      %dma_start3A_410 = arith.constant 0 : i32
      %dma_start3A_411 = tpu.memref_slice %arg9[%dma_start3A_409, %dma_start3A_410] : memref<2x128xi32, #tpu.memory_space<vmem>> -> memref<1x128xi32, #tpu.memory_space<vmem>>
      %dma_start3A_412 = tpu.memref_squeeze %dma_start3A_411 : memref<1x128xi32, #tpu.memory_space<vmem>> -> memref<128xi32, #tpu.memory_space<vmem>>
      %dma_start3A_413 = arith.constant 0 : i32
      %dma_start3A_414 = arith.constant 0 : i32
      %dma_start3A_415 = tpu.memref_slice %arg2[%dma_start3A_413, %dma_start3A_414] : memref<10000x128xf32, #tpu.memory_space<hbm>> -> memref<10000x128xf32, #tpu.memory_space<hbm>>
      tpu.enqueue_indirect_dma source(%dma_start3A_415 : memref<10000x128xf32, #tpu.memory_space<hbm>>) target(%arg12 : memref<128x128xf32, #tpu.memory_space<vmem>>) offsets(%dma_start3A_412 : memref<128xi32, #tpu.memory_space<vmem>>) semaphore(%arg15 : memref<!tpu.dma_semaphore, #tpu.memory_space<semaphore_mem>>)
    }
    %while3A_169 = arith.constant 1 : i32
    scf.for %while3A_189 = %while3A_167 to %while3A_163 step %while3A_169  : i32 {
      %mul3A_190 = arith.constant 2 : i32
      %mul3A_191 = arith.muli %mul3A_190, %while3A_189 : i32
      %add3A_192 = arith.constant 0 : i32
      %add3A_193 = arith.addi %mul3A_191, %add3A_192 : i32
      %dma_wait3A_194 = arith.constant 0 : i32
      %dma_wait3A_195 = arith.constant 0 : i32
      %dma_wait3A_196 = tpu.memref_slice %arg9[%dma_wait3A_194, %dma_wait3A_195] : memref<2x128xi32, #tpu.memory_space<vmem>> -> memref<1x128xi32, #tpu.memory_space<vmem>>
      %dma_wait3A_197 = tpu.memref_squeeze %dma_wait3A_196 : memref<1x128xi32, #tpu.memory_space<vmem>> -> memref<128xi32, #tpu.memory_space<vmem>>
      %dma_wait3A_198 = arith.constant 0 : i32
      %dma_wait3A_199 = arith.constant 0 : i32
      %dma_wait3A_200 = tpu.memref_slice %arg2[%dma_wait3A_198, %dma_wait3A_199] : memref<10000x128xf32, #tpu.memory_space<hbm>> -> memref<10000x128xf32, #tpu.memory_space<hbm>>
      tpu.wait_indirect_dma semaphore(%arg14 : memref<!tpu.dma_semaphore, #tpu.memory_space<semaphore_mem>>) src(%dma_wait3A_200 : memref<10000x128xf32, #tpu.memory_space<hbm>>) dst(%arg11 : memref<128x128xf32, #tpu.memory_space<vmem>>)
      %scan3A = arith.constant 0 : i32
      %scan3A_201 = arith.constant 0 : i32
      %scan3A_202 = arith.constant 128 : i32
      %scan3A_203 = arith.addi %scan3A_201, %scan3A_202 : i32
      %scan3A_204 = arith.constant 1 : i32
      scf.for %scan3A_416 = %scan3A_201 to %scan3A_203 step %scan3A_204  : i32 {
        %broadcast_in_dim3A = arith.constant 0 : i32
        %broadcast_in_dim3A_417 = vector.broadcast %broadcast_in_dim3A : i32 to vector<16xi32>
        %broadcast_in_dim3A_418 = vector.broadcast %scan3A_416 : i32 to vector<16xi32>
        %gather3A = tpu.vector_load_idx %arg10[%broadcast_in_dim3A_417, %broadcast_in_dim3A_418] : memref<2x128xf32, #tpu.memory_space<vmem>>[vector<16xi32>, vector<16xi32>], vector<16xf32>,
        %get3A = arith.index_cast %scan3A_416 : i32 to index
        %get3A_419 = arith.constant 0 : index
        %get3A_420 = tpu.vector_load %arg11[%get3A, %get3A_419] {strides = array<i32>} : memref<128x128xf32, #tpu.memory_space<vmem>>, vector<16xf32>,
        %mul3A_421 = arith.mulf %get3A_420, %gather3A : vector<16xf32>
        %swap3A = arith.index_cast %scan3A_416 : i32 to index
        %swap3A_422 = arith.constant 0 : index
        %swap3A_423 = tpu.vector_load %arg11[%swap3A, %swap3A_422] {strides = array<i32>} : memref<128x128xf32, #tpu.memory_space<vmem>>, vector<16xf32>,
        tpu.vector_store %arg11[%swap3A, %swap3A_422], %mul3A_421 {strides = array<i32>} : memref<128x128xf32, #tpu.memory_space<vmem>>, vector<16xf32>,
        %get3A_424 = arith.index_cast %scan3A_416 : i32 to index
        %get3A_425 = arith.constant 16 : index
        %get3A_426 = tpu.vector_load %arg11[%get3A_424, %get3A_425] {strides = array<i32>} : memref<128x128xf32, #tpu.memory_space<vmem>>, vector<16xf32>,
        %mul3A_427 = arith.mulf %get3A_426, %gather3A : vector<16xf32>
        %swap3A_428 = arith.index_cast %scan3A_416 : i32 to index
        %swap3A_429 = arith.constant 16 : index
        %swap3A_430 = tpu.vector_load %arg11[%swap3A_428, %swap3A_429] {strides = array<i32>} : memref<128x128xf32, #tpu.memory_space<vmem>>, vector<16xf32>,
        tpu.vector_store %arg11[%swap3A_428, %swap3A_429], %mul3A_427 {strides = array<i32>} : memref<128x128xf32, #tpu.memory_space<vmem>>, vector<16xf32>,
        %get3A_431 = arith.index_cast %scan3A_416 : i32 to index
        %get3A_432 = arith.constant 32 : index
        %get3A_433 = tpu.vector_load %arg11[%get3A_431, %get3A_432] {strides = array<i32>} : memref<128x128xf32, #tpu.memory_space<vmem>>, vector<16xf32>,
        %mul3A_434 = arith.mulf %get3A_433, %gather3A : vector<16xf32>
        %swap3A_435 = arith.index_cast %scan3A_416 : i32 to index
        %swap3A_436 = arith.constant 32 : index
        %swap3A_437 = tpu.vector_load %arg11[%swap3A_435, %swap3A_436] {strides = array<i32>} : memref<128x128xf32, #tpu.memory_space<vmem>>, vector<16xf32>,
        tpu.vector_store %arg11[%swap3A_435, %swap3A_436], %mul3A_434 {strides = array<i32>} : memref<128x128xf32, #tpu.memory_space<vmem>>, vector<16xf32>,
        %get3A_438 = arith.index_cast %scan3A_416 : i32 to index
        %get3A_439 = arith.constant 48 : index
        %get3A_440 = tpu.vector_load %arg11[%get3A_438, %get3A_439] {strides = array<i32>} : memref<128x128xf32, #tpu.memory_space<vmem>>, vector<16xf32>,
        %mul3A_441 = arith.mulf %get3A_440, %gather3A : vector<16xf32>
        %swap3A_442 = arith.index_cast %scan3A_416 : i32 to index
        %swap3A_443 = arith.constant 48 : index
        %swap3A_444 = tpu.vector_load %arg11[%swap3A_442, %swap3A_443] {strides = array<i32>} : memref<128x128xf32, #tpu.memory_space<vmem>>, vector<16xf32>,
        tpu.vector_store %arg11[%swap3A_442, %swap3A_443], %mul3A_441 {strides = array<i32>} : memref<128x128xf32, #tpu.memory_space<vmem>>, vector<16xf32>,
        %get3A_445 = arith.index_cast %scan3A_416 : i32 to index
        %get3A_446 = arith.constant 64 : index
        %get3A_447 = tpu.vector_load %arg11[%get3A_445, %get3A_446] {strides = array<i32>} : memref<128x128xf32, #tpu.memory_space<vmem>>, vector<16xf32>,
        %mul3A_448 = arith.mulf %get3A_447, %gather3A : vector<16xf32>
        %swap3A_449 = arith.index_cast %scan3A_416 : i32 to index
        %swap3A_450 = arith.constant 64 : index
        %swap3A_451 = tpu.vector_load %arg11[%swap3A_449, %swap3A_450] {strides = array<i32>} : memref<128x128xf32, #tpu.memory_space<vmem>>, vector<16xf32>,
        tpu.vector_store %arg11[%swap3A_449, %swap3A_450], %mul3A_448 {strides = array<i32>} : memref<128x128xf32, #tpu.memory_space<vmem>>, vector<16xf32>,
        %get3A_452 = arith.index_cast %scan3A_416 : i32 to index
        %get3A_453 = arith.constant 80 : index
        %get3A_454 = tpu.vector_load %arg11[%get3A_452, %get3A_453] {strides = array<i32>} : memref<128x128xf32, #tpu.memory_space<vmem>>, vector<16xf32>,
        %mul3A_455 = arith.mulf %get3A_454, %gather3A : vector<16xf32>
        %swap3A_456 = arith.index_cast %scan3A_416 : i32 to index
        %swap3A_457 = arith.constant 80 : index
        %swap3A_458 = tpu.vector_load %arg11[%swap3A_456, %swap3A_457] {strides = array<i32>} : memref<128x128xf32, #tpu.memory_space<vmem>>, vector<16xf32>,
        tpu.vector_store %arg11[%swap3A_456, %swap3A_457], %mul3A_455 {strides = array<i32>} : memref<128x128xf32, #tpu.memory_space<vmem>>, vector<16xf32>,
        %get3A_459 = arith.index_cast %scan3A_416 : i32 to index
        %get3A_460 = arith.constant 96 : index
        %get3A_461 = tpu.vector_load %arg11[%get3A_459, %get3A_460] {strides = array<i32>} : memref<128x128xf32, #tpu.memory_space<vmem>>, vector<16xf32>,
        %mul3A_462 = arith.mulf %get3A_461, %gather3A : vector<16xf32>
        %swap3A_463 = arith.index_cast %scan3A_416 : i32 to index
        %swap3A_464 = arith.constant 96 : index
        %swap3A_465 = tpu.vector_load %arg11[%swap3A_463, %swap3A_464] {strides = array<i32>} : memref<128x128xf32, #tpu.memory_space<vmem>>, vector<16xf32>,
        tpu.vector_store %arg11[%swap3A_463, %swap3A_464], %mul3A_462 {strides = array<i32>} : memref<128x128xf32, #tpu.memory_space<vmem>>, vector<16xf32>,
        %get3A_466 = arith.index_cast %scan3A_416 : i32 to index
        %get3A_467 = arith.constant 112 : index
        %get3A_468 = tpu.vector_load %arg11[%get3A_466, %get3A_467] {strides = array<i32>} : memref<128x128xf32, #tpu.memory_space<vmem>>, vector<16xf32>,
        %mul3A_469 = arith.mulf %get3A_468, %gather3A : vector<16xf32>
        %swap3A_470 = arith.index_cast %scan3A_416 : i32 to index
        %swap3A_471 = arith.constant 112 : index
        %swap3A_472 = tpu.vector_load %arg11[%swap3A_470, %swap3A_471] {strides = array<i32>} : memref<128x128xf32, #tpu.memory_space<vmem>>, vector<16xf32>,
        tpu.vector_store %arg11[%swap3A_470, %swap3A_471], %mul3A_469 {strides = array<i32>} : memref<128x128xf32, #tpu.memory_space<vmem>>, vector<16xf32>,
      }
      %scan3A_205 = arith.constant 128 : i32
      %dma_start3A_206 = arith.constant 0 : i32
      %dma_start3A_207 = tpu.memref_slice %arg8[%add3A_193, %dma_start3A_206] : memref<128x128xi32, #tpu.memory_space<vmem>> -> memref<1x128xi32, #tpu.memory_space<vmem>>
      %dma_start3A_208 = tpu.memref_squeeze %dma_start3A_207 : memref<1x128xi32, #tpu.memory_space<vmem>> -> memref<128xi32, #tpu.memory_space<vmem>>
      %dma_start3A_209 = arith.constant 0 : i32
      %dma_start3A_210 = arith.constant 0 : i32
      %dma_start3A_211 = tpu.memref_slice %arg13[%dma_start3A_209, %dma_start3A_210] : memref<10112x128xf32, #tpu.memory_space<vmem_shared>> -> memref<10112x128xf32, #tpu.memory_space<vmem_shared>>
      tpu.enqueue_indirect_dma source(%arg11 : memref<128x128xf32, #tpu.memory_space<vmem>>) target(%dma_start3A_211 : memref<10112x128xf32, #tpu.memory_space<vmem_shared>>) offsets(%dma_start3A_208 : memref<128xi32, #tpu.memory_space<vmem>>) semaphore(%arg16 : memref<!tpu.dma_semaphore, #tpu.memory_space<semaphore_mem>>) {add = true}
      %add3A_212 = arith.constant 2 : i32
      %add3A_213 = arith.addi %add3A_193, %add3A_212 : i32
      %ge3A = arith.cmpi sge, %add3A_213, %select_n3A_8 : i32
      %add3A_214 = arith.constant 2 : i32
      %add3A_215 = arith.addi %add3A_193, %add3A_214 : i32
      %sub3A_216 = arith.subi %add3A_215, %select_n3A_8 : i32
      %add3A_217 = arith.constant 2 : i32
      %add3A_218 = arith.addi %add3A_193, %add3A_217 : i32
      %select_n3A_219 = arith.select %ge3A, %sub3A_216, %add3A_218 : i32
      %add3A_220 = arith.addi %select_n3A, %select_n3A_219 : i32
      %dma_start3A_221 = arith.constant 0 : i32
      %dma_start3A_222 = arith.constant 0 : i32
      %dma_start3A_223 = tpu.memref_slice %arg9[%dma_start3A_221, %dma_start3A_222] : memref<2x128xi32, #tpu.memory_space<vmem>> -> memref<1x128xi32, #tpu.memory_space<vmem>>
      %dma_start3A_224 = tpu.memref_squeeze %dma_start3A_223 : memref<1x128xi32, #tpu.memory_space<vmem>> -> memref<128xi32, #tpu.memory_space<vmem>>
      %dma_start3A_225 = arith.constant 0 : i32
      %dma_start3A_226 = tpu.memref_slice %arg4[%add3A_220, %dma_start3A_225] : memref<2560x128xi32, #tpu.memory_space<hbm>> -> memref<1x128xi32, #tpu.memory_space<hbm>>
      %dma_start3A_227 = tpu.memref_squeeze %dma_start3A_226 : memref<1x128xi32, #tpu.memory_space<hbm>> -> memref<128xi32, #tpu.memory_space<hbm>>
      %dma_start3A_228 = arith.constant 0 : i32
      %dma_start3A_229 = tpu.memref_slice %arg9[%dma_start3A_221, %dma_start3A_228] : memref<2x128xi32, #tpu.memory_space<vmem>> -> memref<1x128xi32, #tpu.memory_space<vmem>>
      %dma_start3A_230 = tpu.memref_squeeze %dma_start3A_229 : memref<1x128xi32, #tpu.memory_space<vmem>> -> memref<128xi32, #tpu.memory_space<vmem>>
      %dma_start3A_231 = arith.constant 0 : i32
      %dma_start3A_232 = tpu.memref_slice %arg4[%add3A_220, %dma_start3A_231] : memref<2560x128xi32, #tpu.memory_space<hbm>> -> memref<1x128xi32, #tpu.memory_space<hbm>>
      %dma_start3A_233 = tpu.memref_squeeze %dma_start3A_232 : memref<1x128xi32, #tpu.memory_space<hbm>> -> memref<128xi32, #tpu.memory_space<hbm>>
      tpu.enqueue_dma source(%dma_start3A_233 : memref<128xi32, #tpu.memory_space<hbm>>) target(%dma_start3A_230 : memref<128xi32, #tpu.memory_space<vmem>>) target_semaphore(%arg18 : memref<!tpu.dma_semaphore, #tpu.memory_space<semaphore_mem>>)
      %add3A_234 = arith.addi %select_n3A, %select_n3A_219 : i32
      %dma_start3A_235 = arith.constant 0 : i32
      %dma_start3A_236 = arith.constant 0 : i32
      %dma_start3A_237 = tpu.memref_slice %arg10[%dma_start3A_235, %dma_start3A_236] : memref<2x128xf32, #tpu.memory_space<vmem>> -> memref<1x128xf32, #tpu.memory_space<vmem>>
      %dma_start3A_238 = tpu.memref_squeeze %dma_start3A_237 : memref<1x128xf32, #tpu.memory_space<vmem>> -> memref<128xf32, #tpu.memory_space<vmem>>
      %dma_start3A_239 = arith.constant 0 : i32
      %dma_start3A_240 = tpu.memref_slice %arg3[%add3A_234, %dma_start3A_239] : memref<2560x128xf32, #tpu.memory_space<hbm>> -> memref<1x128xf32, #tpu.memory_space<hbm>>
      %dma_start3A_241 = tpu.memref_squeeze %dma_start3A_240 : memref<1x128xf32, #tpu.memory_space<hbm>> -> memref<128xf32, #tpu.memory_space<hbm>>
      %dma_start3A_242 = arith.constant 0 : i32
      %dma_start3A_243 = tpu.memref_slice %arg10[%dma_start3A_235, %dma_start3A_242] : memref<2x128xf32, #tpu.memory_space<vmem>> -> memref<1x128xf32, #tpu.memory_space<vmem>>
      %dma_start3A_244 = tpu.memref_squeeze %dma_start3A_243 : memref<1x128xf32, #tpu.memory_space<vmem>> -> memref<128xf32, #tpu.memory_space<vmem>>
      %dma_start3A_245 = arith.constant 0 : i32
      %dma_start3A_246 = tpu.memref_slice %arg3[%add3A_234, %dma_start3A_245] : memref<2560x128xf32, #tpu.memory_space<hbm>> -> memref<1x128xf32, #tpu.memory_space<hbm>>
      %dma_start3A_247 = tpu.memref_squeeze %dma_start3A_246 : memref<1x128xf32, #tpu.memory_space<hbm>> -> memref<128xf32, #tpu.memory_space<hbm>>
      tpu.enqueue_dma source(%dma_start3A_247 : memref<128xf32, #tpu.memory_space<hbm>>) target(%dma_start3A_244 : memref<128xf32, #tpu.memory_space<vmem>>) target_semaphore(%arg20 : memref<!tpu.dma_semaphore, #tpu.memory_space<semaphore_mem>>)
      %mul3A_248 = arith.constant 2 : i32
      %mul3A_249 = arith.muli %mul3A_248, %while3A_189 : i32
      %add3A_250 = arith.constant 1 : i32
      %add3A_251 = arith.addi %mul3A_249, %add3A_250 : i32
      %dma_wait3A_252 = arith.constant 1 : i32
      %dma_wait3A_253 = arith.constant 0 : i32
      %dma_wait3A_254 = tpu.memref_slice %arg9[%dma_wait3A_252, %dma_wait3A_253] : memref<2x128xi32, #tpu.memory_space<vmem>> -> memref<1x128xi32, #tpu.memory_space<vmem>>
      %dma_wait3A_255 = tpu.memref_squeeze %dma_wait3A_254 : memref<1x128xi32, #tpu.memory_space<vmem>> -> memref<128xi32, #tpu.memory_space<vmem>>
      %dma_wait3A_256 = arith.constant 0 : i32
      %dma_wait3A_257 = arith.constant 0 : i32
      %dma_wait3A_258 = tpu.memref_slice %arg2[%dma_wait3A_256, %dma_wait3A_257] : memref<10000x128xf32, #tpu.memory_space<hbm>> -> memref<10000x128xf32, #tpu.memory_space<hbm>>
      tpu.wait_indirect_dma semaphore(%arg15 : memref<!tpu.dma_semaphore, #tpu.memory_space<semaphore_mem>>) src(%dma_wait3A_258 : memref<10000x128xf32, #tpu.memory_space<hbm>>) dst(%arg12 : memref<128x128xf32, #tpu.memory_space<vmem>>)
      %scan3A_259 = arith.constant 0 : i32
      %scan3A_260 = arith.constant 0 : i32
      %scan3A_261 = arith.constant 128 : i32
      %scan3A_262 = arith.addi %scan3A_260, %scan3A_261 : i32
      %scan3A_263 = arith.constant 1 : i32
      scf.for %scan3A_416 = %scan3A_260 to %scan3A_262 step %scan3A_263  : i32 {
        %broadcast_in_dim3A = arith.constant 1 : i32
        %broadcast_in_dim3A_417 = vector.broadcast %broadcast_in_dim3A : i32 to vector<16xi32>
        %broadcast_in_dim3A_418 = vector.broadcast %scan3A_416 : i32 to vector<16xi32>
        %gather3A = tpu.vector_load_idx %arg10[%broadcast_in_dim3A_417, %broadcast_in_dim3A_418] : memref<2x128xf32, #tpu.memory_space<vmem>>[vector<16xi32>, vector<16xi32>], vector<16xf32>,
        %get3A = arith.index_cast %scan3A_416 : i32 to index
        %get3A_419 = arith.constant 0 : index
        %get3A_420 = tpu.vector_load %arg12[%get3A, %get3A_419] {strides = array<i32>} : memref<128x128xf32, #tpu.memory_space<vmem>>, vector<16xf32>,
        %mul3A_421 = arith.mulf %get3A_420, %gather3A : vector<16xf32>
        %swap3A = arith.index_cast %scan3A_416 : i32 to index
        %swap3A_422 = arith.constant 0 : index
        %swap3A_423 = tpu.vector_load %arg12[%swap3A, %swap3A_422] {strides = array<i32>} : memref<128x128xf32, #tpu.memory_space<vmem>>, vector<16xf32>,
        tpu.vector_store %arg12[%swap3A, %swap3A_422], %mul3A_421 {strides = array<i32>} : memref<128x128xf32, #tpu.memory_space<vmem>>, vector<16xf32>,
        %get3A_424 = arith.index_cast %scan3A_416 : i32 to index
        %get3A_425 = arith.constant 16 : index
        %get3A_426 = tpu.vector_load %arg12[%get3A_424, %get3A_425] {strides = array<i32>} : memref<128x128xf32, #tpu.memory_space<vmem>>, vector<16xf32>,
        %mul3A_427 = arith.mulf %get3A_426, %gather3A : vector<16xf32>
        %swap3A_428 = arith.index_cast %scan3A_416 : i32 to index
        %swap3A_429 = arith.constant 16 : index
        %swap3A_430 = tpu.vector_load %arg12[%swap3A_428, %swap3A_429] {strides = array<i32>} : memref<128x128xf32, #tpu.memory_space<vmem>>, vector<16xf32>,
        tpu.vector_store %arg12[%swap3A_428, %swap3A_429], %mul3A_427 {strides = array<i32>} : memref<128x128xf32, #tpu.memory_space<vmem>>, vector<16xf32>,
        %get3A_431 = arith.index_cast %scan3A_416 : i32 to index
        %get3A_432 = arith.constant 32 : index
        %get3A_433 = tpu.vector_load %arg12[%get3A_431, %get3A_432] {strides = array<i32>} : memref<128x128xf32, #tpu.memory_space<vmem>>, vector<16xf32>,
        %mul3A_434 = arith.mulf %get3A_433, %gather3A : vector<16xf32>
        %swap3A_435 = arith.index_cast %scan3A_416 : i32 to index
        %swap3A_436 = arith.constant 32 : index
        %swap3A_437 = tpu.vector_load %arg12[%swap3A_435, %swap3A_436] {strides = array<i32>} : memref<128x128xf32, #tpu.memory_space<vmem>>, vector<16xf32>,
        tpu.vector_store %arg12[%swap3A_435, %swap3A_436], %mul3A_434 {strides = array<i32>} : memref<128x128xf32, #tpu.memory_space<vmem>>, vector<16xf32>,
        %get3A_438 = arith.index_cast %scan3A_416 : i32 to index
        %get3A_439 = arith.constant 48 : index
        %get3A_440 = tpu.vector_load %arg12[%get3A_438, %get3A_439] {strides = array<i32>} : memref<128x128xf32, #tpu.memory_space<vmem>>, vector<16xf32>,
        %mul3A_441 = arith.mulf %get3A_440, %gather3A : vector<16xf32>
        %swap3A_442 = arith.index_cast %scan3A_416 : i32 to index
        %swap3A_443 = arith.constant 48 : index
        %swap3A_444 = tpu.vector_load %arg12[%swap3A_442, %swap3A_443] {strides = array<i32>} : memref<128x128xf32, #tpu.memory_space<vmem>>, vector<16xf32>,
        tpu.vector_store %arg12[%swap3A_442, %swap3A_443], %mul3A_441 {strides = array<i32>} : memref<128x128xf32, #tpu.memory_space<vmem>>, vector<16xf32>,
        %get3A_445 = arith.index_cast %scan3A_416 : i32 to index
        %get3A_446 = arith.constant 64 : index
        %get3A_447 = tpu.vector_load %arg12[%get3A_445, %get3A_446] {strides = array<i32>} : memref<128x128xf32, #tpu.memory_space<vmem>>, vector<16xf32>,
        %mul3A_448 = arith.mulf %get3A_447, %gather3A : vector<16xf32>
        %swap3A_449 = arith.index_cast %scan3A_416 : i32 to index
        %swap3A_450 = arith.constant 64 : index
        %swap3A_451 = tpu.vector_load %arg12[%swap3A_449, %swap3A_450] {strides = array<i32>} : memref<128x128xf32, #tpu.memory_space<vmem>>, vector<16xf32>,
        tpu.vector_store %arg12[%swap3A_449, %swap3A_450], %mul3A_448 {strides = array<i32>} : memref<128x128xf32, #tpu.memory_space<vmem>>, vector<16xf32>,
        %get3A_452 = arith.index_cast %scan3A_416 : i32 to index
        %get3A_453 = arith.constant 80 : index
        %get3A_454 = tpu.vector_load %arg12[%get3A_452, %get3A_453] {strides = array<i32>} : memref<128x128xf32, #tpu.memory_space<vmem>>, vector<16xf32>,
        %mul3A_455 = arith.mulf %get3A_454, %gather3A : vector<16xf32>
        %swap3A_456 = arith.index_cast %scan3A_416 : i32 to index
        %swap3A_457 = arith.constant 80 : index
        %swap3A_458 = tpu.vector_load %arg12[%swap3A_456, %swap3A_457] {strides = array<i32>} : memref<128x128xf32, #tpu.memory_space<vmem>>, vector<16xf32>,
        tpu.vector_store %arg12[%swap3A_456, %swap3A_457], %mul3A_455 {strides = array<i32>} : memref<128x128xf32, #tpu.memory_space<vmem>>, vector<16xf32>,
        %get3A_459 = arith.index_cast %scan3A_416 : i32 to index
        %get3A_460 = arith.constant 96 : index
        %get3A_461 = tpu.vector_load %arg12[%get3A_459, %get3A_460] {strides = array<i32>} : memref<128x128xf32, #tpu.memory_space<vmem>>, vector<16xf32>,
        %mul3A_462 = arith.mulf %get3A_461, %gather3A : vector<16xf32>
        %swap3A_463 = arith.index_cast %scan3A_416 : i32 to index
        %swap3A_464 = arith.constant 96 : index
        %swap3A_465 = tpu.vector_load %arg12[%swap3A_463, %swap3A_464] {strides = array<i32>} : memref<128x128xf32, #tpu.memory_space<vmem>>, vector<16xf32>,
        tpu.vector_store %arg12[%swap3A_463, %swap3A_464], %mul3A_462 {strides = array<i32>} : memref<128x128xf32, #tpu.memory_space<vmem>>, vector<16xf32>,
        %get3A_466 = arith.index_cast %scan3A_416 : i32 to index
        %get3A_467 = arith.constant 112 : index
        %get3A_468 = tpu.vector_load %arg12[%get3A_466, %get3A_467] {strides = array<i32>} : memref<128x128xf32, #tpu.memory_space<vmem>>, vector<16xf32>,
        %mul3A_469 = arith.mulf %get3A_468, %gather3A : vector<16xf32>
        %swap3A_470 = arith.index_cast %scan3A_416 : i32 to index
        %swap3A_471 = arith.constant 112 : index
        %swap3A_472 = tpu.vector_load %arg12[%swap3A_470, %swap3A_471] {strides = array<i32>} : memref<128x128xf32, #tpu.memory_space<vmem>>, vector<16xf32>,
        tpu.vector_store %arg12[%swap3A_470, %swap3A_471], %mul3A_469 {strides = array<i32>} : memref<128x128xf32, #tpu.memory_space<vmem>>, vector<16xf32>,
      }
      %scan3A_264 = arith.constant 128 : i32
      %dma_start3A_265 = arith.constant 0 : i32
      %dma_start3A_266 = tpu.memref_slice %arg8[%add3A_251, %dma_start3A_265] : memref<128x128xi32, #tpu.memory_space<vmem>> -> memref<1x128xi32, #tpu.memory_space<vmem>>
      %dma_start3A_267 = tpu.memref_squeeze %dma_start3A_266 : memref<1x128xi32, #tpu.memory_space<vmem>> -> memref<128xi32, #tpu.memory_space<vmem>>
      %dma_start3A_268 = arith.constant 0 : i32
      %dma_start3A_269 = arith.constant 0 : i32
      %dma_start3A_270 = tpu.memref_slice %arg13[%dma_start3A_268, %dma_start3A_269] : memref<10112x128xf32, #tpu.memory_space<vmem_shared>> -> memref<10112x128xf32, #tpu.memory_space<vmem_shared>>
      tpu.enqueue_indirect_dma source(%arg12 : memref<128x128xf32, #tpu.memory_space<vmem>>) target(%dma_start3A_270 : memref<10112x128xf32, #tpu.memory_space<vmem_shared>>) offsets(%dma_start3A_267 : memref<128xi32, #tpu.memory_space<vmem>>) semaphore(%arg17 : memref<!tpu.dma_semaphore, #tpu.memory_space<semaphore_mem>>) {add = true}
      %add3A_271 = arith.constant 2 : i32
      %add3A_272 = arith.addi %add3A_251, %add3A_271 : i32
      %ge3A_273 = arith.cmpi sge, %add3A_272, %select_n3A_8 : i32
      %add3A_274 = arith.constant 2 : i32
      %add3A_275 = arith.addi %add3A_251, %add3A_274 : i32
      %sub3A_276 = arith.subi %add3A_275, %select_n3A_8 : i32
      %add3A_277 = arith.constant 2 : i32
      %add3A_278 = arith.addi %add3A_251, %add3A_277 : i32
      %select_n3A_279 = arith.select %ge3A_273, %sub3A_276, %add3A_278 : i32
      %add3A_280 = arith.addi %select_n3A, %select_n3A_279 : i32
      %dma_start3A_281 = arith.constant 1 : i32
      %dma_start3A_282 = arith.constant 0 : i32
      %dma_start3A_283 = tpu.memref_slice %arg9[%dma_start3A_281, %dma_start3A_282] : memref<2x128xi32, #tpu.memory_space<vmem>> -> memref<1x128xi32, #tpu.memory_space<vmem>>
      %dma_start3A_284 = tpu.memref_squeeze %dma_start3A_283 : memref<1x128xi32, #tpu.memory_space<vmem>> -> memref<128xi32, #tpu.memory_space<vmem>>
      %dma_start3A_285 = arith.constant 0 : i32
      %dma_start3A_286 = tpu.memref_slice %arg4[%add3A_280, %dma_start3A_285] : memref<2560x128xi32, #tpu.memory_space<hbm>> -> memref<1x128xi32, #tpu.memory_space<hbm>>
      %dma_start3A_287 = tpu.memref_squeeze %dma_start3A_286 : memref<1x128xi32, #tpu.memory_space<hbm>> -> memref<128xi32, #tpu.memory_space<hbm>>
      %dma_start3A_288 = arith.constant 0 : i32
      %dma_start3A_289 = tpu.memref_slice %arg9[%dma_start3A_281, %dma_start3A_288] : memref<2x128xi32, #tpu.memory_space<vmem>> -> memref<1x128xi32, #tpu.memory_space<vmem>>
      %dma_start3A_290 = tpu.memref_squeeze %dma_start3A_289 : memref<1x128xi32, #tpu.memory_space<vmem>> -> memref<128xi32, #tpu.memory_space<vmem>>
      %dma_start3A_291 = arith.constant 0 : i32
      %dma_start3A_292 = tpu.memref_slice %arg4[%add3A_280, %dma_start3A_291] : memref<2560x128xi32, #tpu.memory_space<hbm>> -> memref<1x128xi32, #tpu.memory_space<hbm>>
      %dma_start3A_293 = tpu.memref_squeeze %dma_start3A_292 : memref<1x128xi32, #tpu.memory_space<hbm>> -> memref<128xi32, #tpu.memory_space<hbm>>
      tpu.enqueue_dma source(%dma_start3A_293 : memref<128xi32, #tpu.memory_space<hbm>>) target(%dma_start3A_290 : memref<128xi32, #tpu.memory_space<vmem>>) target_semaphore(%arg19 : memref<!tpu.dma_semaphore, #tpu.memory_space<semaphore_mem>>)
      %add3A_294 = arith.addi %select_n3A, %select_n3A_279 : i32
      %dma_start3A_295 = arith.constant 1 : i32
      %dma_start3A_296 = arith.constant 0 : i32
      %dma_start3A_297 = tpu.memref_slice %arg10[%dma_start3A_295, %dma_start3A_296] : memref<2x128xf32, #tpu.memory_space<vmem>> -> memref<1x128xf32, #tpu.memory_space<vmem>>
      %dma_start3A_298 = tpu.memref_squeeze %dma_start3A_297 : memref<1x128xf32, #tpu.memory_space<vmem>> -> memref<128xf32, #tpu.memory_space<vmem>>
      %dma_start3A_299 = arith.constant 0 : i32
      %dma_start3A_300 = tpu.memref_slice %arg3[%add3A_294, %dma_start3A_299] : memref<2560x128xf32, #tpu.memory_space<hbm>> -> memref<1x128xf32, #tpu.memory_space<hbm>>
      %dma_start3A_301 = tpu.memref_squeeze %dma_start3A_300 : memref<1x128xf32, #tpu.memory_space<hbm>> -> memref<128xf32, #tpu.memory_space<hbm>>
      %dma_start3A_302 = arith.constant 0 : i32
      %dma_start3A_303 = tpu.memref_slice %arg10[%dma_start3A_295, %dma_start3A_302] : memref<2x128xf32, #tpu.memory_space<vmem>> -> memref<1x128xf32, #tpu.memory_space<vmem>>
      %dma_start3A_304 = tpu.memref_squeeze %dma_start3A_303 : memref<1x128xf32, #tpu.memory_space<vmem>> -> memref<128xf32, #tpu.memory_space<vmem>>
      %dma_start3A_305 = arith.constant 0 : i32
      %dma_start3A_306 = tpu.memref_slice %arg3[%add3A_294, %dma_start3A_305] : memref<2560x128xf32, #tpu.memory_space<hbm>> -> memref<1x128xf32, #tpu.memory_space<hbm>>
      %dma_start3A_307 = tpu.memref_squeeze %dma_start3A_306 : memref<1x128xf32, #tpu.memory_space<hbm>> -> memref<128xf32, #tpu.memory_space<hbm>>
      tpu.enqueue_dma source(%dma_start3A_307 : memref<128xf32, #tpu.memory_space<hbm>>) target(%dma_start3A_304 : memref<128xf32, #tpu.memory_space<vmem>>) target_semaphore(%arg21 : memref<!tpu.dma_semaphore, #tpu.memory_space<semaphore_mem>>)
      %mul3A_308 = arith.constant 2 : i32
      %mul3A_309 = arith.muli %mul3A_308, %while3A_189 : i32
      %add3A_310 = arith.constant 0 : i32
      %add3A_311 = arith.addi %mul3A_309, %add3A_310 : i32
      %add3A_312 = arith.constant 2 : i32
      %add3A_313 = arith.addi %add3A_311, %add3A_312 : i32
      %ge3A_314 = arith.cmpi sge, %add3A_313, %select_n3A_8 : i32
      %add3A_315 = arith.constant 2 : i32
      %add3A_316 = arith.addi %add3A_311, %add3A_315 : i32
      %sub3A_317 = arith.subi %add3A_316, %select_n3A_8 : i32
      %add3A_318 = arith.constant 2 : i32
      %add3A_319 = arith.addi %add3A_311, %add3A_318 : i32
      %select_n3A_320 = arith.select %ge3A_314, %sub3A_317, %add3A_319 : i32
      %dma_wait3A_321 = arith.constant 0 : i32
      %dma_wait3A_322 = tpu.memref_slice %arg8[%add3A_311, %dma_wait3A_321] : memref<128x128xi32, #tpu.memory_space<vmem>> -> memref<1x128xi32, #tpu.memory_space<vmem>>
      %dma_wait3A_323 = tpu.memref_squeeze %dma_wait3A_322 : memref<1x128xi32, #tpu.memory_space<vmem>> -> memref<128xi32, #tpu.memory_space<vmem>>
      %dma_wait3A_324 = arith.constant 0 : i32
      %dma_wait3A_325 = arith.constant 0 : i32
      %dma_wait3A_326 = tpu.memref_slice %arg13[%dma_wait3A_324, %dma_wait3A_325] : memref<10112x128xf32, #tpu.memory_space<vmem_shared>> -> memref<10112x128xf32, #tpu.memory_space<vmem_shared>>
      tpu.wait_indirect_dma semaphore(%arg16 : memref<!tpu.dma_semaphore, #tpu.memory_space<semaphore_mem>>) src(%arg11 : memref<128x128xf32, #tpu.memory_space<vmem>>) dst(%dma_wait3A_326 : memref<10112x128xf32, #tpu.memory_space<vmem_shared>>)
      %add3A_327 = arith.addi %select_n3A, %select_n3A_320 : i32
      %dma_wait3A_328 = arith.constant 0 : i32
      %dma_wait3A_329 = arith.constant 0 : i32
      %dma_wait3A_330 = tpu.memref_slice %arg9[%dma_wait3A_328, %dma_wait3A_329] : memref<2x128xi32, #tpu.memory_space<vmem>> -> memref<1x128xi32, #tpu.memory_space<vmem>>
      %dma_wait3A_331 = tpu.memref_squeeze %dma_wait3A_330 : memref<1x128xi32, #tpu.memory_space<vmem>> -> memref<128xi32, #tpu.memory_space<vmem>>
      %dma_wait3A_332 = arith.constant 0 : i32
      %dma_wait3A_333 = tpu.memref_slice %arg4[%add3A_327, %dma_wait3A_332] : memref<2560x128xi32, #tpu.memory_space<hbm>> -> memref<1x128xi32, #tpu.memory_space<hbm>>
      %dma_wait3A_334 = tpu.memref_squeeze %dma_wait3A_333 : memref<1x128xi32, #tpu.memory_space<hbm>> -> memref<128xi32, #tpu.memory_space<hbm>>
      %dma_wait3A_335 = arith.constant 0 : i32
      %dma_wait3A_336 = tpu.memref_slice %arg9[%dma_wait3A_328, %dma_wait3A_335] : memref<2x128xi32, #tpu.memory_space<vmem>> -> memref<1x128xi32, #tpu.memory_space<vmem>>
      %dma_wait3A_337 = tpu.memref_squeeze %dma_wait3A_336 : memref<1x128xi32, #tpu.memory_space<vmem>> -> memref<128xi32, #tpu.memory_space<vmem>>
      %dma_wait3A_338 = arith.constant 0 : i32
      %dma_wait3A_339 = tpu.memref_slice %arg4[%add3A_327, %dma_wait3A_338] : memref<2560x128xi32, #tpu.memory_space<hbm>> -> memref<1x128xi32, #tpu.memory_space<hbm>>
      %dma_wait3A_340 = tpu.memref_squeeze %dma_wait3A_339 : memref<1x128xi32, #tpu.memory_space<hbm>> -> memref<128xi32, #tpu.memory_space<hbm>>
      tpu.wait_dma2 semaphore(%arg18 : memref<!tpu.dma_semaphore, #tpu.memory_space<semaphore_mem>>) src(%dma_wait3A_340 : memref<128xi32, #tpu.memory_space<hbm>>) dst(%dma_wait3A_337 : memref<128xi32, #tpu.memory_space<vmem>>)
      %add3A_341 = arith.addi %select_n3A, %select_n3A_320 : i32
      %dma_wait3A_342 = arith.constant 0 : i32
      %dma_wait3A_343 = arith.constant 0 : i32
      %dma_wait3A_344 = tpu.memref_slice %arg10[%dma_wait3A_342, %dma_wait3A_343] : memref<2x128xf32, #tpu.memory_space<vmem>> -> memref<1x128xf32, #tpu.memory_space<vmem>>
      %dma_wait3A_345 = tpu.memref_squeeze %dma_wait3A_344 : memref<1x128xf32, #tpu.memory_space<vmem>> -> memref<128xf32, #tpu.memory_space<vmem>>
      %dma_wait3A_346 = arith.constant 0 : i32
      %dma_wait3A_347 = tpu.memref_slice %arg3[%add3A_341, %dma_wait3A_346] : memref<2560x128xf32, #tpu.memory_space<hbm>> -> memref<1x128xf32, #tpu.memory_space<hbm>>
      %dma_wait3A_348 = tpu.memref_squeeze %dma_wait3A_347 : memref<1x128xf32, #tpu.memory_space<hbm>> -> memref<128xf32, #tpu.memory_space<hbm>>
      %dma_wait3A_349 = arith.constant 0 : i32
      %dma_wait3A_350 = tpu.memref_slice %arg10[%dma_wait3A_342, %dma_wait3A_349] : memref<2x128xf32, #tpu.memory_space<vmem>> -> memref<1x128xf32, #tpu.memory_space<vmem>>
      %dma_wait3A_351 = tpu.memref_squeeze %dma_wait3A_350 : memref<1x128xf32, #tpu.memory_space<vmem>> -> memref<128xf32, #tpu.memory_space<vmem>>
      %dma_wait3A_352 = arith.constant 0 : i32
      %dma_wait3A_353 = tpu.memref_slice %arg3[%add3A_341, %dma_wait3A_352] : memref<2560x128xf32, #tpu.memory_space<hbm>> -> memref<1x128xf32, #tpu.memory_space<hbm>>
      %dma_wait3A_354 = tpu.memref_squeeze %dma_wait3A_353 : memref<1x128xf32, #tpu.memory_space<hbm>> -> memref<128xf32, #tpu.memory_space<hbm>>
      tpu.wait_dma2 semaphore(%arg20 : memref<!tpu.dma_semaphore, #tpu.memory_space<semaphore_mem>>) src(%dma_wait3A_354 : memref<128xf32, #tpu.memory_space<hbm>>) dst(%dma_wait3A_351 : memref<128xf32, #tpu.memory_space<vmem>>)
      %dma_start3A_355 = arith.constant 0 : i32
      %dma_start3A_356 = arith.constant 0 : i32
      %dma_start3A_357 = tpu.memref_slice %arg9[%dma_start3A_355, %dma_start3A_356] : memref<2x128xi32, #tpu.memory_space<vmem>> -> memref<1x128xi32, #tpu.memory_space<vmem>>
      %dma_start3A_358 = tpu.memref_squeeze %dma_start3A_357 : memref<1x128xi32, #tpu.memory_space<vmem>> -> memref<128xi32, #tpu.memory_space<vmem>>
      %dma_start3A_359 = arith.constant 0 : i32
      %dma_start3A_360 = arith.constant 0 : i32
      %dma_start3A_361 = tpu.memref_slice %arg2[%dma_start3A_359, %dma_start3A_360] : memref<10000x128xf32, #tpu.memory_space<hbm>> -> memref<10000x128xf32, #tpu.memory_space<hbm>>
      tpu.enqueue_indirect_dma source(%dma_start3A_361 : memref<10000x128xf32, #tpu.memory_space<hbm>>) target(%arg11 : memref<128x128xf32, #tpu.memory_space<vmem>>) offsets(%dma_start3A_358 : memref<128xi32, #tpu.memory_space<vmem>>) semaphore(%arg14 : memref<!tpu.dma_semaphore, #tpu.memory_space<semaphore_mem>>)
      %mul3A_362 = arith.constant 2 : i32
      %mul3A_363 = arith.muli %mul3A_362, %while3A_189 : i32
      %add3A_364 = arith.constant 1 : i32
      %add3A_365 = arith.addi %mul3A_363, %add3A_364 : i32
      %add3A_366 = arith.constant 2 : i32
      %add3A_367 = arith.addi %add3A_365, %add3A_366 : i32
      %ge3A_368 = arith.cmpi sge, %add3A_367, %select_n3A_8 : i32
      %add3A_369 = arith.constant 2 : i32
      %add3A_370 = arith.addi %add3A_365, %add3A_369 : i32
      %sub3A_371 = arith.subi %add3A_370, %select_n3A_8 : i32
      %add3A_372 = arith.constant 2 : i32
      %add3A_373 = arith.addi %add3A_365, %add3A_372 : i32
      %select_n3A_374 = arith.select %ge3A_368, %sub3A_371, %add3A_373 : i32
      %dma_wait3A_375 = arith.constant 0 : i32
      %dma_wait3A_376 = tpu.memref_slice %arg8[%add3A_365, %dma_wait3A_375] : memref<128x128xi32, #tpu.memory_space<vmem>> -> memref<1x128xi32, #tpu.memory_space<vmem>>
      %dma_wait3A_377 = tpu.memref_squeeze %dma_wait3A_376 : memref<1x128xi32, #tpu.memory_space<vmem>> -> memref<128xi32, #tpu.memory_space<vmem>>
      %dma_wait3A_378 = arith.constant 0 : i32
      %dma_wait3A_379 = arith.constant 0 : i32
      %dma_wait3A_380 = tpu.memref_slice %arg13[%dma_wait3A_378, %dma_wait3A_379] : memref<10112x128xf32, #tpu.memory_space<vmem_shared>> -> memref<10112x128xf32, #tpu.memory_space<vmem_shared>>
      tpu.wait_indirect_dma semaphore(%arg17 : memref<!tpu.dma_semaphore, #tpu.memory_space<semaphore_mem>>) src(%arg12 : memref<128x128xf32, #tpu.memory_space<vmem>>) dst(%dma_wait3A_380 : memref<10112x128xf32, #tpu.memory_space<vmem_shared>>)
      %add3A_381 = arith.addi %select_n3A, %select_n3A_374 : i32
      %dma_wait3A_382 = arith.constant 1 : i32
      %dma_wait3A_383 = arith.constant 0 : i32
      %dma_wait3A_384 = tpu.memref_slice %arg9[%dma_wait3A_382, %dma_wait3A_383] : memref<2x128xi32, #tpu.memory_space<vmem>> -> memref<1x128xi32, #tpu.memory_space<vmem>>
      %dma_wait3A_385 = tpu.memref_squeeze %dma_wait3A_384 : memref<1x128xi32, #tpu.memory_space<vmem>> -> memref<128xi32, #tpu.memory_space<vmem>>
      %dma_wait3A_386 = arith.constant 0 : i32
      %dma_wait3A_387 = tpu.memref_slice %arg4[%add3A_381, %dma_wait3A_386] : memref<2560x128xi32, #tpu.memory_space<hbm>> -> memref<1x128xi32, #tpu.memory_space<hbm>>
      %dma_wait3A_388 = tpu.memref_squeeze %dma_wait3A_387 : memref<1x128xi32, #tpu.memory_space<hbm>> -> memref<128xi32, #tpu.memory_space<hbm>>
      %dma_wait3A_389 = arith.constant 0 : i32
      %dma_wait3A_390 = tpu.memref_slice %arg9[%dma_wait3A_382, %dma_wait3A_389] : memref<2x128xi32, #tpu.memory_space<vmem>> -> memref<1x128xi32, #tpu.memory_space<vmem>>
      %dma_wait3A_391 = tpu.memref_squeeze %dma_wait3A_390 : memref<1x128xi32, #tpu.memory_space<vmem>> -> memref<128xi32, #tpu.memory_space<vmem>>
      %dma_wait3A_392 = arith.constant 0 : i32
      %dma_wait3A_393 = tpu.memref_slice %arg4[%add3A_381, %dma_wait3A_392] : memref<2560x128xi32, #tpu.memory_space<hbm>> -> memref<1x128xi32, #tpu.memory_space<hbm>>
      %dma_wait3A_394 = tpu.memref_squeeze %dma_wait3A_393 : memref<1x128xi32, #tpu.memory_space<hbm>> -> memref<128xi32, #tpu.memory_space<hbm>>
      tpu.wait_dma2 semaphore(%arg19 : memref<!tpu.dma_semaphore, #tpu.memory_space<semaphore_mem>>) src(%dma_wait3A_394 : memref<128xi32, #tpu.memory_space<hbm>>) dst(%dma_wait3A_391 : memref<128xi32, #tpu.memory_space<vmem>>)
      %add3A_395 = arith.addi %select_n3A, %select_n3A_374 : i32
      %dma_wait3A_396 = arith.constant 1 : i32
      %dma_wait3A_397 = arith.constant 0 : i32
      %dma_wait3A_398 = tpu.memref_slice %arg10[%dma_wait3A_396, %dma_wait3A_397] : memref<2x128xf32, #tpu.memory_space<vmem>> -> memref<1x128xf32, #tpu.memory_space<vmem>>
      %dma_wait3A_399 = tpu.memref_squeeze %dma_wait3A_398 : memref<1x128xf32, #tpu.memory_space<vmem>> -> memref<128xf32, #tpu.memory_space<vmem>>
      %dma_wait3A_400 = arith.constant 0 : i32
      %dma_wait3A_401 = tpu.memref_slice %arg3[%add3A_395, %dma_wait3A_400] : memref<2560x128xf32, #tpu.memory_space<hbm>> -> memref<1x128xf32, #tpu.memory_space<hbm>>
      %dma_wait3A_402 = tpu.memref_squeeze %dma_wait3A_401 : memref<1x128xf32, #tpu.memory_space<hbm>> -> memref<128xf32, #tpu.memory_space<hbm>>
      %dma_wait3A_403 = arith.constant 0 : i32
      %dma_wait3A_404 = tpu.memref_slice %arg10[%dma_wait3A_396, %dma_wait3A_403] : memref<2x128xf32, #tpu.memory_space<vmem>> -> memref<1x128xf32, #tpu.memory_space<vmem>>
      %dma_wait3A_405 = tpu.memref_squeeze %dma_wait3A_404 : memref<1x128xf32, #tpu.memory_space<vmem>> -> memref<128xf32, #tpu.memory_space<vmem>>
      %dma_wait3A_406 = arith.constant 0 : i32
      %dma_wait3A_407 = tpu.memref_slice %arg3[%add3A_395, %dma_wait3A_406] : memref<2560x128xf32, #tpu.memory_space<hbm>> -> memref<1x128xf32, #tpu.memory_space<hbm>>
      %dma_wait3A_408 = tpu.memref_squeeze %dma_wait3A_407 : memref<1x128xf32, #tpu.memory_space<hbm>> -> memref<128xf32, #tpu.memory_space<hbm>>
      tpu.wait_dma2 semaphore(%arg21 : memref<!tpu.dma_semaphore, #tpu.memory_space<semaphore_mem>>) src(%dma_wait3A_408 : memref<128xf32, #tpu.memory_space<hbm>>) dst(%dma_wait3A_405 : memref<128xf32, #tpu.memory_space<vmem>>)
      %dma_start3A_409 = arith.constant 1 : i32
      %dma_start3A_410 = arith.constant 0 : i32
      %dma_start3A_411 = tpu.memref_slice %arg9[%dma_start3A_409, %dma_start3A_410] : memref<2x128xi32, #tpu.memory_space<vmem>> -> memref<1x128xi32, #tpu.memory_space<vmem>>
      %dma_start3A_412 = tpu.memref_squeeze %dma_start3A_411 : memref<1x128xi32, #tpu.memory_space<vmem>> -> memref<128xi32, #tpu.memory_space<vmem>>
      %dma_start3A_413 = arith.constant 0 : i32
      %dma_start3A_414 = arith.constant 0 : i32
      %dma_start3A_415 = tpu.memref_slice %arg2[%dma_start3A_413, %dma_start3A_414] : memref<10000x128xf32, #tpu.memory_space<hbm>> -> memref<10000x128xf32, #tpu.memory_space<hbm>>
      tpu.enqueue_indirect_dma source(%dma_start3A_415 : memref<10000x128xf32, #tpu.memory_space<hbm>>) target(%arg12 : memref<128x128xf32, #tpu.memory_space<vmem>>) offsets(%dma_start3A_412 : memref<128xi32, #tpu.memory_space<vmem>>) semaphore(%arg15 : memref<!tpu.dma_semaphore, #tpu.memory_space<semaphore_mem>>)
    }
    %dma_wait3A_170 = arith.constant 0 : i32
    %dma_wait3A_171 = arith.constant 0 : i32
    %dma_wait3A_172 = tpu.memref_slice %arg9[%dma_wait3A_170, %dma_wait3A_171] : memref<2x128xi32, #tpu.memory_space<vmem>> -> memref<1x128xi32, #tpu.memory_space<vmem>>
    %dma_wait3A_173 = tpu.memref_squeeze %dma_wait3A_172 : memref<1x128xi32, #tpu.memory_space<vmem>> -> memref<128xi32, #tpu.memory_space<vmem>>
    %dma_wait3A_174 = arith.constant 0 : i32
    %dma_wait3A_175 = arith.constant 0 : i32
    %dma_wait3A_176 = tpu.memref_slice %arg2[%dma_wait3A_174, %dma_wait3A_175] : memref<10000x128xf32, #tpu.memory_space<hbm>> -> memref<10000x128xf32, #tpu.memory_space<hbm>>
    tpu.wait_indirect_dma semaphore(%arg14 : memref<!tpu.dma_semaphore, #tpu.memory_space<semaphore_mem>>) src(%dma_wait3A_176 : memref<10000x128xf32, #tpu.memory_space<hbm>>) dst(%arg11 : memref<128x128xf32, #tpu.memory_space<vmem>>)
    %dma_wait3A_177 = arith.constant 1 : i32
    %dma_wait3A_178 = arith.constant 0 : i32
    %dma_wait3A_179 = tpu.memref_slice %arg9[%dma_wait3A_177, %dma_wait3A_178] : memref<2x128xi32, #tpu.memory_space<vmem>> -> memref<1x128xi32, #tpu.memory_space<vmem>>
    %dma_wait3A_180 = tpu.memref_squeeze %dma_wait3A_179 : memref<1x128xi32, #tpu.memory_space<vmem>> -> memref<128xi32, #tpu.memory_space<vmem>>
    %dma_wait3A_181 = arith.constant 0 : i32
    %dma_wait3A_182 = arith.constant 0 : i32
    %dma_wait3A_183 = tpu.memref_slice %arg2[%dma_wait3A_181, %dma_wait3A_182] : memref<10000x128xf32, #tpu.memory_space<hbm>> -> memref<10000x128xf32, #tpu.memory_space<hbm>>
    tpu.wait_indirect_dma semaphore(%arg15 : memref<!tpu.dma_semaphore, #tpu.memory_space<semaphore_mem>>) src(%dma_wait3A_183 : memref<10000x128xf32, #tpu.memory_space<hbm>>) dst(%arg12 : memref<128x128xf32, #tpu.memory_space<vmem>>)
    %barrier3A_184 = arith.constant 0 : index
    tpu.barrier barrier_id(%barrier3A_184)
    %mul3A_185 = arith.constant 632 : i32
    %mul3A_186 = arith.muli %arg1, %mul3A_185 : i32
    %mul3A_187 = arith.constant 632 : i32
    %mul3A_188 = arith.muli %arg1, %mul3A_187 : i32
    "tpu.region"() ({
      %run_scoped3A = tpu.sem_alloc : memref<!tpu.dma_semaphore, #tpu.memory_space<semaphore_mem>>
      %dma_start3A_189 = arith.constant 0 : i32
      %dma_start3A_190 = tpu.memref_slice %arg7[%arg0, %mul3A_188, %dma_start3A_189] : memref<2x10112x128xf32, #tpu.memory_space<hbm>> -> memref<1x632x128xf32, #tpu.memory_space<hbm>>
      %dma_start3A_191 = tpu.memref_squeeze %dma_start3A_190 : memref<1x632x128xf32, #tpu.memory_space<hbm>> -> memref<632x128xf32, #tpu.memory_space<hbm>>
      %dma_start3A_192 = arith.constant 0 : i32
      %dma_start3A_193 = tpu.memref_slice %arg13[%mul3A_186, %dma_start3A_192] : memref<10112x128xf32, #tpu.memory_space<vmem_shared>> -> memref<632x128xf32, #tpu.memory_space<vmem_shared>>
      tpu.enqueue_dma source(%dma_start3A_193 : memref<632x128xf32, #tpu.memory_space<vmem_shared>>) target(%dma_start3A_191 : memref<632x128xf32, #tpu.memory_space<hbm>>) target_semaphore(%run_scoped3A : memref<!tpu.dma_semaphore, #tpu.memory_space<semaphore_mem>>)
      %dma_wait3A_194 = arith.constant 0 : i32
      %dma_wait3A_195 = tpu.memref_slice %arg7[%arg0, %mul3A_188, %dma_wait3A_194] : memref<2x10112x128xf32, #tpu.memory_space<hbm>> -> memref<1x632x128xf32, #tpu.memory_space<hbm>>
      %dma_wait3A_196 = tpu.memref_squeeze %dma_wait3A_195 : memref<1x632x128xf32, #tpu.memory_space<hbm>> -> memref<632x128xf32, #tpu.memory_space<hbm>>
      %dma_wait3A_197 = arith.constant 0 : i32
      %dma_wait3A_198 = tpu.memref_slice %arg13[%mul3A_186, %dma_wait3A_197] : memref<10112x128xf32, #tpu.memory_space<vmem_shared>> -> memref<632x128xf32, #tpu.memory_space<vmem_shared>>
      tpu.wait_dma2 semaphore(%run_scoped3A : memref<!tpu.dma_semaphore, #tpu.memory_space<semaphore_mem>>) src(%dma_wait3A_198 : memref<632x128xf32, #tpu.memory_space<vmem_shared>>) dst(%dma_wait3A_196 : memref<632x128xf32, #tpu.memory_space<hbm>>)
      tpu.yield
    }) : () -> ()
    return
  }
}

#map = affine_map<(d0, d1) -> (0)>
#map1 = affine_map<(d0, d1) -> (0, 0, 0)>
module attributes {stable_mosaic.version = 14 : i64} {
  func.func @_gate_body(%arg0: i32, %arg1: i32, %arg2: memref<10112xf32, #tpu.memory_space<hbm>>, %arg3: memref<10112xf32, #tpu.memory_space<hbm>>, %arg4: memref<32x80x128xi32, #tpu.memory_space<hbm>>, %arg5: memref<32x80x128xi32, #tpu.memory_space<hbm>>, %arg6: memref<32x80x128xf32, #tpu.memory_space<hbm>>, %arg7: memref<10112xf32, #tpu.memory_space<vmem>>, %arg8: memref<10112xf32, #tpu.memory_space<vmem>>, %arg9: memref<80x128xi32, #tpu.memory_space<vmem>>, %arg10: memref<80x128xi32, #tpu.memory_space<vmem>>, %arg11: memref<80x128xf32, #tpu.memory_space<vmem>>) attributes {dimension_semantics = [#tpu.dimension_semantics<core_parallel>, #tpu.dimension_semantics<subcore_parallel>], iteration_bounds = array<i64: 2, 16>, scalar_prefetch = 0 : i64, scratch_operands = 5 : i64, tpu.core_type = #tpu.core_type<sc_vector_subcore>, window_params = [{transform_indices = #map}, {transform_indices = #map}, {transform_indices = #map1}, {transform_indices = #map1}, {transform_indices = #map1}]} {
    %mul3A = arith.constant 16 : i32
    %mul3A_0 = arith.muli %arg0, %mul3A : i32
    %add3A = arith.addi %mul3A_0, %arg1 : i32
    "tpu.region"() ({
      %run_scoped3A = tpu.sem_alloc : memref<!tpu.dma_semaphore, #tpu.memory_space<semaphore_mem>>
      tpu.enqueue_dma source(%arg2 : memref<10112xf32, #tpu.memory_space<hbm>>) target(%arg7 : memref<10112xf32, #tpu.memory_space<vmem>>) target_semaphore(%run_scoped3A : memref<!tpu.dma_semaphore, #tpu.memory_space<semaphore_mem>>)
      tpu.wait_dma2 semaphore(%run_scoped3A : memref<!tpu.dma_semaphore, #tpu.memory_space<semaphore_mem>>) src(%arg2 : memref<10112xf32, #tpu.memory_space<hbm>>) dst(%arg7 : memref<10112xf32, #tpu.memory_space<vmem>>)
      tpu.yield
    }) : () -> ()
    "tpu.region"() ({
      %run_scoped3A = tpu.sem_alloc : memref<!tpu.dma_semaphore, #tpu.memory_space<semaphore_mem>>
      tpu.enqueue_dma source(%arg3 : memref<10112xf32, #tpu.memory_space<hbm>>) target(%arg8 : memref<10112xf32, #tpu.memory_space<vmem>>) target_semaphore(%run_scoped3A : memref<!tpu.dma_semaphore, #tpu.memory_space<semaphore_mem>>)
      tpu.wait_dma2 semaphore(%run_scoped3A : memref<!tpu.dma_semaphore, #tpu.memory_space<semaphore_mem>>) src(%arg3 : memref<10112xf32, #tpu.memory_space<hbm>>) dst(%arg8 : memref<10112xf32, #tpu.memory_space<vmem>>)
      tpu.yield
    }) : () -> ()
    "tpu.region"() ({
      %run_scoped3A = tpu.sem_alloc : memref<!tpu.dma_semaphore, #tpu.memory_space<semaphore_mem>>
      %dma_start3A = arith.constant 0 : i32
      %dma_start3A_6 = arith.constant 0 : i32
      %dma_start3A_7 = tpu.memref_slice %arg4[%add3A, %dma_start3A, %dma_start3A_6] : memref<32x80x128xi32, #tpu.memory_space<hbm>> -> memref<1x80x128xi32, #tpu.memory_space<hbm>>
      %dma_start3A_8 = tpu.memref_squeeze %dma_start3A_7 : memref<1x80x128xi32, #tpu.memory_space<hbm>> -> memref<80x128xi32, #tpu.memory_space<hbm>>
      %dma_start3A_9 = arith.constant 0 : i32
      %dma_start3A_10 = arith.constant 0 : i32
      %dma_start3A_11 = tpu.memref_slice %arg4[%add3A, %dma_start3A_9, %dma_start3A_10] : memref<32x80x128xi32, #tpu.memory_space<hbm>> -> memref<1x80x128xi32, #tpu.memory_space<hbm>>
      %dma_start3A_12 = tpu.memref_squeeze %dma_start3A_11 : memref<1x80x128xi32, #tpu.memory_space<hbm>> -> memref<80x128xi32, #tpu.memory_space<hbm>>
      tpu.enqueue_dma source(%dma_start3A_12 : memref<80x128xi32, #tpu.memory_space<hbm>>) target(%arg9 : memref<80x128xi32, #tpu.memory_space<vmem>>) target_semaphore(%run_scoped3A : memref<!tpu.dma_semaphore, #tpu.memory_space<semaphore_mem>>)
      %dma_wait3A = arith.constant 0 : i32
      %dma_wait3A_13 = arith.constant 0 : i32
      %dma_wait3A_14 = tpu.memref_slice %arg4[%add3A, %dma_wait3A, %dma_wait3A_13] : memref<32x80x128xi32, #tpu.memory_space<hbm>> -> memref<1x80x128xi32, #tpu.memory_space<hbm>>
      %dma_wait3A_15 = tpu.memref_squeeze %dma_wait3A_14 : memref<1x80x128xi32, #tpu.memory_space<hbm>> -> memref<80x128xi32, #tpu.memory_space<hbm>>
      %dma_wait3A_16 = arith.constant 0 : i32
      %dma_wait3A_17 = arith.constant 0 : i32
      %dma_wait3A_18 = tpu.memref_slice %arg4[%add3A, %dma_wait3A_16, %dma_wait3A_17] : memref<32x80x128xi32, #tpu.memory_space<hbm>> -> memref<1x80x128xi32, #tpu.memory_space<hbm>>
      %dma_wait3A_19 = tpu.memref_squeeze %dma_wait3A_18 : memref<1x80x128xi32, #tpu.memory_space<hbm>> -> memref<80x128xi32, #tpu.memory_space<hbm>>
      tpu.wait_dma2 semaphore(%run_scoped3A : memref<!tpu.dma_semaphore, #tpu.memory_space<semaphore_mem>>) src(%dma_wait3A_19 : memref<80x128xi32, #tpu.memory_space<hbm>>) dst(%arg9 : memref<80x128xi32, #tpu.memory_space<vmem>>)
      tpu.yield
    }) : () -> ()
    "tpu.region"() ({
      %run_scoped3A = tpu.sem_alloc : memref<!tpu.dma_semaphore, #tpu.memory_space<semaphore_mem>>
      %dma_start3A = arith.constant 0 : i32
      %dma_start3A_6 = arith.constant 0 : i32
      %dma_start3A_7 = tpu.memref_slice %arg5[%add3A, %dma_start3A, %dma_start3A_6] : memref<32x80x128xi32, #tpu.memory_space<hbm>> -> memref<1x80x128xi32, #tpu.memory_space<hbm>>
      %dma_start3A_8 = tpu.memref_squeeze %dma_start3A_7 : memref<1x80x128xi32, #tpu.memory_space<hbm>> -> memref<80x128xi32, #tpu.memory_space<hbm>>
      %dma_start3A_9 = arith.constant 0 : i32
      %dma_start3A_10 = arith.constant 0 : i32
      %dma_start3A_11 = tpu.memref_slice %arg5[%add3A, %dma_start3A_9, %dma_start3A_10] : memref<32x80x128xi32, #tpu.memory_space<hbm>> -> memref<1x80x128xi32, #tpu.memory_space<hbm>>
      %dma_start3A_12 = tpu.memref_squeeze %dma_start3A_11 : memref<1x80x128xi32, #tpu.memory_space<hbm>> -> memref<80x128xi32, #tpu.memory_space<hbm>>
      tpu.enqueue_dma source(%dma_start3A_12 : memref<80x128xi32, #tpu.memory_space<hbm>>) target(%arg10 : memref<80x128xi32, #tpu.memory_space<vmem>>) target_semaphore(%run_scoped3A : memref<!tpu.dma_semaphore, #tpu.memory_space<semaphore_mem>>)
      %dma_wait3A = arith.constant 0 : i32
      %dma_wait3A_13 = arith.constant 0 : i32
      %dma_wait3A_14 = tpu.memref_slice %arg5[%add3A, %dma_wait3A, %dma_wait3A_13] : memref<32x80x128xi32, #tpu.memory_space<hbm>> -> memref<1x80x128xi32, #tpu.memory_space<hbm>>
      %dma_wait3A_15 = tpu.memref_squeeze %dma_wait3A_14 : memref<1x80x128xi32, #tpu.memory_space<hbm>> -> memref<80x128xi32, #tpu.memory_space<hbm>>
      %dma_wait3A_16 = arith.constant 0 : i32
      %dma_wait3A_17 = arith.constant 0 : i32
      %dma_wait3A_18 = tpu.memref_slice %arg5[%add3A, %dma_wait3A_16, %dma_wait3A_17] : memref<32x80x128xi32, #tpu.memory_space<hbm>> -> memref<1x80x128xi32, #tpu.memory_space<hbm>>
      %dma_wait3A_19 = tpu.memref_squeeze %dma_wait3A_18 : memref<1x80x128xi32, #tpu.memory_space<hbm>> -> memref<80x128xi32, #tpu.memory_space<hbm>>
      tpu.wait_dma2 semaphore(%run_scoped3A : memref<!tpu.dma_semaphore, #tpu.memory_space<semaphore_mem>>) src(%dma_wait3A_19 : memref<80x128xi32, #tpu.memory_space<hbm>>) dst(%arg10 : memref<80x128xi32, #tpu.memory_space<vmem>>)
      tpu.yield
    }) : () -> ()
    %scan3A = arith.constant 0 : i32
    %scan3A_1 = arith.constant 0 : i32
    %scan3A_2 = arith.constant 80 : i32
    %scan3A_3 = arith.addi %scan3A_1, %scan3A_2 : i32
    %scan3A_4 = arith.constant 1 : i32
    scf.for %scan3A_6 = %scan3A_1 to %scan3A_3 step %scan3A_4  : i32 {
      %get3A = arith.index_cast %scan3A_6 : i32 to index
      %get3A_7 = arith.constant 0 : index
      %get3A_8 = tpu.vector_load %arg9[%get3A, %get3A_7] {strides = array<i32>} : memref<80x128xi32, #tpu.memory_space<vmem>>, vector<16xi32>,
      %get3A_9 = arith.index_cast %scan3A_6 : i32 to index
      %get3A_10 = arith.constant 0 : index
      %get3A_11 = tpu.vector_load %arg10[%get3A_9, %get3A_10] {strides = array<i32>} : memref<80x128xi32, #tpu.memory_space<vmem>>, vector<16xi32>,
      %gather3A = tpu.vector_load_idx %arg7[%get3A_11] : memref<10112xf32, #tpu.memory_space<vmem>>[vector<16xi32>], vector<16xf32>,
      %gather3A_12 = tpu.vector_load_idx %arg8[%get3A_8] : memref<10112xf32, #tpu.memory_space<vmem>>[vector<16xi32>], vector<16xf32>,
      %add3A_13 = arith.addf %gather3A, %gather3A_12 : vector<16xf32>
      %abs3A = math.absf %add3A_13 : vector<16xf32>
      %min3A = arith.constant 2.000000e+01 : f32
      %min3A_14 = vector.broadcast %min3A : f32 to vector<16xf32>
      %min3A_15 = arith.minimumf %abs3A, %min3A_14 : vector<16xf32>
      %sign3A = tpu.bitcast %add3A_13 : vector<16xf32> -> vector<16xi32>
      %sign3A_16 = arith.constant -2147483648 : i32
      %sign3A_17 = vector.broadcast %sign3A_16 : i32 to vector<16xi32>
      %sign3A_18 = arith.andi %sign3A, %sign3A_17 : vector<16xi32>
      %sign3A_19 = arith.constant 1065353216 : i32
      %sign3A_20 = vector.broadcast %sign3A_19 : i32 to vector<16xi32>
      %sign3A_21 = arith.ori %sign3A_20, %sign3A_18 : vector<16xi32>
      %sign3A_22 = tpu.bitcast %sign3A_21 : vector<16xi32> -> vector<16xf32>
      %sign3A_23 = math.absf %add3A_13 : vector<16xf32>
      %sign3A_24 = arith.constant 0.000000e+00 : f32
      %sign3A_25 = vector.broadcast %sign3A_24 : f32 to vector<16xf32>
      %sign3A_26 = arith.cmpf ogt, %sign3A_23, %sign3A_25 : vector<16xf32>
      %sign3A_27 = arith.select %sign3A_26, %sign3A_22, %add3A_13 : vector<16xi1>, vector<16xf32>
      %mul3A_28 = arith.constant 2.000000e+00 : f32
      %mul3A_29 = vector.broadcast %mul3A_28 : f32 to vector<16xf32>
      %mul3A_30 = arith.mulf %mul3A_29, %min3A_15 : vector<16xf32>
      %exp3A = math.exp %mul3A_30 : vector<16xf32>
      %add3A_31 = arith.constant 1.000000e+00 : f32
      %add3A_32 = vector.broadcast %add3A_31 : f32 to vector<16xf32>
      %add3A_33 = arith.addf %exp3A, %add3A_32 : vector<16xf32>
      %div3A = arith.constant 2.000000e+00 : f32
      %div3A_34 = vector.broadcast %div3A : f32 to vector<16xf32>
      %div3A_35 = arith.divf %div3A_34, %add3A_33 : vector<16xf32>
      %sub3A = arith.constant 1.000000e+00 : f32
      %sub3A_36 = vector.broadcast %sub3A : f32 to vector<16xf32>
      %sub3A_37 = arith.subf %sub3A_36, %div3A_35 : vector<16xf32>
      %mul3A_38 = arith.mulf %sign3A_27, %sub3A_37 : vector<16xf32>
      %swap3A = arith.index_cast %scan3A_6 : i32 to index
      %swap3A_39 = arith.constant 0 : index
      %swap3A_40 = tpu.vector_load %arg11[%swap3A, %swap3A_39] {strides = array<i32>} : memref<80x128xf32, #tpu.memory_space<vmem>>, vector<16xf32>,
      tpu.vector_store %arg11[%swap3A, %swap3A_39], %mul3A_38 {strides = array<i32>} : memref<80x128xf32, #tpu.memory_space<vmem>>, vector<16xf32>,
      %get3A_41 = arith.index_cast %scan3A_6 : i32 to index
      %get3A_42 = arith.constant 16 : index
      %get3A_43 = tpu.vector_load %arg9[%get3A_41, %get3A_42] {strides = array<i32>} : memref<80x128xi32, #tpu.memory_space<vmem>>, vector<16xi32>,
      %get3A_44 = arith.index_cast %scan3A_6 : i32 to index
      %get3A_45 = arith.constant 16 : index
      %get3A_46 = tpu.vector_load %arg10[%get3A_44, %get3A_45] {strides = array<i32>} : memref<80x128xi32, #tpu.memory_space<vmem>>, vector<16xi32>,
      %gather3A_47 = tpu.vector_load_idx %arg7[%get3A_46] : memref<10112xf32, #tpu.memory_space<vmem>>[vector<16xi32>], vector<16xf32>,
      %gather3A_48 = tpu.vector_load_idx %arg8[%get3A_43] : memref<10112xf32, #tpu.memory_space<vmem>>[vector<16xi32>], vector<16xf32>,
      %add3A_49 = arith.addf %gather3A_47, %gather3A_48 : vector<16xf32>
      %abs3A_50 = math.absf %add3A_49 : vector<16xf32>
      %min3A_51 = arith.constant 2.000000e+01 : f32
      %min3A_52 = vector.broadcast %min3A_51 : f32 to vector<16xf32>
      %min3A_53 = arith.minimumf %abs3A_50, %min3A_52 : vector<16xf32>
      %sign3A_54 = tpu.bitcast %add3A_49 : vector<16xf32> -> vector<16xi32>
      %sign3A_55 = arith.constant -2147483648 : i32
      %sign3A_56 = vector.broadcast %sign3A_55 : i32 to vector<16xi32>
      %sign3A_57 = arith.andi %sign3A_54, %sign3A_56 : vector<16xi32>
      %sign3A_58 = arith.constant 1065353216 : i32
      %sign3A_59 = vector.broadcast %sign3A_58 : i32 to vector<16xi32>
      %sign3A_60 = arith.ori %sign3A_59, %sign3A_57 : vector<16xi32>
      %sign3A_61 = tpu.bitcast %sign3A_60 : vector<16xi32> -> vector<16xf32>
      %sign3A_62 = math.absf %add3A_49 : vector<16xf32>
      %sign3A_63 = arith.constant 0.000000e+00 : f32
      %sign3A_64 = vector.broadcast %sign3A_63 : f32 to vector<16xf32>
      %sign3A_65 = arith.cmpf ogt, %sign3A_62, %sign3A_64 : vector<16xf32>
      %sign3A_66 = arith.select %sign3A_65, %sign3A_61, %add3A_49 : vector<16xi1>, vector<16xf32>
      %mul3A_67 = arith.constant 2.000000e+00 : f32
      %mul3A_68 = vector.broadcast %mul3A_67 : f32 to vector<16xf32>
      %mul3A_69 = arith.mulf %mul3A_68, %min3A_53 : vector<16xf32>
      %exp3A_70 = math.exp %mul3A_69 : vector<16xf32>
      %add3A_71 = arith.constant 1.000000e+00 : f32
      %add3A_72 = vector.broadcast %add3A_71 : f32 to vector<16xf32>
      %add3A_73 = arith.addf %exp3A_70, %add3A_72 : vector<16xf32>
      %div3A_74 = arith.constant 2.000000e+00 : f32
      %div3A_75 = vector.broadcast %div3A_74 : f32 to vector<16xf32>
      %div3A_76 = arith.divf %div3A_75, %add3A_73 : vector<16xf32>
      %sub3A_77 = arith.constant 1.000000e+00 : f32
      %sub3A_78 = vector.broadcast %sub3A_77 : f32 to vector<16xf32>
      %sub3A_79 = arith.subf %sub3A_78, %div3A_76 : vector<16xf32>
      %mul3A_80 = arith.mulf %sign3A_66, %sub3A_79 : vector<16xf32>
      %swap3A_81 = arith.index_cast %scan3A_6 : i32 to index
      %swap3A_82 = arith.constant 16 : index
      %swap3A_83 = tpu.vector_load %arg11[%swap3A_81, %swap3A_82] {strides = array<i32>} : memref<80x128xf32, #tpu.memory_space<vmem>>, vector<16xf32>,
      tpu.vector_store %arg11[%swap3A_81, %swap3A_82], %mul3A_80 {strides = array<i32>} : memref<80x128xf32, #tpu.memory_space<vmem>>, vector<16xf32>,
      %get3A_84 = arith.index_cast %scan3A_6 : i32 to index
      %get3A_85 = arith.constant 32 : index
      %get3A_86 = tpu.vector_load %arg9[%get3A_84, %get3A_85] {strides = array<i32>} : memref<80x128xi32, #tpu.memory_space<vmem>>, vector<16xi32>,
      %get3A_87 = arith.index_cast %scan3A_6 : i32 to index
      %get3A_88 = arith.constant 32 : index
      %get3A_89 = tpu.vector_load %arg10[%get3A_87, %get3A_88] {strides = array<i32>} : memref<80x128xi32, #tpu.memory_space<vmem>>, vector<16xi32>,
      %gather3A_90 = tpu.vector_load_idx %arg7[%get3A_89] : memref<10112xf32, #tpu.memory_space<vmem>>[vector<16xi32>], vector<16xf32>,
      %gather3A_91 = tpu.vector_load_idx %arg8[%get3A_86] : memref<10112xf32, #tpu.memory_space<vmem>>[vector<16xi32>], vector<16xf32>,
      %add3A_92 = arith.addf %gather3A_90, %gather3A_91 : vector<16xf32>
      %abs3A_93 = math.absf %add3A_92 : vector<16xf32>
      %min3A_94 = arith.constant 2.000000e+01 : f32
      %min3A_95 = vector.broadcast %min3A_94 : f32 to vector<16xf32>
      %min3A_96 = arith.minimumf %abs3A_93, %min3A_95 : vector<16xf32>
      %sign3A_97 = tpu.bitcast %add3A_92 : vector<16xf32> -> vector<16xi32>
      %sign3A_98 = arith.constant -2147483648 : i32
      %sign3A_99 = vector.broadcast %sign3A_98 : i32 to vector<16xi32>
      %sign3A_100 = arith.andi %sign3A_97, %sign3A_99 : vector<16xi32>
      %sign3A_101 = arith.constant 1065353216 : i32
      %sign3A_102 = vector.broadcast %sign3A_101 : i32 to vector<16xi32>
      %sign3A_103 = arith.ori %sign3A_102, %sign3A_100 : vector<16xi32>
      %sign3A_104 = tpu.bitcast %sign3A_103 : vector<16xi32> -> vector<16xf32>
      %sign3A_105 = math.absf %add3A_92 : vector<16xf32>
      %sign3A_106 = arith.constant 0.000000e+00 : f32
      %sign3A_107 = vector.broadcast %sign3A_106 : f32 to vector<16xf32>
      %sign3A_108 = arith.cmpf ogt, %sign3A_105, %sign3A_107 : vector<16xf32>
      %sign3A_109 = arith.select %sign3A_108, %sign3A_104, %add3A_92 : vector<16xi1>, vector<16xf32>
      %mul3A_110 = arith.constant 2.000000e+00 : f32
      %mul3A_111 = vector.broadcast %mul3A_110 : f32 to vector<16xf32>
      %mul3A_112 = arith.mulf %mul3A_111, %min3A_96 : vector<16xf32>
      %exp3A_113 = math.exp %mul3A_112 : vector<16xf32>
      %add3A_114 = arith.constant 1.000000e+00 : f32
      %add3A_115 = vector.broadcast %add3A_114 : f32 to vector<16xf32>
      %add3A_116 = arith.addf %exp3A_113, %add3A_115 : vector<16xf32>
      %div3A_117 = arith.constant 2.000000e+00 : f32
      %div3A_118 = vector.broadcast %div3A_117 : f32 to vector<16xf32>
      %div3A_119 = arith.divf %div3A_118, %add3A_116 : vector<16xf32>
      %sub3A_120 = arith.constant 1.000000e+00 : f32
      %sub3A_121 = vector.broadcast %sub3A_120 : f32 to vector<16xf32>
      %sub3A_122 = arith.subf %sub3A_121, %div3A_119 : vector<16xf32>
      %mul3A_123 = arith.mulf %sign3A_109, %sub3A_122 : vector<16xf32>
      %swap3A_124 = arith.index_cast %scan3A_6 : i32 to index
      %swap3A_125 = arith.constant 32 : index
      %swap3A_126 = tpu.vector_load %arg11[%swap3A_124, %swap3A_125] {strides = array<i32>} : memref<80x128xf32, #tpu.memory_space<vmem>>, vector<16xf32>,
      tpu.vector_store %arg11[%swap3A_124, %swap3A_125], %mul3A_123 {strides = array<i32>} : memref<80x128xf32, #tpu.memory_space<vmem>>, vector<16xf32>,
      %get3A_127 = arith.index_cast %scan3A_6 : i32 to index
      %get3A_128 = arith.constant 48 : index
      %get3A_129 = tpu.vector_load %arg9[%get3A_127, %get3A_128] {strides = array<i32>} : memref<80x128xi32, #tpu.memory_space<vmem>>, vector<16xi32>,
      %get3A_130 = arith.index_cast %scan3A_6 : i32 to index
      %get3A_131 = arith.constant 48 : index
      %get3A_132 = tpu.vector_load %arg10[%get3A_130, %get3A_131] {strides = array<i32>} : memref<80x128xi32, #tpu.memory_space<vmem>>, vector<16xi32>,
      %gather3A_133 = tpu.vector_load_idx %arg7[%get3A_132] : memref<10112xf32, #tpu.memory_space<vmem>>[vector<16xi32>], vector<16xf32>,
      %gather3A_134 = tpu.vector_load_idx %arg8[%get3A_129] : memref<10112xf32, #tpu.memory_space<vmem>>[vector<16xi32>], vector<16xf32>,
      %add3A_135 = arith.addf %gather3A_133, %gather3A_134 : vector<16xf32>
      %abs3A_136 = math.absf %add3A_135 : vector<16xf32>
      %min3A_137 = arith.constant 2.000000e+01 : f32
      %min3A_138 = vector.broadcast %min3A_137 : f32 to vector<16xf32>
      %min3A_139 = arith.minimumf %abs3A_136, %min3A_138 : vector<16xf32>
      %sign3A_140 = tpu.bitcast %add3A_135 : vector<16xf32> -> vector<16xi32>
      %sign3A_141 = arith.constant -2147483648 : i32
      %sign3A_142 = vector.broadcast %sign3A_141 : i32 to vector<16xi32>
      %sign3A_143 = arith.andi %sign3A_140, %sign3A_142 : vector<16xi32>
      %sign3A_144 = arith.constant 1065353216 : i32
      %sign3A_145 = vector.broadcast %sign3A_144 : i32 to vector<16xi32>
      %sign3A_146 = arith.ori %sign3A_145, %sign3A_143 : vector<16xi32>
      %sign3A_147 = tpu.bitcast %sign3A_146 : vector<16xi32> -> vector<16xf32>
      %sign3A_148 = math.absf %add3A_135 : vector<16xf32>
      %sign3A_149 = arith.constant 0.000000e+00 : f32
      %sign3A_150 = vector.broadcast %sign3A_149 : f32 to vector<16xf32>
      %sign3A_151 = arith.cmpf ogt, %sign3A_148, %sign3A_150 : vector<16xf32>
      %sign3A_152 = arith.select %sign3A_151, %sign3A_147, %add3A_135 : vector<16xi1>, vector<16xf32>
      %mul3A_153 = arith.constant 2.000000e+00 : f32
      %mul3A_154 = vector.broadcast %mul3A_153 : f32 to vector<16xf32>
      %mul3A_155 = arith.mulf %mul3A_154, %min3A_139 : vector<16xf32>
      %exp3A_156 = math.exp %mul3A_155 : vector<16xf32>
      %add3A_157 = arith.constant 1.000000e+00 : f32
      %add3A_158 = vector.broadcast %add3A_157 : f32 to vector<16xf32>
      %add3A_159 = arith.addf %exp3A_156, %add3A_158 : vector<16xf32>
      %div3A_160 = arith.constant 2.000000e+00 : f32
      %div3A_161 = vector.broadcast %div3A_160 : f32 to vector<16xf32>
      %div3A_162 = arith.divf %div3A_161, %add3A_159 : vector<16xf32>
      %sub3A_163 = arith.constant 1.000000e+00 : f32
      %sub3A_164 = vector.broadcast %sub3A_163 : f32 to vector<16xf32>
      %sub3A_165 = arith.subf %sub3A_164, %div3A_162 : vector<16xf32>
      %mul3A_166 = arith.mulf %sign3A_152, %sub3A_165 : vector<16xf32>
      %swap3A_167 = arith.index_cast %scan3A_6 : i32 to index
      %swap3A_168 = arith.constant 48 : index
      %swap3A_169 = tpu.vector_load %arg11[%swap3A_167, %swap3A_168] {strides = array<i32>} : memref<80x128xf32, #tpu.memory_space<vmem>>, vector<16xf32>,
      tpu.vector_store %arg11[%swap3A_167, %swap3A_168], %mul3A_166 {strides = array<i32>} : memref<80x128xf32, #tpu.memory_space<vmem>>, vector<16xf32>,
      %get3A_170 = arith.index_cast %scan3A_6 : i32 to index
      %get3A_171 = arith.constant 64 : index
      %get3A_172 = tpu.vector_load %arg9[%get3A_170, %get3A_171] {strides = array<i32>} : memref<80x128xi32, #tpu.memory_space<vmem>>, vector<16xi32>,
      %get3A_173 = arith.index_cast %scan3A_6 : i32 to index
      %get3A_174 = arith.constant 64 : index
      %get3A_175 = tpu.vector_load %arg10[%get3A_173, %get3A_174] {strides = array<i32>} : memref<80x128xi32, #tpu.memory_space<vmem>>, vector<16xi32>,
      %gather3A_176 = tpu.vector_load_idx %arg7[%get3A_175] : memref<10112xf32, #tpu.memory_space<vmem>>[vector<16xi32>], vector<16xf32>,
      %gather3A_177 = tpu.vector_load_idx %arg8[%get3A_172] : memref<10112xf32, #tpu.memory_space<vmem>>[vector<16xi32>], vector<16xf32>,
      %add3A_178 = arith.addf %gather3A_176, %gather3A_177 : vector<16xf32>
      %abs3A_179 = math.absf %add3A_178 : vector<16xf32>
      %min3A_180 = arith.constant 2.000000e+01 : f32
      %min3A_181 = vector.broadcast %min3A_180 : f32 to vector<16xf32>
      %min3A_182 = arith.minimumf %abs3A_179, %min3A_181 : vector<16xf32>
      %sign3A_183 = tpu.bitcast %add3A_178 : vector<16xf32> -> vector<16xi32>
      %sign3A_184 = arith.constant -2147483648 : i32
      %sign3A_185 = vector.broadcast %sign3A_184 : i32 to vector<16xi32>
      %sign3A_186 = arith.andi %sign3A_183, %sign3A_185 : vector<16xi32>
      %sign3A_187 = arith.constant 1065353216 : i32
      %sign3A_188 = vector.broadcast %sign3A_187 : i32 to vector<16xi32>
      %sign3A_189 = arith.ori %sign3A_188, %sign3A_186 : vector<16xi32>
      %sign3A_190 = tpu.bitcast %sign3A_189 : vector<16xi32> -> vector<16xf32>
      %sign3A_191 = math.absf %add3A_178 : vector<16xf32>
      %sign3A_192 = arith.constant 0.000000e+00 : f32
      %sign3A_193 = vector.broadcast %sign3A_192 : f32 to vector<16xf32>
      %sign3A_194 = arith.cmpf ogt, %sign3A_191, %sign3A_193 : vector<16xf32>
      %sign3A_195 = arith.select %sign3A_194, %sign3A_190, %add3A_178 : vector<16xi1>, vector<16xf32>
      %mul3A_196 = arith.constant 2.000000e+00 : f32
      %mul3A_197 = vector.broadcast %mul3A_196 : f32 to vector<16xf32>
      %mul3A_198 = arith.mulf %mul3A_197, %min3A_182 : vector<16xf32>
      %exp3A_199 = math.exp %mul3A_198 : vector<16xf32>
      %add3A_200 = arith.constant 1.000000e+00 : f32
      %add3A_201 = vector.broadcast %add3A_200 : f32 to vector<16xf32>
      %add3A_202 = arith.addf %exp3A_199, %add3A_201 : vector<16xf32>
      %div3A_203 = arith.constant 2.000000e+00 : f32
      %div3A_204 = vector.broadcast %div3A_203 : f32 to vector<16xf32>
      %div3A_205 = arith.divf %div3A_204, %add3A_202 : vector<16xf32>
      %sub3A_206 = arith.constant 1.000000e+00 : f32
      %sub3A_207 = vector.broadcast %sub3A_206 : f32 to vector<16xf32>
      %sub3A_208 = arith.subf %sub3A_207, %div3A_205 : vector<16xf32>
      %mul3A_209 = arith.mulf %sign3A_195, %sub3A_208 : vector<16xf32>
      %swap3A_210 = arith.index_cast %scan3A_6 : i32 to index
      %swap3A_211 = arith.constant 64 : index
      %swap3A_212 = tpu.vector_load %arg11[%swap3A_210, %swap3A_211] {strides = array<i32>} : memref<80x128xf32, #tpu.memory_space<vmem>>, vector<16xf32>,
      tpu.vector_store %arg11[%swap3A_210, %swap3A_211], %mul3A_209 {strides = array<i32>} : memref<80x128xf32, #tpu.memory_space<vmem>>, vector<16xf32>,
      %get3A_213 = arith.index_cast %scan3A_6 : i32 to index
      %get3A_214 = arith.constant 80 : index
      %get3A_215 = tpu.vector_load %arg9[%get3A_213, %get3A_214] {strides = array<i32>} : memref<80x128xi32, #tpu.memory_space<vmem>>, vector<16xi32>,
      %get3A_216 = arith.index_cast %scan3A_6 : i32 to index
      %get3A_217 = arith.constant 80 : index
      %get3A_218 = tpu.vector_load %arg10[%get3A_216, %get3A_217] {strides = array<i32>} : memref<80x128xi32, #tpu.memory_space<vmem>>, vector<16xi32>,
      %gather3A_219 = tpu.vector_load_idx %arg7[%get3A_218] : memref<10112xf32, #tpu.memory_space<vmem>>[vector<16xi32>], vector<16xf32>,
      %gather3A_220 = tpu.vector_load_idx %arg8[%get3A_215] : memref<10112xf32, #tpu.memory_space<vmem>>[vector<16xi32>], vector<16xf32>,
      %add3A_221 = arith.addf %gather3A_219, %gather3A_220 : vector<16xf32>
      %abs3A_222 = math.absf %add3A_221 : vector<16xf32>
      %min3A_223 = arith.constant 2.000000e+01 : f32
      %min3A_224 = vector.broadcast %min3A_223 : f32 to vector<16xf32>
      %min3A_225 = arith.minimumf %abs3A_222, %min3A_224 : vector<16xf32>
      %sign3A_226 = tpu.bitcast %add3A_221 : vector<16xf32> -> vector<16xi32>
      %sign3A_227 = arith.constant -2147483648 : i32
      %sign3A_228 = vector.broadcast %sign3A_227 : i32 to vector<16xi32>
      %sign3A_229 = arith.andi %sign3A_226, %sign3A_228 : vector<16xi32>
      %sign3A_230 = arith.constant 1065353216 : i32
      %sign3A_231 = vector.broadcast %sign3A_230 : i32 to vector<16xi32>
      %sign3A_232 = arith.ori %sign3A_231, %sign3A_229 : vector<16xi32>
      %sign3A_233 = tpu.bitcast %sign3A_232 : vector<16xi32> -> vector<16xf32>
      %sign3A_234 = math.absf %add3A_221 : vector<16xf32>
      %sign3A_235 = arith.constant 0.000000e+00 : f32
      %sign3A_236 = vector.broadcast %sign3A_235 : f32 to vector<16xf32>
      %sign3A_237 = arith.cmpf ogt, %sign3A_234, %sign3A_236 : vector<16xf32>
      %sign3A_238 = arith.select %sign3A_237, %sign3A_233, %add3A_221 : vector<16xi1>, vector<16xf32>
      %mul3A_239 = arith.constant 2.000000e+00 : f32
      %mul3A_240 = vector.broadcast %mul3A_239 : f32 to vector<16xf32>
      %mul3A_241 = arith.mulf %mul3A_240, %min3A_225 : vector<16xf32>
      %exp3A_242 = math.exp %mul3A_241 : vector<16xf32>
      %add3A_243 = arith.constant 1.000000e+00 : f32
      %add3A_244 = vector.broadcast %add3A_243 : f32 to vector<16xf32>
      %add3A_245 = arith.addf %exp3A_242, %add3A_244 : vector<16xf32>
      %div3A_246 = arith.constant 2.000000e+00 : f32
      %div3A_247 = vector.broadcast %div3A_246 : f32 to vector<16xf32>
      %div3A_248 = arith.divf %div3A_247, %add3A_245 : vector<16xf32>
      %sub3A_249 = arith.constant 1.000000e+00 : f32
      %sub3A_250 = vector.broadcast %sub3A_249 : f32 to vector<16xf32>
      %sub3A_251 = arith.subf %sub3A_250, %div3A_248 : vector<16xf32>
      %mul3A_252 = arith.mulf %sign3A_238, %sub3A_251 : vector<16xf32>
      %swap3A_253 = arith.index_cast %scan3A_6 : i32 to index
      %swap3A_254 = arith.constant 80 : index
      %swap3A_255 = tpu.vector_load %arg11[%swap3A_253, %swap3A_254] {strides = array<i32>} : memref<80x128xf32, #tpu.memory_space<vmem>>, vector<16xf32>,
      tpu.vector_store %arg11[%swap3A_253, %swap3A_254], %mul3A_252 {strides = array<i32>} : memref<80x128xf32, #tpu.memory_space<vmem>>, vector<16xf32>,
      %get3A_256 = arith.index_cast %scan3A_6 : i32 to index
      %get3A_257 = arith.constant 96 : index
      %get3A_258 = tpu.vector_load %arg9[%get3A_256, %get3A_257] {strides = array<i32>} : memref<80x128xi32, #tpu.memory_space<vmem>>, vector<16xi32>,
      %get3A_259 = arith.index_cast %scan3A_6 : i32 to index
      %get3A_260 = arith.constant 96 : index
      %get3A_261 = tpu.vector_load %arg10[%get3A_259, %get3A_260] {strides = array<i32>} : memref<80x128xi32, #tpu.memory_space<vmem>>, vector<16xi32>,
      %gather3A_262 = tpu.vector_load_idx %arg7[%get3A_261] : memref<10112xf32, #tpu.memory_space<vmem>>[vector<16xi32>], vector<16xf32>,
      %gather3A_263 = tpu.vector_load_idx %arg8[%get3A_258] : memref<10112xf32, #tpu.memory_space<vmem>>[vector<16xi32>], vector<16xf32>,
      %add3A_264 = arith.addf %gather3A_262, %gather3A_263 : vector<16xf32>
      %abs3A_265 = math.absf %add3A_264 : vector<16xf32>
      %min3A_266 = arith.constant 2.000000e+01 : f32
      %min3A_267 = vector.broadcast %min3A_266 : f32 to vector<16xf32>
      %min3A_268 = arith.minimumf %abs3A_265, %min3A_267 : vector<16xf32>
      %sign3A_269 = tpu.bitcast %add3A_264 : vector<16xf32> -> vector<16xi32>
      %sign3A_270 = arith.constant -2147483648 : i32
      %sign3A_271 = vector.broadcast %sign3A_270 : i32 to vector<16xi32>
      %sign3A_272 = arith.andi %sign3A_269, %sign3A_271 : vector<16xi32>
      %sign3A_273 = arith.constant 1065353216 : i32
      %sign3A_274 = vector.broadcast %sign3A_273 : i32 to vector<16xi32>
      %sign3A_275 = arith.ori %sign3A_274, %sign3A_272 : vector<16xi32>
      %sign3A_276 = tpu.bitcast %sign3A_275 : vector<16xi32> -> vector<16xf32>
      %sign3A_277 = math.absf %add3A_264 : vector<16xf32>
      %sign3A_278 = arith.constant 0.000000e+00 : f32
      %sign3A_279 = vector.broadcast %sign3A_278 : f32 to vector<16xf32>
      %sign3A_280 = arith.cmpf ogt, %sign3A_277, %sign3A_279 : vector<16xf32>
      %sign3A_281 = arith.select %sign3A_280, %sign3A_276, %add3A_264 : vector<16xi1>, vector<16xf32>
      %mul3A_282 = arith.constant 2.000000e+00 : f32
      %mul3A_283 = vector.broadcast %mul3A_282 : f32 to vector<16xf32>
      %mul3A_284 = arith.mulf %mul3A_283, %min3A_268 : vector<16xf32>
      %exp3A_285 = math.exp %mul3A_284 : vector<16xf32>
      %add3A_286 = arith.constant 1.000000e+00 : f32
      %add3A_287 = vector.broadcast %add3A_286 : f32 to vector<16xf32>
      %add3A_288 = arith.addf %exp3A_285, %add3A_287 : vector<16xf32>
      %div3A_289 = arith.constant 2.000000e+00 : f32
      %div3A_290 = vector.broadcast %div3A_289 : f32 to vector<16xf32>
      %div3A_291 = arith.divf %div3A_290, %add3A_288 : vector<16xf32>
      %sub3A_292 = arith.constant 1.000000e+00 : f32
      %sub3A_293 = vector.broadcast %sub3A_292 : f32 to vector<16xf32>
      %sub3A_294 = arith.subf %sub3A_293, %div3A_291 : vector<16xf32>
      %mul3A_295 = arith.mulf %sign3A_281, %sub3A_294 : vector<16xf32>
      %swap3A_296 = arith.index_cast %scan3A_6 : i32 to index
      %swap3A_297 = arith.constant 96 : index
      %swap3A_298 = tpu.vector_load %arg11[%swap3A_296, %swap3A_297] {strides = array<i32>} : memref<80x128xf32, #tpu.memory_space<vmem>>, vector<16xf32>,
      tpu.vector_store %arg11[%swap3A_296, %swap3A_297], %mul3A_295 {strides = array<i32>} : memref<80x128xf32, #tpu.memory_space<vmem>>, vector<16xf32>,
      %get3A_299 = arith.index_cast %scan3A_6 : i32 to index
      %get3A_300 = arith.constant 112 : index
      %get3A_301 = tpu.vector_load %arg9[%get3A_299, %get3A_300] {strides = array<i32>} : memref<80x128xi32, #tpu.memory_space<vmem>>, vector<16xi32>,
      %get3A_302 = arith.index_cast %scan3A_6 : i32 to index
      %get3A_303 = arith.constant 112 : index
      %get3A_304 = tpu.vector_load %arg10[%get3A_302, %get3A_303] {strides = array<i32>} : memref<80x128xi32, #tpu.memory_space<vmem>>, vector<16xi32>,
      %gather3A_305 = tpu.vector_load_idx %arg7[%get3A_304] : memref<10112xf32, #tpu.memory_space<vmem>>[vector<16xi32>], vector<16xf32>,
      %gather3A_306 = tpu.vector_load_idx %arg8[%get3A_301] : memref<10112xf32, #tpu.memory_space<vmem>>[vector<16xi32>], vector<16xf32>,
      %add3A_307 = arith.addf %gather3A_305, %gather3A_306 : vector<16xf32>
      %abs3A_308 = math.absf %add3A_307 : vector<16xf32>
      %min3A_309 = arith.constant 2.000000e+01 : f32
      %min3A_310 = vector.broadcast %min3A_309 : f32 to vector<16xf32>
      %min3A_311 = arith.minimumf %abs3A_308, %min3A_310 : vector<16xf32>
      %sign3A_312 = tpu.bitcast %add3A_307 : vector<16xf32> -> vector<16xi32>
      %sign3A_313 = arith.constant -2147483648 : i32
      %sign3A_314 = vector.broadcast %sign3A_313 : i32 to vector<16xi32>
      %sign3A_315 = arith.andi %sign3A_312, %sign3A_314 : vector<16xi32>
      %sign3A_316 = arith.constant 1065353216 : i32
      %sign3A_317 = vector.broadcast %sign3A_316 : i32 to vector<16xi32>
      %sign3A_318 = arith.ori %sign3A_317, %sign3A_315 : vector<16xi32>
      %sign3A_319 = tpu.bitcast %sign3A_318 : vector<16xi32> -> vector<16xf32>
      %sign3A_320 = math.absf %add3A_307 : vector<16xf32>
      %sign3A_321 = arith.constant 0.000000e+00 : f32
      %sign3A_322 = vector.broadcast %sign3A_321 : f32 to vector<16xf32>
      %sign3A_323 = arith.cmpf ogt, %sign3A_320, %sign3A_322 : vector<16xf32>
      %sign3A_324 = arith.select %sign3A_323, %sign3A_319, %add3A_307 : vector<16xi1>, vector<16xf32>
      %mul3A_325 = arith.constant 2.000000e+00 : f32
      %mul3A_326 = vector.broadcast %mul3A_325 : f32 to vector<16xf32>
      %mul3A_327 = arith.mulf %mul3A_326, %min3A_311 : vector<16xf32>
      %exp3A_328 = math.exp %mul3A_327 : vector<16xf32>
      %add3A_329 = arith.constant 1.000000e+00 : f32
      %add3A_330 = vector.broadcast %add3A_329 : f32 to vector<16xf32>
      %add3A_331 = arith.addf %exp3A_328, %add3A_330 : vector<16xf32>
      %div3A_332 = arith.constant 2.000000e+00 : f32
      %div3A_333 = vector.broadcast %div3A_332 : f32 to vector<16xf32>
      %div3A_334 = arith.divf %div3A_333, %add3A_331 : vector<16xf32>
      %sub3A_335 = arith.constant 1.000000e+00 : f32
      %sub3A_336 = vector.broadcast %sub3A_335 : f32 to vector<16xf32>
      %sub3A_337 = arith.subf %sub3A_336, %div3A_334 : vector<16xf32>
      %mul3A_338 = arith.mulf %sign3A_324, %sub3A_337 : vector<16xf32>
      %swap3A_339 = arith.index_cast %scan3A_6 : i32 to index
      %swap3A_340 = arith.constant 112 : index
      %swap3A_341 = tpu.vector_load %arg11[%swap3A_339, %swap3A_340] {strides = array<i32>} : memref<80x128xf32, #tpu.memory_space<vmem>>, vector<16xf32>,
      tpu.vector_store %arg11[%swap3A_339, %swap3A_340], %mul3A_338 {strides = array<i32>} : memref<80x128xf32, #tpu.memory_space<vmem>>, vector<16xf32>,
    }
    %scan3A_5 = arith.constant 80 : i32
    "tpu.region"() ({
      %run_scoped3A = tpu.sem_alloc : memref<!tpu.dma_semaphore, #tpu.memory_space<semaphore_mem>>
      %dma_start3A = arith.constant 0 : i32
      %dma_start3A_6 = arith.constant 0 : i32
      %dma_start3A_7 = tpu.memref_slice %arg6[%add3A, %dma_start3A, %dma_start3A_6] : memref<32x80x128xf32, #tpu.memory_space<hbm>> -> memref<1x80x128xf32, #tpu.memory_space<hbm>>
      %dma_start3A_8 = tpu.memref_squeeze %dma_start3A_7 : memref<1x80x128xf32, #tpu.memory_space<hbm>> -> memref<80x128xf32, #tpu.memory_space<hbm>>
      %dma_start3A_9 = arith.constant 0 : i32
      %dma_start3A_10 = arith.constant 0 : i32
      %dma_start3A_11 = tpu.memref_slice %arg6[%add3A, %dma_start3A_9, %dma_start3A_10] : memref<32x80x128xf32, #tpu.memory_space<hbm>> -> memref<1x80x128xf32, #tpu.memory_space<hbm>>
      %dma_start3A_12 = tpu.memref_squeeze %dma_start3A_11 : memref<1x80x128xf32, #tpu.memory_space<hbm>> -> memref<80x128xf32, #tpu.memory_space<hbm>>
      tpu.enqueue_dma source(%arg11 : memref<80x128xf32, #tpu.memory_space<vmem>>) target(%dma_start3A_12 : memref<80x128xf32, #tpu.memory_space<hbm>>) target_semaphore(%run_scoped3A : memref<!tpu.dma_semaphore, #tpu.memory_space<semaphore_mem>>)
      %dma_wait3A = arith.constant 0 : i32
      %dma_wait3A_13 = arith.constant 0 : i32
      %dma_wait3A_14 = tpu.memref_slice %arg6[%add3A, %dma_wait3A, %dma_wait3A_13] : memref<32x80x128xf32, #tpu.memory_space<hbm>> -> memref<1x80x128xf32, #tpu.memory_space<hbm>>
      %dma_wait3A_15 = tpu.memref_squeeze %dma_wait3A_14 : memref<1x80x128xf32, #tpu.memory_space<hbm>> -> memref<80x128xf32, #tpu.memory_space<hbm>>
      %dma_wait3A_16 = arith.constant 0 : i32
      %dma_wait3A_17 = arith.constant 0 : i32
      %dma_wait3A_18 = tpu.memref_slice %arg6[%add3A, %dma_wait3A_16, %dma_wait3A_17] : memref<32x80x128xf32, #tpu.memory_space<hbm>> -> memref<1x80x128xf32, #tpu.memory_space<hbm>>
      %dma_wait3A_19 = tpu.memref_squeeze %dma_wait3A_18 : memref<1x80x128xf32, #tpu.memory_space<hbm>> -> memref<80x128xf32, #tpu.memory_space<hbm>>
      tpu.wait_dma2 semaphore(%run_scoped3A : memref<!tpu.dma_semaphore, #tpu.memory_space<semaphore_mem>>) src(%arg11 : memref<80x128xf32, #tpu.memory_space<vmem>>) dst(%dma_wait3A_19 : memref<80x128xf32, #tpu.memory_space<hbm>>)
      tpu.yield
    }) : () -> ()
    return
  }
}

#map = affine_map<(d0, d1) -> (0)>
#map1 = affine_map<(d0, d1) -> (0, 0, 0)>
module attributes {stable_mosaic.version = 14 : i64} {
  func.func @_gate_body(%arg0: i32, %arg1: i32, %arg2: memref<10112xf32, #tpu.memory_space<hbm>>, %arg3: memref<10112xf32, #tpu.memory_space<hbm>>, %arg4: memref<32x80x128xi32, #tpu.memory_space<hbm>>, %arg5: memref<32x80x128xi32, #tpu.memory_space<hbm>>, %arg6: memref<32x80x128xf32, #tpu.memory_space<hbm>>, %arg7: memref<10112xf32, #tpu.memory_space<vmem>>, %arg8: memref<10112xf32, #tpu.memory_space<vmem>>, %arg9: memref<80x128xi32, #tpu.memory_space<vmem>>, %arg10: memref<80x128xi32, #tpu.memory_space<vmem>>, %arg11: memref<80x128xf32, #tpu.memory_space<vmem>>) attributes {dimension_semantics = [#tpu.dimension_semantics<core_parallel>, #tpu.dimension_semantics<subcore_parallel>], iteration_bounds = array<i64: 2, 16>, scalar_prefetch = 0 : i64, scratch_operands = 5 : i64, tpu.core_type = #tpu.core_type<sc_vector_subcore>, window_params = [{transform_indices = #map}, {transform_indices = #map}, {transform_indices = #map1}, {transform_indices = #map1}, {transform_indices = #map1}]} {
    %mul3A = arith.constant 16 : i32
    %mul3A_0 = arith.muli %arg0, %mul3A : i32
    %add3A = arith.addi %mul3A_0, %arg1 : i32
    "tpu.region"() ({
      %run_scoped3A = tpu.sem_alloc : memref<!tpu.dma_semaphore, #tpu.memory_space<semaphore_mem>>
      tpu.enqueue_dma source(%arg2 : memref<10112xf32, #tpu.memory_space<hbm>>) target(%arg7 : memref<10112xf32, #tpu.memory_space<vmem>>) target_semaphore(%run_scoped3A : memref<!tpu.dma_semaphore, #tpu.memory_space<semaphore_mem>>)
      tpu.wait_dma2 semaphore(%run_scoped3A : memref<!tpu.dma_semaphore, #tpu.memory_space<semaphore_mem>>) src(%arg2 : memref<10112xf32, #tpu.memory_space<hbm>>) dst(%arg7 : memref<10112xf32, #tpu.memory_space<vmem>>)
      tpu.yield
    }) : () -> ()
    "tpu.region"() ({
      %run_scoped3A = tpu.sem_alloc : memref<!tpu.dma_semaphore, #tpu.memory_space<semaphore_mem>>
      tpu.enqueue_dma source(%arg3 : memref<10112xf32, #tpu.memory_space<hbm>>) target(%arg8 : memref<10112xf32, #tpu.memory_space<vmem>>) target_semaphore(%run_scoped3A : memref<!tpu.dma_semaphore, #tpu.memory_space<semaphore_mem>>)
      tpu.wait_dma2 semaphore(%run_scoped3A : memref<!tpu.dma_semaphore, #tpu.memory_space<semaphore_mem>>) src(%arg3 : memref<10112xf32, #tpu.memory_space<hbm>>) dst(%arg8 : memref<10112xf32, #tpu.memory_space<vmem>>)
      tpu.yield
    }) : () -> ()
    "tpu.region"() ({
      %run_scoped3A = tpu.sem_alloc : memref<!tpu.dma_semaphore, #tpu.memory_space<semaphore_mem>>
      %dma_start3A = arith.constant 0 : i32
      %dma_start3A_6 = arith.constant 0 : i32
      %dma_start3A_7 = tpu.memref_slice %arg4[%add3A, %dma_start3A, %dma_start3A_6] : memref<32x80x128xi32, #tpu.memory_space<hbm>> -> memref<1x80x128xi32, #tpu.memory_space<hbm>>
      %dma_start3A_8 = tpu.memref_squeeze %dma_start3A_7 : memref<1x80x128xi32, #tpu.memory_space<hbm>> -> memref<80x128xi32, #tpu.memory_space<hbm>>
      %dma_start3A_9 = arith.constant 0 : i32
      %dma_start3A_10 = arith.constant 0 : i32
      %dma_start3A_11 = tpu.memref_slice %arg4[%add3A, %dma_start3A_9, %dma_start3A_10] : memref<32x80x128xi32, #tpu.memory_space<hbm>> -> memref<1x80x128xi32, #tpu.memory_space<hbm>>
      %dma_start3A_12 = tpu.memref_squeeze %dma_start3A_11 : memref<1x80x128xi32, #tpu.memory_space<hbm>> -> memref<80x128xi32, #tpu.memory_space<hbm>>
      tpu.enqueue_dma source(%dma_start3A_12 : memref<80x128xi32, #tpu.memory_space<hbm>>) target(%arg9 : memref<80x128xi32, #tpu.memory_space<vmem>>) target_semaphore(%run_scoped3A : memref<!tpu.dma_semaphore, #tpu.memory_space<semaphore_mem>>)
      %dma_wait3A = arith.constant 0 : i32
      %dma_wait3A_13 = arith.constant 0 : i32
      %dma_wait3A_14 = tpu.memref_slice %arg4[%add3A, %dma_wait3A, %dma_wait3A_13] : memref<32x80x128xi32, #tpu.memory_space<hbm>> -> memref<1x80x128xi32, #tpu.memory_space<hbm>>
      %dma_wait3A_15 = tpu.memref_squeeze %dma_wait3A_14 : memref<1x80x128xi32, #tpu.memory_space<hbm>> -> memref<80x128xi32, #tpu.memory_space<hbm>>
      %dma_wait3A_16 = arith.constant 0 : i32
      %dma_wait3A_17 = arith.constant 0 : i32
      %dma_wait3A_18 = tpu.memref_slice %arg4[%add3A, %dma_wait3A_16, %dma_wait3A_17] : memref<32x80x128xi32, #tpu.memory_space<hbm>> -> memref<1x80x128xi32, #tpu.memory_space<hbm>>
      %dma_wait3A_19 = tpu.memref_squeeze %dma_wait3A_18 : memref<1x80x128xi32, #tpu.memory_space<hbm>> -> memref<80x128xi32, #tpu.memory_space<hbm>>
      tpu.wait_dma2 semaphore(%run_scoped3A : memref<!tpu.dma_semaphore, #tpu.memory_space<semaphore_mem>>) src(%dma_wait3A_19 : memref<80x128xi32, #tpu.memory_space<hbm>>) dst(%arg9 : memref<80x128xi32, #tpu.memory_space<vmem>>)
      tpu.yield
    }) : () -> ()
    "tpu.region"() ({
      %run_scoped3A = tpu.sem_alloc : memref<!tpu.dma_semaphore, #tpu.memory_space<semaphore_mem>>
      %dma_start3A = arith.constant 0 : i32
      %dma_start3A_6 = arith.constant 0 : i32
      %dma_start3A_7 = tpu.memref_slice %arg5[%add3A, %dma_start3A, %dma_start3A_6] : memref<32x80x128xi32, #tpu.memory_space<hbm>> -> memref<1x80x128xi32, #tpu.memory_space<hbm>>
      %dma_start3A_8 = tpu.memref_squeeze %dma_start3A_7 : memref<1x80x128xi32, #tpu.memory_space<hbm>> -> memref<80x128xi32, #tpu.memory_space<hbm>>
      %dma_start3A_9 = arith.constant 0 : i32
      %dma_start3A_10 = arith.constant 0 : i32
      %dma_start3A_11 = tpu.memref_slice %arg5[%add3A, %dma_start3A_9, %dma_start3A_10] : memref<32x80x128xi32, #tpu.memory_space<hbm>> -> memref<1x80x128xi32, #tpu.memory_space<hbm>>
      %dma_start3A_12 = tpu.memref_squeeze %dma_start3A_11 : memref<1x80x128xi32, #tpu.memory_space<hbm>> -> memref<80x128xi32, #tpu.memory_space<hbm>>
      tpu.enqueue_dma source(%dma_start3A_12 : memref<80x128xi32, #tpu.memory_space<hbm>>) target(%arg10 : memref<80x128xi32, #tpu.memory_space<vmem>>) target_semaphore(%run_scoped3A : memref<!tpu.dma_semaphore, #tpu.memory_space<semaphore_mem>>)
      %dma_wait3A = arith.constant 0 : i32
      %dma_wait3A_13 = arith.constant 0 : i32
      %dma_wait3A_14 = tpu.memref_slice %arg5[%add3A, %dma_wait3A, %dma_wait3A_13] : memref<32x80x128xi32, #tpu.memory_space<hbm>> -> memref<1x80x128xi32, #tpu.memory_space<hbm>>
      %dma_wait3A_15 = tpu.memref_squeeze %dma_wait3A_14 : memref<1x80x128xi32, #tpu.memory_space<hbm>> -> memref<80x128xi32, #tpu.memory_space<hbm>>
      %dma_wait3A_16 = arith.constant 0 : i32
      %dma_wait3A_17 = arith.constant 0 : i32
      %dma_wait3A_18 = tpu.memref_slice %arg5[%add3A, %dma_wait3A_16, %dma_wait3A_17] : memref<32x80x128xi32, #tpu.memory_space<hbm>> -> memref<1x80x128xi32, #tpu.memory_space<hbm>>
      %dma_wait3A_19 = tpu.memref_squeeze %dma_wait3A_18 : memref<1x80x128xi32, #tpu.memory_space<hbm>> -> memref<80x128xi32, #tpu.memory_space<hbm>>
      tpu.wait_dma2 semaphore(%run_scoped3A : memref<!tpu.dma_semaphore, #tpu.memory_space<semaphore_mem>>) src(%dma_wait3A_19 : memref<80x128xi32, #tpu.memory_space<hbm>>) dst(%arg10 : memref<80x128xi32, #tpu.memory_space<vmem>>)
      tpu.yield
    }) : () -> ()
    %scan3A = arith.constant 0 : i32
    %scan3A_1 = arith.constant 0 : i32
    %scan3A_2 = arith.constant 80 : i32
    %scan3A_3 = arith.addi %scan3A_1, %scan3A_2 : i32
    %scan3A_4 = arith.constant 1 : i32
    scf.for %scan3A_6 = %scan3A_1 to %scan3A_3 step %scan3A_4  : i32 {
      %get3A = arith.index_cast %scan3A_6 : i32 to index
      %get3A_7 = arith.constant 0 : index
      %get3A_8 = tpu.vector_load %arg9[%get3A, %get3A_7] {strides = array<i32>} : memref<80x128xi32, #tpu.memory_space<vmem>>, vector<16xi32>,
      %get3A_9 = arith.index_cast %scan3A_6 : i32 to index
      %get3A_10 = arith.constant 0 : index
      %get3A_11 = tpu.vector_load %arg10[%get3A_9, %get3A_10] {strides = array<i32>} : memref<80x128xi32, #tpu.memory_space<vmem>>, vector<16xi32>,
      %gather3A = tpu.vector_load_idx %arg7[%get3A_11] : memref<10112xf32, #tpu.memory_space<vmem>>[vector<16xi32>], vector<16xf32>,
      %gather3A_12 = tpu.vector_load_idx %arg8[%get3A_8] : memref<10112xf32, #tpu.memory_space<vmem>>[vector<16xi32>], vector<16xf32>,
      %add3A_13 = arith.addf %gather3A, %gather3A_12 : vector<16xf32>
      %abs3A = math.absf %add3A_13 : vector<16xf32>
      %min3A = arith.constant 2.000000e+01 : f32
      %min3A_14 = vector.broadcast %min3A : f32 to vector<16xf32>
      %min3A_15 = arith.minimumf %abs3A, %min3A_14 : vector<16xf32>
      %sign3A = tpu.bitcast %add3A_13 : vector<16xf32> -> vector<16xi32>
      %sign3A_16 = arith.constant -2147483648 : i32
      %sign3A_17 = vector.broadcast %sign3A_16 : i32 to vector<16xi32>
      %sign3A_18 = arith.andi %sign3A, %sign3A_17 : vector<16xi32>
      %sign3A_19 = arith.constant 1065353216 : i32
      %sign3A_20 = vector.broadcast %sign3A_19 : i32 to vector<16xi32>
      %sign3A_21 = arith.ori %sign3A_20, %sign3A_18 : vector<16xi32>
      %sign3A_22 = tpu.bitcast %sign3A_21 : vector<16xi32> -> vector<16xf32>
      %sign3A_23 = math.absf %add3A_13 : vector<16xf32>
      %sign3A_24 = arith.constant 0.000000e+00 : f32
      %sign3A_25 = vector.broadcast %sign3A_24 : f32 to vector<16xf32>
      %sign3A_26 = arith.cmpf ogt, %sign3A_23, %sign3A_25 : vector<16xf32>
      %sign3A_27 = arith.select %sign3A_26, %sign3A_22, %add3A_13 : vector<16xi1>, vector<16xf32>
      %mul3A_28 = arith.constant 2.000000e+00 : f32
      %mul3A_29 = vector.broadcast %mul3A_28 : f32 to vector<16xf32>
      %mul3A_30 = arith.mulf %mul3A_29, %min3A_15 : vector<16xf32>
      %exp3A = math.exp %mul3A_30 : vector<16xf32>
      %add3A_31 = arith.constant 1.000000e+00 : f32
      %add3A_32 = vector.broadcast %add3A_31 : f32 to vector<16xf32>
      %add3A_33 = arith.addf %exp3A, %add3A_32 : vector<16xf32>
      %div3A = arith.constant 2.000000e+00 : f32
      %div3A_34 = vector.broadcast %div3A : f32 to vector<16xf32>
      %div3A_35 = arith.divf %div3A_34, %add3A_33 : vector<16xf32>
      %sub3A = arith.constant 1.000000e+00 : f32
      %sub3A_36 = vector.broadcast %sub3A : f32 to vector<16xf32>
      %sub3A_37 = arith.subf %sub3A_36, %div3A_35 : vector<16xf32>
      %mul3A_38 = arith.mulf %sign3A_27, %sub3A_37 : vector<16xf32>
      %swap3A = arith.index_cast %scan3A_6 : i32 to index
      %swap3A_39 = arith.constant 0 : index
      %swap3A_40 = tpu.vector_load %arg11[%swap3A, %swap3A_39] {strides = array<i32>} : memref<80x128xf32, #tpu.memory_space<vmem>>, vector<16xf32>,
      tpu.vector_store %arg11[%swap3A, %swap3A_39], %mul3A_38 {strides = array<i32>} : memref<80x128xf32, #tpu.memory_space<vmem>>, vector<16xf32>,
      %get3A_41 = arith.index_cast %scan3A_6 : i32 to index
      %get3A_42 = arith.constant 16 : index
      %get3A_43 = tpu.vector_load %arg9[%get3A_41, %get3A_42] {strides = array<i32>} : memref<80x128xi32, #tpu.memory_space<vmem>>, vector<16xi32>,
      %get3A_44 = arith.index_cast %scan3A_6 : i32 to index
      %get3A_45 = arith.constant 16 : index
      %get3A_46 = tpu.vector_load %arg10[%get3A_44, %get3A_45] {strides = array<i32>} : memref<80x128xi32, #tpu.memory_space<vmem>>, vector<16xi32>,
      %gather3A_47 = tpu.vector_load_idx %arg7[%get3A_46] : memref<10112xf32, #tpu.memory_space<vmem>>[vector<16xi32>], vector<16xf32>,
      %gather3A_48 = tpu.vector_load_idx %arg8[%get3A_43] : memref<10112xf32, #tpu.memory_space<vmem>>[vector<16xi32>], vector<16xf32>,
      %add3A_49 = arith.addf %gather3A_47, %gather3A_48 : vector<16xf32>
      %abs3A_50 = math.absf %add3A_49 : vector<16xf32>
      %min3A_51 = arith.constant 2.000000e+01 : f32
      %min3A_52 = vector.broadcast %min3A_51 : f32 to vector<16xf32>
      %min3A_53 = arith.minimumf %abs3A_50, %min3A_52 : vector<16xf32>
      %sign3A_54 = tpu.bitcast %add3A_49 : vector<16xf32> -> vector<16xi32>
      %sign3A_55 = arith.constant -2147483648 : i32
      %sign3A_56 = vector.broadcast %sign3A_55 : i32 to vector<16xi32>
      %sign3A_57 = arith.andi %sign3A_54, %sign3A_56 : vector<16xi32>
      %sign3A_58 = arith.constant 1065353216 : i32
      %sign3A_59 = vector.broadcast %sign3A_58 : i32 to vector<16xi32>
      %sign3A_60 = arith.ori %sign3A_59, %sign3A_57 : vector<16xi32>
      %sign3A_61 = tpu.bitcast %sign3A_60 : vector<16xi32> -> vector<16xf32>
      %sign3A_62 = math.absf %add3A_49 : vector<16xf32>
      %sign3A_63 = arith.constant 0.000000e+00 : f32
      %sign3A_64 = vector.broadcast %sign3A_63 : f32 to vector<16xf32>
      %sign3A_65 = arith.cmpf ogt, %sign3A_62, %sign3A_64 : vector<16xf32>
      %sign3A_66 = arith.select %sign3A_65, %sign3A_61, %add3A_49 : vector<16xi1>, vector<16xf32>
      %mul3A_67 = arith.constant 2.000000e+00 : f32
      %mul3A_68 = vector.broadcast %mul3A_67 : f32 to vector<16xf32>
      %mul3A_69 = arith.mulf %mul3A_68, %min3A_53 : vector<16xf32>
      %exp3A_70 = math.exp %mul3A_69 : vector<16xf32>
      %add3A_71 = arith.constant 1.000000e+00 : f32
      %add3A_72 = vector.broadcast %add3A_71 : f32 to vector<16xf32>
      %add3A_73 = arith.addf %exp3A_70, %add3A_72 : vector<16xf32>
      %div3A_74 = arith.constant 2.000000e+00 : f32
      %div3A_75 = vector.broadcast %div3A_74 : f32 to vector<16xf32>
      %div3A_76 = arith.divf %div3A_75, %add3A_73 : vector<16xf32>
      %sub3A_77 = arith.constant 1.000000e+00 : f32
      %sub3A_78 = vector.broadcast %sub3A_77 : f32 to vector<16xf32>
      %sub3A_79 = arith.subf %sub3A_78, %div3A_76 : vector<16xf32>
      %mul3A_80 = arith.mulf %sign3A_66, %sub3A_79 : vector<16xf32>
      %swap3A_81 = arith.index_cast %scan3A_6 : i32 to index
      %swap3A_82 = arith.constant 16 : index
      %swap3A_83 = tpu.vector_load %arg11[%swap3A_81, %swap3A_82] {strides = array<i32>} : memref<80x128xf32, #tpu.memory_space<vmem>>, vector<16xf32>,
      tpu.vector_store %arg11[%swap3A_81, %swap3A_82], %mul3A_80 {strides = array<i32>} : memref<80x128xf32, #tpu.memory_space<vmem>>, vector<16xf32>,
      %get3A_84 = arith.index_cast %scan3A_6 : i32 to index
      %get3A_85 = arith.constant 32 : index
      %get3A_86 = tpu.vector_load %arg9[%get3A_84, %get3A_85] {strides = array<i32>} : memref<80x128xi32, #tpu.memory_space<vmem>>, vector<16xi32>,
      %get3A_87 = arith.index_cast %scan3A_6 : i32 to index
      %get3A_88 = arith.constant 32 : index
      %get3A_89 = tpu.vector_load %arg10[%get3A_87, %get3A_88] {strides = array<i32>} : memref<80x128xi32, #tpu.memory_space<vmem>>, vector<16xi32>,
      %gather3A_90 = tpu.vector_load_idx %arg7[%get3A_89] : memref<10112xf32, #tpu.memory_space<vmem>>[vector<16xi32>], vector<16xf32>,
      %gather3A_91 = tpu.vector_load_idx %arg8[%get3A_86] : memref<10112xf32, #tpu.memory_space<vmem>>[vector<16xi32>], vector<16xf32>,
      %add3A_92 = arith.addf %gather3A_90, %gather3A_91 : vector<16xf32>
      %abs3A_93 = math.absf %add3A_92 : vector<16xf32>
      %min3A_94 = arith.constant 2.000000e+01 : f32
      %min3A_95 = vector.broadcast %min3A_94 : f32 to vector<16xf32>
      %min3A_96 = arith.minimumf %abs3A_93, %min3A_95 : vector<16xf32>
      %sign3A_97 = tpu.bitcast %add3A_92 : vector<16xf32> -> vector<16xi32>
      %sign3A_98 = arith.constant -2147483648 : i32
      %sign3A_99 = vector.broadcast %sign3A_98 : i32 to vector<16xi32>
      %sign3A_100 = arith.andi %sign3A_97, %sign3A_99 : vector<16xi32>
      %sign3A_101 = arith.constant 1065353216 : i32
      %sign3A_102 = vector.broadcast %sign3A_101 : i32 to vector<16xi32>
      %sign3A_103 = arith.ori %sign3A_102, %sign3A_100 : vector<16xi32>
      %sign3A_104 = tpu.bitcast %sign3A_103 : vector<16xi32> -> vector<16xf32>
      %sign3A_105 = math.absf %add3A_92 : vector<16xf32>
      %sign3A_106 = arith.constant 0.000000e+00 : f32
      %sign3A_107 = vector.broadcast %sign3A_106 : f32 to vector<16xf32>
      %sign3A_108 = arith.cmpf ogt, %sign3A_105, %sign3A_107 : vector<16xf32>
      %sign3A_109 = arith.select %sign3A_108, %sign3A_104, %add3A_92 : vector<16xi1>, vector<16xf32>
      %mul3A_110 = arith.constant 2.000000e+00 : f32
      %mul3A_111 = vector.broadcast %mul3A_110 : f32 to vector<16xf32>
      %mul3A_112 = arith.mulf %mul3A_111, %min3A_96 : vector<16xf32>
      %exp3A_113 = math.exp %mul3A_112 : vector<16xf32>
      %add3A_114 = arith.constant 1.000000e+00 : f32
      %add3A_115 = vector.broadcast %add3A_114 : f32 to vector<16xf32>
      %add3A_116 = arith.addf %exp3A_113, %add3A_115 : vector<16xf32>
      %div3A_117 = arith.constant 2.000000e+00 : f32
      %div3A_118 = vector.broadcast %div3A_117 : f32 to vector<16xf32>
      %div3A_119 = arith.divf %div3A_118, %add3A_116 : vector<16xf32>
      %sub3A_120 = arith.constant 1.000000e+00 : f32
      %sub3A_121 = vector.broadcast %sub3A_120 : f32 to vector<16xf32>
      %sub3A_122 = arith.subf %sub3A_121, %div3A_119 : vector<16xf32>
      %mul3A_123 = arith.mulf %sign3A_109, %sub3A_122 : vector<16xf32>
      %swap3A_124 = arith.index_cast %scan3A_6 : i32 to index
      %swap3A_125 = arith.constant 32 : index
      %swap3A_126 = tpu.vector_load %arg11[%swap3A_124, %swap3A_125] {strides = array<i32>} : memref<80x128xf32, #tpu.memory_space<vmem>>, vector<16xf32>,
      tpu.vector_store %arg11[%swap3A_124, %swap3A_125], %mul3A_123 {strides = array<i32>} : memref<80x128xf32, #tpu.memory_space<vmem>>, vector<16xf32>,
      %get3A_127 = arith.index_cast %scan3A_6 : i32 to index
      %get3A_128 = arith.constant 48 : index
      %get3A_129 = tpu.vector_load %arg9[%get3A_127, %get3A_128] {strides = array<i32>} : memref<80x128xi32, #tpu.memory_space<vmem>>, vector<16xi32>,
      %get3A_130 = arith.index_cast %scan3A_6 : i32 to index
      %get3A_131 = arith.constant 48 : index
      %get3A_132 = tpu.vector_load %arg10[%get3A_130, %get3A_131] {strides = array<i32>} : memref<80x128xi32, #tpu.memory_space<vmem>>, vector<16xi32>,
      %gather3A_133 = tpu.vector_load_idx %arg7[%get3A_132] : memref<10112xf32, #tpu.memory_space<vmem>>[vector<16xi32>], vector<16xf32>,
      %gather3A_134 = tpu.vector_load_idx %arg8[%get3A_129] : memref<10112xf32, #tpu.memory_space<vmem>>[vector<16xi32>], vector<16xf32>,
      %add3A_135 = arith.addf %gather3A_133, %gather3A_134 : vector<16xf32>
      %abs3A_136 = math.absf %add3A_135 : vector<16xf32>
      %min3A_137 = arith.constant 2.000000e+01 : f32
      %min3A_138 = vector.broadcast %min3A_137 : f32 to vector<16xf32>
      %min3A_139 = arith.minimumf %abs3A_136, %min3A_138 : vector<16xf32>
      %sign3A_140 = tpu.bitcast %add3A_135 : vector<16xf32> -> vector<16xi32>
      %sign3A_141 = arith.constant -2147483648 : i32
      %sign3A_142 = vector.broadcast %sign3A_141 : i32 to vector<16xi32>
      %sign3A_143 = arith.andi %sign3A_140, %sign3A_142 : vector<16xi32>
      %sign3A_144 = arith.constant 1065353216 : i32
      %sign3A_145 = vector.broadcast %sign3A_144 : i32 to vector<16xi32>
      %sign3A_146 = arith.ori %sign3A_145, %sign3A_143 : vector<16xi32>
      %sign3A_147 = tpu.bitcast %sign3A_146 : vector<16xi32> -> vector<16xf32>
      %sign3A_148 = math.absf %add3A_135 : vector<16xf32>
      %sign3A_149 = arith.constant 0.000000e+00 : f32
      %sign3A_150 = vector.broadcast %sign3A_149 : f32 to vector<16xf32>
      %sign3A_151 = arith.cmpf ogt, %sign3A_148, %sign3A_150 : vector<16xf32>
      %sign3A_152 = arith.select %sign3A_151, %sign3A_147, %add3A_135 : vector<16xi1>, vector<16xf32>
      %mul3A_153 = arith.constant 2.000000e+00 : f32
      %mul3A_154 = vector.broadcast %mul3A_153 : f32 to vector<16xf32>
      %mul3A_155 = arith.mulf %mul3A_154, %min3A_139 : vector<16xf32>
      %exp3A_156 = math.exp %mul3A_155 : vector<16xf32>
      %add3A_157 = arith.constant 1.000000e+00 : f32
      %add3A_158 = vector.broadcast %add3A_157 : f32 to vector<16xf32>
      %add3A_159 = arith.addf %exp3A_156, %add3A_158 : vector<16xf32>
      %div3A_160 = arith.constant 2.000000e+00 : f32
      %div3A_161 = vector.broadcast %div3A_160 : f32 to vector<16xf32>
      %div3A_162 = arith.divf %div3A_161, %add3A_159 : vector<16xf32>
      %sub3A_163 = arith.constant 1.000000e+00 : f32
      %sub3A_164 = vector.broadcast %sub3A_163 : f32 to vector<16xf32>
      %sub3A_165 = arith.subf %sub3A_164, %div3A_162 : vector<16xf32>
      %mul3A_166 = arith.mulf %sign3A_152, %sub3A_165 : vector<16xf32>
      %swap3A_167 = arith.index_cast %scan3A_6 : i32 to index
      %swap3A_168 = arith.constant 48 : index
      %swap3A_169 = tpu.vector_load %arg11[%swap3A_167, %swap3A_168] {strides = array<i32>} : memref<80x128xf32, #tpu.memory_space<vmem>>, vector<16xf32>,
      tpu.vector_store %arg11[%swap3A_167, %swap3A_168], %mul3A_166 {strides = array<i32>} : memref<80x128xf32, #tpu.memory_space<vmem>>, vector<16xf32>,
      %get3A_170 = arith.index_cast %scan3A_6 : i32 to index
      %get3A_171 = arith.constant 64 : index
      %get3A_172 = tpu.vector_load %arg9[%get3A_170, %get3A_171] {strides = array<i32>} : memref<80x128xi32, #tpu.memory_space<vmem>>, vector<16xi32>,
      %get3A_173 = arith.index_cast %scan3A_6 : i32 to index
      %get3A_174 = arith.constant 64 : index
      %get3A_175 = tpu.vector_load %arg10[%get3A_173, %get3A_174] {strides = array<i32>} : memref<80x128xi32, #tpu.memory_space<vmem>>, vector<16xi32>,
      %gather3A_176 = tpu.vector_load_idx %arg7[%get3A_175] : memref<10112xf32, #tpu.memory_space<vmem>>[vector<16xi32>], vector<16xf32>,
      %gather3A_177 = tpu.vector_load_idx %arg8[%get3A_172] : memref<10112xf32, #tpu.memory_space<vmem>>[vector<16xi32>], vector<16xf32>,
      %add3A_178 = arith.addf %gather3A_176, %gather3A_177 : vector<16xf32>
      %abs3A_179 = math.absf %add3A_178 : vector<16xf32>
      %min3A_180 = arith.constant 2.000000e+01 : f32
      %min3A_181 = vector.broadcast %min3A_180 : f32 to vector<16xf32>
      %min3A_182 = arith.minimumf %abs3A_179, %min3A_181 : vector<16xf32>
      %sign3A_183 = tpu.bitcast %add3A_178 : vector<16xf32> -> vector<16xi32>
      %sign3A_184 = arith.constant -2147483648 : i32
      %sign3A_185 = vector.broadcast %sign3A_184 : i32 to vector<16xi32>
      %sign3A_186 = arith.andi %sign3A_183, %sign3A_185 : vector<16xi32>
      %sign3A_187 = arith.constant 1065353216 : i32
      %sign3A_188 = vector.broadcast %sign3A_187 : i32 to vector<16xi32>
      %sign3A_189 = arith.ori %sign3A_188, %sign3A_186 : vector<16xi32>
      %sign3A_190 = tpu.bitcast %sign3A_189 : vector<16xi32> -> vector<16xf32>
      %sign3A_191 = math.absf %add3A_178 : vector<16xf32>
      %sign3A_192 = arith.constant 0.000000e+00 : f32
      %sign3A_193 = vector.broadcast %sign3A_192 : f32 to vector<16xf32>
      %sign3A_194 = arith.cmpf ogt, %sign3A_191, %sign3A_193 : vector<16xf32>
      %sign3A_195 = arith.select %sign3A_194, %sign3A_190, %add3A_178 : vector<16xi1>, vector<16xf32>
      %mul3A_196 = arith.constant 2.000000e+00 : f32
      %mul3A_197 = vector.broadcast %mul3A_196 : f32 to vector<16xf32>
      %mul3A_198 = arith.mulf %mul3A_197, %min3A_182 : vector<16xf32>
      %exp3A_199 = math.exp %mul3A_198 : vector<16xf32>
      %add3A_200 = arith.constant 1.000000e+00 : f32
      %add3A_201 = vector.broadcast %add3A_200 : f32 to vector<16xf32>
      %add3A_202 = arith.addf %exp3A_199, %add3A_201 : vector<16xf32>
      %div3A_203 = arith.constant 2.000000e+00 : f32
      %div3A_204 = vector.broadcast %div3A_203 : f32 to vector<16xf32>
      %div3A_205 = arith.divf %div3A_204, %add3A_202 : vector<16xf32>
      %sub3A_206 = arith.constant 1.000000e+00 : f32
      %sub3A_207 = vector.broadcast %sub3A_206 : f32 to vector<16xf32>
      %sub3A_208 = arith.subf %sub3A_207, %div3A_205 : vector<16xf32>
      %mul3A_209 = arith.mulf %sign3A_195, %sub3A_208 : vector<16xf32>
      %swap3A_210 = arith.index_cast %scan3A_6 : i32 to index
      %swap3A_211 = arith.constant 64 : index
      %swap3A_212 = tpu.vector_load %arg11[%swap3A_210, %swap3A_211] {strides = array<i32>} : memref<80x128xf32, #tpu.memory_space<vmem>>, vector<16xf32>,
      tpu.vector_store %arg11[%swap3A_210, %swap3A_211], %mul3A_209 {strides = array<i32>} : memref<80x128xf32, #tpu.memory_space<vmem>>, vector<16xf32>,
      %get3A_213 = arith.index_cast %scan3A_6 : i32 to index
      %get3A_214 = arith.constant 80 : index
      %get3A_215 = tpu.vector_load %arg9[%get3A_213, %get3A_214] {strides = array<i32>} : memref<80x128xi32, #tpu.memory_space<vmem>>, vector<16xi32>,
      %get3A_216 = arith.index_cast %scan3A_6 : i32 to index
      %get3A_217 = arith.constant 80 : index
      %get3A_218 = tpu.vector_load %arg10[%get3A_216, %get3A_217] {strides = array<i32>} : memref<80x128xi32, #tpu.memory_space<vmem>>, vector<16xi32>,
      %gather3A_219 = tpu.vector_load_idx %arg7[%get3A_218] : memref<10112xf32, #tpu.memory_space<vmem>>[vector<16xi32>], vector<16xf32>,
      %gather3A_220 = tpu.vector_load_idx %arg8[%get3A_215] : memref<10112xf32, #tpu.memory_space<vmem>>[vector<16xi32>], vector<16xf32>,
      %add3A_221 = arith.addf %gather3A_219, %gather3A_220 : vector<16xf32>
      %abs3A_222 = math.absf %add3A_221 : vector<16xf32>
      %min3A_223 = arith.constant 2.000000e+01 : f32
      %min3A_224 = vector.broadcast %min3A_223 : f32 to vector<16xf32>
      %min3A_225 = arith.minimumf %abs3A_222, %min3A_224 : vector<16xf32>
      %sign3A_226 = tpu.bitcast %add3A_221 : vector<16xf32> -> vector<16xi32>
      %sign3A_227 = arith.constant -2147483648 : i32
      %sign3A_228 = vector.broadcast %sign3A_227 : i32 to vector<16xi32>
      %sign3A_229 = arith.andi %sign3A_226, %sign3A_228 : vector<16xi32>
      %sign3A_230 = arith.constant 1065353216 : i32
      %sign3A_231 = vector.broadcast %sign3A_230 : i32 to vector<16xi32>
      %sign3A_232 = arith.ori %sign3A_231, %sign3A_229 : vector<16xi32>
      %sign3A_233 = tpu.bitcast %sign3A_232 : vector<16xi32> -> vector<16xf32>
      %sign3A_234 = math.absf %add3A_221 : vector<16xf32>
      %sign3A_235 = arith.constant 0.000000e+00 : f32
      %sign3A_236 = vector.broadcast %sign3A_235 : f32 to vector<16xf32>
      %sign3A_237 = arith.cmpf ogt, %sign3A_234, %sign3A_236 : vector<16xf32>
      %sign3A_238 = arith.select %sign3A_237, %sign3A_233, %add3A_221 : vector<16xi1>, vector<16xf32>
      %mul3A_239 = arith.constant 2.000000e+00 : f32
      %mul3A_240 = vector.broadcast %mul3A_239 : f32 to vector<16xf32>
      %mul3A_241 = arith.mulf %mul3A_240, %min3A_225 : vector<16xf32>
      %exp3A_242 = math.exp %mul3A_241 : vector<16xf32>
      %add3A_243 = arith.constant 1.000000e+00 : f32
      %add3A_244 = vector.broadcast %add3A_243 : f32 to vector<16xf32>
      %add3A_245 = arith.addf %exp3A_242, %add3A_244 : vector<16xf32>
      %div3A_246 = arith.constant 2.000000e+00 : f32
      %div3A_247 = vector.broadcast %div3A_246 : f32 to vector<16xf32>
      %div3A_248 = arith.divf %div3A_247, %add3A_245 : vector<16xf32>
      %sub3A_249 = arith.constant 1.000000e+00 : f32
      %sub3A_250 = vector.broadcast %sub3A_249 : f32 to vector<16xf32>
      %sub3A_251 = arith.subf %sub3A_250, %div3A_248 : vector<16xf32>
      %mul3A_252 = arith.mulf %sign3A_238, %sub3A_251 : vector<16xf32>
      %swap3A_253 = arith.index_cast %scan3A_6 : i32 to index
      %swap3A_254 = arith.constant 80 : index
      %swap3A_255 = tpu.vector_load %arg11[%swap3A_253, %swap3A_254] {strides = array<i32>} : memref<80x128xf32, #tpu.memory_space<vmem>>, vector<16xf32>,
      tpu.vector_store %arg11[%swap3A_253, %swap3A_254], %mul3A_252 {strides = array<i32>} : memref<80x128xf32, #tpu.memory_space<vmem>>, vector<16xf32>,
      %get3A_256 = arith.index_cast %scan3A_6 : i32 to index
      %get3A_257 = arith.constant 96 : index
      %get3A_258 = tpu.vector_load %arg9[%get3A_256, %get3A_257] {strides = array<i32>} : memref<80x128xi32, #tpu.memory_space<vmem>>, vector<16xi32>,
      %get3A_259 = arith.index_cast %scan3A_6 : i32 to index
      %get3A_260 = arith.constant 96 : index
      %get3A_261 = tpu.vector_load %arg10[%get3A_259, %get3A_260] {strides = array<i32>} : memref<80x128xi32, #tpu.memory_space<vmem>>, vector<16xi32>,
      %gather3A_262 = tpu.vector_load_idx %arg7[%get3A_261] : memref<10112xf32, #tpu.memory_space<vmem>>[vector<16xi32>], vector<16xf32>,
      %gather3A_263 = tpu.vector_load_idx %arg8[%get3A_258] : memref<10112xf32, #tpu.memory_space<vmem>>[vector<16xi32>], vector<16xf32>,
      %add3A_264 = arith.addf %gather3A_262, %gather3A_263 : vector<16xf32>
      %abs3A_265 = math.absf %add3A_264 : vector<16xf32>
      %min3A_266 = arith.constant 2.000000e+01 : f32
      %min3A_267 = vector.broadcast %min3A_266 : f32 to vector<16xf32>
      %min3A_268 = arith.minimumf %abs3A_265, %min3A_267 : vector<16xf32>
      %sign3A_269 = tpu.bitcast %add3A_264 : vector<16xf32> -> vector<16xi32>
      %sign3A_270 = arith.constant -2147483648 : i32
      %sign3A_271 = vector.broadcast %sign3A_270 : i32 to vector<16xi32>
      %sign3A_272 = arith.andi %sign3A_269, %sign3A_271 : vector<16xi32>
      %sign3A_273 = arith.constant 1065353216 : i32
      %sign3A_274 = vector.broadcast %sign3A_273 : i32 to vector<16xi32>
      %sign3A_275 = arith.ori %sign3A_274, %sign3A_272 : vector<16xi32>
      %sign3A_276 = tpu.bitcast %sign3A_275 : vector<16xi32> -> vector<16xf32>
      %sign3A_277 = math.absf %add3A_264 : vector<16xf32>
      %sign3A_278 = arith.constant 0.000000e+00 : f32
      %sign3A_279 = vector.broadcast %sign3A_278 : f32 to vector<16xf32>
      %sign3A_280 = arith.cmpf ogt, %sign3A_277, %sign3A_279 : vector<16xf32>
      %sign3A_281 = arith.select %sign3A_280, %sign3A_276, %add3A_264 : vector<16xi1>, vector<16xf32>
      %mul3A_282 = arith.constant 2.000000e+00 : f32
      %mul3A_283 = vector.broadcast %mul3A_282 : f32 to vector<16xf32>
      %mul3A_284 = arith.mulf %mul3A_283, %min3A_268 : vector<16xf32>
      %exp3A_285 = math.exp %mul3A_284 : vector<16xf32>
      %add3A_286 = arith.constant 1.000000e+00 : f32
      %add3A_287 = vector.broadcast %add3A_286 : f32 to vector<16xf32>
      %add3A_288 = arith.addf %exp3A_285, %add3A_287 : vector<16xf32>
      %div3A_289 = arith.constant 2.000000e+00 : f32
      %div3A_290 = vector.broadcast %div3A_289 : f32 to vector<16xf32>
      %div3A_291 = arith.divf %div3A_290, %add3A_288 : vector<16xf32>
      %sub3A_292 = arith.constant 1.000000e+00 : f32
      %sub3A_293 = vector.broadcast %sub3A_292 : f32 to vector<16xf32>
      %sub3A_294 = arith.subf %sub3A_293, %div3A_291 : vector<16xf32>
      %mul3A_295 = arith.mulf %sign3A_281, %sub3A_294 : vector<16xf32>
      %swap3A_296 = arith.index_cast %scan3A_6 : i32 to index
      %swap3A_297 = arith.constant 96 : index
      %swap3A_298 = tpu.vector_load %arg11[%swap3A_296, %swap3A_297] {strides = array<i32>} : memref<80x128xf32, #tpu.memory_space<vmem>>, vector<16xf32>,
      tpu.vector_store %arg11[%swap3A_296, %swap3A_297], %mul3A_295 {strides = array<i32>} : memref<80x128xf32, #tpu.memory_space<vmem>>, vector<16xf32>,
      %get3A_299 = arith.index_cast %scan3A_6 : i32 to index
      %get3A_300 = arith.constant 112 : index
      %get3A_301 = tpu.vector_load %arg9[%get3A_299, %get3A_300] {strides = array<i32>} : memref<80x128xi32, #tpu.memory_space<vmem>>, vector<16xi32>,
      %get3A_302 = arith.index_cast %scan3A_6 : i32 to index
      %get3A_303 = arith.constant 112 : index
      %get3A_304 = tpu.vector_load %arg10[%get3A_302, %get3A_303] {strides = array<i32>} : memref<80x128xi32, #tpu.memory_space<vmem>>, vector<16xi32>,
      %gather3A_305 = tpu.vector_load_idx %arg7[%get3A_304] : memref<10112xf32, #tpu.memory_space<vmem>>[vector<16xi32>], vector<16xf32>,
      %gather3A_306 = tpu.vector_load_idx %arg8[%get3A_301] : memref<10112xf32, #tpu.memory_space<vmem>>[vector<16xi32>], vector<16xf32>,
      %add3A_307 = arith.addf %gather3A_305, %gather3A_306 : vector<16xf32>
      %abs3A_308 = math.absf %add3A_307 : vector<16xf32>
      %min3A_309 = arith.constant 2.000000e+01 : f32
      %min3A_310 = vector.broadcast %min3A_309 : f32 to vector<16xf32>
      %min3A_311 = arith.minimumf %abs3A_308, %min3A_310 : vector<16xf32>
      %sign3A_312 = tpu.bitcast %add3A_307 : vector<16xf32> -> vector<16xi32>
      %sign3A_313 = arith.constant -2147483648 : i32
      %sign3A_314 = vector.broadcast %sign3A_313 : i32 to vector<16xi32>
      %sign3A_315 = arith.andi %sign3A_312, %sign3A_314 : vector<16xi32>
      %sign3A_316 = arith.constant 1065353216 : i32
      %sign3A_317 = vector.broadcast %sign3A_316 : i32 to vector<16xi32>
      %sign3A_318 = arith.ori %sign3A_317, %sign3A_315 : vector<16xi32>
      %sign3A_319 = tpu.bitcast %sign3A_318 : vector<16xi32> -> vector<16xf32>
      %sign3A_320 = math.absf %add3A_307 : vector<16xf32>
      %sign3A_321 = arith.constant 0.000000e+00 : f32
      %sign3A_322 = vector.broadcast %sign3A_321 : f32 to vector<16xf32>
      %sign3A_323 = arith.cmpf ogt, %sign3A_320, %sign3A_322 : vector<16xf32>
      %sign3A_324 = arith.select %sign3A_323, %sign3A_319, %add3A_307 : vector<16xi1>, vector<16xf32>
      %mul3A_325 = arith.constant 2.000000e+00 : f32
      %mul3A_326 = vector.broadcast %mul3A_325 : f32 to vector<16xf32>
      %mul3A_327 = arith.mulf %mul3A_326, %min3A_311 : vector<16xf32>
      %exp3A_328 = math.exp %mul3A_327 : vector<16xf32>
      %add3A_329 = arith.constant 1.000000e+00 : f32
      %add3A_330 = vector.broadcast %add3A_329 : f32 to vector<16xf32>
      %add3A_331 = arith.addf %exp3A_328, %add3A_330 : vector<16xf32>
      %div3A_332 = arith.constant 2.000000e+00 : f32
      %div3A_333 = vector.broadcast %div3A_332 : f32 to vector<16xf32>
      %div3A_334 = arith.divf %div3A_333, %add3A_331 : vector<16xf32>
      %sub3A_335 = arith.constant 1.000000e+00 : f32
      %sub3A_336 = vector.broadcast %sub3A_335 : f32 to vector<16xf32>
      %sub3A_337 = arith.subf %sub3A_336, %div3A_334 : vector<16xf32>
      %mul3A_338 = arith.mulf %sign3A_324, %sub3A_337 : vector<16xf32>
      %swap3A_339 = arith.index_cast %scan3A_6 : i32 to index
      %swap3A_340 = arith.constant 112 : index
      %swap3A_341 = tpu.vector_load %arg11[%swap3A_339, %swap3A_340] {strides = array<i32>} : memref<80x128xf32, #tpu.memory_space<vmem>>, vector<16xf32>,
      tpu.vector_store %arg11[%swap3A_339, %swap3A_340], %mul3A_338 {strides = array<i32>} : memref<80x128xf32, #tpu.memory_space<vmem>>, vector<16xf32>,
    }
    %scan3A_5 = arith.constant 80 : i32
    "tpu.region"() ({
      %run_scoped3A = tpu.sem_alloc : memref<!tpu.dma_semaphore, #tpu.memory_space<semaphore_mem>>
      %dma_start3A = arith.constant 0 : i32
      %dma_start3A_6 = arith.constant 0 : i32
      %dma_start3A_7 = tpu.memref_slice %arg6[%add3A, %dma_start3A, %dma_start3A_6] : memref<32x80x128xf32, #tpu.memory_space<hbm>> -> memref<1x80x128xf32, #tpu.memory_space<hbm>>
      %dma_start3A_8 = tpu.memref_squeeze %dma_start3A_7 : memref<1x80x128xf32, #tpu.memory_space<hbm>> -> memref<80x128xf32, #tpu.memory_space<hbm>>
      %dma_start3A_9 = arith.constant 0 : i32
      %dma_start3A_10 = arith.constant 0 : i32
      %dma_start3A_11 = tpu.memref_slice %arg6[%add3A, %dma_start3A_9, %dma_start3A_10] : memref<32x80x128xf32, #tpu.memory_space<hbm>> -> memref<1x80x128xf32, #tpu.memory_space<hbm>>
      %dma_start3A_12 = tpu.memref_squeeze %dma_start3A_11 : memref<1x80x128xf32, #tpu.memory_space<hbm>> -> memref<80x128xf32, #tpu.memory_space<hbm>>
      tpu.enqueue_dma source(%arg11 : memref<80x128xf32, #tpu.memory_space<vmem>>) target(%dma_start3A_12 : memref<80x128xf32, #tpu.memory_space<hbm>>) target_semaphore(%run_scoped3A : memref<!tpu.dma_semaphore, #tpu.memory_space<semaphore_mem>>)
      %dma_wait3A = arith.constant 0 : i32
      %dma_wait3A_13 = arith.constant 0 : i32
      %dma_wait3A_14 = tpu.memref_slice %arg6[%add3A, %dma_wait3A, %dma_wait3A_13] : memref<32x80x128xf32, #tpu.memory_space<hbm>> -> memref<1x80x128xf32, #tpu.memory_space<hbm>>
      %dma_wait3A_15 = tpu.memref_squeeze %dma_wait3A_14 : memref<1x80x128xf32, #tpu.memory_space<hbm>> -> memref<80x128xf32, #tpu.memory_space<hbm>>
      %dma_wait3A_16 = arith.constant 0 : i32
      %dma_wait3A_17 = arith.constant 0 : i32
      %dma_wait3A_18 = tpu.memref_slice %arg6[%add3A, %dma_wait3A_16, %dma_wait3A_17] : memref<32x80x128xf32, #tpu.memory_space<hbm>> -> memref<1x80x128xf32, #tpu.memory_space<hbm>>
      %dma_wait3A_19 = tpu.memref_squeeze %dma_wait3A_18 : memref<1x80x128xf32, #tpu.memory_space<hbm>> -> memref<80x128xf32, #tpu.memory_space<hbm>>
      tpu.wait_dma2 semaphore(%run_scoped3A : memref<!tpu.dma_semaphore, #tpu.memory_space<semaphore_mem>>) src(%arg11 : memref<80x128xf32, #tpu.memory_space<vmem>>) dst(%dma_wait3A_19 : memref<80x128xf32, #tpu.memory_space<hbm>>)
      tpu.yield
    }) : () -> ()
    return
  }
}

#map = affine_map<(d0, d1) -> (0, 0)>
#map1 = affine_map<(d0, d1) -> (0, 0, 0)>
module attributes {stable_mosaic.version = 14 : i64} {
  func.func @_edge_body(%arg0: i32, %arg1: i32, %arg2: memref<10000x128xf32, #tpu.memory_space<hbm>>, %arg3: memref<2560x128xf32, #tpu.memory_space<hbm>>, %arg4: memref<2560x128xi32, #tpu.memory_space<hbm>>, %arg5: memref<2560x128xi32, #tpu.memory_space<hbm>>, %arg6: memref<632x128xf32, #tpu.memory_space<hbm>>, %arg7: memref<2x10112x128xf32, #tpu.memory_space<hbm>>, %arg8: memref<128x128xi32, #tpu.memory_space<vmem>>, %arg9: memref<2x128xi32, #tpu.memory_space<vmem>>, %arg10: memref<2x128xf32, #tpu.memory_space<vmem>>, %arg11: memref<128x128xf32, #tpu.memory_space<vmem>>, %arg12: memref<128x128xf32, #tpu.memory_space<vmem>>, %arg13: memref<10112x128xf32, #tpu.memory_space<vmem_shared>>, %arg14: memref<!tpu.dma_semaphore, #tpu.memory_space<semaphore_mem>>, %arg15: memref<!tpu.dma_semaphore, #tpu.memory_space<semaphore_mem>>, %arg16: memref<!tpu.dma_semaphore, #tpu.memory_space<semaphore_mem>>, %arg17: memref<!tpu.dma_semaphore, #tpu.memory_space<semaphore_mem>>, %arg18: memref<!tpu.dma_semaphore, #tpu.memory_space<semaphore_mem>>, %arg19: memref<!tpu.dma_semaphore, #tpu.memory_space<semaphore_mem>>, %arg20: memref<!tpu.dma_semaphore, #tpu.memory_space<semaphore_mem>>, %arg21: memref<!tpu.dma_semaphore, #tpu.memory_space<semaphore_mem>>) attributes {dimension_semantics = [#tpu.dimension_semantics<core_parallel>, #tpu.dimension_semantics<subcore_parallel>], iteration_bounds = array<i64: 2, 16>, scalar_prefetch = 0 : i64, scratch_operands = 14 : i64, tpu.core_type = #tpu.core_type<sc_vector_subcore>, window_params = [{transform_indices = #map}, {transform_indices = #map}, {transform_indices = #map}, {transform_indices = #map}, {transform_indices = #map}, {transform_indices = #map1}]} {
    %eq3A = arith.constant 0 : i32
    %eq3A_0 = arith.cmpi eq, %arg0, %eq3A : i32
    %mul3A = arith.constant 128 : i32
    %mul3A_1 = arith.muli %arg1, %mul3A : i32
    %mul3A_2 = arith.constant 32 : i32
    %mul3A_3 = arith.muli %arg1, %mul3A_2 : i32
    %add3A = arith.constant 2048 : i32
    %add3A_4 = arith.addi %add3A, %mul3A_3 : i32
    %select_n3A = arith.select %eq3A_0, %mul3A_1, %add3A_4 : i32
    %eq3A_5 = arith.constant 0 : i32
    %eq3A_6 = arith.cmpi eq, %arg0, %eq3A_5 : i32
    %jit3A = arith.constant 128 : i32
    %jit3A_7 = arith.constant 32 : i32
    %select_n3A_8 = arith.select %eq3A_6, %jit3A, %jit3A_7 : i32
    %add3A_9 = arith.constant 0 : i32
    %add3A_10 = arith.addi %select_n3A, %add3A_9 : i32
    %dma_start3A = arith.constant 0 : i32
    %dma_start3A_11 = arith.constant 0 : i32
    %dma_start3A_12 = tpu.memref_slice %arg9[%dma_start3A, %dma_start3A_11] : memref<2x128xi32, #tpu.memory_space<vmem>> -> memref<1x128xi32, #tpu.memory_space<vmem>>
    %dma_start3A_13 = tpu.memref_squeeze %dma_start3A_12 : memref<1x128xi32, #tpu.memory_space<vmem>> -> memref<128xi32, #tpu.memory_space<vmem>>
    %dma_start3A_14 = arith.constant 0 : i32
    %dma_start3A_15 = tpu.memref_slice %arg4[%add3A_10, %dma_start3A_14] : memref<2560x128xi32, #tpu.memory_space<hbm>> -> memref<1x128xi32, #tpu.memory_space<hbm>>
    %dma_start3A_16 = tpu.memref_squeeze %dma_start3A_15 : memref<1x128xi32, #tpu.memory_space<hbm>> -> memref<128xi32, #tpu.memory_space<hbm>>
    %dma_start3A_17 = arith.constant 0 : i32
    %dma_start3A_18 = tpu.memref_slice %arg9[%dma_start3A, %dma_start3A_17] : memref<2x128xi32, #tpu.memory_space<vmem>> -> memref<1x128xi32, #tpu.memory_space<vmem>>
    %dma_start3A_19 = tpu.memref_squeeze %dma_start3A_18 : memref<1x128xi32, #tpu.memory_space<vmem>> -> memref<128xi32, #tpu.memory_space<vmem>>
    %dma_start3A_20 = arith.constant 0 : i32
    %dma_start3A_21 = tpu.memref_slice %arg4[%add3A_10, %dma_start3A_20] : memref<2560x128xi32, #tpu.memory_space<hbm>> -> memref<1x128xi32, #tpu.memory_space<hbm>>
    %dma_start3A_22 = tpu.memref_squeeze %dma_start3A_21 : memref<1x128xi32, #tpu.memory_space<hbm>> -> memref<128xi32, #tpu.memory_space<hbm>>
    tpu.enqueue_dma source(%dma_start3A_22 : memref<128xi32, #tpu.memory_space<hbm>>) target(%dma_start3A_19 : memref<128xi32, #tpu.memory_space<vmem>>) target_semaphore(%arg18 : memref<!tpu.dma_semaphore, #tpu.memory_space<semaphore_mem>>)
    %add3A_23 = arith.constant 0 : i32
    %add3A_24 = arith.addi %select_n3A, %add3A_23 : i32
    %dma_start3A_25 = arith.constant 0 : i32
    %dma_start3A_26 = arith.constant 0 : i32
    %dma_start3A_27 = tpu.memref_slice %arg10[%dma_start3A_25, %dma_start3A_26] : memref<2x128xf32, #tpu.memory_space<vmem>> -> memref<1x128xf32, #tpu.memory_space<vmem>>
    %dma_start3A_28 = tpu.memref_squeeze %dma_start3A_27 : memref<1x128xf32, #tpu.memory_space<vmem>> -> memref<128xf32, #tpu.memory_space<vmem>>
    %dma_start3A_29 = arith.constant 0 : i32
    %dma_start3A_30 = tpu.memref_slice %arg3[%add3A_24, %dma_start3A_29] : memref<2560x128xf32, #tpu.memory_space<hbm>> -> memref<1x128xf32, #tpu.memory_space<hbm>>
    %dma_start3A_31 = tpu.memref_squeeze %dma_start3A_30 : memref<1x128xf32, #tpu.memory_space<hbm>> -> memref<128xf32, #tpu.memory_space<hbm>>
    %dma_start3A_32 = arith.constant 0 : i32
    %dma_start3A_33 = tpu.memref_slice %arg10[%dma_start3A_25, %dma_start3A_32] : memref<2x128xf32, #tpu.memory_space<vmem>> -> memref<1x128xf32, #tpu.memory_space<vmem>>
    %dma_start3A_34 = tpu.memref_squeeze %dma_start3A_33 : memref<1x128xf32, #tpu.memory_space<vmem>> -> memref<128xf32, #tpu.memory_space<vmem>>
    %dma_start3A_35 = arith.constant 0 : i32
    %dma_start3A_36 = tpu.memref_slice %arg3[%add3A_24, %dma_start3A_35] : memref<2560x128xf32, #tpu.memory_space<hbm>> -> memref<1x128xf32, #tpu.memory_space<hbm>>
    %dma_start3A_37 = tpu.memref_squeeze %dma_start3A_36 : memref<1x128xf32, #tpu.memory_space<hbm>> -> memref<128xf32, #tpu.memory_space<hbm>>
    tpu.enqueue_dma source(%dma_start3A_37 : memref<128xf32, #tpu.memory_space<hbm>>) target(%dma_start3A_34 : memref<128xf32, #tpu.memory_space<vmem>>) target_semaphore(%arg20 : memref<!tpu.dma_semaphore, #tpu.memory_space<semaphore_mem>>)
    %add3A_38 = arith.constant 1 : i32
    %add3A_39 = arith.addi %select_n3A, %add3A_38 : i32
    %dma_start3A_40 = arith.constant 1 : i32
    %dma_start3A_41 = arith.constant 0 : i32
    %dma_start3A_42 = tpu.memref_slice %arg9[%dma_start3A_40, %dma_start3A_41] : memref<2x128xi32, #tpu.memory_space<vmem>> -> memref<1x128xi32, #tpu.memory_space<vmem>>
    %dma_start3A_43 = tpu.memref_squeeze %dma_start3A_42 : memref<1x128xi32, #tpu.memory_space<vmem>> -> memref<128xi32, #tpu.memory_space<vmem>>
    %dma_start3A_44 = arith.constant 0 : i32
    %dma_start3A_45 = tpu.memref_slice %arg4[%add3A_39, %dma_start3A_44] : memref<2560x128xi32, #tpu.memory_space<hbm>> -> memref<1x128xi32, #tpu.memory_space<hbm>>
    %dma_start3A_46 = tpu.memref_squeeze %dma_start3A_45 : memref<1x128xi32, #tpu.memory_space<hbm>> -> memref<128xi32, #tpu.memory_space<hbm>>
    %dma_start3A_47 = arith.constant 0 : i32
    %dma_start3A_48 = tpu.memref_slice %arg9[%dma_start3A_40, %dma_start3A_47] : memref<2x128xi32, #tpu.memory_space<vmem>> -> memref<1x128xi32, #tpu.memory_space<vmem>>
    %dma_start3A_49 = tpu.memref_squeeze %dma_start3A_48 : memref<1x128xi32, #tpu.memory_space<vmem>> -> memref<128xi32, #tpu.memory_space<vmem>>
    %dma_start3A_50 = arith.constant 0 : i32
    %dma_start3A_51 = tpu.memref_slice %arg4[%add3A_39, %dma_start3A_50] : memref<2560x128xi32, #tpu.memory_space<hbm>> -> memref<1x128xi32, #tpu.memory_space<hbm>>
    %dma_start3A_52 = tpu.memref_squeeze %dma_start3A_51 : memref<1x128xi32, #tpu.memory_space<hbm>> -> memref<128xi32, #tpu.memory_space<hbm>>
    tpu.enqueue_dma source(%dma_start3A_52 : memref<128xi32, #tpu.memory_space<hbm>>) target(%dma_start3A_49 : memref<128xi32, #tpu.memory_space<vmem>>) target_semaphore(%arg19 : memref<!tpu.dma_semaphore, #tpu.memory_space<semaphore_mem>>)
    %add3A_53 = arith.constant 1 : i32
    %add3A_54 = arith.addi %select_n3A, %add3A_53 : i32
    %dma_start3A_55 = arith.constant 1 : i32
    %dma_start3A_56 = arith.constant 0 : i32
    %dma_start3A_57 = tpu.memref_slice %arg10[%dma_start3A_55, %dma_start3A_56] : memref<2x128xf32, #tpu.memory_space<vmem>> -> memref<1x128xf32, #tpu.memory_space<vmem>>
    %dma_start3A_58 = tpu.memref_squeeze %dma_start3A_57 : memref<1x128xf32, #tpu.memory_space<vmem>> -> memref<128xf32, #tpu.memory_space<vmem>>
    %dma_start3A_59 = arith.constant 0 : i32
    %dma_start3A_60 = tpu.memref_slice %arg3[%add3A_54, %dma_start3A_59] : memref<2560x128xf32, #tpu.memory_space<hbm>> -> memref<1x128xf32, #tpu.memory_space<hbm>>
    %dma_start3A_61 = tpu.memref_squeeze %dma_start3A_60 : memref<1x128xf32, #tpu.memory_space<hbm>> -> memref<128xf32, #tpu.memory_space<hbm>>
    %dma_start3A_62 = arith.constant 0 : i32
    %dma_start3A_63 = tpu.memref_slice %arg10[%dma_start3A_55, %dma_start3A_62] : memref<2x128xf32, #tpu.memory_space<vmem>> -> memref<1x128xf32, #tpu.memory_space<vmem>>
    %dma_start3A_64 = tpu.memref_squeeze %dma_start3A_63 : memref<1x128xf32, #tpu.memory_space<vmem>> -> memref<128xf32, #tpu.memory_space<vmem>>
    %dma_start3A_65 = arith.constant 0 : i32
    %dma_start3A_66 = tpu.memref_slice %arg3[%add3A_54, %dma_start3A_65] : memref<2560x128xf32, #tpu.memory_space<hbm>> -> memref<1x128xf32, #tpu.memory_space<hbm>>
    %dma_start3A_67 = tpu.memref_squeeze %dma_start3A_66 : memref<1x128xf32, #tpu.memory_space<hbm>> -> memref<128xf32, #tpu.memory_space<hbm>>
    tpu.enqueue_dma source(%dma_start3A_67 : memref<128xf32, #tpu.memory_space<hbm>>) target(%dma_start3A_64 : memref<128xf32, #tpu.memory_space<vmem>>) target_semaphore(%arg21 : memref<!tpu.dma_semaphore, #tpu.memory_space<semaphore_mem>>)
    "tpu.region"() ({
      %run_scoped3A = tpu.sem_alloc : memref<!tpu.dma_semaphore, #tpu.memory_space<semaphore_mem>>
      %dma_start3A_189 = arith.constant 0 : i32
      %dma_start3A_190 = tpu.memref_slice %arg5[%select_n3A, %dma_start3A_189] : memref<2560x128xi32, #tpu.memory_space<hbm>> -> memref<128x128xi32, #tpu.memory_space<hbm>>
      %dma_start3A_191 = arith.constant 0 : i32
      %dma_start3A_192 = tpu.memref_slice %arg5[%select_n3A, %dma_start3A_191] : memref<2560x128xi32, #tpu.memory_space<hbm>> -> memref<128x128xi32, #tpu.memory_space<hbm>>
      tpu.enqueue_dma source(%dma_start3A_192 : memref<128x128xi32, #tpu.memory_space<hbm>>) target(%arg8 : memref<128x128xi32, #tpu.memory_space<vmem>>) target_semaphore(%run_scoped3A : memref<!tpu.dma_semaphore, #tpu.memory_space<semaphore_mem>>)
      %dma_wait3A_193 = arith.constant 0 : i32
      %dma_wait3A_194 = tpu.memref_slice %arg5[%select_n3A, %dma_wait3A_193] : memref<2560x128xi32, #tpu.memory_space<hbm>> -> memref<128x128xi32, #tpu.memory_space<hbm>>
      %dma_wait3A_195 = arith.constant 0 : i32
      %dma_wait3A_196 = tpu.memref_slice %arg5[%select_n3A, %dma_wait3A_195] : memref<2560x128xi32, #tpu.memory_space<hbm>> -> memref<128x128xi32, #tpu.memory_space<hbm>>
      tpu.wait_dma2 semaphore(%run_scoped3A : memref<!tpu.dma_semaphore, #tpu.memory_space<semaphore_mem>>) src(%dma_wait3A_196 : memref<128x128xi32, #tpu.memory_space<hbm>>) dst(%arg8 : memref<128x128xi32, #tpu.memory_space<vmem>>)
      tpu.yield
    }) : () -> ()
    %mul3A_68 = arith.constant 632 : i32
    %mul3A_69 = arith.muli %arg1, %mul3A_68 : i32
    "tpu.region"() ({
      %run_scoped3A = tpu.sem_alloc : memref<!tpu.dma_semaphore, #tpu.memory_space<semaphore_mem>>
      %dma_start3A_189 = arith.constant 0 : i32
      %dma_start3A_190 = tpu.memref_slice %arg13[%mul3A_69, %dma_start3A_189] : memref<10112x128xf32, #tpu.memory_space<vmem_shared>> -> memref<632x128xf32, #tpu.memory_space<vmem_shared>>
      tpu.enqueue_dma source(%arg6 : memref<632x128xf32, #tpu.memory_space<hbm>>) target(%dma_start3A_190 : memref<632x128xf32, #tpu.memory_space<vmem_shared>>) target_semaphore(%run_scoped3A : memref<!tpu.dma_semaphore, #tpu.memory_space<semaphore_mem>>)
      %dma_wait3A_191 = arith.constant 0 : i32
      %dma_wait3A_192 = tpu.memref_slice %arg13[%mul3A_69, %dma_wait3A_191] : memref<10112x128xf32, #tpu.memory_space<vmem_shared>> -> memref<632x128xf32, #tpu.memory_space<vmem_shared>>
      tpu.wait_dma2 semaphore(%run_scoped3A : memref<!tpu.dma_semaphore, #tpu.memory_space<semaphore_mem>>) src(%arg6 : memref<632x128xf32, #tpu.memory_space<hbm>>) dst(%dma_wait3A_192 : memref<632x128xf32, #tpu.memory_space<vmem_shared>>)
      tpu.yield
    }) : () -> ()
    %barrier3A = arith.constant 0 : index
    tpu.barrier barrier_id(%barrier3A)
    %add3A_70 = arith.constant 0 : i32
    %add3A_71 = arith.addi %select_n3A, %add3A_70 : i32
    %dma_wait3A = arith.constant 0 : i32
    %dma_wait3A_72 = arith.constant 0 : i32
    %dma_wait3A_73 = tpu.memref_slice %arg9[%dma_wait3A, %dma_wait3A_72] : memref<2x128xi32, #tpu.memory_space<vmem>> -> memref<1x128xi32, #tpu.memory_space<vmem>>
    %dma_wait3A_74 = tpu.memref_squeeze %dma_wait3A_73 : memref<1x128xi32, #tpu.memory_space<vmem>> -> memref<128xi32, #tpu.memory_space<vmem>>
    %dma_wait3A_75 = arith.constant 0 : i32
    %dma_wait3A_76 = tpu.memref_slice %arg4[%add3A_71, %dma_wait3A_75] : memref<2560x128xi32, #tpu.memory_space<hbm>> -> memref<1x128xi32, #tpu.memory_space<hbm>>
    %dma_wait3A_77 = tpu.memref_squeeze %dma_wait3A_76 : memref<1x128xi32, #tpu.memory_space<hbm>> -> memref<128xi32, #tpu.memory_space<hbm>>
    %dma_wait3A_78 = arith.constant 0 : i32
    %dma_wait3A_79 = tpu.memref_slice %arg9[%dma_wait3A, %dma_wait3A_78] : memref<2x128xi32, #tpu.memory_space<vmem>> -> memref<1x128xi32, #tpu.memory_space<vmem>>
    %dma_wait3A_80 = tpu.memref_squeeze %dma_wait3A_79 : memref<1x128xi32, #tpu.memory_space<vmem>> -> memref<128xi32, #tpu.memory_space<vmem>>
    %dma_wait3A_81 = arith.constant 0 : i32
    %dma_wait3A_82 = tpu.memref_slice %arg4[%add3A_71, %dma_wait3A_81] : memref<2560x128xi32, #tpu.memory_space<hbm>> -> memref<1x128xi32, #tpu.memory_space<hbm>>
    %dma_wait3A_83 = tpu.memref_squeeze %dma_wait3A_82 : memref<1x128xi32, #tpu.memory_space<hbm>> -> memref<128xi32, #tpu.memory_space<hbm>>
    tpu.wait_dma2 semaphore(%arg18 : memref<!tpu.dma_semaphore, #tpu.memory_space<semaphore_mem>>) src(%dma_wait3A_83 : memref<128xi32, #tpu.memory_space<hbm>>) dst(%dma_wait3A_80 : memref<128xi32, #tpu.memory_space<vmem>>)
    %add3A_84 = arith.constant 0 : i32
    %add3A_85 = arith.addi %select_n3A, %add3A_84 : i32
    %dma_wait3A_86 = arith.constant 0 : i32
    %dma_wait3A_87 = arith.constant 0 : i32
    %dma_wait3A_88 = tpu.memref_slice %arg10[%dma_wait3A_86, %dma_wait3A_87] : memref<2x128xf32, #tpu.memory_space<vmem>> -> memref<1x128xf32, #tpu.memory_space<vmem>>
    %dma_wait3A_89 = tpu.memref_squeeze %dma_wait3A_88 : memref<1x128xf32, #tpu.memory_space<vmem>> -> memref<128xf32, #tpu.memory_space<vmem>>
    %dma_wait3A_90 = arith.constant 0 : i32
    %dma_wait3A_91 = tpu.memref_slice %arg3[%add3A_85, %dma_wait3A_90] : memref<2560x128xf32, #tpu.memory_space<hbm>> -> memref<1x128xf32, #tpu.memory_space<hbm>>
    %dma_wait3A_92 = tpu.memref_squeeze %dma_wait3A_91 : memref<1x128xf32, #tpu.memory_space<hbm>> -> memref<128xf32, #tpu.memory_space<hbm>>
    %dma_wait3A_93 = arith.constant 0 : i32
    %dma_wait3A_94 = tpu.memref_slice %arg10[%dma_wait3A_86, %dma_wait3A_93] : memref<2x128xf32, #tpu.memory_space<vmem>> -> memref<1x128xf32, #tpu.memory_space<vmem>>
    %dma_wait3A_95 = tpu.memref_squeeze %dma_wait3A_94 : memref<1x128xf32, #tpu.memory_space<vmem>> -> memref<128xf32, #tpu.memory_space<vmem>>
    %dma_wait3A_96 = arith.constant 0 : i32
    %dma_wait3A_97 = tpu.memref_slice %arg3[%add3A_85, %dma_wait3A_96] : memref<2560x128xf32, #tpu.memory_space<hbm>> -> memref<1x128xf32, #tpu.memory_space<hbm>>
    %dma_wait3A_98 = tpu.memref_squeeze %dma_wait3A_97 : memref<1x128xf32, #tpu.memory_space<hbm>> -> memref<128xf32, #tpu.memory_space<hbm>>
    tpu.wait_dma2 semaphore(%arg20 : memref<!tpu.dma_semaphore, #tpu.memory_space<semaphore_mem>>) src(%dma_wait3A_98 : memref<128xf32, #tpu.memory_space<hbm>>) dst(%dma_wait3A_95 : memref<128xf32, #tpu.memory_space<vmem>>)
    %dma_start3A_99 = arith.constant 0 : i32
    %dma_start3A_100 = arith.constant 0 : i32
    %dma_start3A_101 = tpu.memref_slice %arg9[%dma_start3A_99, %dma_start3A_100] : memref<2x128xi32, #tpu.memory_space<vmem>> -> memref<1x128xi32, #tpu.memory_space<vmem>>
    %dma_start3A_102 = tpu.memref_squeeze %dma_start3A_101 : memref<1x128xi32, #tpu.memory_space<vmem>> -> memref<128xi32, #tpu.memory_space<vmem>>
    %dma_start3A_103 = arith.constant 0 : i32
    %dma_start3A_104 = arith.constant 0 : i32
    %dma_start3A_105 = tpu.memref_slice %arg2[%dma_start3A_103, %dma_start3A_104] : memref<10000x128xf32, #tpu.memory_space<hbm>> -> memref<10000x128xf32, #tpu.memory_space<hbm>>
    tpu.enqueue_indirect_dma source(%dma_start3A_105 : memref<10000x128xf32, #tpu.memory_space<hbm>>) target(%arg11 : memref<128x128xf32, #tpu.memory_space<vmem>>) offsets(%dma_start3A_102 : memref<128xi32, #tpu.memory_space<vmem>>) semaphore(%arg14 : memref<!tpu.dma_semaphore, #tpu.memory_space<semaphore_mem>>)
    %add3A_106 = arith.constant 1 : i32
    %add3A_107 = arith.addi %select_n3A, %add3A_106 : i32
    %dma_wait3A_108 = arith.constant 1 : i32
    %dma_wait3A_109 = arith.constant 0 : i32
    %dma_wait3A_110 = tpu.memref_slice %arg9[%dma_wait3A_108, %dma_wait3A_109] : memref<2x128xi32, #tpu.memory_space<vmem>> -> memref<1x128xi32, #tpu.memory_space<vmem>>
    %dma_wait3A_111 = tpu.memref_squeeze %dma_wait3A_110 : memref<1x128xi32, #tpu.memory_space<vmem>> -> memref<128xi32, #tpu.memory_space<vmem>>
    %dma_wait3A_112 = arith.constant 0 : i32
    %dma_wait3A_113 = tpu.memref_slice %arg4[%add3A_107, %dma_wait3A_112] : memref<2560x128xi32, #tpu.memory_space<hbm>> -> memref<1x128xi32, #tpu.memory_space<hbm>>
    %dma_wait3A_114 = tpu.memref_squeeze %dma_wait3A_113 : memref<1x128xi32, #tpu.memory_space<hbm>> -> memref<128xi32, #tpu.memory_space<hbm>>
    %dma_wait3A_115 = arith.constant 0 : i32
    %dma_wait3A_116 = tpu.memref_slice %arg9[%dma_wait3A_108, %dma_wait3A_115] : memref<2x128xi32, #tpu.memory_space<vmem>> -> memref<1x128xi32, #tpu.memory_space<vmem>>
    %dma_wait3A_117 = tpu.memref_squeeze %dma_wait3A_116 : memref<1x128xi32, #tpu.memory_space<vmem>> -> memref<128xi32, #tpu.memory_space<vmem>>
    %dma_wait3A_118 = arith.constant 0 : i32
    %dma_wait3A_119 = tpu.memref_slice %arg4[%add3A_107, %dma_wait3A_118] : memref<2560x128xi32, #tpu.memory_space<hbm>> -> memref<1x128xi32, #tpu.memory_space<hbm>>
    %dma_wait3A_120 = tpu.memref_squeeze %dma_wait3A_119 : memref<1x128xi32, #tpu.memory_space<hbm>> -> memref<128xi32, #tpu.memory_space<hbm>>
    tpu.wait_dma2 semaphore(%arg19 : memref<!tpu.dma_semaphore, #tpu.memory_space<semaphore_mem>>) src(%dma_wait3A_120 : memref<128xi32, #tpu.memory_space<hbm>>) dst(%dma_wait3A_117 : memref<128xi32, #tpu.memory_space<vmem>>)
    %add3A_121 = arith.constant 1 : i32
    %add3A_122 = arith.addi %select_n3A, %add3A_121 : i32
    %dma_wait3A_123 = arith.constant 1 : i32
    %dma_wait3A_124 = arith.constant 0 : i32
    %dma_wait3A_125 = tpu.memref_slice %arg10[%dma_wait3A_123, %dma_wait3A_124] : memref<2x128xf32, #tpu.memory_space<vmem>> -> memref<1x128xf32, #tpu.memory_space<vmem>>
    %dma_wait3A_126 = tpu.memref_squeeze %dma_wait3A_125 : memref<1x128xf32, #tpu.memory_space<vmem>> -> memref<128xf32, #tpu.memory_space<vmem>>
    %dma_wait3A_127 = arith.constant 0 : i32
    %dma_wait3A_128 = tpu.memref_slice %arg3[%add3A_122, %dma_wait3A_127] : memref<2560x128xf32, #tpu.memory_space<hbm>> -> memref<1x128xf32, #tpu.memory_space<hbm>>
    %dma_wait3A_129 = tpu.memref_squeeze %dma_wait3A_128 : memref<1x128xf32, #tpu.memory_space<hbm>> -> memref<128xf32, #tpu.memory_space<hbm>>
    %dma_wait3A_130 = arith.constant 0 : i32
    %dma_wait3A_131 = tpu.memref_slice %arg10[%dma_wait3A_123, %dma_wait3A_130] : memref<2x128xf32, #tpu.memory_space<vmem>> -> memref<1x128xf32, #tpu.memory_space<vmem>>
    %dma_wait3A_132 = tpu.memref_squeeze %dma_wait3A_131 : memref<1x128xf32, #tpu.memory_space<vmem>> -> memref<128xf32, #tpu.memory_space<vmem>>
    %dma_wait3A_133 = arith.constant 0 : i32
    %dma_wait3A_134 = tpu.memref_slice %arg3[%add3A_122, %dma_wait3A_133] : memref<2560x128xf32, #tpu.memory_space<hbm>> -> memref<1x128xf32, #tpu.memory_space<hbm>>
    %dma_wait3A_135 = tpu.memref_squeeze %dma_wait3A_134 : memref<1x128xf32, #tpu.memory_space<hbm>> -> memref<128xf32, #tpu.memory_space<hbm>>
    tpu.wait_dma2 semaphore(%arg21 : memref<!tpu.dma_semaphore, #tpu.memory_space<semaphore_mem>>) src(%dma_wait3A_135 : memref<128xf32, #tpu.memory_space<hbm>>) dst(%dma_wait3A_132 : memref<128xf32, #tpu.memory_space<vmem>>)
    %dma_start3A_136 = arith.constant 1 : i32
    %dma_start3A_137 = arith.constant 0 : i32
    %dma_start3A_138 = tpu.memref_slice %arg9[%dma_start3A_136, %dma_start3A_137] : memref<2x128xi32, #tpu.memory_space<vmem>> -> memref<1x128xi32, #tpu.memory_space<vmem>>
    %dma_start3A_139 = tpu.memref_squeeze %dma_start3A_138 : memref<1x128xi32, #tpu.memory_space<vmem>> -> memref<128xi32, #tpu.memory_space<vmem>>
    %dma_start3A_140 = arith.constant 0 : i32
    %dma_start3A_141 = arith.constant 0 : i32
    %dma_start3A_142 = tpu.memref_slice %arg2[%dma_start3A_140, %dma_start3A_141] : memref<10000x128xf32, #tpu.memory_space<hbm>> -> memref<10000x128xf32, #tpu.memory_space<hbm>>
    tpu.enqueue_indirect_dma source(%dma_start3A_142 : memref<10000x128xf32, #tpu.memory_space<hbm>>) target(%arg12 : memref<128x128xf32, #tpu.memory_space<vmem>>) offsets(%dma_start3A_139 : memref<128xi32, #tpu.memory_space<vmem>>) semaphore(%arg15 : memref<!tpu.dma_semaphore, #tpu.memory_space<semaphore_mem>>)
    %jit3A_143 = arith.constant 2 : i32
    %div3A = arith.divsi %select_n3A_8, %jit3A_143 : i32
    %sign3A = arith.constant 0 : i32
    %sign3A_144 = arith.cmpi sgt, %select_n3A_8, %sign3A : i32
    %sign3A_145 = arith.extui %sign3A_144 : i1 to i32
    %sign3A_146 = arith.constant 0 : i32
    %sign3A_147 = arith.cmpi slt, %select_n3A_8, %sign3A_146 : i32
    %sign3A_148 = arith.extui %sign3A_147 : i1 to i32
    %sign3A_149 = arith.subi %sign3A_145, %sign3A_148 : i32
    %sign3A_150 = arith.constant 0 : i32
    %sign3A_151 = arith.cmpi sgt, %jit3A_143, %sign3A_150 : i32
    %sign3A_152 = arith.extui %sign3A_151 : i1 to i32
    %sign3A_153 = arith.constant 0 : i32
    %sign3A_154 = arith.cmpi slt, %jit3A_143, %sign3A_153 : i32
    %sign3A_155 = arith.extui %sign3A_154 : i1 to i32
    %sign3A_156 = arith.subi %sign3A_152, %sign3A_155 : i32
    %ne3A = arith.cmpi ne, %sign3A_149, %sign3A_156 : i32
    %rem3A = arith.remsi %select_n3A_8, %jit3A_143 : i32
    %ne3A_157 = arith.constant 0 : i32
    %ne3A_158 = arith.cmpi ne, %rem3A, %ne3A_157 : i32
    %and3A = arith.andi %ne3A, %ne3A_158 : i1
    %sub3A = arith.constant 1 : i32
    %sub3A_159 = arith.subi %div3A, %sub3A : i32
    %select_n3A_160 = arith.select %and3A, %sub3A_159, %div3A : i32
    %while3A = arith.constant 0 : i32
    %while3A_161 = arith.constant 0 : i32
    %while3A_162 = arith.subi %select_n3A_160, %while3A_161 : i32
    %while3A_163 = arith.addi %while3A_161, %while3A_162 : i32
    %while3A_164 = arith.constant 1 : i32
    %while3A_165 = arith.divsi %while3A_162, %while3A_164 : i32
    %while3A_166 = arith.muli %while3A_165, %while3A_164 : i32
    %while3A_167 = arith.addi %while3A_161, %while3A_166 : i32
    %while3A_168 = arith.constant 1 : i32
    scf.for %while3A_189 = %while3A_161 to %while3A_167 step %while3A_168  : i32 {
      %mul3A_190 = arith.constant 2 : i32
      %mul3A_191 = arith.muli %mul3A_190, %while3A_189 : i32
      %add3A_192 = arith.constant 0 : i32
      %add3A_193 = arith.addi %mul3A_191, %add3A_192 : i32
      %dma_wait3A_194 = arith.constant 0 : i32
      %dma_wait3A_195 = arith.constant 0 : i32
      %dma_wait3A_196 = tpu.memref_slice %arg9[%dma_wait3A_194, %dma_wait3A_195] : memref<2x128xi32, #tpu.memory_space<vmem>> -> memref<1x128xi32, #tpu.memory_space<vmem>>
      %dma_wait3A_197 = tpu.memref_squeeze %dma_wait3A_196 : memref<1x128xi32, #tpu.memory_space<vmem>> -> memref<128xi32, #tpu.memory_space<vmem>>
      %dma_wait3A_198 = arith.constant 0 : i32
      %dma_wait3A_199 = arith.constant 0 : i32
      %dma_wait3A_200 = tpu.memref_slice %arg2[%dma_wait3A_198, %dma_wait3A_199] : memref<10000x128xf32, #tpu.memory_space<hbm>> -> memref<10000x128xf32, #tpu.memory_space<hbm>>
      tpu.wait_indirect_dma semaphore(%arg14 : memref<!tpu.dma_semaphore, #tpu.memory_space<semaphore_mem>>) src(%dma_wait3A_200 : memref<10000x128xf32, #tpu.memory_space<hbm>>) dst(%arg11 : memref<128x128xf32, #tpu.memory_space<vmem>>)
      %scan3A = arith.constant 0 : i32
      %scan3A_201 = arith.constant 0 : i32
      %scan3A_202 = arith.constant 128 : i32
      %scan3A_203 = arith.addi %scan3A_201, %scan3A_202 : i32
      %scan3A_204 = arith.constant 1 : i32
      scf.for %scan3A_416 = %scan3A_201 to %scan3A_203 step %scan3A_204  : i32 {
        %broadcast_in_dim3A = arith.constant 0 : i32
        %broadcast_in_dim3A_417 = vector.broadcast %broadcast_in_dim3A : i32 to vector<16xi32>
        %broadcast_in_dim3A_418 = vector.broadcast %scan3A_416 : i32 to vector<16xi32>
        %gather3A = tpu.vector_load_idx %arg10[%broadcast_in_dim3A_417, %broadcast_in_dim3A_418] : memref<2x128xf32, #tpu.memory_space<vmem>>[vector<16xi32>, vector<16xi32>], vector<16xf32>,
        %get3A = arith.index_cast %scan3A_416 : i32 to index
        %get3A_419 = arith.constant 0 : index
        %get3A_420 = tpu.vector_load %arg11[%get3A, %get3A_419] {strides = array<i32>} : memref<128x128xf32, #tpu.memory_space<vmem>>, vector<16xf32>,
        %mul3A_421 = arith.mulf %get3A_420, %gather3A : vector<16xf32>
        %swap3A = arith.index_cast %scan3A_416 : i32 to index
        %swap3A_422 = arith.constant 0 : index
        %swap3A_423 = tpu.vector_load %arg11[%swap3A, %swap3A_422] {strides = array<i32>} : memref<128x128xf32, #tpu.memory_space<vmem>>, vector<16xf32>,
        tpu.vector_store %arg11[%swap3A, %swap3A_422], %mul3A_421 {strides = array<i32>} : memref<128x128xf32, #tpu.memory_space<vmem>>, vector<16xf32>,
        %get3A_424 = arith.index_cast %scan3A_416 : i32 to index
        %get3A_425 = arith.constant 16 : index
        %get3A_426 = tpu.vector_load %arg11[%get3A_424, %get3A_425] {strides = array<i32>} : memref<128x128xf32, #tpu.memory_space<vmem>>, vector<16xf32>,
        %mul3A_427 = arith.mulf %get3A_426, %gather3A : vector<16xf32>
        %swap3A_428 = arith.index_cast %scan3A_416 : i32 to index
        %swap3A_429 = arith.constant 16 : index
        %swap3A_430 = tpu.vector_load %arg11[%swap3A_428, %swap3A_429] {strides = array<i32>} : memref<128x128xf32, #tpu.memory_space<vmem>>, vector<16xf32>,
        tpu.vector_store %arg11[%swap3A_428, %swap3A_429], %mul3A_427 {strides = array<i32>} : memref<128x128xf32, #tpu.memory_space<vmem>>, vector<16xf32>,
        %get3A_431 = arith.index_cast %scan3A_416 : i32 to index
        %get3A_432 = arith.constant 32 : index
        %get3A_433 = tpu.vector_load %arg11[%get3A_431, %get3A_432] {strides = array<i32>} : memref<128x128xf32, #tpu.memory_space<vmem>>, vector<16xf32>,
        %mul3A_434 = arith.mulf %get3A_433, %gather3A : vector<16xf32>
        %swap3A_435 = arith.index_cast %scan3A_416 : i32 to index
        %swap3A_436 = arith.constant 32 : index
        %swap3A_437 = tpu.vector_load %arg11[%swap3A_435, %swap3A_436] {strides = array<i32>} : memref<128x128xf32, #tpu.memory_space<vmem>>, vector<16xf32>,
        tpu.vector_store %arg11[%swap3A_435, %swap3A_436], %mul3A_434 {strides = array<i32>} : memref<128x128xf32, #tpu.memory_space<vmem>>, vector<16xf32>,
        %get3A_438 = arith.index_cast %scan3A_416 : i32 to index
        %get3A_439 = arith.constant 48 : index
        %get3A_440 = tpu.vector_load %arg11[%get3A_438, %get3A_439] {strides = array<i32>} : memref<128x128xf32, #tpu.memory_space<vmem>>, vector<16xf32>,
        %mul3A_441 = arith.mulf %get3A_440, %gather3A : vector<16xf32>
        %swap3A_442 = arith.index_cast %scan3A_416 : i32 to index
        %swap3A_443 = arith.constant 48 : index
        %swap3A_444 = tpu.vector_load %arg11[%swap3A_442, %swap3A_443] {strides = array<i32>} : memref<128x128xf32, #tpu.memory_space<vmem>>, vector<16xf32>,
        tpu.vector_store %arg11[%swap3A_442, %swap3A_443], %mul3A_441 {strides = array<i32>} : memref<128x128xf32, #tpu.memory_space<vmem>>, vector<16xf32>,
        %get3A_445 = arith.index_cast %scan3A_416 : i32 to index
        %get3A_446 = arith.constant 64 : index
        %get3A_447 = tpu.vector_load %arg11[%get3A_445, %get3A_446] {strides = array<i32>} : memref<128x128xf32, #tpu.memory_space<vmem>>, vector<16xf32>,
        %mul3A_448 = arith.mulf %get3A_447, %gather3A : vector<16xf32>
        %swap3A_449 = arith.index_cast %scan3A_416 : i32 to index
        %swap3A_450 = arith.constant 64 : index
        %swap3A_451 = tpu.vector_load %arg11[%swap3A_449, %swap3A_450] {strides = array<i32>} : memref<128x128xf32, #tpu.memory_space<vmem>>, vector<16xf32>,
        tpu.vector_store %arg11[%swap3A_449, %swap3A_450], %mul3A_448 {strides = array<i32>} : memref<128x128xf32, #tpu.memory_space<vmem>>, vector<16xf32>,
        %get3A_452 = arith.index_cast %scan3A_416 : i32 to index
        %get3A_453 = arith.constant 80 : index
        %get3A_454 = tpu.vector_load %arg11[%get3A_452, %get3A_453] {strides = array<i32>} : memref<128x128xf32, #tpu.memory_space<vmem>>, vector<16xf32>,
        %mul3A_455 = arith.mulf %get3A_454, %gather3A : vector<16xf32>
        %swap3A_456 = arith.index_cast %scan3A_416 : i32 to index
        %swap3A_457 = arith.constant 80 : index
        %swap3A_458 = tpu.vector_load %arg11[%swap3A_456, %swap3A_457] {strides = array<i32>} : memref<128x128xf32, #tpu.memory_space<vmem>>, vector<16xf32>,
        tpu.vector_store %arg11[%swap3A_456, %swap3A_457], %mul3A_455 {strides = array<i32>} : memref<128x128xf32, #tpu.memory_space<vmem>>, vector<16xf32>,
        %get3A_459 = arith.index_cast %scan3A_416 : i32 to index
        %get3A_460 = arith.constant 96 : index
        %get3A_461 = tpu.vector_load %arg11[%get3A_459, %get3A_460] {strides = array<i32>} : memref<128x128xf32, #tpu.memory_space<vmem>>, vector<16xf32>,
        %mul3A_462 = arith.mulf %get3A_461, %gather3A : vector<16xf32>
        %swap3A_463 = arith.index_cast %scan3A_416 : i32 to index
        %swap3A_464 = arith.constant 96 : index
        %swap3A_465 = tpu.vector_load %arg11[%swap3A_463, %swap3A_464] {strides = array<i32>} : memref<128x128xf32, #tpu.memory_space<vmem>>, vector<16xf32>,
        tpu.vector_store %arg11[%swap3A_463, %swap3A_464], %mul3A_462 {strides = array<i32>} : memref<128x128xf32, #tpu.memory_space<vmem>>, vector<16xf32>,
        %get3A_466 = arith.index_cast %scan3A_416 : i32 to index
        %get3A_467 = arith.constant 112 : index
        %get3A_468 = tpu.vector_load %arg11[%get3A_466, %get3A_467] {strides = array<i32>} : memref<128x128xf32, #tpu.memory_space<vmem>>, vector<16xf32>,
        %mul3A_469 = arith.mulf %get3A_468, %gather3A : vector<16xf32>
        %swap3A_470 = arith.index_cast %scan3A_416 : i32 to index
        %swap3A_471 = arith.constant 112 : index
        %swap3A_472 = tpu.vector_load %arg11[%swap3A_470, %swap3A_471] {strides = array<i32>} : memref<128x128xf32, #tpu.memory_space<vmem>>, vector<16xf32>,
        tpu.vector_store %arg11[%swap3A_470, %swap3A_471], %mul3A_469 {strides = array<i32>} : memref<128x128xf32, #tpu.memory_space<vmem>>, vector<16xf32>,
      }
      %scan3A_205 = arith.constant 128 : i32
      %dma_start3A_206 = arith.constant 0 : i32
      %dma_start3A_207 = tpu.memref_slice %arg8[%add3A_193, %dma_start3A_206] : memref<128x128xi32, #tpu.memory_space<vmem>> -> memref<1x128xi32, #tpu.memory_space<vmem>>
      %dma_start3A_208 = tpu.memref_squeeze %dma_start3A_207 : memref<1x128xi32, #tpu.memory_space<vmem>> -> memref<128xi32, #tpu.memory_space<vmem>>
      %dma_start3A_209 = arith.constant 0 : i32
      %dma_start3A_210 = arith.constant 0 : i32
      %dma_start3A_211 = tpu.memref_slice %arg13[%dma_start3A_209, %dma_start3A_210] : memref<10112x128xf32, #tpu.memory_space<vmem_shared>> -> memref<10112x128xf32, #tpu.memory_space<vmem_shared>>
      tpu.enqueue_indirect_dma source(%arg11 : memref<128x128xf32, #tpu.memory_space<vmem>>) target(%dma_start3A_211 : memref<10112x128xf32, #tpu.memory_space<vmem_shared>>) offsets(%dma_start3A_208 : memref<128xi32, #tpu.memory_space<vmem>>) semaphore(%arg16 : memref<!tpu.dma_semaphore, #tpu.memory_space<semaphore_mem>>) {add = true}
      %add3A_212 = arith.constant 2 : i32
      %add3A_213 = arith.addi %add3A_193, %add3A_212 : i32
      %ge3A = arith.cmpi sge, %add3A_213, %select_n3A_8 : i32
      %add3A_214 = arith.constant 2 : i32
      %add3A_215 = arith.addi %add3A_193, %add3A_214 : i32
      %sub3A_216 = arith.subi %add3A_215, %select_n3A_8 : i32
      %add3A_217 = arith.constant 2 : i32
      %add3A_218 = arith.addi %add3A_193, %add3A_217 : i32
      %select_n3A_219 = arith.select %ge3A, %sub3A_216, %add3A_218 : i32
      %add3A_220 = arith.addi %select_n3A, %select_n3A_219 : i32
      %dma_start3A_221 = arith.constant 0 : i32
      %dma_start3A_222 = arith.constant 0 : i32
      %dma_start3A_223 = tpu.memref_slice %arg9[%dma_start3A_221, %dma_start3A_222] : memref<2x128xi32, #tpu.memory_space<vmem>> -> memref<1x128xi32, #tpu.memory_space<vmem>>
      %dma_start3A_224 = tpu.memref_squeeze %dma_start3A_223 : memref<1x128xi32, #tpu.memory_space<vmem>> -> memref<128xi32, #tpu.memory_space<vmem>>
      %dma_start3A_225 = arith.constant 0 : i32
      %dma_start3A_226 = tpu.memref_slice %arg4[%add3A_220, %dma_start3A_225] : memref<2560x128xi32, #tpu.memory_space<hbm>> -> memref<1x128xi32, #tpu.memory_space<hbm>>
      %dma_start3A_227 = tpu.memref_squeeze %dma_start3A_226 : memref<1x128xi32, #tpu.memory_space<hbm>> -> memref<128xi32, #tpu.memory_space<hbm>>
      %dma_start3A_228 = arith.constant 0 : i32
      %dma_start3A_229 = tpu.memref_slice %arg9[%dma_start3A_221, %dma_start3A_228] : memref<2x128xi32, #tpu.memory_space<vmem>> -> memref<1x128xi32, #tpu.memory_space<vmem>>
      %dma_start3A_230 = tpu.memref_squeeze %dma_start3A_229 : memref<1x128xi32, #tpu.memory_space<vmem>> -> memref<128xi32, #tpu.memory_space<vmem>>
      %dma_start3A_231 = arith.constant 0 : i32
      %dma_start3A_232 = tpu.memref_slice %arg4[%add3A_220, %dma_start3A_231] : memref<2560x128xi32, #tpu.memory_space<hbm>> -> memref<1x128xi32, #tpu.memory_space<hbm>>
      %dma_start3A_233 = tpu.memref_squeeze %dma_start3A_232 : memref<1x128xi32, #tpu.memory_space<hbm>> -> memref<128xi32, #tpu.memory_space<hbm>>
      tpu.enqueue_dma source(%dma_start3A_233 : memref<128xi32, #tpu.memory_space<hbm>>) target(%dma_start3A_230 : memref<128xi32, #tpu.memory_space<vmem>>) target_semaphore(%arg18 : memref<!tpu.dma_semaphore, #tpu.memory_space<semaphore_mem>>)
      %add3A_234 = arith.addi %select_n3A, %select_n3A_219 : i32
      %dma_start3A_235 = arith.constant 0 : i32
      %dma_start3A_236 = arith.constant 0 : i32
      %dma_start3A_237 = tpu.memref_slice %arg10[%dma_start3A_235, %dma_start3A_236] : memref<2x128xf32, #tpu.memory_space<vmem>> -> memref<1x128xf32, #tpu.memory_space<vmem>>
      %dma_start3A_238 = tpu.memref_squeeze %dma_start3A_237 : memref<1x128xf32, #tpu.memory_space<vmem>> -> memref<128xf32, #tpu.memory_space<vmem>>
      %dma_start3A_239 = arith.constant 0 : i32
      %dma_start3A_240 = tpu.memref_slice %arg3[%add3A_234, %dma_start3A_239] : memref<2560x128xf32, #tpu.memory_space<hbm>> -> memref<1x128xf32, #tpu.memory_space<hbm>>
      %dma_start3A_241 = tpu.memref_squeeze %dma_start3A_240 : memref<1x128xf32, #tpu.memory_space<hbm>> -> memref<128xf32, #tpu.memory_space<hbm>>
      %dma_start3A_242 = arith.constant 0 : i32
      %dma_start3A_243 = tpu.memref_slice %arg10[%dma_start3A_235, %dma_start3A_242] : memref<2x128xf32, #tpu.memory_space<vmem>> -> memref<1x128xf32, #tpu.memory_space<vmem>>
      %dma_start3A_244 = tpu.memref_squeeze %dma_start3A_243 : memref<1x128xf32, #tpu.memory_space<vmem>> -> memref<128xf32, #tpu.memory_space<vmem>>
      %dma_start3A_245 = arith.constant 0 : i32
      %dma_start3A_246 = tpu.memref_slice %arg3[%add3A_234, %dma_start3A_245] : memref<2560x128xf32, #tpu.memory_space<hbm>> -> memref<1x128xf32, #tpu.memory_space<hbm>>
      %dma_start3A_247 = tpu.memref_squeeze %dma_start3A_246 : memref<1x128xf32, #tpu.memory_space<hbm>> -> memref<128xf32, #tpu.memory_space<hbm>>
      tpu.enqueue_dma source(%dma_start3A_247 : memref<128xf32, #tpu.memory_space<hbm>>) target(%dma_start3A_244 : memref<128xf32, #tpu.memory_space<vmem>>) target_semaphore(%arg20 : memref<!tpu.dma_semaphore, #tpu.memory_space<semaphore_mem>>)
      %mul3A_248 = arith.constant 2 : i32
      %mul3A_249 = arith.muli %mul3A_248, %while3A_189 : i32
      %add3A_250 = arith.constant 1 : i32
      %add3A_251 = arith.addi %mul3A_249, %add3A_250 : i32
      %dma_wait3A_252 = arith.constant 1 : i32
      %dma_wait3A_253 = arith.constant 0 : i32
      %dma_wait3A_254 = tpu.memref_slice %arg9[%dma_wait3A_252, %dma_wait3A_253] : memref<2x128xi32, #tpu.memory_space<vmem>> -> memref<1x128xi32, #tpu.memory_space<vmem>>
      %dma_wait3A_255 = tpu.memref_squeeze %dma_wait3A_254 : memref<1x128xi32, #tpu.memory_space<vmem>> -> memref<128xi32, #tpu.memory_space<vmem>>
      %dma_wait3A_256 = arith.constant 0 : i32
      %dma_wait3A_257 = arith.constant 0 : i32
      %dma_wait3A_258 = tpu.memref_slice %arg2[%dma_wait3A_256, %dma_wait3A_257] : memref<10000x128xf32, #tpu.memory_space<hbm>> -> memref<10000x128xf32, #tpu.memory_space<hbm>>
      tpu.wait_indirect_dma semaphore(%arg15 : memref<!tpu.dma_semaphore, #tpu.memory_space<semaphore_mem>>) src(%dma_wait3A_258 : memref<10000x128xf32, #tpu.memory_space<hbm>>) dst(%arg12 : memref<128x128xf32, #tpu.memory_space<vmem>>)
      %scan3A_259 = arith.constant 0 : i32
      %scan3A_260 = arith.constant 0 : i32
      %scan3A_261 = arith.constant 128 : i32
      %scan3A_262 = arith.addi %scan3A_260, %scan3A_261 : i32
      %scan3A_263 = arith.constant 1 : i32
      scf.for %scan3A_416 = %scan3A_260 to %scan3A_262 step %scan3A_263  : i32 {
        %broadcast_in_dim3A = arith.constant 1 : i32
        %broadcast_in_dim3A_417 = vector.broadcast %broadcast_in_dim3A : i32 to vector<16xi32>
        %broadcast_in_dim3A_418 = vector.broadcast %scan3A_416 : i32 to vector<16xi32>
        %gather3A = tpu.vector_load_idx %arg10[%broadcast_in_dim3A_417, %broadcast_in_dim3A_418] : memref<2x128xf32, #tpu.memory_space<vmem>>[vector<16xi32>, vector<16xi32>], vector<16xf32>,
        %get3A = arith.index_cast %scan3A_416 : i32 to index
        %get3A_419 = arith.constant 0 : index
        %get3A_420 = tpu.vector_load %arg12[%get3A, %get3A_419] {strides = array<i32>} : memref<128x128xf32, #tpu.memory_space<vmem>>, vector<16xf32>,
        %mul3A_421 = arith.mulf %get3A_420, %gather3A : vector<16xf32>
        %swap3A = arith.index_cast %scan3A_416 : i32 to index
        %swap3A_422 = arith.constant 0 : index
        %swap3A_423 = tpu.vector_load %arg12[%swap3A, %swap3A_422] {strides = array<i32>} : memref<128x128xf32, #tpu.memory_space<vmem>>, vector<16xf32>,
        tpu.vector_store %arg12[%swap3A, %swap3A_422], %mul3A_421 {strides = array<i32>} : memref<128x128xf32, #tpu.memory_space<vmem>>, vector<16xf32>,
        %get3A_424 = arith.index_cast %scan3A_416 : i32 to index
        %get3A_425 = arith.constant 16 : index
        %get3A_426 = tpu.vector_load %arg12[%get3A_424, %get3A_425] {strides = array<i32>} : memref<128x128xf32, #tpu.memory_space<vmem>>, vector<16xf32>,
        %mul3A_427 = arith.mulf %get3A_426, %gather3A : vector<16xf32>
        %swap3A_428 = arith.index_cast %scan3A_416 : i32 to index
        %swap3A_429 = arith.constant 16 : index
        %swap3A_430 = tpu.vector_load %arg12[%swap3A_428, %swap3A_429] {strides = array<i32>} : memref<128x128xf32, #tpu.memory_space<vmem>>, vector<16xf32>,
        tpu.vector_store %arg12[%swap3A_428, %swap3A_429], %mul3A_427 {strides = array<i32>} : memref<128x128xf32, #tpu.memory_space<vmem>>, vector<16xf32>,
        %get3A_431 = arith.index_cast %scan3A_416 : i32 to index
        %get3A_432 = arith.constant 32 : index
        %get3A_433 = tpu.vector_load %arg12[%get3A_431, %get3A_432] {strides = array<i32>} : memref<128x128xf32, #tpu.memory_space<vmem>>, vector<16xf32>,
        %mul3A_434 = arith.mulf %get3A_433, %gather3A : vector<16xf32>
        %swap3A_435 = arith.index_cast %scan3A_416 : i32 to index
        %swap3A_436 = arith.constant 32 : index
        %swap3A_437 = tpu.vector_load %arg12[%swap3A_435, %swap3A_436] {strides = array<i32>} : memref<128x128xf32, #tpu.memory_space<vmem>>, vector<16xf32>,
        tpu.vector_store %arg12[%swap3A_435, %swap3A_436], %mul3A_434 {strides = array<i32>} : memref<128x128xf32, #tpu.memory_space<vmem>>, vector<16xf32>,
        %get3A_438 = arith.index_cast %scan3A_416 : i32 to index
        %get3A_439 = arith.constant 48 : index
        %get3A_440 = tpu.vector_load %arg12[%get3A_438, %get3A_439] {strides = array<i32>} : memref<128x128xf32, #tpu.memory_space<vmem>>, vector<16xf32>,
        %mul3A_441 = arith.mulf %get3A_440, %gather3A : vector<16xf32>
        %swap3A_442 = arith.index_cast %scan3A_416 : i32 to index
        %swap3A_443 = arith.constant 48 : index
        %swap3A_444 = tpu.vector_load %arg12[%swap3A_442, %swap3A_443] {strides = array<i32>} : memref<128x128xf32, #tpu.memory_space<vmem>>, vector<16xf32>,
        tpu.vector_store %arg12[%swap3A_442, %swap3A_443], %mul3A_441 {strides = array<i32>} : memref<128x128xf32, #tpu.memory_space<vmem>>, vector<16xf32>,
        %get3A_445 = arith.index_cast %scan3A_416 : i32 to index
        %get3A_446 = arith.constant 64 : index
        %get3A_447 = tpu.vector_load %arg12[%get3A_445, %get3A_446] {strides = array<i32>} : memref<128x128xf32, #tpu.memory_space<vmem>>, vector<16xf32>,
        %mul3A_448 = arith.mulf %get3A_447, %gather3A : vector<16xf32>
        %swap3A_449 = arith.index_cast %scan3A_416 : i32 to index
        %swap3A_450 = arith.constant 64 : index
        %swap3A_451 = tpu.vector_load %arg12[%swap3A_449, %swap3A_450] {strides = array<i32>} : memref<128x128xf32, #tpu.memory_space<vmem>>, vector<16xf32>,
        tpu.vector_store %arg12[%swap3A_449, %swap3A_450], %mul3A_448 {strides = array<i32>} : memref<128x128xf32, #tpu.memory_space<vmem>>, vector<16xf32>,
        %get3A_452 = arith.index_cast %scan3A_416 : i32 to index
        %get3A_453 = arith.constant 80 : index
        %get3A_454 = tpu.vector_load %arg12[%get3A_452, %get3A_453] {strides = array<i32>} : memref<128x128xf32, #tpu.memory_space<vmem>>, vector<16xf32>,
        %mul3A_455 = arith.mulf %get3A_454, %gather3A : vector<16xf32>
        %swap3A_456 = arith.index_cast %scan3A_416 : i32 to index
        %swap3A_457 = arith.constant 80 : index
        %swap3A_458 = tpu.vector_load %arg12[%swap3A_456, %swap3A_457] {strides = array<i32>} : memref<128x128xf32, #tpu.memory_space<vmem>>, vector<16xf32>,
        tpu.vector_store %arg12[%swap3A_456, %swap3A_457], %mul3A_455 {strides = array<i32>} : memref<128x128xf32, #tpu.memory_space<vmem>>, vector<16xf32>,
        %get3A_459 = arith.index_cast %scan3A_416 : i32 to index
        %get3A_460 = arith.constant 96 : index
        %get3A_461 = tpu.vector_load %arg12[%get3A_459, %get3A_460] {strides = array<i32>} : memref<128x128xf32, #tpu.memory_space<vmem>>, vector<16xf32>,
        %mul3A_462 = arith.mulf %get3A_461, %gather3A : vector<16xf32>
        %swap3A_463 = arith.index_cast %scan3A_416 : i32 to index
        %swap3A_464 = arith.constant 96 : index
        %swap3A_465 = tpu.vector_load %arg12[%swap3A_463, %swap3A_464] {strides = array<i32>} : memref<128x128xf32, #tpu.memory_space<vmem>>, vector<16xf32>,
        tpu.vector_store %arg12[%swap3A_463, %swap3A_464], %mul3A_462 {strides = array<i32>} : memref<128x128xf32, #tpu.memory_space<vmem>>, vector<16xf32>,
        %get3A_466 = arith.index_cast %scan3A_416 : i32 to index
        %get3A_467 = arith.constant 112 : index
        %get3A_468 = tpu.vector_load %arg12[%get3A_466, %get3A_467] {strides = array<i32>} : memref<128x128xf32, #tpu.memory_space<vmem>>, vector<16xf32>,
        %mul3A_469 = arith.mulf %get3A_468, %gather3A : vector<16xf32>
        %swap3A_470 = arith.index_cast %scan3A_416 : i32 to index
        %swap3A_471 = arith.constant 112 : index
        %swap3A_472 = tpu.vector_load %arg12[%swap3A_470, %swap3A_471] {strides = array<i32>} : memref<128x128xf32, #tpu.memory_space<vmem>>, vector<16xf32>,
        tpu.vector_store %arg12[%swap3A_470, %swap3A_471], %mul3A_469 {strides = array<i32>} : memref<128x128xf32, #tpu.memory_space<vmem>>, vector<16xf32>,
      }
      %scan3A_264 = arith.constant 128 : i32
      %dma_start3A_265 = arith.constant 0 : i32
      %dma_start3A_266 = tpu.memref_slice %arg8[%add3A_251, %dma_start3A_265] : memref<128x128xi32, #tpu.memory_space<vmem>> -> memref<1x128xi32, #tpu.memory_space<vmem>>
      %dma_start3A_267 = tpu.memref_squeeze %dma_start3A_266 : memref<1x128xi32, #tpu.memory_space<vmem>> -> memref<128xi32, #tpu.memory_space<vmem>>
      %dma_start3A_268 = arith.constant 0 : i32
      %dma_start3A_269 = arith.constant 0 : i32
      %dma_start3A_270 = tpu.memref_slice %arg13[%dma_start3A_268, %dma_start3A_269] : memref<10112x128xf32, #tpu.memory_space<vmem_shared>> -> memref<10112x128xf32, #tpu.memory_space<vmem_shared>>
      tpu.enqueue_indirect_dma source(%arg12 : memref<128x128xf32, #tpu.memory_space<vmem>>) target(%dma_start3A_270 : memref<10112x128xf32, #tpu.memory_space<vmem_shared>>) offsets(%dma_start3A_267 : memref<128xi32, #tpu.memory_space<vmem>>) semaphore(%arg17 : memref<!tpu.dma_semaphore, #tpu.memory_space<semaphore_mem>>) {add = true}
      %add3A_271 = arith.constant 2 : i32
      %add3A_272 = arith.addi %add3A_251, %add3A_271 : i32
      %ge3A_273 = arith.cmpi sge, %add3A_272, %select_n3A_8 : i32
      %add3A_274 = arith.constant 2 : i32
      %add3A_275 = arith.addi %add3A_251, %add3A_274 : i32
      %sub3A_276 = arith.subi %add3A_275, %select_n3A_8 : i32
      %add3A_277 = arith.constant 2 : i32
      %add3A_278 = arith.addi %add3A_251, %add3A_277 : i32
      %select_n3A_279 = arith.select %ge3A_273, %sub3A_276, %add3A_278 : i32
      %add3A_280 = arith.addi %select_n3A, %select_n3A_279 : i32
      %dma_start3A_281 = arith.constant 1 : i32
      %dma_start3A_282 = arith.constant 0 : i32
      %dma_start3A_283 = tpu.memref_slice %arg9[%dma_start3A_281, %dma_start3A_282] : memref<2x128xi32, #tpu.memory_space<vmem>> -> memref<1x128xi32, #tpu.memory_space<vmem>>
      %dma_start3A_284 = tpu.memref_squeeze %dma_start3A_283 : memref<1x128xi32, #tpu.memory_space<vmem>> -> memref<128xi32, #tpu.memory_space<vmem>>
      %dma_start3A_285 = arith.constant 0 : i32
      %dma_start3A_286 = tpu.memref_slice %arg4[%add3A_280, %dma_start3A_285] : memref<2560x128xi32, #tpu.memory_space<hbm>> -> memref<1x128xi32, #tpu.memory_space<hbm>>
      %dma_start3A_287 = tpu.memref_squeeze %dma_start3A_286 : memref<1x128xi32, #tpu.memory_space<hbm>> -> memref<128xi32, #tpu.memory_space<hbm>>
      %dma_start3A_288 = arith.constant 0 : i32
      %dma_start3A_289 = tpu.memref_slice %arg9[%dma_start3A_281, %dma_start3A_288] : memref<2x128xi32, #tpu.memory_space<vmem>> -> memref<1x128xi32, #tpu.memory_space<vmem>>
      %dma_start3A_290 = tpu.memref_squeeze %dma_start3A_289 : memref<1x128xi32, #tpu.memory_space<vmem>> -> memref<128xi32, #tpu.memory_space<vmem>>
      %dma_start3A_291 = arith.constant 0 : i32
      %dma_start3A_292 = tpu.memref_slice %arg4[%add3A_280, %dma_start3A_291] : memref<2560x128xi32, #tpu.memory_space<hbm>> -> memref<1x128xi32, #tpu.memory_space<hbm>>
      %dma_start3A_293 = tpu.memref_squeeze %dma_start3A_292 : memref<1x128xi32, #tpu.memory_space<hbm>> -> memref<128xi32, #tpu.memory_space<hbm>>
      tpu.enqueue_dma source(%dma_start3A_293 : memref<128xi32, #tpu.memory_space<hbm>>) target(%dma_start3A_290 : memref<128xi32, #tpu.memory_space<vmem>>) target_semaphore(%arg19 : memref<!tpu.dma_semaphore, #tpu.memory_space<semaphore_mem>>)
      %add3A_294 = arith.addi %select_n3A, %select_n3A_279 : i32
      %dma_start3A_295 = arith.constant 1 : i32
      %dma_start3A_296 = arith.constant 0 : i32
      %dma_start3A_297 = tpu.memref_slice %arg10[%dma_start3A_295, %dma_start3A_296] : memref<2x128xf32, #tpu.memory_space<vmem>> -> memref<1x128xf32, #tpu.memory_space<vmem>>
      %dma_start3A_298 = tpu.memref_squeeze %dma_start3A_297 : memref<1x128xf32, #tpu.memory_space<vmem>> -> memref<128xf32, #tpu.memory_space<vmem>>
      %dma_start3A_299 = arith.constant 0 : i32
      %dma_start3A_300 = tpu.memref_slice %arg3[%add3A_294, %dma_start3A_299] : memref<2560x128xf32, #tpu.memory_space<hbm>> -> memref<1x128xf32, #tpu.memory_space<hbm>>
      %dma_start3A_301 = tpu.memref_squeeze %dma_start3A_300 : memref<1x128xf32, #tpu.memory_space<hbm>> -> memref<128xf32, #tpu.memory_space<hbm>>
      %dma_start3A_302 = arith.constant 0 : i32
      %dma_start3A_303 = tpu.memref_slice %arg10[%dma_start3A_295, %dma_start3A_302] : memref<2x128xf32, #tpu.memory_space<vmem>> -> memref<1x128xf32, #tpu.memory_space<vmem>>
      %dma_start3A_304 = tpu.memref_squeeze %dma_start3A_303 : memref<1x128xf32, #tpu.memory_space<vmem>> -> memref<128xf32, #tpu.memory_space<vmem>>
      %dma_start3A_305 = arith.constant 0 : i32
      %dma_start3A_306 = tpu.memref_slice %arg3[%add3A_294, %dma_start3A_305] : memref<2560x128xf32, #tpu.memory_space<hbm>> -> memref<1x128xf32, #tpu.memory_space<hbm>>
      %dma_start3A_307 = tpu.memref_squeeze %dma_start3A_306 : memref<1x128xf32, #tpu.memory_space<hbm>> -> memref<128xf32, #tpu.memory_space<hbm>>
      tpu.enqueue_dma source(%dma_start3A_307 : memref<128xf32, #tpu.memory_space<hbm>>) target(%dma_start3A_304 : memref<128xf32, #tpu.memory_space<vmem>>) target_semaphore(%arg21 : memref<!tpu.dma_semaphore, #tpu.memory_space<semaphore_mem>>)
      %mul3A_308 = arith.constant 2 : i32
      %mul3A_309 = arith.muli %mul3A_308, %while3A_189 : i32
      %add3A_310 = arith.constant 0 : i32
      %add3A_311 = arith.addi %mul3A_309, %add3A_310 : i32
      %add3A_312 = arith.constant 2 : i32
      %add3A_313 = arith.addi %add3A_311, %add3A_312 : i32
      %ge3A_314 = arith.cmpi sge, %add3A_313, %select_n3A_8 : i32
      %add3A_315 = arith.constant 2 : i32
      %add3A_316 = arith.addi %add3A_311, %add3A_315 : i32
      %sub3A_317 = arith.subi %add3A_316, %select_n3A_8 : i32
      %add3A_318 = arith.constant 2 : i32
      %add3A_319 = arith.addi %add3A_311, %add3A_318 : i32
      %select_n3A_320 = arith.select %ge3A_314, %sub3A_317, %add3A_319 : i32
      %dma_wait3A_321 = arith.constant 0 : i32
      %dma_wait3A_322 = tpu.memref_slice %arg8[%add3A_311, %dma_wait3A_321] : memref<128x128xi32, #tpu.memory_space<vmem>> -> memref<1x128xi32, #tpu.memory_space<vmem>>
      %dma_wait3A_323 = tpu.memref_squeeze %dma_wait3A_322 : memref<1x128xi32, #tpu.memory_space<vmem>> -> memref<128xi32, #tpu.memory_space<vmem>>
      %dma_wait3A_324 = arith.constant 0 : i32
      %dma_wait3A_325 = arith.constant 0 : i32
      %dma_wait3A_326 = tpu.memref_slice %arg13[%dma_wait3A_324, %dma_wait3A_325] : memref<10112x128xf32, #tpu.memory_space<vmem_shared>> -> memref<10112x128xf32, #tpu.memory_space<vmem_shared>>
      tpu.wait_indirect_dma semaphore(%arg16 : memref<!tpu.dma_semaphore, #tpu.memory_space<semaphore_mem>>) src(%arg11 : memref<128x128xf32, #tpu.memory_space<vmem>>) dst(%dma_wait3A_326 : memref<10112x128xf32, #tpu.memory_space<vmem_shared>>)
      %add3A_327 = arith.addi %select_n3A, %select_n3A_320 : i32
      %dma_wait3A_328 = arith.constant 0 : i32
      %dma_wait3A_329 = arith.constant 0 : i32
      %dma_wait3A_330 = tpu.memref_slice %arg9[%dma_wait3A_328, %dma_wait3A_329] : memref<2x128xi32, #tpu.memory_space<vmem>> -> memref<1x128xi32, #tpu.memory_space<vmem>>
      %dma_wait3A_331 = tpu.memref_squeeze %dma_wait3A_330 : memref<1x128xi32, #tpu.memory_space<vmem>> -> memref<128xi32, #tpu.memory_space<vmem>>
      %dma_wait3A_332 = arith.constant 0 : i32
      %dma_wait3A_333 = tpu.memref_slice %arg4[%add3A_327, %dma_wait3A_332] : memref<2560x128xi32, #tpu.memory_space<hbm>> -> memref<1x128xi32, #tpu.memory_space<hbm>>
      %dma_wait3A_334 = tpu.memref_squeeze %dma_wait3A_333 : memref<1x128xi32, #tpu.memory_space<hbm>> -> memref<128xi32, #tpu.memory_space<hbm>>
      %dma_wait3A_335 = arith.constant 0 : i32
      %dma_wait3A_336 = tpu.memref_slice %arg9[%dma_wait3A_328, %dma_wait3A_335] : memref<2x128xi32, #tpu.memory_space<vmem>> -> memref<1x128xi32, #tpu.memory_space<vmem>>
      %dma_wait3A_337 = tpu.memref_squeeze %dma_wait3A_336 : memref<1x128xi32, #tpu.memory_space<vmem>> -> memref<128xi32, #tpu.memory_space<vmem>>
      %dma_wait3A_338 = arith.constant 0 : i32
      %dma_wait3A_339 = tpu.memref_slice %arg4[%add3A_327, %dma_wait3A_338] : memref<2560x128xi32, #tpu.memory_space<hbm>> -> memref<1x128xi32, #tpu.memory_space<hbm>>
      %dma_wait3A_340 = tpu.memref_squeeze %dma_wait3A_339 : memref<1x128xi32, #tpu.memory_space<hbm>> -> memref<128xi32, #tpu.memory_space<hbm>>
      tpu.wait_dma2 semaphore(%arg18 : memref<!tpu.dma_semaphore, #tpu.memory_space<semaphore_mem>>) src(%dma_wait3A_340 : memref<128xi32, #tpu.memory_space<hbm>>) dst(%dma_wait3A_337 : memref<128xi32, #tpu.memory_space<vmem>>)
      %add3A_341 = arith.addi %select_n3A, %select_n3A_320 : i32
      %dma_wait3A_342 = arith.constant 0 : i32
      %dma_wait3A_343 = arith.constant 0 : i32
      %dma_wait3A_344 = tpu.memref_slice %arg10[%dma_wait3A_342, %dma_wait3A_343] : memref<2x128xf32, #tpu.memory_space<vmem>> -> memref<1x128xf32, #tpu.memory_space<vmem>>
      %dma_wait3A_345 = tpu.memref_squeeze %dma_wait3A_344 : memref<1x128xf32, #tpu.memory_space<vmem>> -> memref<128xf32, #tpu.memory_space<vmem>>
      %dma_wait3A_346 = arith.constant 0 : i32
      %dma_wait3A_347 = tpu.memref_slice %arg3[%add3A_341, %dma_wait3A_346] : memref<2560x128xf32, #tpu.memory_space<hbm>> -> memref<1x128xf32, #tpu.memory_space<hbm>>
      %dma_wait3A_348 = tpu.memref_squeeze %dma_wait3A_347 : memref<1x128xf32, #tpu.memory_space<hbm>> -> memref<128xf32, #tpu.memory_space<hbm>>
      %dma_wait3A_349 = arith.constant 0 : i32
      %dma_wait3A_350 = tpu.memref_slice %arg10[%dma_wait3A_342, %dma_wait3A_349] : memref<2x128xf32, #tpu.memory_space<vmem>> -> memref<1x128xf32, #tpu.memory_space<vmem>>
      %dma_wait3A_351 = tpu.memref_squeeze %dma_wait3A_350 : memref<1x128xf32, #tpu.memory_space<vmem>> -> memref<128xf32, #tpu.memory_space<vmem>>
      %dma_wait3A_352 = arith.constant 0 : i32
      %dma_wait3A_353 = tpu.memref_slice %arg3[%add3A_341, %dma_wait3A_352] : memref<2560x128xf32, #tpu.memory_space<hbm>> -> memref<1x128xf32, #tpu.memory_space<hbm>>
      %dma_wait3A_354 = tpu.memref_squeeze %dma_wait3A_353 : memref<1x128xf32, #tpu.memory_space<hbm>> -> memref<128xf32, #tpu.memory_space<hbm>>
      tpu.wait_dma2 semaphore(%arg20 : memref<!tpu.dma_semaphore, #tpu.memory_space<semaphore_mem>>) src(%dma_wait3A_354 : memref<128xf32, #tpu.memory_space<hbm>>) dst(%dma_wait3A_351 : memref<128xf32, #tpu.memory_space<vmem>>)
      %dma_start3A_355 = arith.constant 0 : i32
      %dma_start3A_356 = arith.constant 0 : i32
      %dma_start3A_357 = tpu.memref_slice %arg9[%dma_start3A_355, %dma_start3A_356] : memref<2x128xi32, #tpu.memory_space<vmem>> -> memref<1x128xi32, #tpu.memory_space<vmem>>
      %dma_start3A_358 = tpu.memref_squeeze %dma_start3A_357 : memref<1x128xi32, #tpu.memory_space<vmem>> -> memref<128xi32, #tpu.memory_space<vmem>>
      %dma_start3A_359 = arith.constant 0 : i32
      %dma_start3A_360 = arith.constant 0 : i32
      %dma_start3A_361 = tpu.memref_slice %arg2[%dma_start3A_359, %dma_start3A_360] : memref<10000x128xf32, #tpu.memory_space<hbm>> -> memref<10000x128xf32, #tpu.memory_space<hbm>>
      tpu.enqueue_indirect_dma source(%dma_start3A_361 : memref<10000x128xf32, #tpu.memory_space<hbm>>) target(%arg11 : memref<128x128xf32, #tpu.memory_space<vmem>>) offsets(%dma_start3A_358 : memref<128xi32, #tpu.memory_space<vmem>>) semaphore(%arg14 : memref<!tpu.dma_semaphore, #tpu.memory_space<semaphore_mem>>)
      %mul3A_362 = arith.constant 2 : i32
      %mul3A_363 = arith.muli %mul3A_362, %while3A_189 : i32
      %add3A_364 = arith.constant 1 : i32
      %add3A_365 = arith.addi %mul3A_363, %add3A_364 : i32
      %add3A_366 = arith.constant 2 : i32
      %add3A_367 = arith.addi %add3A_365, %add3A_366 : i32
      %ge3A_368 = arith.cmpi sge, %add3A_367, %select_n3A_8 : i32
      %add3A_369 = arith.constant 2 : i32
      %add3A_370 = arith.addi %add3A_365, %add3A_369 : i32
      %sub3A_371 = arith.subi %add3A_370, %select_n3A_8 : i32
      %add3A_372 = arith.constant 2 : i32
      %add3A_373 = arith.addi %add3A_365, %add3A_372 : i32
      %select_n3A_374 = arith.select %ge3A_368, %sub3A_371, %add3A_373 : i32
      %dma_wait3A_375 = arith.constant 0 : i32
      %dma_wait3A_376 = tpu.memref_slice %arg8[%add3A_365, %dma_wait3A_375] : memref<128x128xi32, #tpu.memory_space<vmem>> -> memref<1x128xi32, #tpu.memory_space<vmem>>
      %dma_wait3A_377 = tpu.memref_squeeze %dma_wait3A_376 : memref<1x128xi32, #tpu.memory_space<vmem>> -> memref<128xi32, #tpu.memory_space<vmem>>
      %dma_wait3A_378 = arith.constant 0 : i32
      %dma_wait3A_379 = arith.constant 0 : i32
      %dma_wait3A_380 = tpu.memref_slice %arg13[%dma_wait3A_378, %dma_wait3A_379] : memref<10112x128xf32, #tpu.memory_space<vmem_shared>> -> memref<10112x128xf32, #tpu.memory_space<vmem_shared>>
      tpu.wait_indirect_dma semaphore(%arg17 : memref<!tpu.dma_semaphore, #tpu.memory_space<semaphore_mem>>) src(%arg12 : memref<128x128xf32, #tpu.memory_space<vmem>>) dst(%dma_wait3A_380 : memref<10112x128xf32, #tpu.memory_space<vmem_shared>>)
      %add3A_381 = arith.addi %select_n3A, %select_n3A_374 : i32
      %dma_wait3A_382 = arith.constant 1 : i32
      %dma_wait3A_383 = arith.constant 0 : i32
      %dma_wait3A_384 = tpu.memref_slice %arg9[%dma_wait3A_382, %dma_wait3A_383] : memref<2x128xi32, #tpu.memory_space<vmem>> -> memref<1x128xi32, #tpu.memory_space<vmem>>
      %dma_wait3A_385 = tpu.memref_squeeze %dma_wait3A_384 : memref<1x128xi32, #tpu.memory_space<vmem>> -> memref<128xi32, #tpu.memory_space<vmem>>
      %dma_wait3A_386 = arith.constant 0 : i32
      %dma_wait3A_387 = tpu.memref_slice %arg4[%add3A_381, %dma_wait3A_386] : memref<2560x128xi32, #tpu.memory_space<hbm>> -> memref<1x128xi32, #tpu.memory_space<hbm>>
      %dma_wait3A_388 = tpu.memref_squeeze %dma_wait3A_387 : memref<1x128xi32, #tpu.memory_space<hbm>> -> memref<128xi32, #tpu.memory_space<hbm>>
      %dma_wait3A_389 = arith.constant 0 : i32
      %dma_wait3A_390 = tpu.memref_slice %arg9[%dma_wait3A_382, %dma_wait3A_389] : memref<2x128xi32, #tpu.memory_space<vmem>> -> memref<1x128xi32, #tpu.memory_space<vmem>>
      %dma_wait3A_391 = tpu.memref_squeeze %dma_wait3A_390 : memref<1x128xi32, #tpu.memory_space<vmem>> -> memref<128xi32, #tpu.memory_space<vmem>>
      %dma_wait3A_392 = arith.constant 0 : i32
      %dma_wait3A_393 = tpu.memref_slice %arg4[%add3A_381, %dma_wait3A_392] : memref<2560x128xi32, #tpu.memory_space<hbm>> -> memref<1x128xi32, #tpu.memory_space<hbm>>
      %dma_wait3A_394 = tpu.memref_squeeze %dma_wait3A_393 : memref<1x128xi32, #tpu.memory_space<hbm>> -> memref<128xi32, #tpu.memory_space<hbm>>
      tpu.wait_dma2 semaphore(%arg19 : memref<!tpu.dma_semaphore, #tpu.memory_space<semaphore_mem>>) src(%dma_wait3A_394 : memref<128xi32, #tpu.memory_space<hbm>>) dst(%dma_wait3A_391 : memref<128xi32, #tpu.memory_space<vmem>>)
      %add3A_395 = arith.addi %select_n3A, %select_n3A_374 : i32
      %dma_wait3A_396 = arith.constant 1 : i32
      %dma_wait3A_397 = arith.constant 0 : i32
      %dma_wait3A_398 = tpu.memref_slice %arg10[%dma_wait3A_396, %dma_wait3A_397] : memref<2x128xf32, #tpu.memory_space<vmem>> -> memref<1x128xf32, #tpu.memory_space<vmem>>
      %dma_wait3A_399 = tpu.memref_squeeze %dma_wait3A_398 : memref<1x128xf32, #tpu.memory_space<vmem>> -> memref<128xf32, #tpu.memory_space<vmem>>
      %dma_wait3A_400 = arith.constant 0 : i32
      %dma_wait3A_401 = tpu.memref_slice %arg3[%add3A_395, %dma_wait3A_400] : memref<2560x128xf32, #tpu.memory_space<hbm>> -> memref<1x128xf32, #tpu.memory_space<hbm>>
      %dma_wait3A_402 = tpu.memref_squeeze %dma_wait3A_401 : memref<1x128xf32, #tpu.memory_space<hbm>> -> memref<128xf32, #tpu.memory_space<hbm>>
      %dma_wait3A_403 = arith.constant 0 : i32
      %dma_wait3A_404 = tpu.memref_slice %arg10[%dma_wait3A_396, %dma_wait3A_403] : memref<2x128xf32, #tpu.memory_space<vmem>> -> memref<1x128xf32, #tpu.memory_space<vmem>>
      %dma_wait3A_405 = tpu.memref_squeeze %dma_wait3A_404 : memref<1x128xf32, #tpu.memory_space<vmem>> -> memref<128xf32, #tpu.memory_space<vmem>>
      %dma_wait3A_406 = arith.constant 0 : i32
      %dma_wait3A_407 = tpu.memref_slice %arg3[%add3A_395, %dma_wait3A_406] : memref<2560x128xf32, #tpu.memory_space<hbm>> -> memref<1x128xf32, #tpu.memory_space<hbm>>
      %dma_wait3A_408 = tpu.memref_squeeze %dma_wait3A_407 : memref<1x128xf32, #tpu.memory_space<hbm>> -> memref<128xf32, #tpu.memory_space<hbm>>
      tpu.wait_dma2 semaphore(%arg21 : memref<!tpu.dma_semaphore, #tpu.memory_space<semaphore_mem>>) src(%dma_wait3A_408 : memref<128xf32, #tpu.memory_space<hbm>>) dst(%dma_wait3A_405 : memref<128xf32, #tpu.memory_space<vmem>>)
      %dma_start3A_409 = arith.constant 1 : i32
      %dma_start3A_410 = arith.constant 0 : i32
      %dma_start3A_411 = tpu.memref_slice %arg9[%dma_start3A_409, %dma_start3A_410] : memref<2x128xi32, #tpu.memory_space<vmem>> -> memref<1x128xi32, #tpu.memory_space<vmem>>
      %dma_start3A_412 = tpu.memref_squeeze %dma_start3A_411 : memref<1x128xi32, #tpu.memory_space<vmem>> -> memref<128xi32, #tpu.memory_space<vmem>>
      %dma_start3A_413 = arith.constant 0 : i32
      %dma_start3A_414 = arith.constant 0 : i32
      %dma_start3A_415 = tpu.memref_slice %arg2[%dma_start3A_413, %dma_start3A_414] : memref<10000x128xf32, #tpu.memory_space<hbm>> -> memref<10000x128xf32, #tpu.memory_space<hbm>>
      tpu.enqueue_indirect_dma source(%dma_start3A_415 : memref<10000x128xf32, #tpu.memory_space<hbm>>) target(%arg12 : memref<128x128xf32, #tpu.memory_space<vmem>>) offsets(%dma_start3A_412 : memref<128xi32, #tpu.memory_space<vmem>>) semaphore(%arg15 : memref<!tpu.dma_semaphore, #tpu.memory_space<semaphore_mem>>)
    }
    %while3A_169 = arith.constant 1 : i32
    scf.for %while3A_189 = %while3A_167 to %while3A_163 step %while3A_169  : i32 {
      %mul3A_190 = arith.constant 2 : i32
      %mul3A_191 = arith.muli %mul3A_190, %while3A_189 : i32
      %add3A_192 = arith.constant 0 : i32
      %add3A_193 = arith.addi %mul3A_191, %add3A_192 : i32
      %dma_wait3A_194 = arith.constant 0 : i32
      %dma_wait3A_195 = arith.constant 0 : i32
      %dma_wait3A_196 = tpu.memref_slice %arg9[%dma_wait3A_194, %dma_wait3A_195] : memref<2x128xi32, #tpu.memory_space<vmem>> -> memref<1x128xi32, #tpu.memory_space<vmem>>
      %dma_wait3A_197 = tpu.memref_squeeze %dma_wait3A_196 : memref<1x128xi32, #tpu.memory_space<vmem>> -> memref<128xi32, #tpu.memory_space<vmem>>
      %dma_wait3A_198 = arith.constant 0 : i32
      %dma_wait3A_199 = arith.constant 0 : i32
      %dma_wait3A_200 = tpu.memref_slice %arg2[%dma_wait3A_198, %dma_wait3A_199] : memref<10000x128xf32, #tpu.memory_space<hbm>> -> memref<10000x128xf32, #tpu.memory_space<hbm>>
      tpu.wait_indirect_dma semaphore(%arg14 : memref<!tpu.dma_semaphore, #tpu.memory_space<semaphore_mem>>) src(%dma_wait3A_200 : memref<10000x128xf32, #tpu.memory_space<hbm>>) dst(%arg11 : memref<128x128xf32, #tpu.memory_space<vmem>>)
      %scan3A = arith.constant 0 : i32
      %scan3A_201 = arith.constant 0 : i32
      %scan3A_202 = arith.constant 128 : i32
      %scan3A_203 = arith.addi %scan3A_201, %scan3A_202 : i32
      %scan3A_204 = arith.constant 1 : i32
      scf.for %scan3A_416 = %scan3A_201 to %scan3A_203 step %scan3A_204  : i32 {
        %broadcast_in_dim3A = arith.constant 0 : i32
        %broadcast_in_dim3A_417 = vector.broadcast %broadcast_in_dim3A : i32 to vector<16xi32>
        %broadcast_in_dim3A_418 = vector.broadcast %scan3A_416 : i32 to vector<16xi32>
        %gather3A = tpu.vector_load_idx %arg10[%broadcast_in_dim3A_417, %broadcast_in_dim3A_418] : memref<2x128xf32, #tpu.memory_space<vmem>>[vector<16xi32>, vector<16xi32>], vector<16xf32>,
        %get3A = arith.index_cast %scan3A_416 : i32 to index
        %get3A_419 = arith.constant 0 : index
        %get3A_420 = tpu.vector_load %arg11[%get3A, %get3A_419] {strides = array<i32>} : memref<128x128xf32, #tpu.memory_space<vmem>>, vector<16xf32>,
        %mul3A_421 = arith.mulf %get3A_420, %gather3A : vector<16xf32>
        %swap3A = arith.index_cast %scan3A_416 : i32 to index
        %swap3A_422 = arith.constant 0 : index
        %swap3A_423 = tpu.vector_load %arg11[%swap3A, %swap3A_422] {strides = array<i32>} : memref<128x128xf32, #tpu.memory_space<vmem>>, vector<16xf32>,
        tpu.vector_store %arg11[%swap3A, %swap3A_422], %mul3A_421 {strides = array<i32>} : memref<128x128xf32, #tpu.memory_space<vmem>>, vector<16xf32>,
        %get3A_424 = arith.index_cast %scan3A_416 : i32 to index
        %get3A_425 = arith.constant 16 : index
        %get3A_426 = tpu.vector_load %arg11[%get3A_424, %get3A_425] {strides = array<i32>} : memref<128x128xf32, #tpu.memory_space<vmem>>, vector<16xf32>,
        %mul3A_427 = arith.mulf %get3A_426, %gather3A : vector<16xf32>
        %swap3A_428 = arith.index_cast %scan3A_416 : i32 to index
        %swap3A_429 = arith.constant 16 : index
        %swap3A_430 = tpu.vector_load %arg11[%swap3A_428, %swap3A_429] {strides = array<i32>} : memref<128x128xf32, #tpu.memory_space<vmem>>, vector<16xf32>,
        tpu.vector_store %arg11[%swap3A_428, %swap3A_429], %mul3A_427 {strides = array<i32>} : memref<128x128xf32, #tpu.memory_space<vmem>>, vector<16xf32>,
        %get3A_431 = arith.index_cast %scan3A_416 : i32 to index
        %get3A_432 = arith.constant 32 : index
        %get3A_433 = tpu.vector_load %arg11[%get3A_431, %get3A_432] {strides = array<i32>} : memref<128x128xf32, #tpu.memory_space<vmem>>, vector<16xf32>,
        %mul3A_434 = arith.mulf %get3A_433, %gather3A : vector<16xf32>
        %swap3A_435 = arith.index_cast %scan3A_416 : i32 to index
        %swap3A_436 = arith.constant 32 : index
        %swap3A_437 = tpu.vector_load %arg11[%swap3A_435, %swap3A_436] {strides = array<i32>} : memref<128x128xf32, #tpu.memory_space<vmem>>, vector<16xf32>,
        tpu.vector_store %arg11[%swap3A_435, %swap3A_436], %mul3A_434 {strides = array<i32>} : memref<128x128xf32, #tpu.memory_space<vmem>>, vector<16xf32>,
        %get3A_438 = arith.index_cast %scan3A_416 : i32 to index
        %get3A_439 = arith.constant 48 : index
        %get3A_440 = tpu.vector_load %arg11[%get3A_438, %get3A_439] {strides = array<i32>} : memref<128x128xf32, #tpu.memory_space<vmem>>, vector<16xf32>,
        %mul3A_441 = arith.mulf %get3A_440, %gather3A : vector<16xf32>
        %swap3A_442 = arith.index_cast %scan3A_416 : i32 to index
        %swap3A_443 = arith.constant 48 : index
        %swap3A_444 = tpu.vector_load %arg11[%swap3A_442, %swap3A_443] {strides = array<i32>} : memref<128x128xf32, #tpu.memory_space<vmem>>, vector<16xf32>,
        tpu.vector_store %arg11[%swap3A_442, %swap3A_443], %mul3A_441 {strides = array<i32>} : memref<128x128xf32, #tpu.memory_space<vmem>>, vector<16xf32>,
        %get3A_445 = arith.index_cast %scan3A_416 : i32 to index
        %get3A_446 = arith.constant 64 : index
        %get3A_447 = tpu.vector_load %arg11[%get3A_445, %get3A_446] {strides = array<i32>} : memref<128x128xf32, #tpu.memory_space<vmem>>, vector<16xf32>,
        %mul3A_448 = arith.mulf %get3A_447, %gather3A : vector<16xf32>
        %swap3A_449 = arith.index_cast %scan3A_416 : i32 to index
        %swap3A_450 = arith.constant 64 : index
        %swap3A_451 = tpu.vector_load %arg11[%swap3A_449, %swap3A_450] {strides = array<i32>} : memref<128x128xf32, #tpu.memory_space<vmem>>, vector<16xf32>,
        tpu.vector_store %arg11[%swap3A_449, %swap3A_450], %mul3A_448 {strides = array<i32>} : memref<128x128xf32, #tpu.memory_space<vmem>>, vector<16xf32>,
        %get3A_452 = arith.index_cast %scan3A_416 : i32 to index
        %get3A_453 = arith.constant 80 : index
        %get3A_454 = tpu.vector_load %arg11[%get3A_452, %get3A_453] {strides = array<i32>} : memref<128x128xf32, #tpu.memory_space<vmem>>, vector<16xf32>,
        %mul3A_455 = arith.mulf %get3A_454, %gather3A : vector<16xf32>
        %swap3A_456 = arith.index_cast %scan3A_416 : i32 to index
        %swap3A_457 = arith.constant 80 : index
        %swap3A_458 = tpu.vector_load %arg11[%swap3A_456, %swap3A_457] {strides = array<i32>} : memref<128x128xf32, #tpu.memory_space<vmem>>, vector<16xf32>,
        tpu.vector_store %arg11[%swap3A_456, %swap3A_457], %mul3A_455 {strides = array<i32>} : memref<128x128xf32, #tpu.memory_space<vmem>>, vector<16xf32>,
        %get3A_459 = arith.index_cast %scan3A_416 : i32 to index
        %get3A_460 = arith.constant 96 : index
        %get3A_461 = tpu.vector_load %arg11[%get3A_459, %get3A_460] {strides = array<i32>} : memref<128x128xf32, #tpu.memory_space<vmem>>, vector<16xf32>,
        %mul3A_462 = arith.mulf %get3A_461, %gather3A : vector<16xf32>
        %swap3A_463 = arith.index_cast %scan3A_416 : i32 to index
        %swap3A_464 = arith.constant 96 : index
        %swap3A_465 = tpu.vector_load %arg11[%swap3A_463, %swap3A_464] {strides = array<i32>} : memref<128x128xf32, #tpu.memory_space<vmem>>, vector<16xf32>,
        tpu.vector_store %arg11[%swap3A_463, %swap3A_464], %mul3A_462 {strides = array<i32>} : memref<128x128xf32, #tpu.memory_space<vmem>>, vector<16xf32>,
        %get3A_466 = arith.index_cast %scan3A_416 : i32 to index
        %get3A_467 = arith.constant 112 : index
        %get3A_468 = tpu.vector_load %arg11[%get3A_466, %get3A_467] {strides = array<i32>} : memref<128x128xf32, #tpu.memory_space<vmem>>, vector<16xf32>,
        %mul3A_469 = arith.mulf %get3A_468, %gather3A : vector<16xf32>
        %swap3A_470 = arith.index_cast %scan3A_416 : i32 to index
        %swap3A_471 = arith.constant 112 : index
        %swap3A_472 = tpu.vector_load %arg11[%swap3A_470, %swap3A_471] {strides = array<i32>} : memref<128x128xf32, #tpu.memory_space<vmem>>, vector<16xf32>,
        tpu.vector_store %arg11[%swap3A_470, %swap3A_471], %mul3A_469 {strides = array<i32>} : memref<128x128xf32, #tpu.memory_space<vmem>>, vector<16xf32>,
      }
      %scan3A_205 = arith.constant 128 : i32
      %dma_start3A_206 = arith.constant 0 : i32
      %dma_start3A_207 = tpu.memref_slice %arg8[%add3A_193, %dma_start3A_206] : memref<128x128xi32, #tpu.memory_space<vmem>> -> memref<1x128xi32, #tpu.memory_space<vmem>>
      %dma_start3A_208 = tpu.memref_squeeze %dma_start3A_207 : memref<1x128xi32, #tpu.memory_space<vmem>> -> memref<128xi32, #tpu.memory_space<vmem>>
      %dma_start3A_209 = arith.constant 0 : i32
      %dma_start3A_210 = arith.constant 0 : i32
      %dma_start3A_211 = tpu.memref_slice %arg13[%dma_start3A_209, %dma_start3A_210] : memref<10112x128xf32, #tpu.memory_space<vmem_shared>> -> memref<10112x128xf32, #tpu.memory_space<vmem_shared>>
      tpu.enqueue_indirect_dma source(%arg11 : memref<128x128xf32, #tpu.memory_space<vmem>>) target(%dma_start3A_211 : memref<10112x128xf32, #tpu.memory_space<vmem_shared>>) offsets(%dma_start3A_208 : memref<128xi32, #tpu.memory_space<vmem>>) semaphore(%arg16 : memref<!tpu.dma_semaphore, #tpu.memory_space<semaphore_mem>>) {add = true}
      %add3A_212 = arith.constant 2 : i32
      %add3A_213 = arith.addi %add3A_193, %add3A_212 : i32
      %ge3A = arith.cmpi sge, %add3A_213, %select_n3A_8 : i32
      %add3A_214 = arith.constant 2 : i32
      %add3A_215 = arith.addi %add3A_193, %add3A_214 : i32
      %sub3A_216 = arith.subi %add3A_215, %select_n3A_8 : i32
      %add3A_217 = arith.constant 2 : i32
      %add3A_218 = arith.addi %add3A_193, %add3A_217 : i32
      %select_n3A_219 = arith.select %ge3A, %sub3A_216, %add3A_218 : i32
      %add3A_220 = arith.addi %select_n3A, %select_n3A_219 : i32
      %dma_start3A_221 = arith.constant 0 : i32
      %dma_start3A_222 = arith.constant 0 : i32
      %dma_start3A_223 = tpu.memref_slice %arg9[%dma_start3A_221, %dma_start3A_222] : memref<2x128xi32, #tpu.memory_space<vmem>> -> memref<1x128xi32, #tpu.memory_space<vmem>>
      %dma_start3A_224 = tpu.memref_squeeze %dma_start3A_223 : memref<1x128xi32, #tpu.memory_space<vmem>> -> memref<128xi32, #tpu.memory_space<vmem>>
      %dma_start3A_225 = arith.constant 0 : i32
      %dma_start3A_226 = tpu.memref_slice %arg4[%add3A_220, %dma_start3A_225] : memref<2560x128xi32, #tpu.memory_space<hbm>> -> memref<1x128xi32, #tpu.memory_space<hbm>>
      %dma_start3A_227 = tpu.memref_squeeze %dma_start3A_226 : memref<1x128xi32, #tpu.memory_space<hbm>> -> memref<128xi32, #tpu.memory_space<hbm>>
      %dma_start3A_228 = arith.constant 0 : i32
      %dma_start3A_229 = tpu.memref_slice %arg9[%dma_start3A_221, %dma_start3A_228] : memref<2x128xi32, #tpu.memory_space<vmem>> -> memref<1x128xi32, #tpu.memory_space<vmem>>
      %dma_start3A_230 = tpu.memref_squeeze %dma_start3A_229 : memref<1x128xi32, #tpu.memory_space<vmem>> -> memref<128xi32, #tpu.memory_space<vmem>>
      %dma_start3A_231 = arith.constant 0 : i32
      %dma_start3A_232 = tpu.memref_slice %arg4[%add3A_220, %dma_start3A_231] : memref<2560x128xi32, #tpu.memory_space<hbm>> -> memref<1x128xi32, #tpu.memory_space<hbm>>
      %dma_start3A_233 = tpu.memref_squeeze %dma_start3A_232 : memref<1x128xi32, #tpu.memory_space<hbm>> -> memref<128xi32, #tpu.memory_space<hbm>>
      tpu.enqueue_dma source(%dma_start3A_233 : memref<128xi32, #tpu.memory_space<hbm>>) target(%dma_start3A_230 : memref<128xi32, #tpu.memory_space<vmem>>) target_semaphore(%arg18 : memref<!tpu.dma_semaphore, #tpu.memory_space<semaphore_mem>>)
      %add3A_234 = arith.addi %select_n3A, %select_n3A_219 : i32
      %dma_start3A_235 = arith.constant 0 : i32
      %dma_start3A_236 = arith.constant 0 : i32
      %dma_start3A_237 = tpu.memref_slice %arg10[%dma_start3A_235, %dma_start3A_236] : memref<2x128xf32, #tpu.memory_space<vmem>> -> memref<1x128xf32, #tpu.memory_space<vmem>>
      %dma_start3A_238 = tpu.memref_squeeze %dma_start3A_237 : memref<1x128xf32, #tpu.memory_space<vmem>> -> memref<128xf32, #tpu.memory_space<vmem>>
      %dma_start3A_239 = arith.constant 0 : i32
      %dma_start3A_240 = tpu.memref_slice %arg3[%add3A_234, %dma_start3A_239] : memref<2560x128xf32, #tpu.memory_space<hbm>> -> memref<1x128xf32, #tpu.memory_space<hbm>>
      %dma_start3A_241 = tpu.memref_squeeze %dma_start3A_240 : memref<1x128xf32, #tpu.memory_space<hbm>> -> memref<128xf32, #tpu.memory_space<hbm>>
      %dma_start3A_242 = arith.constant 0 : i32
      %dma_start3A_243 = tpu.memref_slice %arg10[%dma_start3A_235, %dma_start3A_242] : memref<2x128xf32, #tpu.memory_space<vmem>> -> memref<1x128xf32, #tpu.memory_space<vmem>>
      %dma_start3A_244 = tpu.memref_squeeze %dma_start3A_243 : memref<1x128xf32, #tpu.memory_space<vmem>> -> memref<128xf32, #tpu.memory_space<vmem>>
      %dma_start3A_245 = arith.constant 0 : i32
      %dma_start3A_246 = tpu.memref_slice %arg3[%add3A_234, %dma_start3A_245] : memref<2560x128xf32, #tpu.memory_space<hbm>> -> memref<1x128xf32, #tpu.memory_space<hbm>>
      %dma_start3A_247 = tpu.memref_squeeze %dma_start3A_246 : memref<1x128xf32, #tpu.memory_space<hbm>> -> memref<128xf32, #tpu.memory_space<hbm>>
      tpu.enqueue_dma source(%dma_start3A_247 : memref<128xf32, #tpu.memory_space<hbm>>) target(%dma_start3A_244 : memref<128xf32, #tpu.memory_space<vmem>>) target_semaphore(%arg20 : memref<!tpu.dma_semaphore, #tpu.memory_space<semaphore_mem>>)
      %mul3A_248 = arith.constant 2 : i32
      %mul3A_249 = arith.muli %mul3A_248, %while3A_189 : i32
      %add3A_250 = arith.constant 1 : i32
      %add3A_251 = arith.addi %mul3A_249, %add3A_250 : i32
      %dma_wait3A_252 = arith.constant 1 : i32
      %dma_wait3A_253 = arith.constant 0 : i32
      %dma_wait3A_254 = tpu.memref_slice %arg9[%dma_wait3A_252, %dma_wait3A_253] : memref<2x128xi32, #tpu.memory_space<vmem>> -> memref<1x128xi32, #tpu.memory_space<vmem>>
      %dma_wait3A_255 = tpu.memref_squeeze %dma_wait3A_254 : memref<1x128xi32, #tpu.memory_space<vmem>> -> memref<128xi32, #tpu.memory_space<vmem>>
      %dma_wait3A_256 = arith.constant 0 : i32
      %dma_wait3A_257 = arith.constant 0 : i32
      %dma_wait3A_258 = tpu.memref_slice %arg2[%dma_wait3A_256, %dma_wait3A_257] : memref<10000x128xf32, #tpu.memory_space<hbm>> -> memref<10000x128xf32, #tpu.memory_space<hbm>>
      tpu.wait_indirect_dma semaphore(%arg15 : memref<!tpu.dma_semaphore, #tpu.memory_space<semaphore_mem>>) src(%dma_wait3A_258 : memref<10000x128xf32, #tpu.memory_space<hbm>>) dst(%arg12 : memref<128x128xf32, #tpu.memory_space<vmem>>)
      %scan3A_259 = arith.constant 0 : i32
      %scan3A_260 = arith.constant 0 : i32
      %scan3A_261 = arith.constant 128 : i32
      %scan3A_262 = arith.addi %scan3A_260, %scan3A_261 : i32
      %scan3A_263 = arith.constant 1 : i32
      scf.for %scan3A_416 = %scan3A_260 to %scan3A_262 step %scan3A_263  : i32 {
        %broadcast_in_dim3A = arith.constant 1 : i32
        %broadcast_in_dim3A_417 = vector.broadcast %broadcast_in_dim3A : i32 to vector<16xi32>
        %broadcast_in_dim3A_418 = vector.broadcast %scan3A_416 : i32 to vector<16xi32>
        %gather3A = tpu.vector_load_idx %arg10[%broadcast_in_dim3A_417, %broadcast_in_dim3A_418] : memref<2x128xf32, #tpu.memory_space<vmem>>[vector<16xi32>, vector<16xi32>], vector<16xf32>,
        %get3A = arith.index_cast %scan3A_416 : i32 to index
        %get3A_419 = arith.constant 0 : index
        %get3A_420 = tpu.vector_load %arg12[%get3A, %get3A_419] {strides = array<i32>} : memref<128x128xf32, #tpu.memory_space<vmem>>, vector<16xf32>,
        %mul3A_421 = arith.mulf %get3A_420, %gather3A : vector<16xf32>
        %swap3A = arith.index_cast %scan3A_416 : i32 to index
        %swap3A_422 = arith.constant 0 : index
        %swap3A_423 = tpu.vector_load %arg12[%swap3A, %swap3A_422] {strides = array<i32>} : memref<128x128xf32, #tpu.memory_space<vmem>>, vector<16xf32>,
        tpu.vector_store %arg12[%swap3A, %swap3A_422], %mul3A_421 {strides = array<i32>} : memref<128x128xf32, #tpu.memory_space<vmem>>, vector<16xf32>,
        %get3A_424 = arith.index_cast %scan3A_416 : i32 to index
        %get3A_425 = arith.constant 16 : index
        %get3A_426 = tpu.vector_load %arg12[%get3A_424, %get3A_425] {strides = array<i32>} : memref<128x128xf32, #tpu.memory_space<vmem>>, vector<16xf32>,
        %mul3A_427 = arith.mulf %get3A_426, %gather3A : vector<16xf32>
        %swap3A_428 = arith.index_cast %scan3A_416 : i32 to index
        %swap3A_429 = arith.constant 16 : index
        %swap3A_430 = tpu.vector_load %arg12[%swap3A_428, %swap3A_429] {strides = array<i32>} : memref<128x128xf32, #tpu.memory_space<vmem>>, vector<16xf32>,
        tpu.vector_store %arg12[%swap3A_428, %swap3A_429], %mul3A_427 {strides = array<i32>} : memref<128x128xf32, #tpu.memory_space<vmem>>, vector<16xf32>,
        %get3A_431 = arith.index_cast %scan3A_416 : i32 to index
        %get3A_432 = arith.constant 32 : index
        %get3A_433 = tpu.vector_load %arg12[%get3A_431, %get3A_432] {strides = array<i32>} : memref<128x128xf32, #tpu.memory_space<vmem>>, vector<16xf32>,
        %mul3A_434 = arith.mulf %get3A_433, %gather3A : vector<16xf32>
        %swap3A_435 = arith.index_cast %scan3A_416 : i32 to index
        %swap3A_436 = arith.constant 32 : index
        %swap3A_437 = tpu.vector_load %arg12[%swap3A_435, %swap3A_436] {strides = array<i32>} : memref<128x128xf32, #tpu.memory_space<vmem>>, vector<16xf32>,
        tpu.vector_store %arg12[%swap3A_435, %swap3A_436], %mul3A_434 {strides = array<i32>} : memref<128x128xf32, #tpu.memory_space<vmem>>, vector<16xf32>,
        %get3A_438 = arith.index_cast %scan3A_416 : i32 to index
        %get3A_439 = arith.constant 48 : index
        %get3A_440 = tpu.vector_load %arg12[%get3A_438, %get3A_439] {strides = array<i32>} : memref<128x128xf32, #tpu.memory_space<vmem>>, vector<16xf32>,
        %mul3A_441 = arith.mulf %get3A_440, %gather3A : vector<16xf32>
        %swap3A_442 = arith.index_cast %scan3A_416 : i32 to index
        %swap3A_443 = arith.constant 48 : index
        %swap3A_444 = tpu.vector_load %arg12[%swap3A_442, %swap3A_443] {strides = array<i32>} : memref<128x128xf32, #tpu.memory_space<vmem>>, vector<16xf32>,
        tpu.vector_store %arg12[%swap3A_442, %swap3A_443], %mul3A_441 {strides = array<i32>} : memref<128x128xf32, #tpu.memory_space<vmem>>, vector<16xf32>,
        %get3A_445 = arith.index_cast %scan3A_416 : i32 to index
        %get3A_446 = arith.constant 64 : index
        %get3A_447 = tpu.vector_load %arg12[%get3A_445, %get3A_446] {strides = array<i32>} : memref<128x128xf32, #tpu.memory_space<vmem>>, vector<16xf32>,
        %mul3A_448 = arith.mulf %get3A_447, %gather3A : vector<16xf32>
        %swap3A_449 = arith.index_cast %scan3A_416 : i32 to index
        %swap3A_450 = arith.constant 64 : index
        %swap3A_451 = tpu.vector_load %arg12[%swap3A_449, %swap3A_450] {strides = array<i32>} : memref<128x128xf32, #tpu.memory_space<vmem>>, vector<16xf32>,
        tpu.vector_store %arg12[%swap3A_449, %swap3A_450], %mul3A_448 {strides = array<i32>} : memref<128x128xf32, #tpu.memory_space<vmem>>, vector<16xf32>,
        %get3A_452 = arith.index_cast %scan3A_416 : i32 to index
        %get3A_453 = arith.constant 80 : index
        %get3A_454 = tpu.vector_load %arg12[%get3A_452, %get3A_453] {strides = array<i32>} : memref<128x128xf32, #tpu.memory_space<vmem>>, vector<16xf32>,
        %mul3A_455 = arith.mulf %get3A_454, %gather3A : vector<16xf32>
        %swap3A_456 = arith.index_cast %scan3A_416 : i32 to index
        %swap3A_457 = arith.constant 80 : index
        %swap3A_458 = tpu.vector_load %arg12[%swap3A_456, %swap3A_457] {strides = array<i32>} : memref<128x128xf32, #tpu.memory_space<vmem>>, vector<16xf32>,
        tpu.vector_store %arg12[%swap3A_456, %swap3A_457], %mul3A_455 {strides = array<i32>} : memref<128x128xf32, #tpu.memory_space<vmem>>, vector<16xf32>,
        %get3A_459 = arith.index_cast %scan3A_416 : i32 to index
        %get3A_460 = arith.constant 96 : index
        %get3A_461 = tpu.vector_load %arg12[%get3A_459, %get3A_460] {strides = array<i32>} : memref<128x128xf32, #tpu.memory_space<vmem>>, vector<16xf32>,
        %mul3A_462 = arith.mulf %get3A_461, %gather3A : vector<16xf32>
        %swap3A_463 = arith.index_cast %scan3A_416 : i32 to index
        %swap3A_464 = arith.constant 96 : index
        %swap3A_465 = tpu.vector_load %arg12[%swap3A_463, %swap3A_464] {strides = array<i32>} : memref<128x128xf32, #tpu.memory_space<vmem>>, vector<16xf32>,
        tpu.vector_store %arg12[%swap3A_463, %swap3A_464], %mul3A_462 {strides = array<i32>} : memref<128x128xf32, #tpu.memory_space<vmem>>, vector<16xf32>,
        %get3A_466 = arith.index_cast %scan3A_416 : i32 to index
        %get3A_467 = arith.constant 112 : index
        %get3A_468 = tpu.vector_load %arg12[%get3A_466, %get3A_467] {strides = array<i32>} : memref<128x128xf32, #tpu.memory_space<vmem>>, vector<16xf32>,
        %mul3A_469 = arith.mulf %get3A_468, %gather3A : vector<16xf32>
        %swap3A_470 = arith.index_cast %scan3A_416 : i32 to index
        %swap3A_471 = arith.constant 112 : index
        %swap3A_472 = tpu.vector_load %arg12[%swap3A_470, %swap3A_471] {strides = array<i32>} : memref<128x128xf32, #tpu.memory_space<vmem>>, vector<16xf32>,
        tpu.vector_store %arg12[%swap3A_470, %swap3A_471], %mul3A_469 {strides = array<i32>} : memref<128x128xf32, #tpu.memory_space<vmem>>, vector<16xf32>,
      }
      %scan3A_264 = arith.constant 128 : i32
      %dma_start3A_265 = arith.constant 0 : i32
      %dma_start3A_266 = tpu.memref_slice %arg8[%add3A_251, %dma_start3A_265] : memref<128x128xi32, #tpu.memory_space<vmem>> -> memref<1x128xi32, #tpu.memory_space<vmem>>
      %dma_start3A_267 = tpu.memref_squeeze %dma_start3A_266 : memref<1x128xi32, #tpu.memory_space<vmem>> -> memref<128xi32, #tpu.memory_space<vmem>>
      %dma_start3A_268 = arith.constant 0 : i32
      %dma_start3A_269 = arith.constant 0 : i32
      %dma_start3A_270 = tpu.memref_slice %arg13[%dma_start3A_268, %dma_start3A_269] : memref<10112x128xf32, #tpu.memory_space<vmem_shared>> -> memref<10112x128xf32, #tpu.memory_space<vmem_shared>>
      tpu.enqueue_indirect_dma source(%arg12 : memref<128x128xf32, #tpu.memory_space<vmem>>) target(%dma_start3A_270 : memref<10112x128xf32, #tpu.memory_space<vmem_shared>>) offsets(%dma_start3A_267 : memref<128xi32, #tpu.memory_space<vmem>>) semaphore(%arg17 : memref<!tpu.dma_semaphore, #tpu.memory_space<semaphore_mem>>) {add = true}
      %add3A_271 = arith.constant 2 : i32
      %add3A_272 = arith.addi %add3A_251, %add3A_271 : i32
      %ge3A_273 = arith.cmpi sge, %add3A_272, %select_n3A_8 : i32
      %add3A_274 = arith.constant 2 : i32
      %add3A_275 = arith.addi %add3A_251, %add3A_274 : i32
      %sub3A_276 = arith.subi %add3A_275, %select_n3A_8 : i32
      %add3A_277 = arith.constant 2 : i32
      %add3A_278 = arith.addi %add3A_251, %add3A_277 : i32
      %select_n3A_279 = arith.select %ge3A_273, %sub3A_276, %add3A_278 : i32
      %add3A_280 = arith.addi %select_n3A, %select_n3A_279 : i32
      %dma_start3A_281 = arith.constant 1 : i32
      %dma_start3A_282 = arith.constant 0 : i32
      %dma_start3A_283 = tpu.memref_slice %arg9[%dma_start3A_281, %dma_start3A_282] : memref<2x128xi32, #tpu.memory_space<vmem>> -> memref<1x128xi32, #tpu.memory_space<vmem>>
      %dma_start3A_284 = tpu.memref_squeeze %dma_start3A_283 : memref<1x128xi32, #tpu.memory_space<vmem>> -> memref<128xi32, #tpu.memory_space<vmem>>
      %dma_start3A_285 = arith.constant 0 : i32
      %dma_start3A_286 = tpu.memref_slice %arg4[%add3A_280, %dma_start3A_285] : memref<2560x128xi32, #tpu.memory_space<hbm>> -> memref<1x128xi32, #tpu.memory_space<hbm>>
      %dma_start3A_287 = tpu.memref_squeeze %dma_start3A_286 : memref<1x128xi32, #tpu.memory_space<hbm>> -> memref<128xi32, #tpu.memory_space<hbm>>
      %dma_start3A_288 = arith.constant 0 : i32
      %dma_start3A_289 = tpu.memref_slice %arg9[%dma_start3A_281, %dma_start3A_288] : memref<2x128xi32, #tpu.memory_space<vmem>> -> memref<1x128xi32, #tpu.memory_space<vmem>>
      %dma_start3A_290 = tpu.memref_squeeze %dma_start3A_289 : memref<1x128xi32, #tpu.memory_space<vmem>> -> memref<128xi32, #tpu.memory_space<vmem>>
      %dma_start3A_291 = arith.constant 0 : i32
      %dma_start3A_292 = tpu.memref_slice %arg4[%add3A_280, %dma_start3A_291] : memref<2560x128xi32, #tpu.memory_space<hbm>> -> memref<1x128xi32, #tpu.memory_space<hbm>>
      %dma_start3A_293 = tpu.memref_squeeze %dma_start3A_292 : memref<1x128xi32, #tpu.memory_space<hbm>> -> memref<128xi32, #tpu.memory_space<hbm>>
      tpu.enqueue_dma source(%dma_start3A_293 : memref<128xi32, #tpu.memory_space<hbm>>) target(%dma_start3A_290 : memref<128xi32, #tpu.memory_space<vmem>>) target_semaphore(%arg19 : memref<!tpu.dma_semaphore, #tpu.memory_space<semaphore_mem>>)
      %add3A_294 = arith.addi %select_n3A, %select_n3A_279 : i32
      %dma_start3A_295 = arith.constant 1 : i32
      %dma_start3A_296 = arith.constant 0 : i32
      %dma_start3A_297 = tpu.memref_slice %arg10[%dma_start3A_295, %dma_start3A_296] : memref<2x128xf32, #tpu.memory_space<vmem>> -> memref<1x128xf32, #tpu.memory_space<vmem>>
      %dma_start3A_298 = tpu.memref_squeeze %dma_start3A_297 : memref<1x128xf32, #tpu.memory_space<vmem>> -> memref<128xf32, #tpu.memory_space<vmem>>
      %dma_start3A_299 = arith.constant 0 : i32
      %dma_start3A_300 = tpu.memref_slice %arg3[%add3A_294, %dma_start3A_299] : memref<2560x128xf32, #tpu.memory_space<hbm>> -> memref<1x128xf32, #tpu.memory_space<hbm>>
      %dma_start3A_301 = tpu.memref_squeeze %dma_start3A_300 : memref<1x128xf32, #tpu.memory_space<hbm>> -> memref<128xf32, #tpu.memory_space<hbm>>
      %dma_start3A_302 = arith.constant 0 : i32
      %dma_start3A_303 = tpu.memref_slice %arg10[%dma_start3A_295, %dma_start3A_302] : memref<2x128xf32, #tpu.memory_space<vmem>> -> memref<1x128xf32, #tpu.memory_space<vmem>>
      %dma_start3A_304 = tpu.memref_squeeze %dma_start3A_303 : memref<1x128xf32, #tpu.memory_space<vmem>> -> memref<128xf32, #tpu.memory_space<vmem>>
      %dma_start3A_305 = arith.constant 0 : i32
      %dma_start3A_306 = tpu.memref_slice %arg3[%add3A_294, %dma_start3A_305] : memref<2560x128xf32, #tpu.memory_space<hbm>> -> memref<1x128xf32, #tpu.memory_space<hbm>>
      %dma_start3A_307 = tpu.memref_squeeze %dma_start3A_306 : memref<1x128xf32, #tpu.memory_space<hbm>> -> memref<128xf32, #tpu.memory_space<hbm>>
      tpu.enqueue_dma source(%dma_start3A_307 : memref<128xf32, #tpu.memory_space<hbm>>) target(%dma_start3A_304 : memref<128xf32, #tpu.memory_space<vmem>>) target_semaphore(%arg21 : memref<!tpu.dma_semaphore, #tpu.memory_space<semaphore_mem>>)
      %mul3A_308 = arith.constant 2 : i32
      %mul3A_309 = arith.muli %mul3A_308, %while3A_189 : i32
      %add3A_310 = arith.constant 0 : i32
      %add3A_311 = arith.addi %mul3A_309, %add3A_310 : i32
      %add3A_312 = arith.constant 2 : i32
      %add3A_313 = arith.addi %add3A_311, %add3A_312 : i32
      %ge3A_314 = arith.cmpi sge, %add3A_313, %select_n3A_8 : i32
      %add3A_315 = arith.constant 2 : i32
      %add3A_316 = arith.addi %add3A_311, %add3A_315 : i32
      %sub3A_317 = arith.subi %add3A_316, %select_n3A_8 : i32
      %add3A_318 = arith.constant 2 : i32
      %add3A_319 = arith.addi %add3A_311, %add3A_318 : i32
      %select_n3A_320 = arith.select %ge3A_314, %sub3A_317, %add3A_319 : i32
      %dma_wait3A_321 = arith.constant 0 : i32
      %dma_wait3A_322 = tpu.memref_slice %arg8[%add3A_311, %dma_wait3A_321] : memref<128x128xi32, #tpu.memory_space<vmem>> -> memref<1x128xi32, #tpu.memory_space<vmem>>
      %dma_wait3A_323 = tpu.memref_squeeze %dma_wait3A_322 : memref<1x128xi32, #tpu.memory_space<vmem>> -> memref<128xi32, #tpu.memory_space<vmem>>
      %dma_wait3A_324 = arith.constant 0 : i32
      %dma_wait3A_325 = arith.constant 0 : i32
      %dma_wait3A_326 = tpu.memref_slice %arg13[%dma_wait3A_324, %dma_wait3A_325] : memref<10112x128xf32, #tpu.memory_space<vmem_shared>> -> memref<10112x128xf32, #tpu.memory_space<vmem_shared>>
      tpu.wait_indirect_dma semaphore(%arg16 : memref<!tpu.dma_semaphore, #tpu.memory_space<semaphore_mem>>) src(%arg11 : memref<128x128xf32, #tpu.memory_space<vmem>>) dst(%dma_wait3A_326 : memref<10112x128xf32, #tpu.memory_space<vmem_shared>>)
      %add3A_327 = arith.addi %select_n3A, %select_n3A_320 : i32
      %dma_wait3A_328 = arith.constant 0 : i32
      %dma_wait3A_329 = arith.constant 0 : i32
      %dma_wait3A_330 = tpu.memref_slice %arg9[%dma_wait3A_328, %dma_wait3A_329] : memref<2x128xi32, #tpu.memory_space<vmem>> -> memref<1x128xi32, #tpu.memory_space<vmem>>
      %dma_wait3A_331 = tpu.memref_squeeze %dma_wait3A_330 : memref<1x128xi32, #tpu.memory_space<vmem>> -> memref<128xi32, #tpu.memory_space<vmem>>
      %dma_wait3A_332 = arith.constant 0 : i32
      %dma_wait3A_333 = tpu.memref_slice %arg4[%add3A_327, %dma_wait3A_332] : memref<2560x128xi32, #tpu.memory_space<hbm>> -> memref<1x128xi32, #tpu.memory_space<hbm>>
      %dma_wait3A_334 = tpu.memref_squeeze %dma_wait3A_333 : memref<1x128xi32, #tpu.memory_space<hbm>> -> memref<128xi32, #tpu.memory_space<hbm>>
      %dma_wait3A_335 = arith.constant 0 : i32
      %dma_wait3A_336 = tpu.memref_slice %arg9[%dma_wait3A_328, %dma_wait3A_335] : memref<2x128xi32, #tpu.memory_space<vmem>> -> memref<1x128xi32, #tpu.memory_space<vmem>>
      %dma_wait3A_337 = tpu.memref_squeeze %dma_wait3A_336 : memref<1x128xi32, #tpu.memory_space<vmem>> -> memref<128xi32, #tpu.memory_space<vmem>>
      %dma_wait3A_338 = arith.constant 0 : i32
      %dma_wait3A_339 = tpu.memref_slice %arg4[%add3A_327, %dma_wait3A_338] : memref<2560x128xi32, #tpu.memory_space<hbm>> -> memref<1x128xi32, #tpu.memory_space<hbm>>
      %dma_wait3A_340 = tpu.memref_squeeze %dma_wait3A_339 : memref<1x128xi32, #tpu.memory_space<hbm>> -> memref<128xi32, #tpu.memory_space<hbm>>
      tpu.wait_dma2 semaphore(%arg18 : memref<!tpu.dma_semaphore, #tpu.memory_space<semaphore_mem>>) src(%dma_wait3A_340 : memref<128xi32, #tpu.memory_space<hbm>>) dst(%dma_wait3A_337 : memref<128xi32, #tpu.memory_space<vmem>>)
      %add3A_341 = arith.addi %select_n3A, %select_n3A_320 : i32
      %dma_wait3A_342 = arith.constant 0 : i32
      %dma_wait3A_343 = arith.constant 0 : i32
      %dma_wait3A_344 = tpu.memref_slice %arg10[%dma_wait3A_342, %dma_wait3A_343] : memref<2x128xf32, #tpu.memory_space<vmem>> -> memref<1x128xf32, #tpu.memory_space<vmem>>
      %dma_wait3A_345 = tpu.memref_squeeze %dma_wait3A_344 : memref<1x128xf32, #tpu.memory_space<vmem>> -> memref<128xf32, #tpu.memory_space<vmem>>
      %dma_wait3A_346 = arith.constant 0 : i32
      %dma_wait3A_347 = tpu.memref_slice %arg3[%add3A_341, %dma_wait3A_346] : memref<2560x128xf32, #tpu.memory_space<hbm>> -> memref<1x128xf32, #tpu.memory_space<hbm>>
      %dma_wait3A_348 = tpu.memref_squeeze %dma_wait3A_347 : memref<1x128xf32, #tpu.memory_space<hbm>> -> memref<128xf32, #tpu.memory_space<hbm>>
      %dma_wait3A_349 = arith.constant 0 : i32
      %dma_wait3A_350 = tpu.memref_slice %arg10[%dma_wait3A_342, %dma_wait3A_349] : memref<2x128xf32, #tpu.memory_space<vmem>> -> memref<1x128xf32, #tpu.memory_space<vmem>>
      %dma_wait3A_351 = tpu.memref_squeeze %dma_wait3A_350 : memref<1x128xf32, #tpu.memory_space<vmem>> -> memref<128xf32, #tpu.memory_space<vmem>>
      %dma_wait3A_352 = arith.constant 0 : i32
      %dma_wait3A_353 = tpu.memref_slice %arg3[%add3A_341, %dma_wait3A_352] : memref<2560x128xf32, #tpu.memory_space<hbm>> -> memref<1x128xf32, #tpu.memory_space<hbm>>
      %dma_wait3A_354 = tpu.memref_squeeze %dma_wait3A_353 : memref<1x128xf32, #tpu.memory_space<hbm>> -> memref<128xf32, #tpu.memory_space<hbm>>
      tpu.wait_dma2 semaphore(%arg20 : memref<!tpu.dma_semaphore, #tpu.memory_space<semaphore_mem>>) src(%dma_wait3A_354 : memref<128xf32, #tpu.memory_space<hbm>>) dst(%dma_wait3A_351 : memref<128xf32, #tpu.memory_space<vmem>>)
      %dma_start3A_355 = arith.constant 0 : i32
      %dma_start3A_356 = arith.constant 0 : i32
      %dma_start3A_357 = tpu.memref_slice %arg9[%dma_start3A_355, %dma_start3A_356] : memref<2x128xi32, #tpu.memory_space<vmem>> -> memref<1x128xi32, #tpu.memory_space<vmem>>
      %dma_start3A_358 = tpu.memref_squeeze %dma_start3A_357 : memref<1x128xi32, #tpu.memory_space<vmem>> -> memref<128xi32, #tpu.memory_space<vmem>>
      %dma_start3A_359 = arith.constant 0 : i32
      %dma_start3A_360 = arith.constant 0 : i32
      %dma_start3A_361 = tpu.memref_slice %arg2[%dma_start3A_359, %dma_start3A_360] : memref<10000x128xf32, #tpu.memory_space<hbm>> -> memref<10000x128xf32, #tpu.memory_space<hbm>>
      tpu.enqueue_indirect_dma source(%dma_start3A_361 : memref<10000x128xf32, #tpu.memory_space<hbm>>) target(%arg11 : memref<128x128xf32, #tpu.memory_space<vmem>>) offsets(%dma_start3A_358 : memref<128xi32, #tpu.memory_space<vmem>>) semaphore(%arg14 : memref<!tpu.dma_semaphore, #tpu.memory_space<semaphore_mem>>)
      %mul3A_362 = arith.constant 2 : i32
      %mul3A_363 = arith.muli %mul3A_362, %while3A_189 : i32
      %add3A_364 = arith.constant 1 : i32
      %add3A_365 = arith.addi %mul3A_363, %add3A_364 : i32
      %add3A_366 = arith.constant 2 : i32
      %add3A_367 = arith.addi %add3A_365, %add3A_366 : i32
      %ge3A_368 = arith.cmpi sge, %add3A_367, %select_n3A_8 : i32
      %add3A_369 = arith.constant 2 : i32
      %add3A_370 = arith.addi %add3A_365, %add3A_369 : i32
      %sub3A_371 = arith.subi %add3A_370, %select_n3A_8 : i32
      %add3A_372 = arith.constant 2 : i32
      %add3A_373 = arith.addi %add3A_365, %add3A_372 : i32
      %select_n3A_374 = arith.select %ge3A_368, %sub3A_371, %add3A_373 : i32
      %dma_wait3A_375 = arith.constant 0 : i32
      %dma_wait3A_376 = tpu.memref_slice %arg8[%add3A_365, %dma_wait3A_375] : memref<128x128xi32, #tpu.memory_space<vmem>> -> memref<1x128xi32, #tpu.memory_space<vmem>>
      %dma_wait3A_377 = tpu.memref_squeeze %dma_wait3A_376 : memref<1x128xi32, #tpu.memory_space<vmem>> -> memref<128xi32, #tpu.memory_space<vmem>>
      %dma_wait3A_378 = arith.constant 0 : i32
      %dma_wait3A_379 = arith.constant 0 : i32
      %dma_wait3A_380 = tpu.memref_slice %arg13[%dma_wait3A_378, %dma_wait3A_379] : memref<10112x128xf32, #tpu.memory_space<vmem_shared>> -> memref<10112x128xf32, #tpu.memory_space<vmem_shared>>
      tpu.wait_indirect_dma semaphore(%arg17 : memref<!tpu.dma_semaphore, #tpu.memory_space<semaphore_mem>>) src(%arg12 : memref<128x128xf32, #tpu.memory_space<vmem>>) dst(%dma_wait3A_380 : memref<10112x128xf32, #tpu.memory_space<vmem_shared>>)
      %add3A_381 = arith.addi %select_n3A, %select_n3A_374 : i32
      %dma_wait3A_382 = arith.constant 1 : i32
      %dma_wait3A_383 = arith.constant 0 : i32
      %dma_wait3A_384 = tpu.memref_slice %arg9[%dma_wait3A_382, %dma_wait3A_383] : memref<2x128xi32, #tpu.memory_space<vmem>> -> memref<1x128xi32, #tpu.memory_space<vmem>>
      %dma_wait3A_385 = tpu.memref_squeeze %dma_wait3A_384 : memref<1x128xi32, #tpu.memory_space<vmem>> -> memref<128xi32, #tpu.memory_space<vmem>>
      %dma_wait3A_386 = arith.constant 0 : i32
      %dma_wait3A_387 = tpu.memref_slice %arg4[%add3A_381, %dma_wait3A_386] : memref<2560x128xi32, #tpu.memory_space<hbm>> -> memref<1x128xi32, #tpu.memory_space<hbm>>
      %dma_wait3A_388 = tpu.memref_squeeze %dma_wait3A_387 : memref<1x128xi32, #tpu.memory_space<hbm>> -> memref<128xi32, #tpu.memory_space<hbm>>
      %dma_wait3A_389 = arith.constant 0 : i32
      %dma_wait3A_390 = tpu.memref_slice %arg9[%dma_wait3A_382, %dma_wait3A_389] : memref<2x128xi32, #tpu.memory_space<vmem>> -> memref<1x128xi32, #tpu.memory_space<vmem>>
      %dma_wait3A_391 = tpu.memref_squeeze %dma_wait3A_390 : memref<1x128xi32, #tpu.memory_space<vmem>> -> memref<128xi32, #tpu.memory_space<vmem>>
      %dma_wait3A_392 = arith.constant 0 : i32
      %dma_wait3A_393 = tpu.memref_slice %arg4[%add3A_381, %dma_wait3A_392] : memref<2560x128xi32, #tpu.memory_space<hbm>> -> memref<1x128xi32, #tpu.memory_space<hbm>>
      %dma_wait3A_394 = tpu.memref_squeeze %dma_wait3A_393 : memref<1x128xi32, #tpu.memory_space<hbm>> -> memref<128xi32, #tpu.memory_space<hbm>>
      tpu.wait_dma2 semaphore(%arg19 : memref<!tpu.dma_semaphore, #tpu.memory_space<semaphore_mem>>) src(%dma_wait3A_394 : memref<128xi32, #tpu.memory_space<hbm>>) dst(%dma_wait3A_391 : memref<128xi32, #tpu.memory_space<vmem>>)
      %add3A_395 = arith.addi %select_n3A, %select_n3A_374 : i32
      %dma_wait3A_396 = arith.constant 1 : i32
      %dma_wait3A_397 = arith.constant 0 : i32
      %dma_wait3A_398 = tpu.memref_slice %arg10[%dma_wait3A_396, %dma_wait3A_397] : memref<2x128xf32, #tpu.memory_space<vmem>> -> memref<1x128xf32, #tpu.memory_space<vmem>>
      %dma_wait3A_399 = tpu.memref_squeeze %dma_wait3A_398 : memref<1x128xf32, #tpu.memory_space<vmem>> -> memref<128xf32, #tpu.memory_space<vmem>>
      %dma_wait3A_400 = arith.constant 0 : i32
      %dma_wait3A_401 = tpu.memref_slice %arg3[%add3A_395, %dma_wait3A_400] : memref<2560x128xf32, #tpu.memory_space<hbm>> -> memref<1x128xf32, #tpu.memory_space<hbm>>
      %dma_wait3A_402 = tpu.memref_squeeze %dma_wait3A_401 : memref<1x128xf32, #tpu.memory_space<hbm>> -> memref<128xf32, #tpu.memory_space<hbm>>
      %dma_wait3A_403 = arith.constant 0 : i32
      %dma_wait3A_404 = tpu.memref_slice %arg10[%dma_wait3A_396, %dma_wait3A_403] : memref<2x128xf32, #tpu.memory_space<vmem>> -> memref<1x128xf32, #tpu.memory_space<vmem>>
      %dma_wait3A_405 = tpu.memref_squeeze %dma_wait3A_404 : memref<1x128xf32, #tpu.memory_space<vmem>> -> memref<128xf32, #tpu.memory_space<vmem>>
      %dma_wait3A_406 = arith.constant 0 : i32
      %dma_wait3A_407 = tpu.memref_slice %arg3[%add3A_395, %dma_wait3A_406] : memref<2560x128xf32, #tpu.memory_space<hbm>> -> memref<1x128xf32, #tpu.memory_space<hbm>>
      %dma_wait3A_408 = tpu.memref_squeeze %dma_wait3A_407 : memref<1x128xf32, #tpu.memory_space<hbm>> -> memref<128xf32, #tpu.memory_space<hbm>>
      tpu.wait_dma2 semaphore(%arg21 : memref<!tpu.dma_semaphore, #tpu.memory_space<semaphore_mem>>) src(%dma_wait3A_408 : memref<128xf32, #tpu.memory_space<hbm>>) dst(%dma_wait3A_405 : memref<128xf32, #tpu.memory_space<vmem>>)
      %dma_start3A_409 = arith.constant 1 : i32
      %dma_start3A_410 = arith.constant 0 : i32
      %dma_start3A_411 = tpu.memref_slice %arg9[%dma_start3A_409, %dma_start3A_410] : memref<2x128xi32, #tpu.memory_space<vmem>> -> memref<1x128xi32, #tpu.memory_space<vmem>>
      %dma_start3A_412 = tpu.memref_squeeze %dma_start3A_411 : memref<1x128xi32, #tpu.memory_space<vmem>> -> memref<128xi32, #tpu.memory_space<vmem>>
      %dma_start3A_413 = arith.constant 0 : i32
      %dma_start3A_414 = arith.constant 0 : i32
      %dma_start3A_415 = tpu.memref_slice %arg2[%dma_start3A_413, %dma_start3A_414] : memref<10000x128xf32, #tpu.memory_space<hbm>> -> memref<10000x128xf32, #tpu.memory_space<hbm>>
      tpu.enqueue_indirect_dma source(%dma_start3A_415 : memref<10000x128xf32, #tpu.memory_space<hbm>>) target(%arg12 : memref<128x128xf32, #tpu.memory_space<vmem>>) offsets(%dma_start3A_412 : memref<128xi32, #tpu.memory_space<vmem>>) semaphore(%arg15 : memref<!tpu.dma_semaphore, #tpu.memory_space<semaphore_mem>>)
    }
    %dma_wait3A_170 = arith.constant 0 : i32
    %dma_wait3A_171 = arith.constant 0 : i32
    %dma_wait3A_172 = tpu.memref_slice %arg9[%dma_wait3A_170, %dma_wait3A_171] : memref<2x128xi32, #tpu.memory_space<vmem>> -> memref<1x128xi32, #tpu.memory_space<vmem>>
    %dma_wait3A_173 = tpu.memref_squeeze %dma_wait3A_172 : memref<1x128xi32, #tpu.memory_space<vmem>> -> memref<128xi32, #tpu.memory_space<vmem>>
    %dma_wait3A_174 = arith.constant 0 : i32
    %dma_wait3A_175 = arith.constant 0 : i32
    %dma_wait3A_176 = tpu.memref_slice %arg2[%dma_wait3A_174, %dma_wait3A_175] : memref<10000x128xf32, #tpu.memory_space<hbm>> -> memref<10000x128xf32, #tpu.memory_space<hbm>>
    tpu.wait_indirect_dma semaphore(%arg14 : memref<!tpu.dma_semaphore, #tpu.memory_space<semaphore_mem>>) src(%dma_wait3A_176 : memref<10000x128xf32, #tpu.memory_space<hbm>>) dst(%arg11 : memref<128x128xf32, #tpu.memory_space<vmem>>)
    %dma_wait3A_177 = arith.constant 1 : i32
    %dma_wait3A_178 = arith.constant 0 : i32
    %dma_wait3A_179 = tpu.memref_slice %arg9[%dma_wait3A_177, %dma_wait3A_178] : memref<2x128xi32, #tpu.memory_space<vmem>> -> memref<1x128xi32, #tpu.memory_space<vmem>>
    %dma_wait3A_180 = tpu.memref_squeeze %dma_wait3A_179 : memref<1x128xi32, #tpu.memory_space<vmem>> -> memref<128xi32, #tpu.memory_space<vmem>>
    %dma_wait3A_181 = arith.constant 0 : i32
    %dma_wait3A_182 = arith.constant 0 : i32
    %dma_wait3A_183 = tpu.memref_slice %arg2[%dma_wait3A_181, %dma_wait3A_182] : memref<10000x128xf32, #tpu.memory_space<hbm>> -> memref<10000x128xf32, #tpu.memory_space<hbm>>
    tpu.wait_indirect_dma semaphore(%arg15 : memref<!tpu.dma_semaphore, #tpu.memory_space<semaphore_mem>>) src(%dma_wait3A_183 : memref<10000x128xf32, #tpu.memory_space<hbm>>) dst(%arg12 : memref<128x128xf32, #tpu.memory_space<vmem>>)
    %barrier3A_184 = arith.constant 0 : index
    tpu.barrier barrier_id(%barrier3A_184)
    %mul3A_185 = arith.constant 632 : i32
    %mul3A_186 = arith.muli %arg1, %mul3A_185 : i32
    %mul3A_187 = arith.constant 632 : i32
    %mul3A_188 = arith.muli %arg1, %mul3A_187 : i32
    "tpu.region"() ({
      %run_scoped3A = tpu.sem_alloc : memref<!tpu.dma_semaphore, #tpu.memory_space<semaphore_mem>>
      %dma_start3A_189 = arith.constant 0 : i32
      %dma_start3A_190 = tpu.memref_slice %arg7[%arg0, %mul3A_188, %dma_start3A_189] : memref<2x10112x128xf32, #tpu.memory_space<hbm>> -> memref<1x632x128xf32, #tpu.memory_space<hbm>>
      %dma_start3A_191 = tpu.memref_squeeze %dma_start3A_190 : memref<1x632x128xf32, #tpu.memory_space<hbm>> -> memref<632x128xf32, #tpu.memory_space<hbm>>
      %dma_start3A_192 = arith.constant 0 : i32
      %dma_start3A_193 = tpu.memref_slice %arg13[%mul3A_186, %dma_start3A_192] : memref<10112x128xf32, #tpu.memory_space<vmem_shared>> -> memref<632x128xf32, #tpu.memory_space<vmem_shared>>
      tpu.enqueue_dma source(%dma_start3A_193 : memref<632x128xf32, #tpu.memory_space<vmem_shared>>) target(%dma_start3A_191 : memref<632x128xf32, #tpu.memory_space<hbm>>) target_semaphore(%run_scoped3A : memref<!tpu.dma_semaphore, #tpu.memory_space<semaphore_mem>>)
      %dma_wait3A_194 = arith.constant 0 : i32
      %dma_wait3A_195 = tpu.memref_slice %arg7[%arg0, %mul3A_188, %dma_wait3A_194] : memref<2x10112x128xf32, #tpu.memory_space<hbm>> -> memref<1x632x128xf32, #tpu.memory_space<hbm>>
      %dma_wait3A_196 = tpu.memref_squeeze %dma_wait3A_195 : memref<1x632x128xf32, #tpu.memory_space<hbm>> -> memref<632x128xf32, #tpu.memory_space<hbm>>
      %dma_wait3A_197 = arith.constant 0 : i32
      %dma_wait3A_198 = tpu.memref_slice %arg13[%mul3A_186, %dma_wait3A_197] : memref<10112x128xf32, #tpu.memory_space<vmem_shared>> -> memref<632x128xf32, #tpu.memory_space<vmem_shared>>
      tpu.wait_dma2 semaphore(%run_scoped3A : memref<!tpu.dma_semaphore, #tpu.memory_space<semaphore_mem>>) src(%dma_wait3A_198 : memref<632x128xf32, #tpu.memory_space<vmem_shared>>) dst(%dma_wait3A_196 : memref<632x128xf32, #tpu.memory_space<hbm>>)
      tpu.yield
    }) : () -> ()
    return
  }
}

module attributes {stable_mosaic.version = 14 : i64} {
  func.func @_tc1_body(%arg0: memref<10000x128xf32, #tpu.memory_space<vmem>>, %arg1: memref<128x128xf32, #tpu.memory_space<vmem>>, %arg2: memref<1x128xf32, #tpu.memory_space<vmem>>, %arg3: memref<2x128xf32, #tpu.memory_space<vmem>>, %arg4: memref<1x2xf32, #tpu.memory_space<vmem>>, %arg5: memref<2x10000x1xf32, #tpu.memory_space<vmem>>, %arg6: memref<10000x128xf32, #tpu.memory_space<vmem>>, %arg7: memref<10000x2xf32, #tpu.memory_space<vmem>>, %arg8: memref<10000x1xf32, #tpu.memory_space<vmem>>, %arg9: memref<10000x128xf32, #tpu.memory_space<vmem>>) attributes {dimension_semantics = [], scalar_prefetch = 0 : i64, scratch_operands = 0 : i64, tpu.core_type = #tpu.core_type<tc>} {
    %get3A = arith.constant 0 : index
    %get3A_0 = arith.constant 0 : index
    %get3A_1 = vector.load %arg0[%get3A, %get3A_0] : memref<10000x128xf32, #tpu.memory_space<vmem>>, vector<10000x128xf32>
    %get3A_2 = arith.constant 0 : index
    %get3A_3 = arith.constant 0 : index
    %get3A_4 = vector.load %arg1[%get3A_2, %get3A_3] : memref<128x128xf32, #tpu.memory_space<vmem>>, vector<128x128xf32>
    %dot_general3A = arith.constant dense<0.000000e+00> : vector<10000x128xf32>
    %dot_general3A_5 = tpu.matmul %get3A_1, %get3A_4, %dot_general3A {dimension_numbers = #tpu.dot_dimension_numbers<[1], [1], [0], [0], [0, 0, 1, 0], [], []>, transpose_lhs_hint = false} : vector<10000x128xf32>, vector<128x128xf32>, vector<10000x128xf32> -> vector<10000x128xf32>
    %get3A_6 = arith.constant 0 : index
    %get3A_7 = arith.constant 0 : index
    %get3A_8 = vector.load %arg2[%get3A_6, %get3A_7] : memref<1x128xf32, #tpu.memory_space<vmem>>, vector<1x128xf32>
    %add3A = vector.broadcast %get3A_8 : vector<1x128xf32> to vector<10000x128xf32>
    %add3A_9 = arith.addf %dot_general3A_5, %add3A : vector<10000x128xf32>
    %max3A = arith.constant 0.000000e+00 : f32
    %max3A_10 = vector.broadcast %max3A : f32 to vector<10000x128xf32>
    %max3A_11 = arith.maximumf %add3A_9, %max3A_10 : vector<10000x128xf32>
    %swap3A = arith.constant 0 : index
    %swap3A_12 = arith.constant 0 : index
    %swap3A_13 = vector.load %arg6[%swap3A, %swap3A_12] : memref<10000x128xf32, #tpu.memory_space<vmem>>, vector<10000x128xf32>
    tpu.vector_store %arg6[%swap3A, %swap3A_12], %max3A_11 {strides = array<i32>} : memref<10000x128xf32, #tpu.memory_space<vmem>>, vector<10000x128xf32>,
    %get3A_14 = arith.constant 0 : index
    %get3A_15 = arith.constant 0 : index
    %get3A_16 = vector.load %arg3[%get3A_14, %get3A_15] : memref<2x128xf32, #tpu.memory_space<vmem>>, vector<2x128xf32>
    %dot_general3A_17 = arith.constant dense<0.000000e+00> : vector<10000x2xf32>
    %dot_general3A_18 = tpu.matmul %max3A_11, %get3A_16, %dot_general3A_17 {dimension_numbers = #tpu.dot_dimension_numbers<[1], [1], [0], [0], [0, 0, 1, 0], [], []>, transpose_lhs_hint = false} : vector<10000x128xf32>, vector<2x128xf32>, vector<10000x2xf32> -> vector<10000x2xf32>
    %get3A_19 = arith.constant 0 : index
    %get3A_20 = arith.constant 0 : index
    %get3A_21 = vector.load %arg4[%get3A_19, %get3A_20] : memref<1x2xf32, #tpu.memory_space<vmem>>, vector<1x2xf32>
    %add3A_22 = vector.broadcast %get3A_21 : vector<1x2xf32> to vector<10000x2xf32>
    %add3A_23 = arith.addf %dot_general3A_18, %add3A_22 : vector<10000x2xf32>
    %swap3A_24 = arith.constant 0 : index
    %swap3A_25 = arith.constant 0 : index
    %swap3A_26 = vector.load %arg7[%swap3A_24, %swap3A_25] : memref<10000x2xf32, #tpu.memory_space<vmem>>, vector<10000x2xf32>
    tpu.vector_store %arg7[%swap3A_24, %swap3A_25], %add3A_23 {strides = array<i32>} : memref<10000x2xf32, #tpu.memory_space<vmem>>, vector<10000x2xf32>,
    %get3A_27 = arith.constant 0 : index
    %get3A_28 = arith.constant 0 : index
    %get3A_29 = arith.constant 0 : index
    %get3A_30 = vector.load %arg5[%get3A_27, %get3A_28, %get3A_29] : memref<2x10000x1xf32, #tpu.memory_space<vmem>>, vector<1x10000x1xf32>
    %get3A_31 = vector.shape_cast %get3A_30 : vector<1x10000x1xf32> to vector<10000x1xf32>
    %get3A_32 = arith.constant 1 : index
    %get3A_33 = arith.constant 0 : index
    %get3A_34 = arith.constant 0 : index
    %get3A_35 = vector.load %arg5[%get3A_32, %get3A_33, %get3A_34] : memref<2x10000x1xf32, #tpu.memory_space<vmem>>, vector<1x10000x1xf32>
    %get3A_36 = vector.shape_cast %get3A_35 : vector<1x10000x1xf32> to vector<10000x1xf32>
    %add3A_37 = arith.addf %get3A_31, %get3A_36 : vector<10000x1xf32>
    %max3A_38 = arith.constant 1.000000e+00 : f32
    %max3A_39 = vector.broadcast %max3A_38 : f32 to vector<10000x1xf32>
    %max3A_40 = arith.maximumf %add3A_37, %max3A_39 : vector<10000x1xf32>
    %rsqrt3A = math.rsqrt %max3A_40 : vector<10000x1xf32>
    %swap3A_41 = arith.constant 0 : index
    %swap3A_42 = arith.constant 0 : index
    %swap3A_43 = vector.load %arg8[%swap3A_41, %swap3A_42] : memref<10000x1xf32, #tpu.memory_space<vmem>>, vector<10000x1xf32>
    tpu.vector_store %arg8[%swap3A_41, %swap3A_42], %rsqrt3A {strides = array<i32>} : memref<10000x1xf32, #tpu.memory_space<vmem>>, vector<10000x1xf32>,
    %mul3A = vector.broadcast %rsqrt3A : vector<10000x1xf32> to vector<10000x128xf32>
    %mul3A_44 = arith.mulf %mul3A, %max3A_11 : vector<10000x128xf32>
    %swap3A_45 = arith.constant 0 : index
    %swap3A_46 = arith.constant 0 : index
    %swap3A_47 = vector.load %arg9[%swap3A_45, %swap3A_46] : memref<10000x128xf32, #tpu.memory_space<vmem>>, vector<10000x128xf32>
    tpu.vector_store %arg9[%swap3A_45, %swap3A_46], %mul3A_44 {strides = array<i32>} : memref<10000x128xf32, #tpu.memory_space<vmem>>, vector<10000x128xf32>,
    return
  }
}

module attributes {stable_mosaic.version = 14 : i64} {
  func.func @_tc2_body(%arg0: memref<10000x128xf32, #tpu.memory_space<vmem>>, %arg1: memref<10000x1xf32, #tpu.memory_space<vmem>>, %arg2: memref<2x10000x128xf32, #tpu.memory_space<vmem>>, %arg3: memref<2x128xf32, #tpu.memory_space<vmem>>, %arg4: memref<1x2xf32, #tpu.memory_space<vmem>>, %arg5: memref<10000x2xf32, #tpu.memory_space<vmem>>, %arg6: memref<10000x128xf32, #tpu.memory_space<vmem>>) attributes {dimension_semantics = [], scalar_prefetch = 0 : i64, scratch_operands = 0 : i64, tpu.core_type = #tpu.core_type<tc>} {
    %get3A = arith.constant 0 : index
    %get3A_0 = arith.constant 0 : index
    %get3A_1 = vector.load %arg1[%get3A, %get3A_0] : memref<10000x1xf32, #tpu.memory_space<vmem>>, vector<10000x1xf32>
    %get3A_2 = arith.constant 0 : index
    %get3A_3 = arith.constant 0 : index
    %get3A_4 = arith.constant 0 : index
    %get3A_5 = vector.load %arg2[%get3A_2, %get3A_3, %get3A_4] : memref<2x10000x128xf32, #tpu.memory_space<vmem>>, vector<1x10000x128xf32>
    %get3A_6 = vector.shape_cast %get3A_5 : vector<1x10000x128xf32> to vector<10000x128xf32>
    %get3A_7 = arith.constant 1 : index
    %get3A_8 = arith.constant 0 : index
    %get3A_9 = arith.constant 0 : index
    %get3A_10 = vector.load %arg2[%get3A_7, %get3A_8, %get3A_9] : memref<2x10000x128xf32, #tpu.memory_space<vmem>>, vector<1x10000x128xf32>
    %get3A_11 = vector.shape_cast %get3A_10 : vector<1x10000x128xf32> to vector<10000x128xf32>
    %add3A = arith.addf %get3A_6, %get3A_11 : vector<10000x128xf32>
    %mul3A = vector.broadcast %get3A_1 : vector<10000x1xf32> to vector<10000x128xf32>
    %mul3A_12 = arith.mulf %mul3A, %add3A : vector<10000x128xf32>
    %get3A_13 = arith.constant 0 : index
    %get3A_14 = arith.constant 0 : index
    %get3A_15 = vector.load %arg0[%get3A_13, %get3A_14] : memref<10000x128xf32, #tpu.memory_space<vmem>>, vector<10000x128xf32>
    %mul3A_16 = arith.constant 3.000000e-01 : f32
    %mul3A_17 = vector.broadcast %mul3A_16 : f32 to vector<10000x128xf32>
    %mul3A_18 = arith.mulf %mul3A_17, %get3A_15 : vector<10000x128xf32>
    %add3A_19 = arith.addf %mul3A_18, %mul3A_12 : vector<10000x128xf32>
    %get3A_20 = arith.constant 0 : index
    %get3A_21 = arith.constant 0 : index
    %get3A_22 = vector.load %arg3[%get3A_20, %get3A_21] : memref<2x128xf32, #tpu.memory_space<vmem>>, vector<2x128xf32>
    %dot_general3A = arith.constant dense<0.000000e+00> : vector<10000x2xf32>
    %dot_general3A_23 = tpu.matmul %add3A_19, %get3A_22, %dot_general3A {dimension_numbers = #tpu.dot_dimension_numbers<[1], [1], [0], [0], [0, 0, 1, 0], [], []>, transpose_lhs_hint = false} : vector<10000x128xf32>, vector<2x128xf32>, vector<10000x2xf32> -> vector<10000x2xf32>
    %get3A_24 = arith.constant 0 : index
    %get3A_25 = arith.constant 0 : index
    %get3A_26 = vector.load %arg4[%get3A_24, %get3A_25] : memref<1x2xf32, #tpu.memory_space<vmem>>, vector<1x2xf32>
    %add3A_27 = vector.broadcast %get3A_26 : vector<1x2xf32> to vector<10000x2xf32>
    %add3A_28 = arith.addf %dot_general3A_23, %add3A_27 : vector<10000x2xf32>
    %swap3A = arith.constant 0 : index
    %swap3A_29 = arith.constant 0 : index
    %swap3A_30 = vector.load %arg5[%swap3A, %swap3A_29] : memref<10000x2xf32, #tpu.memory_space<vmem>>, vector<10000x2xf32>
    tpu.vector_store %arg5[%swap3A, %swap3A_29], %add3A_28 {strides = array<i32>} : memref<10000x2xf32, #tpu.memory_space<vmem>>, vector<10000x2xf32>,
    %mul3A_31 = vector.broadcast %get3A_1 : vector<10000x1xf32> to vector<10000x128xf32>
    %mul3A_32 = arith.mulf %mul3A_31, %add3A_19 : vector<10000x128xf32>
    %swap3A_33 = arith.constant 0 : index
    %swap3A_34 = arith.constant 0 : index
    %swap3A_35 = vector.load %arg6[%swap3A_33, %swap3A_34] : memref<10000x128xf32, #tpu.memory_space<vmem>>, vector<10000x128xf32>
    tpu.vector_store %arg6[%swap3A_33, %swap3A_34], %mul3A_32 {strides = array<i32>} : memref<10000x128xf32, #tpu.memory_space<vmem>>, vector<10000x128xf32>,
    return
  }
}

module attributes {stable_mosaic.version = 14 : i64} {
  func.func @_tc3_body(%arg0: memref<10000x128xf32, #tpu.memory_space<vmem>>, %arg1: memref<10000x1xf32, #tpu.memory_space<vmem>>, %arg2: memref<2x10000x128xf32, #tpu.memory_space<vmem>>, %arg3: memref<64x128xf32, #tpu.memory_space<vmem>>, %arg4: memref<1x64xf32, #tpu.memory_space<vmem>>, %arg5: memref<10000x64xf32, #tpu.memory_space<vmem>>) attributes {dimension_semantics = [], scalar_prefetch = 0 : i64, scratch_operands = 0 : i64, tpu.core_type = #tpu.core_type<tc>} {
    %get3A = arith.constant 0 : index
    %get3A_0 = arith.constant 0 : index
    %get3A_1 = vector.load %arg1[%get3A, %get3A_0] : memref<10000x1xf32, #tpu.memory_space<vmem>>, vector<10000x1xf32>
    %get3A_2 = arith.constant 0 : index
    %get3A_3 = arith.constant 0 : index
    %get3A_4 = arith.constant 0 : index
    %get3A_5 = vector.load %arg2[%get3A_2, %get3A_3, %get3A_4] : memref<2x10000x128xf32, #tpu.memory_space<vmem>>, vector<1x10000x128xf32>
    %get3A_6 = vector.shape_cast %get3A_5 : vector<1x10000x128xf32> to vector<10000x128xf32>
    %get3A_7 = arith.constant 1 : index
    %get3A_8 = arith.constant 0 : index
    %get3A_9 = arith.constant 0 : index
    %get3A_10 = vector.load %arg2[%get3A_7, %get3A_8, %get3A_9] : memref<2x10000x128xf32, #tpu.memory_space<vmem>>, vector<1x10000x128xf32>
    %get3A_11 = vector.shape_cast %get3A_10 : vector<1x10000x128xf32> to vector<10000x128xf32>
    %add3A = arith.addf %get3A_6, %get3A_11 : vector<10000x128xf32>
    %mul3A = vector.broadcast %get3A_1 : vector<10000x1xf32> to vector<10000x128xf32>
    %mul3A_12 = arith.mulf %mul3A, %add3A : vector<10000x128xf32>
    %get3A_13 = arith.constant 0 : index
    %get3A_14 = arith.constant 0 : index
    %get3A_15 = vector.load %arg0[%get3A_13, %get3A_14] : memref<10000x128xf32, #tpu.memory_space<vmem>>, vector<10000x128xf32>
    %mul3A_16 = arith.constant 3.000000e-01 : f32
    %mul3A_17 = vector.broadcast %mul3A_16 : f32 to vector<10000x128xf32>
    %mul3A_18 = arith.mulf %mul3A_17, %get3A_15 : vector<10000x128xf32>
    %add3A_19 = arith.addf %mul3A_18, %mul3A_12 : vector<10000x128xf32>
    %get3A_20 = arith.constant 0 : index
    %get3A_21 = arith.constant 0 : index
    %get3A_22 = vector.load %arg3[%get3A_20, %get3A_21] : memref<64x128xf32, #tpu.memory_space<vmem>>, vector<64x128xf32>
    %dot_general3A = arith.constant dense<0.000000e+00> : vector<10000x64xf32>
    %dot_general3A_23 = tpu.matmul %add3A_19, %get3A_22, %dot_general3A {dimension_numbers = #tpu.dot_dimension_numbers<[1], [1], [0], [0], [0, 0, 1, 0], [], []>, transpose_lhs_hint = false} : vector<10000x128xf32>, vector<64x128xf32>, vector<10000x64xf32> -> vector<10000x64xf32>
    %get3A_24 = arith.constant 0 : index
    %get3A_25 = arith.constant 0 : index
    %get3A_26 = vector.load %arg4[%get3A_24, %get3A_25] : memref<1x64xf32, #tpu.memory_space<vmem>>, vector<1x64xf32>
    %add3A_27 = vector.broadcast %get3A_26 : vector<1x64xf32> to vector<10000x64xf32>
    %add3A_28 = arith.addf %dot_general3A_23, %add3A_27 : vector<10000x64xf32>
    %swap3A = arith.constant 0 : index
    %swap3A_29 = arith.constant 0 : index
    %swap3A_30 = vector.load %arg5[%swap3A, %swap3A_29] : memref<10000x64xf32, #tpu.memory_space<vmem>>, vector<10000x64xf32>
    tpu.vector_store %arg5[%swap3A, %swap3A_29], %add3A_28 {strides = array<i32>} : memref<10000x64xf32, #tpu.memory_space<vmem>>, vector<10000x64xf32>,
    return
  }
}

</mosaic_0001>

<sc_bundles>
// kernel: kernel.10.cloned.1.call-start
scs
__scs_entry_jumppad:
0x0: {  	(pc) =	sbr.rel $0x88, $3  }
0x1: {  	(tag) =	ssettag $0x0;
	lr =	simm.s32 $0x1  }
0x2: {  	[smem:$0x3F97] =	sst lr;
	_ =	strace $0xD0000000  }
0x3: {  	_ = 	snop  }
0x4: {  	_ = 	snop  }
0x5: {  	_ = 	snop  }
0x6: {  	_ = 	snop  }
0x7: {  	_ = 	snop  }
__scs_overlays_trampoline_lowered:
0x8: {  	[smem:$0x3FA6] =	sst s0  }
0x9: {  	[smem:$0x3FA7] =	sst s1  }
0xa: {  	[smem:$0x3FA8] =	sst s2  }
0xb: {  	[smem:$0x3FA9] =	sst s3  }
0xc: {  	[smem:$0x3FAA] =	sst s4  }
0xd: {  	[smem:$0x3FAB] =	sst s5  }
0xe: {  	[smem:$0x3FAC] =	sst s6  }
0xf: {  	[smem:$0x3FAD] =	sst s7  }
0x10: {  	[smem:$0x3FAE] =	sst s8  }
0x11: {  	[smem:$0x3FAF] =	sst s9;
	s0 =	simm.s32 @!p0 $0x0  }
0x12: {  	s1 =	sld [smem:$0x3F95];
	s0 =	simm.s32 @p0 $0x1  }
0x13: {  	[smem:$0x3FB0] =	sst s0;
	s0 =	simm.s32 @!p1 $0x0  }
0x14: {  	s2 =	sld [smem:$0x3F94];
	s0 =	simm.s32 @p1 $0x1  }
0x15: {  	[smem:$0x3FB1] =	sst s0;
	s0 =	simm.s32 @!p2 $0x0  }
0x16: {  	s3 =	sld [smem:$0x3FDB];
	s0 =	simm.s32 @p2 $0x1  }
0x17: {  	s4 =	simm.s32 $0x1BF5;
	[smem:$0x3FB3] =	sst s0  }
0x18: {  	s0 =	sld [smem:$0x3F96];
	_ =	swait.ge [sflag:s4], $0x0  }
0x19: {  	s7 =	sld [smem:$0x3F97]  }
0x1a: {  	s8 =	sadd.s32 $0xFFFFE003, lr  }
0x1b: {  	s9 =	sadd.s32 $0xFFFFFEF7, lr;
	s5 =	simm.s32 $0xFFFFFFFF;
	p2 =	slt.u32 s8, $0xFFFFF086  }
0x1c: {  	p1 =	slt.u32 s9, $0xF7A;
	s5 =	simm.s32 @!p2 $0x0  }
0x1d: {  	s5 =	simm.s32 @p1 $0x1;
	p0 =	seq.s32 s7, s2  }
0x1e: {  	s7 =	smul.u32 @!p0 $0xF7A, s2;
	p2 =	seq.s32 @!p0 s5, $0x0  }
0x1f: {  	s9 =	smul.u32 $0xF7A, s1;
	s8 =	simm.s32 @!p0 $0x1BF5;
	p2 =	por !p2, p0  }
0x20: {  	[sflag:s8] =	ssyncset.s32 @!p0 $0xFFFFF086;
	s6 =	sadd.s32 @!p0 s3, s7;
	s7 =	simm.s32 @!p0 $0x108  }
0x21: {  	s3 =	sadd.s32 s3, s9;
	s6 =	sadd.s32 @!p0 $0x88, s6;
	s7 =	simm.s32 @p2 $0x1082  }
0x22: {  	[simem:s7], [sflag:s8] =	dma.local @!p0 [hbm:s6], $0xF7A  }
0x23: {  	s9 =	sor.u32 $0xD0000000, s2;
	s6 =	simm.s32 $0x108;
	_ =	swait.ge @!p0 [sflag:s8], $0x0  }
0x24: {  	s3 =	sadd.s32 $0x88, s3;
	s6 =	simm.s32 @!p1 $0x1082;
	[sflag:s4] =	ssyncset.s32 $0xFFFFF086  }
0x25: {  	[simem:s6], [sflag:s4] =	dma.local [hbm:s3], $0xF7A  }
0x26: {  	[smem:$0x3F97] =	sst s1;
	(tag) =	ssettag s2;
	_ =	strace s9  }
0x27: {  	s1 =	sld [smem:$0x3FA7]  }
0x28: {  	s2 =	sld [smem:$0x3FA8]  }
0x29: {  	s4 =	sld [smem:$0x3FAA]  }
0x2a: {  	p0 =	seq.s32 s5, $0x0;
	s5 =	sld [smem:$0x3FAB]  }
0x2b: {  	s6 =	sld [smem:$0x3FAC]  }
0x2c: {  	s7 =	sld [smem:$0x3FAD]  }
0x2d: {  	s3 =	simm.s32 $0x108;
	s8 =	sld [smem:$0x3FAE]  }
0x2e: {  	s3 =	simm.s32 @!p0 $0x1082;
	s9 =	sld [smem:$0x3FAF]  }
0x2f: {  	lr =	sadd.s32 s0, s3;
	s0 =	sld [smem:$0x3FA6]  }
0x30: {  	s3 =	sld [smem:$0x3FA9]  }
0x31: {  	[smem:$0x3FB2] =	sst s10  }
0x32: {  	s10 =	sld [smem:$0x3FB0];
	_ =	sdelay $0x3  }
0x33: {  	p0 =	seq.s32 s10, $0x1;
	s10 =	sld [smem:$0x3FB2];
	_ =	sdelay $0x3  }
0x34: {  	[smem:$0x3FB2] =	sst s10  }
0x35: {  	s10 =	sld [smem:$0x3FB1];
	_ =	sdelay $0x3  }
0x36: {  	p1 =	seq.s32 s10, $0x1;
	s10 =	sld [smem:$0x3FB2];
	_ =	sdelay $0x3  }
0x37: {  	[smem:$0x3FB2] =	sst s10  }
0x38: {  	s10 =	sld [smem:$0x3FB3]  }
0x39: {  	_ = 	snop;
	(pc) =	sbr.ind lr, $3  }
0x3a: {  	_ = 	snop  }
0x3b: {  	_ = 	snop  }
0x3c: {  	p2 =	seq.s32 s10, $0x1;
	s10 =	sld [smem:$0x3FB2]  }
0x3d: {  	_ =	shalt  }
0x3e: {  	_ =	shalt  }
0x3f: {  	_ =	shalt  }
0x40: {  	_ =	shalt  }
0x41: {  	_ =	shalt  }
0x42: {  	_ =	shalt  }
0x43: {  	_ =	shalt  }
0x44: {  	_ =	shalt  }
0x45: {  	_ =	shalt  }
0x46: {  	_ =	shalt  }
0x47: {  	_ =	shalt  }
0x48: {  	_ =	shalt  }
0x49: {  	_ =	shalt  }
0x4a: {  	_ =	shalt  }
0x4b: {  	_ =	shalt  }
0x4c: {  	_ =	shalt  }
0x4d: {  	_ =	shalt  }
0x4e: {  	_ =	shalt  }
0x4f: {  	_ =	shalt  }
0x50: {  	_ =	shalt  }
0x51: {  	_ =	shalt  }
0x52: {  	_ =	shalt  }
0x53: {  	_ =	shalt  }
0x54: {  	_ =	shalt  }
0x55: {  	_ =	shalt  }
0x56: {  	_ =	shalt  }
0x57: {  	_ =	shalt  }
0x58: {  	_ =	shalt  }
0x59: {  	_ =	shalt  }
0x5a: {  	_ =	shalt  }
0x5b: {  	_ =	shalt  }
0x5c: {  	_ =	shalt  }
0x5d: {  	_ =	shalt  }
0x5e: {  	_ =	shalt  }
0x5f: {  	_ =	shalt  }
0x60: {  	_ =	shalt  }
0x61: {  	_ =	shalt  }
0x62: {  	_ =	shalt  }
0x63: {  	_ =	shalt  }
0x64: {  	_ =	shalt  }
0x65: {  	_ =	shalt  }
0x66: {  	_ =	shalt  }
0x67: {  	_ =	shalt  }
0x68: {  	_ =	shalt  }
0x69: {  	_ =	shalt  }
0x6a: {  	_ =	shalt  }
0x6b: {  	_ =	shalt  }
0x6c: {  	_ =	shalt  }
0x6d: {  	_ =	shalt  }
0x6e: {  	_ =	shalt  }
0x6f: {  	_ =	shalt  }
0x70: {  	_ =	shalt  }
0x71: {  	_ =	shalt  }
0x72: {  	_ =	shalt  }
0x73: {  	_ =	shalt  }
0x74: {  	_ =	shalt  }
0x75: {  	_ =	shalt  }
0x76: {  	_ =	shalt  }
0x77: {  	_ =	shalt  }
0x78: {  	_ =	shalt  }
0x79: {  	_ =	shalt  }
0x7a: {  	_ =	shalt  }
0x7b: {  	_ =	shalt  }
0x7c: {  	_ =	shalt  }
0x7d: {  	_ =	shalt  }
0x7e: {  	_ =	shalt  }
0x7f: {  	_ =	shalt  }
0x80: {  	_ =	shalt  }
0x81: {  	_ =	shalt  }
0x82: {  	_ =	shalt  }
0x83: {  	_ =	shalt  }
0x84: {  	_ =	shalt  }
0x85: {  	_ =	shalt  }
0x86: {  	_ =	shalt  }
0x87: {  	_ =	shalt  }
.Lfunc_end0:
.L_simem_size_0:
called_computation_lowered:
.L_overlay_start_0:
0x88: {  	s2 =	sld [smem:$0x3FD9]  }
0x89: {  	s3 =	sld [smem:$0x3FFE];
	_ =	sdelay $0x1  }
0x8a: {  	s1 =	srdreg.scid  }
0x8b: {  	s0 =	sand.u32 $0x1, s1  }
0x8c: {  	s16 =	sshll.u32 s0, $0xA;
	s2 =	sadd.s32 s3, s2  }
0x8d: {  	s2 =	sadd.s32 s2, s16  }
0x8e: {  	[smem:$0x3FBE] =	sst s2  }
0x8f: {  	_ = 	snop  }
0x90: {  	(tm) =	ssettm $0x1  }
0x91: {  	s17 =	sld [smem:$0x3FFB];
	_ =	sdelay $0x3  }
0x92: {  	_ =	strace s17  }
0x93: {  	s2 =	sld [smem:$0x3FFC];
	_ =	sdelay $0x3  }
0x94: {  	_ =	strace s2  }
0x95: {  	s2 =	sld [smem:$0x3FFD];
	_ =	sdelay $0x3  }
0x96: {  	_ =	strace s2  }
0x97: {  	_ =	strace $0x8FFFFFFF  }
0x98: {  	s18 =	sld [smem:$0x3FDB];
	_ =	sdelay $0x1  }
0x99: {  	s19 =	simm.s32 $_scs_section_size  }
0x9a: {  	s4 =	simm.s32 $_size__tile_overlayer_lowered;
	s5 =	simm.s32 $_tile_overlayer_lowered  }
0x9b: {  	s22 =	simm.s32 $0x1BFF;
	s21 =	sshll.u32 s5, $0x1;
	s2 =	sadd.s32 s19, s18  }
0x9c: {  	s6 =	simm.s32 $0x0;
	s20 =	sshll.u32 s4, $0x1;
	s4 =	sadd.s32 s21, s2  }
0x9d: {  	[timem:s6], [sflag:s22] =	dma.local [hbm:s4], s20  }
0x9e: {  	_ =	swait.ge [sflag:s22], s20  }
0x9f: {  	s3 =	ssub.s32 $0x0, s20;
	[sflag:s22] =	ssyncset.done $0x0  }
0xa0: {  	[sflag:s22] =	ssyncadd.s32 s3;
	_ =	sdelay $0x1  }
0xa1: {  	s23 =	simm.s32 $0x1B8B  }
0xa2: {  	_ =	swait.ge [sflag:s23], $0x1  }
0xa3: {  	[sflag:s23] =	ssyncset.done $0x0  }
0xa4: {  	s25 =	simm.s32 $0x1B8E;
	s24 =	sld [smem:$0x3FFE];
	[sflag:s23] =	ssyncadd.s32 $0xFFFFFFFF  }
0xa5: {  	s26 =	simm.s32 $execute0_lowered;
	[smem:$0x3FD2] =	sst s25  }
0xa6: {  	s4 =	sshll.u32 s26, $0x1;
	_ =	strace $0x80000046;
	[dreg:$0x1] =	wrdreg $0xFFFFFFFF  }
0xa7: {  	s28 =	simm.s32 $_size_execute0_lowered;
	s2 =	sadd.s32 s2, s4;
	[dreg:$0x0] =	wrdreg $0x0  }
0xa8: {  	s4 =	sshll.u32 s28, $0x1;
	[dreg:$0x2] =	wrdreg s2  }
0xa9: {  	[dreg:$0x3] =	wrdreg s4  }
0xaa: {  	[dreg:$0x4] =	wrdreg $0xC0  }
0xab: {  	_ =	task [dreg:s6], $0x5FFFF  }
0xac: {  	[dreg:$0x1] =	wrdreg $0xFFFFFFFF  }
0xad: {  	[dreg:$0x0] =	wrdreg $0x60  }
0xae: {  	[dreg:$0x2] =	wrdreg s24  }
0xaf: {  	[dreg:$0x3] =	wrdreg $0x55000  }
0xb0: {  	[dreg:$0x4] =	wrdreg $0x9  }
0xb1: {  	_ =	task.clear_ibuf [dreg:s6], $0x5FFFF;
	_ =	strace $0x90000046  }
0xb2: {  	s29 =	simm.s32 $0x9;
	_ =	strace $0x80000048  }
0xb3: {  	_ =	swait.ge [sflag:s29], $0x1  }
0xb4: {  	[sflag:s29] =	ssyncadd.s32 $0xFFFFFFFF  }
0xb5: {  	_ =	strace $0x90000048  }
0xb6: {  	_ =	sfence  }
0xb7: {  	s30 =	sld [smem:$0x0];
	_ =	sdelay $0x2  }
0xb8: {  	s31 =	sshll.u32 s1, $0xD;
	s1 =	sshrl.u32 s1, $0x2  }
0xb9: {  	s3 =	sand.u32 $0x4000, s31;
	s1 =	sadd.s32 s1, s30  }
0xba: {  	s0 =	sor.u32 s3, s0;
	s1 =	sshll.u32 s1, $0x11  }
0xbb: {  	s0 =	sor.u32 s1, s0  }
0xbc: {  	s0 =	sadd.s32 $0x8F2B, s0  }
0xbd: {  	[sflag:s0] =	ssyncadd.remote.s32 $0x1  }
0xbe: {  	_ =	sfence.sel $0xFFFF  }
0xbf: {  	[dreg:$0x0] =	wrdreg $0xFFFFFFFF;
	(pc) =	sbr.abs _section_cstart, $3  }
0xc0: {  	[dreg:$0x1] =	wrdreg $0xFFFFFFFF  }
0xc1: {  	_ =	task.clear_ibuf [dreg:s6], $0x2FFFF;
	_ =	strace $0x9FFFFFFF  }
0xc2: {  	(tm) =	ssettm $0x7FFFFFFF  }
0xc3: {  	_ =	shalt  }
tec
execute0_lowered:
.L_overlay_start_1:
0x0: {  	(tag) =	ssettag $0x1  }
0x1: {  	s0 =	rddreg [dreg:$0x0]  }
0x2: {  	s1 =	rddreg [dreg:$0x1]  }
0x3: {  	s3 =	srdreg.scid;
	s2 =	simm.s32 $0x0;
	s20 =	stileid.u32  }
0x4: {  	s28 =	simm.s32 $0x5280;
	s29 =	simm.s32 $0x100;
	s30 =	simm.s32 $0x5000  }
0x5: {  	s31 =	simm.s32 $0x0;
	s3 =	sand.u32 $0x1, s3;
	s5 =	smul.u32 $0x500, s20  }
0x6: {  	[smem:$0x7FF] =	sst s2;
	s7 =	sshrl.u32 s20, $0x3;
	s8 =	smul.u32 $0x5000, s20  }
0x7: {  	s23 =	sshll.u32 s20, $0x7;
	s4 =	sshll.u32 s3, $0x4;
	_ =	strace $0x80000047  }
0x8: {  	s6 =	sshll.u32 s3, $0x7;
	s3 =	ssub.s32 $0x2, s3;
	s21 =	smul.u32 $0x50000, s7  }
0x9: {  	s26 =	sand.u32 $0x380, s23;
	s23 =	simm.s32 $0x1;
	s4 =	sor.u32 s20, s4  }
0xa: {  	s5 =	sor.u32 s6, s5;
	s22 =	sshrl.u32 s3, $0x1;
	s25 =	sshrl.u32 s8, $0x2  }
0xb: {  	s4 =	smul.u32 $0x500, s4;
	s5 =	sshrl.u32 s5, $0x3;
	s22 =	ssub.s32 s3, s22  }
0xc: {  	s24 =	sshrl.u32 s21, $0x2;
	s3 =	sadd.s32 s25, s1;
	s25 =	simm.s32 $0x80  }
0xd: {  	s6 =	sadd.s32 $0x80, s3;
	s7 =	sadd.s32 $0x100, s3;
	s8 =	sadd.s32 $0x180, s3  }
0xe: {  	s9 =	sadd.s32 $0x200, s3;
	s10 =	sadd.s32 $0x280, s3;
	s11 =	sadd.s32 $0x300, s3  }
0xf: {  	s12 =	sadd.s32 $0x380, s3;
	s13 =	sadd.s32 $0x14000, s3;
	s14 =	sadd.s32 $0x14080, s3  }
0x10: {  	s15 =	sadd.s32 $0x14100, s3;
	s16 =	sadd.s32 $0x14180, s3;
	s17 =	sadd.s32 $0x14200, s3  }
0x11: {  	s18 =	sadd.s32 $0x14280, s3;
	s19 =	sadd.s32 $0x14300, s3;
	s20 =	sadd.s32 $0x14380, s3  }
0x12: {  	s22 =	smax.u32 s22, $0x1;
	s4 =	sadd.s32 s4, s0;
	s0 =	sadd.s32 s5, s0  }
0x13: {  	s5 =	sadd.s32 s24, s1;
	s24 =	simm.s32 $0x2800;
	s4 =	sadd.s32 $0xB000, s4  }
0x14: {  	v0 =	vimm.f32 $0.0e+00;
	v1 =	vimm.f32 $1.000000000e+00;
	s5 =	sadd.s32 s26, s5;
	s21 =	sadd.s32 $0x1F000, s0;
	s26 =	simm.s32 $0x400  }
.LBB2_1:
0x15: {  	s0 =	simm.s32 $0x0  }
0x16: {  	[tilespmem:s0], [sflag:$0x1] =	stream.linear.gather [hbm4b:s4+s0], $0x2800, $0x38;
	[tilespmem:$0x7D00] =	vst v63  }
0x17: {  	_ =	swait.ge [sflag:s23], $0x2800  }
0x18: {  	[sflag:s23] =	ssyncset.done $0x0  }
0x19: {  	s0 =	simm.s32 $0x0;
	[sflag:s23] =	ssyncadd.s32 $0xFFFFD800  }
.LBB2_2:
0x1a: {  	p0 =	sne.s32 s0, $0x9FC0  }
.Ltmp0:
0x1b: {  	_ = 	snop;
	(pc) =	sbr.rel @p0 .LBB2_2-.Ltmp0, $3  }
0x1c: {  	_ =	sdelay $0x1  }
0x1d: {  	s1 =	sshra.s32 s0, $0x2  }
0x1e: {  	s0 =	sadd.s32 $0x40, s0;
	[tilespmem:s1+$0x2800] =	vst v0  }
0x1f: {  	s0 =	simm.s32 $0x0  }
.LBB2_4:
0x20: {  	s1 =	sshra.s32 s0, $0x2  }
0x21: {  	v2 =	vld [tilespmem:s1+$0x0];
	_ =	sdelay $0x7  }
0x22: {  	[tilespmem:v2+s24+$0x0] =	vst.idx.add.f32.msk $0xffff, v1  }
0x23: {  	v2 =	vld [tilespmem:s1+$0x10];
	_ =	sdelay $0x7  }
0x24: {  	[tilespmem:v2+s24+$0x0] =	vst.idx.add.f32.msk $0xffff, v1  }
0x25: {  	v2 =	vld [tilespmem:s1+$0x20];
	_ =	sdelay $0x7  }
0x26: {  	[tilespmem:v2+s24+$0x0] =	vst.idx.add.f32.msk $0xffff, v1  }
0x27: {  	v2 =	vld [tilespmem:s1+$0x30];
	_ =	sdelay $0x7  }
0x28: {  	[tilespmem:v2+s24+$0x0] =	vst.idx.add.f32.msk $0xffff, v1  }
0x29: {  	v2 =	vld [tilespmem:s1+$0x40];
	_ =	sdelay $0x7  }
0x2a: {  	[tilespmem:v2+s24+$0x0] =	vst.idx.add.f32.msk $0xffff, v1  }
0x2b: {  	v2 =	vld [tilespmem:s1+$0x50];
	_ =	sdelay $0x7  }
0x2c: {  	[tilespmem:v2+s24+$0x0] =	vst.idx.add.f32.msk $0xffff, v1  }
0x2d: {  	v2 =	vld [tilespmem:s1+$0x60];
	_ =	sdelay $0x7  }
0x2e: {  	[tilespmem:v2+s24+$0x0] =	vst.idx.add.f32.msk $0xffff, v1  }
0x2f: {  	v2 =	vld [tilespmem:s1+$0x70];
	_ =	sdelay $0x2  }
0x30: {  	p0 =	sne.s32 s0, $0x9E00  }
.Ltmp1:
0x31: {  	_ = 	snop;
	(pc) =	sbr.rel @p0 .LBB2_4-.Ltmp1, $2  }
0x32: {  	_ =	sdelay $0x2  }
0x33: {  	s0 =	sadd.s32 $0x200, s0;
	[tilespmem:v2+s24+$0x0] =	vst.idx.add.f32.msk $0xffff, v1  }
0x34: {  	[spmem:s5] =	stream.strided.scatter [tilespmem:s24], [sflag:$0x1], $0x2800, s26, s25, $0x38;
	[tilespmem:$0x7D00] =	vst v63  }
0x35: {  	_ =	swait.ge [sflag:s23], $0x2800  }
0x36: {  	[sflag:s23] =	ssyncset.done $0x0  }
0x37: {  	[sflag:s23] =	ssyncadd.s32 $0xFFFFD800  }
0x38: {  	[bflag:$0x0] =	sbarrier.arrive $0xFFFF  }
0x39: {  	[tilespmem:$0x5000] =	vst v0  }
0x3a: {  	[tilespmem:$0x5010] =	vst v0  }
0x3b: {  	[tilespmem:$0x5020] =	vst v0  }
0x3c: {  	[tilespmem:$0x5030] =	vst v0  }
0x3d: {  	[tilespmem:$0x5040] =	vst v0  }
0x3e: {  	[tilespmem:$0x5050] =	vst v0  }
0x3f: {  	[tilespmem:$0x5060] =	vst v0  }
0x40: {  	[tilespmem:$0x5070] =	vst v0  }
0x41: {  	[tilespmem:$0x5080] =	vst v0  }
0x42: {  	[tilespmem:$0x5090] =	vst v0  }
0x43: {  	[tilespmem:$0x50A0] =	vst v0  }
0x44: {  	[tilespmem:$0x50B0] =	vst v0  }
0x45: {  	[tilespmem:$0x50C0] =	vst v0  }
0x46: {  	[tilespmem:$0x50D0] =	vst v0  }
0x47: {  	[tilespmem:$0x50E0] =	vst v0  }
0x48: {  	[tilespmem:$0x50F0] =	vst v0  }
0x49: {  	[tilespmem:$0x5100] =	vst v0  }
0x4a: {  	[tilespmem:$0x5110] =	vst v0  }
0x4b: {  	[tilespmem:$0x5120] =	vst v0  }
0x4c: {  	[tilespmem:$0x5130] =	vst v0  }
0x4d: {  	[tilespmem:$0x5140] =	vst v0  }
0x4e: {  	[tilespmem:$0x5150] =	vst v0  }
0x4f: {  	[tilespmem:$0x5160] =	vst v0  }
0x50: {  	[tilespmem:$0x5170] =	vst v0  }
0x51: {  	[tilespmem:$0x5180] =	vst v0  }
0x52: {  	[tilespmem:$0x5190] =	vst v0  }
0x53: {  	[tilespmem:$0x51A0] =	vst v0  }
0x54: {  	[tilespmem:$0x51B0] =	vst v0  }
0x55: {  	[tilespmem:$0x51C0] =	vst v0  }
0x56: {  	[tilespmem:$0x51D0] =	vst v0  }
0x57: {  	[tilespmem:$0x51E0] =	vst v0  }
0x58: {  	[tilespmem:$0x51F0] =	vst v0  }
0x59: {  	[tilespmem:$0x5200] =	vst v0  }
0x5a: {  	[tilespmem:$0x5210] =	vst v0  }
0x5b: {  	[tilespmem:$0x5220] =	vst v0  }
0x5c: {  	[tilespmem:$0x5230] =	vst v0  }
0x5d: {  	[tilespmem:$0x5240] =	vst v0  }
0x5e: {  	[tilespmem:$0x5250] =	vst v0  }
0x5f: {  	[tilespmem:$0x5260] =	vst v0  }
0x60: {  	[tilespmem:$0x5270] =	vst v0  }
0x61: {  	[tilespmem:s28], [sflag:$0x1] =	stream.strided.gather [spmem:s3], $0x280, s26, s25, $0x38;
	[tilespmem:$0x7D00] =	vst v63  }
0x62: {  	_ =	swait.ge [sflag:s23], $0x280  }
0x63: {  	[sflag:s23] =	ssyncset.done $0x0  }
0x64: {  	s0 =	simm.s32 $0x0;
	[sflag:s23] =	ssyncadd.s32 $0xFFFFFD80  }
0x65: {  	s1 =	simm.s32 $0x40;
	v2 =	vld [tilespmem:s0+$0x5280]  }
.LBB2_6:
0x66: {  	p0 =	sne.s32 s1, $0x9C0;
	v3 =	vld [tilespmem:s0+$0x5000];
	_ =	sdelay $0x2  }
.Ltmp2:
0x67: {  	(pc) =	sbr.rel @p0 .LBB2_6-.Ltmp2, $4  }
0x68: {  	_ = 	snop  }
0x69: {  	v3 =	vadd.f32 v2, v3  }
0x6a: {  	s2 =	sshra.s32 s1, $0x2  }
0x6b: {  	s1 =	sadd.s32 $0x40, s1;
	v2 =	vld [tilespmem:s2+$0x5280];
	[tilespmem:s0+$0x5000] =	vst v3;
	s0 =	smov.u32 s2  }
0x6c: {  	v3 =	vld [tilespmem:s0+$0x5000];
	_ =	sdelay $0x4  }
0x6d: {  	v2 =	vadd.f32 v2, v3;
	_ =	sdelay $0x1  }
0x6e: {  	[tilespmem:s0+$0x5000] =	vst v2  }
0x6f: {  	[tilespmem:s28], [sflag:$0x1] =	stream.strided.gather [spmem:s6], $0x280, s26, s25, $0x38;
	[tilespmem:$0x7D00] =	vst v63  }
0x70: {  	_ =	swait.ge [sflag:s23], $0x280  }
0x71: {  	[sflag:s23] =	ssyncset.done $0x0  }
0x72: {  	s0 =	simm.s32 $0x0;
	[sflag:s23] =	ssyncadd.s32 $0xFFFFFD80  }
0x73: {  	s1 =	simm.s32 $0x40;
	v2 =	vld [tilespmem:s0+$0x5280]  }
.LBB2_8:
0x74: {  	p0 =	sne.s32 s1, $0x9C0;
	v3 =	vld [tilespmem:s0+$0x5000];
	_ =	sdelay $0x2  }
.Ltmp3:
0x75: {  	(pc) =	sbr.rel @p0 .LBB2_8-.Ltmp3, $4  }
0x76: {  	_ = 	snop  }
0x77: {  	v3 =	vadd.f32 v2, v3  }
0x78: {  	s2 =	sshra.s32 s1, $0x2  }
0x79: {  	s1 =	sadd.s32 $0x40, s1;
	v2 =	vld [tilespmem:s2+$0x5280];
	[tilespmem:s0+$0x5000] =	vst v3;
	s0 =	smov.u32 s2  }
0x7a: {  	v3 =	vld [tilespmem:s0+$0x5000];
	_ =	sdelay $0x4  }
0x7b: {  	v2 =	vadd.f32 v2, v3;
	_ =	sdelay $0x1  }
0x7c: {  	[tilespmem:s0+$0x5000] =	vst v2  }
0x7d: {  	[tilespmem:s28], [sflag:$0x1] =	stream.strided.gather [spmem:s7], $0x280, s26, s25, $0x38;
	[tilespmem:$0x7D00] =	vst v63  }
0x7e: {  	_ =	swait.ge [sflag:s23], $0x280  }
0x7f: {  	[sflag:s23] =	ssyncset.done $0x0  }
0x80: {  	s0 =	simm.s32 $0x0;
	[sflag:s23] =	ssyncadd.s32 $0xFFFFFD80  }
0x81: {  	s1 =	simm.s32 $0x40;
	v2 =	vld [tilespmem:s0+$0x5280]  }
.LBB2_10:
0x82: {  	p0 =	sne.s32 s1, $0x9C0;
	v3 =	vld [tilespmem:s0+$0x5000];
	_ =	sdelay $0x2  }
.Ltmp4:
0x83: {  	(pc) =	sbr.rel @p0 .LBB2_10-.Ltmp4, $4  }
0x84: {  	_ = 	snop  }
0x85: {  	v3 =	vadd.f32 v2, v3  }
0x86: {  	s2 =	sshra.s32 s1, $0x2  }
0x87: {  	s1 =	sadd.s32 $0x40, s1;
	v2 =	vld [tilespmem:s2+$0x5280];
	[tilespmem:s0+$0x5000] =	vst v3;
	s0 =	smov.u32 s2  }
0x88: {  	v3 =	vld [tilespmem:s0+$0x5000];
	_ =	sdelay $0x4  }
0x89: {  	v2 =	vadd.f32 v2, v3;
	_ =	sdelay $0x1  }
0x8a: {  	[tilespmem:s0+$0x5000] =	vst v2  }
0x8b: {  	[tilespmem:s28], [sflag:$0x1] =	stream.strided.gather [spmem:s8], $0x280, s26, s25, $0x38;
	[tilespmem:$0x7D00] =	vst v63  }
0x8c: {  	_ =	swait.ge [sflag:s23], $0x280  }
0x8d: {  	[sflag:s23] =	ssyncset.done $0x0  }
0x8e: {  	s0 =	simm.s32 $0x0;
	[sflag:s23] =	ssyncadd.s32 $0xFFFFFD80  }
0x8f: {  	s1 =	simm.s32 $0x40;
	v2 =	vld [tilespmem:s0+$0x5280]  }
.LBB2_12:
0x90: {  	p0 =	sne.s32 s1, $0x9C0;
	v3 =	vld [tilespmem:s0+$0x5000];
	_ =	sdelay $0x2  }
.Ltmp5:
0x91: {  	(pc) =	sbr.rel @p0 .LBB2_12-.Ltmp5, $4  }
0x92: {  	_ = 	snop  }
0x93: {  	v3 =	vadd.f32 v2, v3  }
0x94: {  	s2 =	sshra.s32 s1, $0x2  }
0x95: {  	s1 =	sadd.s32 $0x40, s1;
	v2 =	vld [tilespmem:s2+$0x5280];
	[tilespmem:s0+$0x5000] =	vst v3;
	s0 =	smov.u32 s2  }
0x96: {  	v3 =	vld [tilespmem:s0+$0x5000];
	_ =	sdelay $0x4  }
0x97: {  	v2 =	vadd.f32 v2, v3;
	_ =	sdelay $0x1  }
0x98: {  	[tilespmem:s0+$0x5000] =	vst v2  }
0x99: {  	[tilespmem:s28], [sflag:$0x1] =	stream.strided.gather [spmem:s9], $0x280, s26, s25, $0x38;
	[tilespmem:$0x7D00] =	vst v63  }
0x9a: {  	_ =	swait.ge [sflag:s23], $0x280  }
0x9b: {  	[sflag:s23] =	ssyncset.done $0x0  }
0x9c: {  	s0 =	simm.s32 $0x0;
	[sflag:s23] =	ssyncadd.s32 $0xFFFFFD80  }
0x9d: {  	s1 =	simm.s32 $0x40;
	v2 =	vld [tilespmem:s0+$0x5280]  }
.LBB2_14:
0x9e: {  	p0 =	sne.s32 s1, $0x9C0;
	v3 =	vld [tilespmem:s0+$0x5000];
	_ =	sdelay $0x2  }
.Ltmp6:
0x9f: {  	(pc) =	sbr.rel @p0 .LBB2_14-.Ltmp6, $4  }
0xa0: {  	_ = 	snop  }
0xa1: {  	v3 =	vadd.f32 v2, v3  }
0xa2: {  	s2 =	sshra.s32 s1, $0x2  }
0xa3: {  	s1 =	sadd.s32 $0x40, s1;
	v2 =	vld [tilespmem:s2+$0x5280];
	[tilespmem:s0+$0x5000] =	vst v3;
	s0 =	smov.u32 s2  }
0xa4: {  	v3 =	vld [tilespmem:s0+$0x5000];
	_ =	sdelay $0x4  }
0xa5: {  	v2 =	vadd.f32 v2, v3;
	_ =	sdelay $0x1  }
0xa6: {  	[tilespmem:s0+$0x5000] =	vst v2  }
0xa7: {  	[tilespmem:s28], [sflag:$0x1] =	stream.strided.gather [spmem:s10], $0x280, s26, s25, $0x38;
	[tilespmem:$0x7D00] =	vst v63  }
0xa8: {  	_ =	swait.ge [sflag:s23], $0x280  }
0xa9: {  	[sflag:s23] =	ssyncset.done $0x0  }
0xaa: {  	s0 =	simm.s32 $0x0;
	[sflag:s23] =	ssyncadd.s32 $0xFFFFFD80  }
0xab: {  	s1 =	simm.s32 $0x40;
	v2 =	vld [tilespmem:s0+$0x5280]  }
.LBB2_16:
0xac: {  	p0 =	sne.s32 s1, $0x9C0;
	v3 =	vld [tilespmem:s0+$0x5000];
	_ =	sdelay $0x2  }
.Ltmp7:
0xad: {  	(pc) =	sbr.rel @p0 .LBB2_16-.Ltmp7, $4  }
0xae: {  	_ = 	snop  }
0xaf: {  	v3 =	vadd.f32 v2, v3  }
0xb0: {  	s2 =	sshra.s32 s1, $0x2  }
0xb1: {  	s1 =	sadd.s32 $0x40, s1;
	v2 =	vld [tilespmem:s2+$0x5280];
	[tilespmem:s0+$0x5000] =	vst v3;
	s0 =	smov.u32 s2  }
0xb2: {  	v3 =	vld [tilespmem:s0+$0x5000];
	_ =	sdelay $0x4  }
0xb3: {  	v2 =	vadd.f32 v2, v3;
	_ =	sdelay $0x1  }
0xb4: {  	[tilespmem:s0+$0x5000] =	vst v2  }
0xb5: {  	[tilespmem:s28], [sflag:$0x1] =	stream.strided.gather [spmem:s11], $0x280, s26, s25, $0x38;
	[tilespmem:$0x7D00] =	vst v63  }
0xb6: {  	_ =	swait.ge [sflag:s23], $0x280  }
0xb7: {  	[sflag:s23] =	ssyncset.done $0x0  }
0xb8: {  	s0 =	simm.s32 $0x0;
	[sflag:s23] =	ssyncadd.s32 $0xFFFFFD80  }
0xb9: {  	s1 =	simm.s32 $0x40;
	v2 =	vld [tilespmem:s0+$0x5280]  }
.LBB2_18:
0xba: {  	p0 =	sne.s32 s1, $0x9C0;
	v3 =	vld [tilespmem:s0+$0x5000];
	_ =	sdelay $0x2  }
.Ltmp8:
0xbb: {  	(pc) =	sbr.rel @p0 .LBB2_18-.Ltmp8, $4  }
0xbc: {  	_ = 	snop  }
0xbd: {  	v3 =	vadd.f32 v2, v3  }
0xbe: {  	s2 =	sshra.s32 s1, $0x2  }
0xbf: {  	s1 =	sadd.s32 $0x40, s1;
	v2 =	vld [tilespmem:s2+$0x5280];
	[tilespmem:s0+$0x5000] =	vst v3;
	s0 =	smov.u32 s2  }
0xc0: {  	v3 =	vld [tilespmem:s0+$0x5000];
	_ =	sdelay $0x4  }
0xc1: {  	v2 =	vadd.f32 v2, v3;
	_ =	sdelay $0x1  }
0xc2: {  	[tilespmem:s0+$0x5000] =	vst v2  }
0xc3: {  	[tilespmem:s28], [sflag:$0x1] =	stream.strided.gather [spmem:s12], $0x280, s26, s25, $0x38;
	[tilespmem:$0x7D00] =	vst v63  }
0xc4: {  	_ =	swait.ge [sflag:s23], $0x280  }
0xc5: {  	[sflag:s23] =	ssyncset.done $0x0  }
0xc6: {  	s0 =	simm.s32 $0x0;
	[sflag:s23] =	ssyncadd.s32 $0xFFFFFD80  }
0xc7: {  	s1 =	simm.s32 $0x40;
	v2 =	vld [tilespmem:s0+$0x5280]  }
.LBB2_20:
0xc8: {  	p0 =	sne.s32 s1, $0x9C0;
	v3 =	vld [tilespmem:s0+$0x5000];
	_ =	sdelay $0x2  }
.Ltmp9:
0xc9: {  	(pc) =	sbr.rel @p0 .LBB2_20-.Ltmp9, $4  }
0xca: {  	_ = 	snop  }
0xcb: {  	v3 =	vadd.f32 v2, v3  }
0xcc: {  	s2 =	sshra.s32 s1, $0x2  }
0xcd: {  	s1 =	sadd.s32 $0x40, s1;
	v2 =	vld [tilespmem:s2+$0x5280];
	[tilespmem:s0+$0x5000] =	vst v3;
	s0 =	smov.u32 s2  }
0xce: {  	v3 =	vld [tilespmem:s0+$0x5000];
	_ =	sdelay $0x4  }
0xcf: {  	v2 =	vadd.f32 v2, v3;
	_ =	sdelay $0x1  }
0xd0: {  	[tilespmem:s0+$0x5000] =	vst v2  }
0xd1: {  	[tilespmem:s28], [sflag:$0x1] =	stream.strided.gather [spmem:s13], $0x280, s26, s25, $0x38;
	[tilespmem:$0x7D00] =	vst v63  }
0xd2: {  	_ =	swait.ge [sflag:s23], $0x280  }
0xd3: {  	[sflag:s23] =	ssyncset.done $0x0  }
0xd4: {  	s0 =	simm.s32 $0x0;
	[sflag:s23] =	ssyncadd.s32 $0xFFFFFD80  }
0xd5: {  	s1 =	simm.s32 $0x40;
	v2 =	vld [tilespmem:s0+$0x5280]  }
.LBB2_22:
0xd6: {  	p0 =	sne.s32 s1, $0x9C0;
	v3 =	vld [tilespmem:s0+$0x5000];
	_ =	sdelay $0x2  }
.Ltmp10:
0xd7: {  	(pc) =	sbr.rel @p0 .LBB2_22-.Ltmp10, $4  }
0xd8: {  	_ = 	snop  }
0xd9: {  	v3 =	vadd.f32 v2, v3  }
0xda: {  	s2 =	sshra.s32 s1, $0x2  }
0xdb: {  	s1 =	sadd.s32 $0x40, s1;
	v2 =	vld [tilespmem:s2+$0x5280];
	[tilespmem:s0+$0x5000] =	vst v3;
	s0 =	smov.u32 s2  }
0xdc: {  	v3 =	vld [tilespmem:s0+$0x5000];
	_ =	sdelay $0x4  }
0xdd: {  	v2 =	vadd.f32 v2, v3;
	_ =	sdelay $0x1  }
0xde: {  	[tilespmem:s0+$0x5000] =	vst v2  }
0xdf: {  	[tilespmem:s28], [sflag:$0x1] =	stream.strided.gather [spmem:s14], $0x280, s26, s25, $0x38;
	[tilespmem:$0x7D00] =	vst v63  }
0xe0: {  	_ =	swait.ge [sflag:s23], $0x280  }
0xe1: {  	[sflag:s23] =	ssyncset.done $0x0  }
0xe2: {  	s0 =	simm.s32 $0x0;
	[sflag:s23] =	ssyncadd.s32 $0xFFFFFD80  }
0xe3: {  	s1 =	simm.s32 $0x40;
	v2 =	vld [tilespmem:s0+$0x5280]  }
.LBB2_24:
0xe4: {  	p0 =	sne.s32 s1, $0x9C0;
	v3 =	vld [tilespmem:s0+$0x5000];
	_ =	sdelay $0x2  }
.Ltmp11:
0xe5: {  	(pc) =	sbr.rel @p0 .LBB2_24-.Ltmp11, $4  }
0xe6: {  	_ = 	snop  }
0xe7: {  	v3 =	vadd.f32 v2, v3  }
0xe8: {  	s2 =	sshra.s32 s1, $0x2  }
0xe9: {  	s1 =	sadd.s32 $0x40, s1;
	v2 =	vld [tilespmem:s2+$0x5280];
	[tilespmem:s0+$0x5000] =	vst v3;
	s0 =	smov.u32 s2  }
0xea: {  	v3 =	vld [tilespmem:s0+$0x5000];
	_ =	sdelay $0x4  }
0xeb: {  	v2 =	vadd.f32 v2, v3;
	_ =	sdelay $0x1  }
0xec: {  	[tilespmem:s0+$0x5000] =	vst v2  }
0xed: {  	[tilespmem:s28], [sflag:$0x1] =	stream.strided.gather [spmem:s15], $0x280, s26, s25, $0x38;
	[tilespmem:$0x7D00] =	vst v63  }
0xee: {  	_ =	swait.ge [sflag:s23], $0x280  }
0xef: {  	[sflag:s23] =	ssyncset.done $0x0  }
0xf0: {  	s0 =	simm.s32 $0x0;
	[sflag:s23] =	ssyncadd.s32 $0xFFFFFD80  }
0xf1: {  	s1 =	simm.s32 $0x40;
	v2 =	vld [tilespmem:s0+$0x5280]  }
.LBB2_26:
0xf2: {  	p0 =	sne.s32 s1, $0x9C0;
	v3 =	vld [tilespmem:s0+$0x5000];
	_ =	sdelay $0x2  }
.Ltmp12:
0xf3: {  	(pc) =	sbr.rel @p0 .LBB2_26-.Ltmp12, $4  }
0xf4: {  	_ = 	snop  }
0xf5: {  	v3 =	vadd.f32 v2, v3  }
0xf6: {  	s2 =	sshra.s32 s1, $0x2  }
0xf7: {  	s1 =	sadd.s32 $0x40, s1;
	v2 =	vld [tilespmem:s2+$0x5280];
	[tilespmem:s0+$0x5000] =	vst v3;
	s0 =	smov.u32 s2  }
0xf8: {  	v3 =	vld [tilespmem:s0+$0x5000];
	_ =	sdelay $0x4  }
0xf9: {  	v2 =	vadd.f32 v2, v3;
	_ =	sdelay $0x1  }
0xfa: {  	[tilespmem:s0+$0x5000] =	vst v2  }
0xfb: {  	[tilespmem:s28], [sflag:$0x1] =	stream.strided.gather [spmem:s16], $0x280, s26, s25, $0x38;
	[tilespmem:$0x7D00] =	vst v63  }
0xfc: {  	_ =	swait.ge [sflag:s23], $0x280  }
0xfd: {  	[sflag:s23] =	ssyncset.done $0x0  }
0xfe: {  	s0 =	simm.s32 $0x0;
	[sflag:s23] =	ssyncadd.s32 $0xFFFFFD80  }
0xff: {  	s1 =	simm.s32 $0x40;
	v2 =	vld [tilespmem:s0+$0x5280]  }
.LBB2_28:
0x100: {  	p0 =	sne.s32 s1, $0x9C0;
	v3 =	vld [tilespmem:s0+$0x5000];
	_ =	sdelay $0x2  }
.Ltmp13:
0x101: {  	(pc) =	sbr.rel @p0 .LBB2_28-.Ltmp13, $4  }
0x102: {  	_ = 	snop  }
0x103: {  	v3 =	vadd.f32 v2, v3  }
0x104: {  	s2 =	sshra.s32 s1, $0x2  }
0x105: {  	s1 =	sadd.s32 $0x40, s1;
	v2 =	vld [tilespmem:s2+$0x5280];
	[tilespmem:s0+$0x5000] =	vst v3;
	s0 =	smov.u32 s2  }
0x106: {  	v3 =	vld [tilespmem:s0+$0x5000];
	_ =	sdelay $0x4  }
0x107: {  	v2 =	vadd.f32 v2, v3;
	_ =	sdelay $0x1  }
0x108: {  	[tilespmem:s0+$0x5000] =	vst v2  }
0x109: {  	[tilespmem:s28], [sflag:$0x1] =	stream.strided.gather [spmem:s17], $0x280, s26, s25, $0x38;
	[tilespmem:$0x7D00] =	vst v63  }
0x10a: {  	_ =	swait.ge [sflag:s23], $0x280  }
0x10b: {  	[sflag:s23] =	ssyncset.done $0x0  }
0x10c: {  	s0 =	simm.s32 $0x0;
	[sflag:s23] =	ssyncadd.s32 $0xFFFFFD80  }
0x10d: {  	s1 =	simm.s32 $0x40;
	v2 =	vld [tilespmem:s0+$0x5280]  }
.LBB2_30:
0x10e: {  	p0 =	sne.s32 s1, $0x9C0;
	v3 =	vld [tilespmem:s0+$0x5000];
	_ =	sdelay $0x2  }
.Ltmp14:
0x10f: {  	(pc) =	sbr.rel @p0 .LBB2_30-.Ltmp14, $4  }
0x110: {  	_ = 	snop  }
0x111: {  	v3 =	vadd.f32 v2, v3  }
0x112: {  	s2 =	sshra.s32 s1, $0x2  }
0x113: {  	s1 =	sadd.s32 $0x40, s1;
	v2 =	vld [tilespmem:s2+$0x5280];
	[tilespmem:s0+$0x5000] =	vst v3;
	s0 =	smov.u32 s2  }
0x114: {  	v3 =	vld [tilespmem:s0+$0x5000];
	_ =	sdelay $0x4  }
0x115: {  	v2 =	vadd.f32 v2, v3;
	_ =	sdelay $0x1  }
0x116: {  	[tilespmem:s0+$0x5000] =	vst v2  }
0x117: {  	[tilespmem:s28], [sflag:$0x1] =	stream.strided.gather [spmem:s18], $0x280, s26, s25, $0x38;
	[tilespmem:$0x7D00] =	vst v63  }
0x118: {  	_ =	swait.ge [sflag:s23], $0x280  }
0x119: {  	[sflag:s23] =	ssyncset.done $0x0  }
0x11a: {  	s0 =	simm.s32 $0x0;
	[sflag:s23] =	ssyncadd.s32 $0xFFFFFD80  }
0x11b: {  	s1 =	simm.s32 $0x40;
	v2 =	vld [tilespmem:s0+$0x5280]  }
.LBB2_32:
0x11c: {  	p0 =	sne.s32 s1, $0x9C0;
	v3 =	vld [tilespmem:s0+$0x5000];
	_ =	sdelay $0x2  }
.Ltmp15:
0x11d: {  	(pc) =	sbr.rel @p0 .LBB2_32-.Ltmp15, $4  }
0x11e: {  	_ = 	snop  }
0x11f: {  	v3 =	vadd.f32 v2, v3  }
0x120: {  	s2 =	sshra.s32 s1, $0x2  }
0x121: {  	s1 =	sadd.s32 $0x40, s1;
	v2 =	vld [tilespmem:s2+$0x5280];
	[tilespmem:s0+$0x5000] =	vst v3;
	s0 =	smov.u32 s2  }
0x122: {  	v3 =	vld [tilespmem:s0+$0x5000];
	_ =	sdelay $0x4  }
0x123: {  	v2 =	vadd.f32 v2, v3;
	_ =	sdelay $0x1  }
0x124: {  	[tilespmem:s0+$0x5000] =	vst v2  }
0x125: {  	[tilespmem:s28], [sflag:$0x1] =	stream.strided.gather [spmem:s19], $0x280, s26, s25, $0x38;
	[tilespmem:$0x7D00] =	vst v63  }
0x126: {  	_ =	swait.ge [sflag:s23], $0x280  }
0x127: {  	[sflag:s23] =	ssyncset.done $0x0  }
0x128: {  	s0 =	simm.s32 $0x0;
	[sflag:s23] =	ssyncadd.s32 $0xFFFFFD80  }
0x129: {  	s1 =	simm.s32 $0x40;
	v2 =	vld [tilespmem:s0+$0x5280]  }
.LBB2_34:
0x12a: {  	p0 =	sne.s32 s1, $0x9C0;
	v3 =	vld [tilespmem:s0+$0x5000];
	_ =	sdelay $0x2  }
.Ltmp16:
0x12b: {  	(pc) =	sbr.rel @p0 .LBB2_34-.Ltmp16, $4  }
0x12c: {  	_ = 	snop  }
0x12d: {  	v3 =	vadd.f32 v2, v3  }
0x12e: {  	s2 =	sshra.s32 s1, $0x2  }
0x12f: {  	s1 =	sadd.s32 $0x40, s1;
	v2 =	vld [tilespmem:s2+$0x5280];
	[tilespmem:s0+$0x5000] =	vst v3;
	s0 =	smov.u32 s2  }
0x130: {  	v3 =	vld [tilespmem:s0+$0x5000];
	_ =	sdelay $0x4  }
0x131: {  	v2 =	vadd.f32 v2, v3;
	_ =	sdelay $0x1  }
0x132: {  	[tilespmem:s0+$0x5000] =	vst v2  }
0x133: {  	[tilespmem:s28], [sflag:$0x1] =	stream.strided.gather [spmem:s20], $0x280, s26, s25, $0x38;
	[tilespmem:$0x7D00] =	vst v63  }
0x134: {  	_ =	swait.ge [sflag:s23], $0x280  }
0x135: {  	[sflag:s23] =	ssyncset.done $0x0  }
0x136: {  	s0 =	simm.s32 $0x0;
	[sflag:s23] =	ssyncadd.s32 $0xFFFFFD80  }
0x137: {  	s1 =	simm.s32 $0x40;
	v2 =	vld [tilespmem:s0+$0x5280]  }
.LBB2_36:
0x138: {  	p0 =	sne.s32 s1, $0x9C0;
	v3 =	vld [tilespmem:s0+$0x5000];
	_ =	sdelay $0x2  }
.Ltmp17:
0x139: {  	(pc) =	sbr.rel @p0 .LBB2_36-.Ltmp17, $4  }
0x13a: {  	_ = 	snop  }
0x13b: {  	v3 =	vadd.f32 v2, v3  }
0x13c: {  	s2 =	sshra.s32 s1, $0x2  }
0x13d: {  	s1 =	sadd.s32 $0x40, s1;
	v2 =	vld [tilespmem:s2+$0x5280];
	[tilespmem:s0+$0x5000] =	vst v3;
	s0 =	smov.u32 s2  }
0x13e: {  	v3 =	vld [tilespmem:s0+$0x5000];
	_ =	sdelay $0x4  }
0x13f: {  	s31 =	sadd.s32 $0x1, s31;
	v2 =	vadd.f32 v2, v3  }
0x140: {  	p0 =	sne.s32 s31, s22  }
.Ltmp18:
0x141: {  	[tilespmem:s0+$0x5000] =	vst v2;
	(pc) =	sbr.rel @p0 .LBB2_1-.Ltmp18, $4  }
0x142: {  	[hbm4b:s21+s25] =	stream.strided.scatter [tilespmem:s30], [sflag:$0x1], $0x280, s29, s25, $0x38;
	[tilespmem:$0x7D00] =	vst v63  }
0x143: {  	_ =	swait.ge [sflag:s23], $0x280  }
0x144: {  	[sflag:s23] =	ssyncset.done $0x0  }
0x145: {  	[sflag:s23] =	ssyncadd.s32 $0xFFFFFD80  }
0x146: {  	_ =	sfence.sel $0x180000  }
0x147: {  	[bflag:$0x0] =	sbarrier.arrive $0xFFFF  }
0x148: {  	_ =	strace $0x90000047  }
0x149: {  	s0 =	stileid.u32;
	[bflag:$0x2] =	sbarrier.arrive $0xFFFF  }
0x14a: {  	p0 =	sne.s32 s0, $0x0;
	s0 =	rddreg [dreg:$0x2]  }
0x14b: {  	s0 =	sadd.s32 @!p0 $0x100000, s0  }
0x14c: {  	[sflag:s0] =	ssyncadd.tile.s32 @!p0 $0x1;
	_ =	shalt  }
.Lfunc_end2:
_tile_overlayer_lowered:
.L_overlay_start_2:
0x14d: {  	(tag) =	ssettag $0x2  }
0x14e: {  	s0 =	rddreg [dreg:$0x0];
	s2 =	stileid.u32  }
0x14f: {  	s1 =	rddreg [dreg:$0x1];
	p0 =	sne.s32 s2, $0x0  }
0x150: {  	s3 =	rddreg [dreg:$0x2];
	[bflag:$0x3] =	sbarrier.arrive $0xFFFF;
	s2 =	simm.s32 @!p0 $0x1C01  }
0x151: {  	[timem:s3], [sflag:s2] =	dma.local @!p0 [hbm:s0], s1  }
0x152: {  	s0 =	simm.s32 @!p0 $0x1  }
0x153: {  	_ =	swait.ge @!p0 [sflag:s0], s1  }
0x154: {  	s1 =	ssub.s32 @!p0 $0x0, s1;
	[sflag:s0] =	ssyncset.done @!p0 $0x0  }
0x155: {  	[sflag:s0] =	ssyncadd.s32 @!p0 s1  }
0x156: {  	[bflag:$0x3] =	sbarrier.arrive $0xFFFF  }
0x157: {  	_ =	shalt  }

// kernel: kernel.13.cloned.1.call-start
scs
__scs_entry_jumppad:
0x0: {  	(pc) =	sbr.rel $0x88, $3  }
0x1: {  	(tag) =	ssettag $0x0;
	lr =	simm.s32 $0x1  }
0x2: {  	[smem:$0x3F97] =	sst lr;
	_ =	strace $0xD0000000  }
0x3: {  	_ = 	snop  }
0x4: {  	_ = 	snop  }
0x5: {  	_ = 	snop  }
0x6: {  	_ = 	snop  }
0x7: {  	_ = 	snop  }
__scs_overlays_trampoline_lowered:
0x8: {  	[smem:$0x3FA6] =	sst s0  }
0x9: {  	[smem:$0x3FA7] =	sst s1  }
0xa: {  	[smem:$0x3FA8] =	sst s2  }
0xb: {  	[smem:$0x3FA9] =	sst s3  }
0xc: {  	[smem:$0x3FAA] =	sst s4  }
0xd: {  	[smem:$0x3FAB] =	sst s5  }
0xe: {  	[smem:$0x3FAC] =	sst s6  }
0xf: {  	[smem:$0x3FAD] =	sst s7  }
0x10: {  	[smem:$0x3FAE] =	sst s8  }
0x11: {  	[smem:$0x3FAF] =	sst s9;
	s0 =	simm.s32 @!p0 $0x0  }
0x12: {  	s1 =	sld [smem:$0x3F95];
	s0 =	simm.s32 @p0 $0x1  }
0x13: {  	[smem:$0x3FB0] =	sst s0;
	s0 =	simm.s32 @!p1 $0x0  }
0x14: {  	s2 =	sld [smem:$0x3F94];
	s0 =	simm.s32 @p1 $0x1  }
0x15: {  	[smem:$0x3FB1] =	sst s0;
	s0 =	simm.s32 @!p2 $0x0  }
0x16: {  	s3 =	sld [smem:$0x3FDB];
	s0 =	simm.s32 @p2 $0x1  }
0x17: {  	s4 =	simm.s32 $0x1BF5;
	[smem:$0x3FB3] =	sst s0  }
0x18: {  	s0 =	sld [smem:$0x3F96];
	_ =	swait.ge [sflag:s4], $0x0  }
0x19: {  	s7 =	sld [smem:$0x3F97]  }
0x1a: {  	s8 =	sadd.s32 $0xFFFFE003, lr  }
0x1b: {  	s9 =	sadd.s32 $0xFFFFFEF7, lr;
	s5 =	simm.s32 $0xFFFFFFFF;
	p2 =	slt.u32 s8, $0xFFFFF086  }
0x1c: {  	p1 =	slt.u32 s9, $0xF7A;
	s5 =	simm.s32 @!p2 $0x0  }
0x1d: {  	s5 =	simm.s32 @p1 $0x1;
	p0 =	seq.s32 s7, s2  }
0x1e: {  	s7 =	smul.u32 @!p0 $0xF7A, s2;
	p2 =	seq.s32 @!p0 s5, $0x0  }
0x1f: {  	s9 =	smul.u32 $0xF7A, s1;
	s8 =	simm.s32 @!p0 $0x1BF5;
	p2 =	por !p2, p0  }
0x20: {  	[sflag:s8] =	ssyncset.s32 @!p0 $0xFFFFF086;
	s6 =	sadd.s32 @!p0 s3, s7;
	s7 =	simm.s32 @!p0 $0x108  }
0x21: {  	s3 =	sadd.s32 s3, s9;
	s6 =	sadd.s32 @!p0 $0x88, s6;
	s7 =	simm.s32 @p2 $0x1082  }
0x22: {  	[simem:s7], [sflag:s8] =	dma.local @!p0 [hbm:s6], $0xF7A  }
0x23: {  	s9 =	sor.u32 $0xD0000000, s2;
	s6 =	simm.s32 $0x108;
	_ =	swait.ge @!p0 [sflag:s8], $0x0  }
0x24: {  	s3 =	sadd.s32 $0x88, s3;
	s6 =	simm.s32 @!p1 $0x1082;
	[sflag:s4] =	ssyncset.s32 $0xFFFFF086  }
0x25: {  	[simem:s6], [sflag:s4] =	dma.local [hbm:s3], $0xF7A  }
0x26: {  	[smem:$0x3F97] =	sst s1;
	(tag) =	ssettag s2;
	_ =	strace s9  }
0x27: {  	s1 =	sld [smem:$0x3FA7]  }
0x28: {  	s2 =	sld [smem:$0x3FA8]  }
0x29: {  	s4 =	sld [smem:$0x3FAA]  }
0x2a: {  	p0 =	seq.s32 s5, $0x0;
	s5 =	sld [smem:$0x3FAB]  }
0x2b: {  	s6 =	sld [smem:$0x3FAC]  }
0x2c: {  	s7 =	sld [smem:$0x3FAD]  }
0x2d: {  	s3 =	simm.s32 $0x108;
	s8 =	sld [smem:$0x3FAE]  }
0x2e: {  	s3 =	simm.s32 @!p0 $0x1082;
	s9 =	sld [smem:$0x3FAF]  }
0x2f: {  	lr =	sadd.s32 s0, s3;
	s0 =	sld [smem:$0x3FA6]  }
0x30: {  	s3 =	sld [smem:$0x3FA9]  }
0x31: {  	[smem:$0x3FB2] =	sst s10  }
0x32: {  	s10 =	sld [smem:$0x3FB0];
	_ =	sdelay $0x3  }
0x33: {  	p0 =	seq.s32 s10, $0x1;
	s10 =	sld [smem:$0x3FB2];
	_ =	sdelay $0x3  }
0x34: {  	[smem:$0x3FB2] =	sst s10  }
0x35: {  	s10 =	sld [smem:$0x3FB1];
	_ =	sdelay $0x3  }
0x36: {  	p1 =	seq.s32 s10, $0x1;
	s10 =	sld [smem:$0x3FB2];
	_ =	sdelay $0x3  }
0x37: {  	[smem:$0x3FB2] =	sst s10  }
0x38: {  	s10 =	sld [smem:$0x3FB3]  }
0x39: {  	_ = 	snop;
	(pc) =	sbr.ind lr, $3  }
0x3a: {  	_ = 	snop  }
0x3b: {  	_ = 	snop  }
0x3c: {  	p2 =	seq.s32 s10, $0x1;
	s10 =	sld [smem:$0x3FB2]  }
0x3d: {  	_ =	shalt  }
0x3e: {  	_ =	shalt  }
0x3f: {  	_ =	shalt  }
0x40: {  	_ =	shalt  }
0x41: {  	_ =	shalt  }
0x42: {  	_ =	shalt  }
0x43: {  	_ =	shalt  }
0x44: {  	_ =	shalt  }
0x45: {  	_ =	shalt  }
0x46: {  	_ =	shalt  }
0x47: {  	_ =	shalt  }
0x48: {  	_ =	shalt  }
0x49: {  	_ =	shalt  }
0x4a: {  	_ =	shalt  }
0x4b: {  	_ =	shalt  }
0x4c: {  	_ =	shalt  }
0x4d: {  	_ =	shalt  }
0x4e: {  	_ =	shalt  }
0x4f: {  	_ =	shalt  }
0x50: {  	_ =	shalt  }
0x51: {  	_ =	shalt  }
0x52: {  	_ =	shalt  }
0x53: {  	_ =	shalt  }
0x54: {  	_ =	shalt  }
0x55: {  	_ =	shalt  }
0x56: {  	_ =	shalt  }
0x57: {  	_ =	shalt  }
0x58: {  	_ =	shalt  }
0x59: {  	_ =	shalt  }
0x5a: {  	_ =	shalt  }
0x5b: {  	_ =	shalt  }
0x5c: {  	_ =	shalt  }
0x5d: {  	_ =	shalt  }
0x5e: {  	_ =	shalt  }
0x5f: {  	_ =	shalt  }
0x60: {  	_ =	shalt  }
0x61: {  	_ =	shalt  }
0x62: {  	_ =	shalt  }
0x63: {  	_ =	shalt  }
0x64: {  	_ =	shalt  }
0x65: {  	_ =	shalt  }
0x66: {  	_ =	shalt  }
0x67: {  	_ =	shalt  }
0x68: {  	_ =	shalt  }
0x69: {  	_ =	shalt  }
0x6a: {  	_ =	shalt  }
0x6b: {  	_ =	shalt  }
0x6c: {  	_ =	shalt  }
0x6d: {  	_ =	shalt  }
0x6e: {  	_ =	shalt  }
0x6f: {  	_ =	shalt  }
0x70: {  	_ =	shalt  }
0x71: {  	_ =	shalt  }
0x72: {  	_ =	shalt  }
0x73: {  	_ =	shalt  }
0x74: {  	_ =	shalt  }
0x75: {  	_ =	shalt  }
0x76: {  	_ =	shalt  }
0x77: {  	_ =	shalt  }
0x78: {  	_ =	shalt  }
0x79: {  	_ =	shalt  }
0x7a: {  	_ =	shalt  }
0x7b: {  	_ =	shalt  }
0x7c: {  	_ =	shalt  }
0x7d: {  	_ =	shalt  }
0x7e: {  	_ =	shalt  }
0x7f: {  	_ =	shalt  }
0x80: {  	_ =	shalt  }
0x81: {  	_ =	shalt  }
0x82: {  	_ =	shalt  }
0x83: {  	_ =	shalt  }
0x84: {  	_ =	shalt  }
0x85: {  	_ =	shalt  }
0x86: {  	_ =	shalt  }
0x87: {  	_ =	shalt  }
.Lfunc_end0:
.L_simem_size_0:
called_computation.1_lowered:
.L_overlay_start_0:
0x88: {  	s2 =	sld [smem:$0x3FD9]  }
0x89: {  	s3 =	sld [smem:$0x3FFE];
	_ =	sdelay $0x1  }
0x8a: {  	s1 =	srdreg.scid  }
0x8b: {  	s0 =	sand.u32 $0x1, s1  }
0x8c: {  	s16 =	sshll.u32 s0, $0xA;
	s2 =	sadd.s32 s3, s2  }
0x8d: {  	s2 =	sadd.s32 s2, s16  }
0x8e: {  	[smem:$0x3FBE] =	sst s2  }
0x8f: {  	_ = 	snop  }
0x90: {  	(tm) =	ssettm $0x1  }
0x91: {  	s17 =	sld [smem:$0x3FFB];
	_ =	sdelay $0x3  }
0x92: {  	_ =	strace s17  }
0x93: {  	s2 =	sld [smem:$0x3FFC];
	_ =	sdelay $0x3  }
0x94: {  	_ =	strace s2  }
0x95: {  	s2 =	sld [smem:$0x3FFD];
	_ =	sdelay $0x3  }
0x96: {  	_ =	strace s2  }
0x97: {  	_ =	strace $0x8FFFFFFF  }
0x98: {  	s18 =	sld [smem:$0x3FDB];
	_ =	sdelay $0x1  }
0x99: {  	s19 =	simm.s32 $_scs_section_size  }
0x9a: {  	s4 =	simm.s32 $_size__tile_overlayer_lowered;
	s5 =	simm.s32 $_tile_overlayer_lowered  }
0x9b: {  	s22 =	simm.s32 $0x1BFF;
	s21 =	sshll.u32 s5, $0x1;
	s2 =	sadd.s32 s19, s18  }
0x9c: {  	s6 =	simm.s32 $0x0;
	s20 =	sshll.u32 s4, $0x1;
	s4 =	sadd.s32 s21, s2  }
0x9d: {  	[timem:s6], [sflag:s22] =	dma.local [hbm:s4], s20  }
0x9e: {  	_ =	swait.ge [sflag:s22], s20  }
0x9f: {  	s3 =	ssub.s32 $0x0, s20;
	[sflag:s22] =	ssyncset.done $0x0  }
0xa0: {  	[sflag:s22] =	ssyncadd.s32 s3;
	_ =	sdelay $0x1  }
0xa1: {  	s23 =	simm.s32 $0x1B8B  }
0xa2: {  	_ =	swait.ge [sflag:s23], $0x1  }
0xa3: {  	[sflag:s23] =	ssyncset.done $0x0  }
0xa4: {  	s25 =	simm.s32 $0x1B8E;
	s24 =	sld [smem:$0x3FFE];
	[sflag:s23] =	ssyncadd.s32 $0xFFFFFFFF  }
0xa5: {  	s26 =	simm.s32 $execute0_lowered;
	[smem:$0x3FD2] =	sst s25  }
0xa6: {  	s4 =	sshll.u32 s26, $0x1;
	_ =	strace $0x80000049;
	[dreg:$0x1] =	wrdreg $0xFFFFFFFF  }
0xa7: {  	s28 =	simm.s32 $_size_execute0_lowered;
	s2 =	sadd.s32 s2, s4;
	[dreg:$0x0] =	wrdreg $0x0  }
0xa8: {  	s4 =	sshll.u32 s28, $0x1;
	[dreg:$0x2] =	wrdreg s2  }
0xa9: {  	[dreg:$0x3] =	wrdreg s4  }
0xaa: {  	[dreg:$0x4] =	wrdreg $0xC0  }
0xab: {  	_ =	task [dreg:s6], $0x5FFFF  }
0xac: {  	[dreg:$0x1] =	wrdreg $0xFFFFFFFF  }
0xad: {  	[dreg:$0x0] =	wrdreg $0x60  }
0xae: {  	[dreg:$0x2] =	wrdreg s24  }
0xaf: {  	[dreg:$0x3] =	wrdreg $0x9  }
0xb0: {  	_ =	task.clear_ibuf [dreg:s6], $0x4FFFF;
	_ =	strace $0x90000049  }
0xb1: {  	s29 =	simm.s32 $0x9;
	_ =	strace $0x8000004B  }
0xb2: {  	_ =	swait.ge [sflag:s29], $0x1  }
0xb3: {  	[sflag:s29] =	ssyncadd.s32 $0xFFFFFFFF  }
0xb4: {  	_ =	strace $0x9000004B  }
0xb5: {  	_ =	sfence  }
0xb6: {  	s30 =	sld [smem:$0x0];
	_ =	sdelay $0x2  }
0xb7: {  	s31 =	sshll.u32 s1, $0xD;
	s1 =	sshrl.u32 s1, $0x2  }
0xb8: {  	s3 =	sand.u32 $0x4000, s31;
	s1 =	sadd.s32 s1, s30  }
0xb9: {  	s0 =	sor.u32 s3, s0;
	s1 =	sshll.u32 s1, $0x11  }
0xba: {  	s0 =	sor.u32 s1, s0  }
0xbb: {  	s0 =	sadd.s32 $0x8F2B, s0  }
0xbc: {  	[sflag:s0] =	ssyncadd.remote.s32 $0x1  }
0xbd: {  	_ =	sfence.sel $0xFFFF  }
0xbe: {  	[dreg:$0x0] =	wrdreg $0xFFFFFFFF;
	(pc) =	sbr.abs _section_cstart, $3  }
0xbf: {  	[dreg:$0x1] =	wrdreg $0xFFFFFFFF  }
0xc0: {  	_ =	task.clear_ibuf [dreg:s6], $0x2FFFF;
	_ =	strace $0x9FFFFFFF  }
0xc1: {  	(tm) =	ssettm $0x7FFFFFFF  }
tec
execute0_lowered:
.L_overlay_start_1:
0x0: {  	(tag) =	ssettag $0x1  }
0x1: {  	s0 =	srdreg.scid  }
0x2: {  	s4 =	rddreg [dreg:$0x0];
	s1 =	stileid.u32  }
0x3: {  	s2 =	simm.s32 $0x0;
	s9 =	simm.s32 $0x1;
	s10 =	simm.s32 $0x2780  }
0x4: {  	s11 =	simm.s32 $0x4F00;
	s12 =	simm.s32 $0x7700;
	s3 =	sand.u32 $0x1, s0  }
0x5: {  	s13 =	simm.s32 $0x9F00;
	s14 =	simm.s32 $0x0;
	s5 =	sshll.u32 s3, $0x4  }
0x6: {  	s0 =	rddreg [dreg:$0x1];
	s6 =	ssub.s32 $0x2, s3;
	s5 =	sor.u32 s1, s5  }
0x7: {  	[smem:$0x7FF] =	sst s2;
	s31 =	sshrl.u32 s6, $0x1;
	s5 =	smul.u32 $0x500, s5  }
0x8: {  	_ =	strace $0x8000004A;
	s3 =	sadd.s32 $0x46800, s4;
	s8 =	ssub.s32 s6, s31  }
0x9: {  	v0 =	vimm.f32 $1.000000000e+00;
	s8 =	smax.u32 s8, $0x1;
	s7 =	sadd.s32 s5, s4;
	s4 =	sadd.s32 $0x46200, s4  }
0xa: {  	v0 =	vand.u32 $0x7FFFFFFF, v0;
	s5 =	sadd.s32 $0x1000, s7;
	s6 =	sadd.s32 $0xB000, s7;
	s7 =	sadd.s32 $0x46E00, s7  }
.LBB2_1:
0xb: {  	[tilespmem:s2], [sflag:$0x1] =	stream.linear.gather [hbm4b:s3+s2], $0x2780, $0x38;
	[tilespmem:$0xC700] =	vst v63  }
0xc: {  	_ =	swait.ge [sflag:s9], $0x2780  }
0xd: {  	[sflag:s9] =	ssyncset.done $0x0  }
0xe: {  	[sflag:s9] =	ssyncadd.s32 $0xFFFFD880  }
0xf: {  	[tilespmem:s10], [sflag:$0x1] =	stream.linear.gather [hbm4b:s4+s2], $0x2780, $0x38;
	[tilespmem:$0xC700] =	vst v63  }
0x10: {  	_ =	swait.ge [sflag:s9], $0x2780  }
0x11: {  	[sflag:s9] =	ssyncset.done $0x0  }
0x12: {  	[sflag:s9] =	ssyncadd.s32 $0xFFFFD880  }
0x13: {  	[tilespmem:s11], [sflag:$0x1] =	stream.linear.gather [hbm4b:s5+s2], $0x2800, $0x38;
	[tilespmem:$0xC700] =	vst v63  }
0x14: {  	_ =	swait.ge [sflag:s9], $0x2800  }
0x15: {  	[sflag:s9] =	ssyncset.done $0x0  }
0x16: {  	[sflag:s9] =	ssyncadd.s32 $0xFFFFD800  }
0x17: {  	[tilespmem:s12], [sflag:$0x1] =	stream.linear.gather [hbm4b:s6+s2], $0x2800, $0x38;
	[tilespmem:$0xC700] =	vst v63  }
0x18: {  	_ =	swait.ge [sflag:s9], $0x2800  }
0x19: {  	[sflag:s9] =	ssyncset.done $0x0  }
0x1a: {  	s15 =	simm.s32 $0x0;
	[sflag:s9] =	ssyncadd.s32 $0xFFFFD800  }
.LBB2_2:
0x1b: {  	s16 =	sshra.s32 s15, $0x2  }
0x1c: {  	v1 =	vld [tilespmem:s16+$0x7700]  }
0x1d: {  	v2 =	vld [tilespmem:s16+$0x4F00];
	_ =	sdelay $0x6  }
0x1e: {  	v1 =	vld.idx.msk [tilespmem:v1+s2+$0x0], $0xffff  }
0x1f: {  	v2 =	vld.idx.msk [tilespmem:v2+s10+$0x0], $0xffff;
	_ =	sdelay $0x4  }
0x20: {  	v1 =	vadd.f32 v2, v1;
	_ =	sdelay $0x1  }
0x21: {  	v2 =	vand.u32 $0x7FFFFFFF, v1  }
0x22: {  	v2 =	vmin.f32 v2, $2.000000000e+01  }
0x23: {  	v2 =	vadd.f32 v2, v2;
	_ =	sdelay $0x1  }
0x24: {  	v2 =	vmul.f32 $1.442695020e+00, v2;
	_ =	sdelay $0x1  }
0x25: {  	(erf) = vpow2.f32 v2;
	_ =	sdelay $0x8  }
0x26: {  	v2 =	vpop (erf)  }
0x27: {  	v2 =	vadd.f32 $1.000000000e+00, v2;
	_ =	sdelay $0x1  }
0x28: {  	(erf) = vrcp.f32 v2;
	_ =	sdelay $0x8  }
0x29: {  	v3 =	vld [tilespmem:s16+$0x7710];
	v2 =	vpop (erf)  }
0x2a: {  	v4 =	vld [tilespmem:s16+$0x4F10];
	v2 =	vadd.f32 v2, v2  }
0x2b: {  	v5 =	vand.u32 $0x80000000, v1;
	vm0 =	vlt.f32 v1, $0.0e+00;
	vm1 =	vgt.f32 v1, $0.0e+00  }
0x2c: {  	v5 =	vor.u32 v5, v0;
	vm0 =	vmor vm1, vm0;
	v2 =	vsub.f32 $1.000000000e+00, v2  }
0x2d: {  	v1 =	vsel vm0, v5, v1  }
0x2e: {  	v1 =	vmul.f32 v2, v1;
	_ =	sdelay $0x1  }
0x2f: {  	[tilespmem:s16+$0x9F00] =	vst v1  }
0x30: {  	v1 =	vld.idx.msk [tilespmem:v3+s2+$0x0], $0xffff  }
0x31: {  	v2 =	vld.idx.msk [tilespmem:v4+s10+$0x0], $0xffff;
	_ =	sdelay $0x4  }
0x32: {  	v1 =	vadd.f32 v2, v1;
	_ =	sdelay $0x1  }
0x33: {  	v2 =	vand.u32 $0x7FFFFFFF, v1  }
0x34: {  	v2 =	vmin.f32 v2, $2.000000000e+01  }
0x35: {  	v2 =	vadd.f32 v2, v2;
	_ =	sdelay $0x1  }
0x36: {  	v2 =	vmul.f32 $1.442695020e+00, v2;
	_ =	sdelay $0x1  }
0x37: {  	(erf) = vpow2.f32 v2;
	_ =	sdelay $0x8  }
0x38: {  	v2 =	vpop (erf)  }
0x39: {  	v2 =	vadd.f32 $1.000000000e+00, v2;
	_ =	sdelay $0x1  }
0x3a: {  	(erf) = vrcp.f32 v2;
	_ =	sdelay $0x8  }
0x3b: {  	v3 =	vld [tilespmem:s16+$0x7720];
	v2 =	vpop (erf)  }
0x3c: {  	v52 =	vld [tilespmem:s16+$0x4F20];
	v2 =	vadd.f32 v2, v2  }
0x3d: {  	v53 =	vand.u32 $0x80000000, v1;
	vm14 =	vlt.f32 v1, $0.0e+00;
	vm15 =	vgt.f32 v1, $0.0e+00  }
0x3e: {  	v5 =	vor.u32 v53, v0;
	vm0 =	vmor vm15, vm14;
	v2 =	vsub.f32 $1.000000000e+00, v2  }
0x3f: {  	v1 =	vsel vm0, v5, v1  }
0x40: {  	v1 =	vmul.f32 v2, v1;
	_ =	sdelay $0x1  }
0x41: {  	[tilespmem:s16+$0x9F10] =	vst v1  }
0x42: {  	v1 =	vld.idx.msk [tilespmem:v3+s2+$0x0], $0xffff  }
0x43: {  	v2 =	vld.idx.msk [tilespmem:v52+s10+$0x0], $0xffff;
	_ =	sdelay $0x4  }
0x44: {  	v1 =	vadd.f32 v2, v1;
	_ =	sdelay $0x1  }
0x45: {  	v2 =	vand.u32 $0x7FFFFFFF, v1  }
0x46: {  	v2 =	vmin.f32 v2, $2.000000000e+01  }
0x47: {  	v2 =	vadd.f32 v2, v2;
	_ =	sdelay $0x1  }
0x48: {  	v2 =	vmul.f32 $1.442695020e+00, v2;
	_ =	sdelay $0x1  }
0x49: {  	(erf) = vpow2.f32 v2;
	_ =	sdelay $0x8  }
0x4a: {  	v2 =	vpop (erf)  }
0x4b: {  	v2 =	vadd.f32 $1.000000000e+00, v2;
	_ =	sdelay $0x1  }
0x4c: {  	(erf) = vrcp.f32 v2;
	_ =	sdelay $0x8  }
0x4d: {  	v3 =	vld [tilespmem:s16+$0x7730];
	v2 =	vpop (erf)  }
0x4e: {  	v54 =	vld [tilespmem:s16+$0x4F30];
	v2 =	vadd.f32 v2, v2  }
0x4f: {  	v55 =	vand.u32 $0x80000000, v1;
	vm4 =	vlt.f32 v1, $0.0e+00;
	vm5 =	vgt.f32 v1, $0.0e+00  }
0x50: {  	v5 =	vor.u32 v55, v0;
	vm0 =	vmor vm5, vm4;
	v2 =	vsub.f32 $1.000000000e+00, v2  }
0x51: {  	v1 =	vsel vm0, v5, v1  }
0x52: {  	v1 =	vmul.f32 v2, v1;
	_ =	sdelay $0x1  }
0x53: {  	[tilespmem:s16+$0x9F20] =	vst v1  }
0x54: {  	v1 =	vld.idx.msk [tilespmem:v3+s2+$0x0], $0xffff  }
0x55: {  	v2 =	vld.idx.msk [tilespmem:v54+s10+$0x0], $0xffff;
	_ =	sdelay $0x4  }
0x56: {  	v1 =	vadd.f32 v2, v1;
	_ =	sdelay $0x1  }
0x57: {  	v2 =	vand.u32 $0x7FFFFFFF, v1  }
0x58: {  	v2 =	vmin.f32 v2, $2.000000000e+01  }
0x59: {  	v2 =	vadd.f32 v2, v2;
	_ =	sdelay $0x1  }
0x5a: {  	v2 =	vmul.f32 $1.442695020e+00, v2;
	_ =	sdelay $0x1  }
0x5b: {  	(erf) = vpow2.f32 v2;
	_ =	sdelay $0x8  }
0x5c: {  	v2 =	vpop (erf)  }
0x5d: {  	v2 =	vadd.f32 $1.000000000e+00, v2;
	_ =	sdelay $0x1  }
0x5e: {  	(erf) = vrcp.f32 v2;
	_ =	sdelay $0x8  }
0x5f: {  	v3 =	vld [tilespmem:s16+$0x7740];
	v2 =	vpop (erf)  }
0x60: {  	v56 =	vld [tilespmem:s16+$0x4F40];
	v2 =	vadd.f32 v2, v2  }
0x61: {  	v57 =	vand.u32 $0x80000000, v1;
	vm6 =	vlt.f32 v1, $0.0e+00;
	vm7 =	vgt.f32 v1, $0.0e+00  }
0x62: {  	v5 =	vor.u32 v57, v0;
	vm0 =	vmor vm7, vm6;
	v2 =	vsub.f32 $1.000000000e+00, v2  }
0x63: {  	v1 =	vsel vm0, v5, v1  }
0x64: {  	v1 =	vmul.f32 v2, v1;
	_ =	sdelay $0x1  }
0x65: {  	[tilespmem:s16+$0x9F30] =	vst v1  }
0x66: {  	v1 =	vld.idx.msk [tilespmem:v3+s2+$0x0], $0xffff  }
0x67: {  	v2 =	vld.idx.msk [tilespmem:v56+s10+$0x0], $0xffff;
	_ =	sdelay $0x4  }
0x68: {  	v1 =	vadd.f32 v2, v1;
	_ =	sdelay $0x1  }
0x69: {  	v2 =	vand.u32 $0x7FFFFFFF, v1  }
0x6a: {  	v2 =	vmin.f32 v2, $2.000000000e+01  }
0x6b: {  	v2 =	vadd.f32 v2, v2;
	_ =	sdelay $0x1  }
0x6c: {  	v2 =	vmul.f32 $1.442695020e+00, v2;
	_ =	sdelay $0x1  }
0x6d: {  	(erf) = vpow2.f32 v2;
	_ =	sdelay $0x8  }
0x6e: {  	v2 =	vpop (erf)  }
0x6f: {  	v2 =	vadd.f32 $1.000000000e+00, v2;
	_ =	sdelay $0x1  }
0x70: {  	(erf) = vrcp.f32 v2;
	_ =	sdelay $0x8  }
0x71: {  	v3 =	vld [tilespmem:s16+$0x7750];
	v2 =	vpop (erf)  }
0x72: {  	v58 =	vld [tilespmem:s16+$0x4F50];
	v2 =	vadd.f32 v2, v2  }
0x73: {  	v59 =	vand.u32 $0x80000000, v1;
	vm8 =	vlt.f32 v1, $0.0e+00;
	vm9 =	vgt.f32 v1, $0.0e+00  }
0x74: {  	v5 =	vor.u32 v59, v0;
	vm0 =	vmor vm9, vm8;
	v2 =	vsub.f32 $1.000000000e+00, v2  }
0x75: {  	v1 =	vsel vm0, v5, v1  }
0x76: {  	v1 =	vmul.f32 v2, v1;
	_ =	sdelay $0x1  }
0x77: {  	[tilespmem:s16+$0x9F40] =	vst v1  }
0x78: {  	v1 =	vld.idx.msk [tilespmem:v3+s2+$0x0], $0xffff  }
0x79: {  	v2 =	vld.idx.msk [tilespmem:v58+s10+$0x0], $0xffff;
	_ =	sdelay $0x4  }
0x7a: {  	v1 =	vadd.f32 v2, v1;
	_ =	sdelay $0x1  }
0x7b: {  	v2 =	vand.u32 $0x7FFFFFFF, v1  }
0x7c: {  	v2 =	vmin.f32 v2, $2.000000000e+01  }
0x7d: {  	v2 =	vadd.f32 v2, v2;
	_ =	sdelay $0x1  }
0x7e: {  	v2 =	vmul.f32 $1.442695020e+00, v2;
	_ =	sdelay $0x1  }
0x7f: {  	(erf) = vpow2.f32 v2;
	_ =	sdelay $0x8  }
0x80: {  	v2 =	vpop (erf)  }
0x81: {  	v2 =	vadd.f32 $1.000000000e+00, v2;
	_ =	sdelay $0x1  }
0x82: {  	(erf) = vrcp.f32 v2;
	_ =	sdelay $0x8  }
0x83: {  	v3 =	vld [tilespmem:s16+$0x7760];
	v2 =	vpop (erf)  }
0x84: {  	v60 =	vld [tilespmem:s16+$0x4F60];
	v2 =	vadd.f32 v2, v2  }
0x85: {  	v61 =	vand.u32 $0x80000000, v1;
	vm10 =	vlt.f32 v1, $0.0e+00;
	vm11 =	vgt.f32 v1, $0.0e+00  }
0x86: {  	v5 =	vor.u32 v61, v0;
	vm0 =	vmor vm11, vm10;
	v2 =	vsub.f32 $1.000000000e+00, v2  }
0x87: {  	v1 =	vsel vm0, v5, v1  }
0x88: {  	v1 =	vmul.f32 v2, v1;
	_ =	sdelay $0x1  }
0x89: {  	[tilespmem:s16+$0x9F50] =	vst v1  }
0x8a: {  	v1 =	vld.idx.msk [tilespmem:v3+s2+$0x0], $0xffff  }
0x8b: {  	v2 =	vld.idx.msk [tilespmem:v60+s10+$0x0], $0xffff;
	_ =	sdelay $0x4  }
0x8c: {  	v1 =	vadd.f32 v2, v1;
	_ =	sdelay $0x1  }
0x8d: {  	v2 =	vand.u32 $0x7FFFFFFF, v1  }
0x8e: {  	v2 =	vmin.f32 v2, $2.000000000e+01  }
0x8f: {  	v2 =	vadd.f32 v2, v2;
	_ =	sdelay $0x1  }
0x90: {  	v2 =	vmul.f32 $1.442695020e+00, v2;
	_ =	sdelay $0x1  }
0x91: {  	(erf) = vpow2.f32 v2;
	_ =	sdelay $0x8  }
0x92: {  	v2 =	vpop (erf)  }
0x93: {  	v2 =	vadd.f32 $1.000000000e+00, v2;
	_ =	sdelay $0x1  }
0x94: {  	(erf) = vrcp.f32 v2;
	_ =	sdelay $0x8  }
0x95: {  	v3 =	vld [tilespmem:s16+$0x7770];
	v2 =	vpop (erf)  }
0x96: {  	v62 =	vld [tilespmem:s16+$0x4F70];
	v2 =	vadd.f32 v2, v2  }
0x97: {  	v63 =	vand.u32 $0x80000000, v1;
	vm12 =	vlt.f32 v1, $0.0e+00;
	vm13 =	vgt.f32 v1, $0.0e+00  }
0x98: {  	vm0 =	vmor vm13, vm12;
	v5 =	vor.u32 v63, v0;
	v2 =	vsub.f32 $1.000000000e+00, v2  }
0x99: {  	v1 =	vsel vm0, v5, v1  }
0x9a: {  	v1 =	vmul.f32 v2, v1;
	_ =	sdelay $0x1  }
0x9b: {  	[tilespmem:s16+$0x9F60] =	vst v1  }
0x9c: {  	v1 =	vld.idx.msk [tilespmem:v3+s2+$0x0], $0xffff  }
0x9d: {  	v2 =	vld.idx.msk [tilespmem:v62+s10+$0x0], $0xffff;
	_ =	sdelay $0x4  }
0x9e: {  	v1 =	vadd.f32 v2, v1;
	_ =	sdelay $0x1  }
0x9f: {  	v2 =	vand.u32 $0x7FFFFFFF, v1  }
0xa0: {  	v2 =	vmin.f32 v2, $2.000000000e+01  }
0xa1: {  	v2 =	vadd.f32 v2, v2;
	_ =	sdelay $0x1  }
0xa2: {  	v2 =	vmul.f32 $1.442695020e+00, v2;
	_ =	sdelay $0x1  }
0xa3: {  	(erf) = vpow2.f32 v2;
	_ =	sdelay $0x8  }
0xa4: {  	v2 =	vpop (erf)  }
0xa5: {  	v2 =	vadd.f32 $1.000000000e+00, v2;
	_ =	sdelay $0x1  }
0xa6: {  	(erf) = vrcp.f32 v2;
	_ =	sdelay $0x8  }
0xa7: {  	v2 =	vpop (erf)  }
0xa8: {  	v2 =	vadd.f32 v2, v2  }
0xa9: {  	p0 =	sne.s32 s15, $0x9E00;
	v3 =	vand.u32 $0x80000000, v1;
	vm14 =	vlt.f32 v1, $0.0e+00;
	vm15 =	vgt.f32 v1, $0.0e+00  }
.Ltmp0:
0xaa: {  	v3 =	vor.u32 v3, v0;
	vm0 =	vmor vm15, vm14;
	v2 =	vsub.f32 $1.000000000e+00, v2;
	(pc) =	sbr.rel @p0 .LBB2_2-.Ltmp0, $3  }
0xab: {  	v1 =	vsel vm0, v3, v1  }
0xac: {  	v1 =	vmul.f32 v2, v1;
	_ =	sdelay $0x1  }
0xad: {  	s15 =	sadd.s32 $0x200, s15;
	[tilespmem:s16+$0x9F70] =	vst v1  }
0xae: {  	s14 =	sadd.s32 $0x1, s14  }
0xaf: {  	p0 =	sne.s32 s14, s8  }
.Ltmp1:
0xb0: {  	_ = 	snop;
	(pc) =	sbr.rel @p0 .LBB2_1-.Ltmp1, $4  }
0xb1: {  	[hbm4b:s7+s2] =	stream.linear.scatter [tilespmem:s13], [sflag:$0x1], $0x2800, $0x38;
	[tilespmem:$0xC700] =	vst v63  }
0xb2: {  	_ =	swait.ge [sflag:s9], $0x2800  }
0xb3: {  	[sflag:s9] =	ssyncset.done $0x0  }
0xb4: {  	[sflag:s9] =	ssyncadd.s32 $0xFFFFD800  }
0xb5: {  	_ =	sfence.sel $0x180000  }
0xb6: {  	[bflag:$0x0] =	sbarrier.arrive $0xFFFF  }
0xb7: {  	p0 =	sne.s32 s1, $0x0;
	_ =	strace $0x9000004A  }
0xb8: {  	s0 =	sadd.s32 @!p0 $0x100000, s0;
	[bflag:$0x2] =	sbarrier.arrive $0xFFFF  }
0xb9: {  	[sflag:s0] =	ssyncadd.tile.s32 @!p0 $0x1;
	_ =	shalt  }
.Lfunc_end2:
_tile_overlayer_lowered:
.L_overlay_start_2:
0xba: {  	(tag) =	ssettag $0x2  }
0xbb: {  	s0 =	rddreg [dreg:$0x0];
	s2 =	stileid.u32  }
0xbc: {  	s1 =	rddreg [dreg:$0x1];
	p0 =	sne.s32 s2, $0x0  }
0xbd: {  	s3 =	rddreg [dreg:$0x2];
	[bflag:$0x3] =	sbarrier.arrive $0xFFFF;
	s2 =	simm.s32 @!p0 $0x1C01  }
0xbe: {  	[timem:s3], [sflag:s2] =	dma.local @!p0 [hbm:s0], s1  }
0xbf: {  	s0 =	simm.s32 @!p0 $0x1  }
0xc0: {  	_ =	swait.ge @!p0 [sflag:s0], s1  }
0xc1: {  	s1 =	ssub.s32 @!p0 $0x0, s1;
	[sflag:s0] =	ssyncset.done @!p0 $0x0  }
0xc2: {  	[sflag:s0] =	ssyncadd.s32 @!p0 s1  }
0xc3: {  	[bflag:$0x3] =	sbarrier.arrive $0xFFFF  }
0xc4: {  	_ =	shalt  }

// kernel: kernel.16.cloned.1.call-start
scs
__scs_entry_jumppad:
0x0: {  	(pc) =	sbr.rel $0x88, $3  }
0x1: {  	(tag) =	ssettag $0x0;
	lr =	simm.s32 $0x1  }
0x2: {  	[smem:$0x3F97] =	sst lr;
	_ =	strace $0xD0000000  }
0x3: {  	_ = 	snop  }
0x4: {  	_ = 	snop  }
0x5: {  	_ = 	snop  }
0x6: {  	_ = 	snop  }
0x7: {  	_ = 	snop  }
__scs_overlays_trampoline_lowered:
0x8: {  	[smem:$0x3FA6] =	sst s0  }
0x9: {  	[smem:$0x3FA7] =	sst s1  }
0xa: {  	[smem:$0x3FA8] =	sst s2  }
0xb: {  	[smem:$0x3FA9] =	sst s3  }
0xc: {  	[smem:$0x3FAA] =	sst s4  }
0xd: {  	[smem:$0x3FAB] =	sst s5  }
0xe: {  	[smem:$0x3FAC] =	sst s6  }
0xf: {  	[smem:$0x3FAD] =	sst s7  }
0x10: {  	[smem:$0x3FAE] =	sst s8  }
0x11: {  	[smem:$0x3FAF] =	sst s9;
	s0 =	simm.s32 @!p0 $0x0  }
0x12: {  	s1 =	sld [smem:$0x3F95];
	s0 =	simm.s32 @p0 $0x1  }
0x13: {  	[smem:$0x3FB0] =	sst s0;
	s0 =	simm.s32 @!p1 $0x0  }
0x14: {  	s2 =	sld [smem:$0x3F94];
	s0 =	simm.s32 @p1 $0x1  }
0x15: {  	[smem:$0x3FB1] =	sst s0;
	s0 =	simm.s32 @!p2 $0x0  }
0x16: {  	s3 =	sld [smem:$0x3FDB];
	s0 =	simm.s32 @p2 $0x1  }
0x17: {  	s4 =	simm.s32 $0x1BF5;
	[smem:$0x3FB3] =	sst s0  }
0x18: {  	s0 =	sld [smem:$0x3F96];
	_ =	swait.ge [sflag:s4], $0x0  }
0x19: {  	s7 =	sld [smem:$0x3F97]  }
0x1a: {  	s8 =	sadd.s32 $0xFFFFE003, lr  }
0x1b: {  	s9 =	sadd.s32 $0xFFFFFEF7, lr;
	s5 =	simm.s32 $0xFFFFFFFF;
	p2 =	slt.u32 s8, $0xFFFFF086  }
0x1c: {  	p1 =	slt.u32 s9, $0xF7A;
	s5 =	simm.s32 @!p2 $0x0  }
0x1d: {  	s5 =	simm.s32 @p1 $0x1;
	p0 =	seq.s32 s7, s2  }
0x1e: {  	s7 =	smul.u32 @!p0 $0xF7A, s2;
	p2 =	seq.s32 @!p0 s5, $0x0  }
0x1f: {  	s9 =	smul.u32 $0xF7A, s1;
	s8 =	simm.s32 @!p0 $0x1BF5;
	p2 =	por !p2, p0  }
0x20: {  	[sflag:s8] =	ssyncset.s32 @!p0 $0xFFFFF086;
	s6 =	sadd.s32 @!p0 s3, s7;
	s7 =	simm.s32 @!p0 $0x108  }
0x21: {  	s3 =	sadd.s32 s3, s9;
	s6 =	sadd.s32 @!p0 $0x88, s6;
	s7 =	simm.s32 @p2 $0x1082  }
0x22: {  	[simem:s7], [sflag:s8] =	dma.local @!p0 [hbm:s6], $0xF7A  }
0x23: {  	s9 =	sor.u32 $0xD0000000, s2;
	s6 =	simm.s32 $0x108;
	_ =	swait.ge @!p0 [sflag:s8], $0x0  }
0x24: {  	s3 =	sadd.s32 $0x88, s3;
	s6 =	simm.s32 @!p1 $0x1082;
	[sflag:s4] =	ssyncset.s32 $0xFFFFF086  }
0x25: {  	[simem:s6], [sflag:s4] =	dma.local [hbm:s3], $0xF7A  }
0x26: {  	[smem:$0x3F97] =	sst s1;
	(tag) =	ssettag s2;
	_ =	strace s9  }
0x27: {  	s1 =	sld [smem:$0x3FA7]  }
0x28: {  	s2 =	sld [smem:$0x3FA8]  }
0x29: {  	s4 =	sld [smem:$0x3FAA]  }
0x2a: {  	p0 =	seq.s32 s5, $0x0;
	s5 =	sld [smem:$0x3FAB]  }
0x2b: {  	s6 =	sld [smem:$0x3FAC]  }
0x2c: {  	s7 =	sld [smem:$0x3FAD]  }
0x2d: {  	s3 =	simm.s32 $0x108;
	s8 =	sld [smem:$0x3FAE]  }
0x2e: {  	s3 =	simm.s32 @!p0 $0x1082;
	s9 =	sld [smem:$0x3FAF]  }
0x2f: {  	lr =	sadd.s32 s0, s3;
	s0 =	sld [smem:$0x3FA6]  }
0x30: {  	s3 =	sld [smem:$0x3FA9]  }
0x31: {  	[smem:$0x3FB2] =	sst s10  }
0x32: {  	s10 =	sld [smem:$0x3FB0];
	_ =	sdelay $0x3  }
0x33: {  	p0 =	seq.s32 s10, $0x1;
	s10 =	sld [smem:$0x3FB2];
	_ =	sdelay $0x3  }
0x34: {  	[smem:$0x3FB2] =	sst s10  }
0x35: {  	s10 =	sld [smem:$0x3FB1];
	_ =	sdelay $0x3  }
0x36: {  	p1 =	seq.s32 s10, $0x1;
	s10 =	sld [smem:$0x3FB2];
	_ =	sdelay $0x3  }
0x37: {  	[smem:$0x3FB2] =	sst s10  }
0x38: {  	s10 =	sld [smem:$0x3FB3]  }
0x39: {  	_ = 	snop;
	(pc) =	sbr.ind lr, $3  }
0x3a: {  	_ = 	snop  }
0x3b: {  	_ = 	snop  }
0x3c: {  	p2 =	seq.s32 s10, $0x1;
	s10 =	sld [smem:$0x3FB2]  }
0x3d: {  	_ =	shalt  }
0x3e: {  	_ =	shalt  }
0x3f: {  	_ =	shalt  }
0x40: {  	_ =	shalt  }
0x41: {  	_ =	shalt  }
0x42: {  	_ =	shalt  }
0x43: {  	_ =	shalt  }
0x44: {  	_ =	shalt  }
0x45: {  	_ =	shalt  }
0x46: {  	_ =	shalt  }
0x47: {  	_ =	shalt  }
0x48: {  	_ =	shalt  }
0x49: {  	_ =	shalt  }
0x4a: {  	_ =	shalt  }
0x4b: {  	_ =	shalt  }
0x4c: {  	_ =	shalt  }
0x4d: {  	_ =	shalt  }
0x4e: {  	_ =	shalt  }
0x4f: {  	_ =	shalt  }
0x50: {  	_ =	shalt  }
0x51: {  	_ =	shalt  }
0x52: {  	_ =	shalt  }
0x53: {  	_ =	shalt  }
0x54: {  	_ =	shalt  }
0x55: {  	_ =	shalt  }
0x56: {  	_ =	shalt  }
0x57: {  	_ =	shalt  }
0x58: {  	_ =	shalt  }
0x59: {  	_ =	shalt  }
0x5a: {  	_ =	shalt  }
0x5b: {  	_ =	shalt  }
0x5c: {  	_ =	shalt  }
0x5d: {  	_ =	shalt  }
0x5e: {  	_ =	shalt  }
0x5f: {  	_ =	shalt  }
0x60: {  	_ =	shalt  }
0x61: {  	_ =	shalt  }
0x62: {  	_ =	shalt  }
0x63: {  	_ =	shalt  }
0x64: {  	_ =	shalt  }
0x65: {  	_ =	shalt  }
0x66: {  	_ =	shalt  }
0x67: {  	_ =	shalt  }
0x68: {  	_ =	shalt  }
0x69: {  	_ =	shalt  }
0x6a: {  	_ =	shalt  }
0x6b: {  	_ =	shalt  }
0x6c: {  	_ =	shalt  }
0x6d: {  	_ =	shalt  }
0x6e: {  	_ =	shalt  }
0x6f: {  	_ =	shalt  }
0x70: {  	_ =	shalt  }
0x71: {  	_ =	shalt  }
0x72: {  	_ =	shalt  }
0x73: {  	_ =	shalt  }
0x74: {  	_ =	shalt  }
0x75: {  	_ =	shalt  }
0x76: {  	_ =	shalt  }
0x77: {  	_ =	shalt  }
0x78: {  	_ =	shalt  }
0x79: {  	_ =	shalt  }
0x7a: {  	_ =	shalt  }
0x7b: {  	_ =	shalt  }
0x7c: {  	_ =	shalt  }
0x7d: {  	_ =	shalt  }
0x7e: {  	_ =	shalt  }
0x7f: {  	_ =	shalt  }
0x80: {  	_ =	shalt  }
0x81: {  	_ =	shalt  }
0x82: {  	_ =	shalt  }
0x83: {  	_ =	shalt  }
0x84: {  	_ =	shalt  }
0x85: {  	_ =	shalt  }
0x86: {  	_ =	shalt  }
0x87: {  	_ =	shalt  }
.Lfunc_end0:
.L_simem_size_0:
called_computation.2_lowered:
.L_overlay_start_0:
0x88: {  	s2 =	sld [smem:$0x3FD9]  }
0x89: {  	s3 =	sld [smem:$0x3FFE];
	_ =	sdelay $0x1  }
0x8a: {  	s1 =	srdreg.scid  }
0x8b: {  	s0 =	sand.u32 $0x1, s1  }
0x8c: {  	s17 =	sshll.u32 s0, $0xA;
	s2 =	sadd.s32 s3, s2  }
0x8d: {  	s2 =	sadd.s32 s2, s17  }
0x8e: {  	[smem:$0x3FBE] =	sst s2  }
0x8f: {  	_ = 	snop  }
0x90: {  	s2 =	sld [smem:$0x3FD0];
	(tm) =	ssettm $0x1  }
0x91: {  	s18 =	sld [smem:$0x3FFB];
	_ =	sdelay $0x3  }
0x92: {  	_ =	strace s18  }
0x93: {  	s3 =	sld [smem:$0x3FFC];
	_ =	sdelay $0x3  }
0x94: {  	_ =	strace s3  }
0x95: {  	s3 =	sld [smem:$0x3FFD];
	_ =	sdelay $0x3  }
0x96: {  	_ =	strace s3  }
0x97: {  	_ =	strace $0x8FFFFFFF  }
0x98: {  	s19 =	sld [smem:$0x3FDB];
	_ =	sdelay $0x1  }
0x99: {  	s4 =	simm.s32 $_scs_section_size  }
0x9a: {  	s5 =	simm.s32 $_size__tile_overlayer_lowered;
	s6 =	simm.s32 $_tile_overlayer_lowered  }
0x9b: {  	s22 =	simm.s32 $0x1BFF;
	s21 =	sshll.u32 s6, $0x1;
	s3 =	sadd.s32 s4, s19  }
0x9c: {  	s7 =	simm.s32 $0x0;
	s20 =	sshll.u32 s5, $0x1;
	s5 =	sadd.s32 s21, s3  }
0x9d: {  	[timem:s7], [sflag:s22] =	dma.local [hbm:s5], s20  }
0x9e: {  	_ =	swait.ge [sflag:s22], s20  }
0x9f: {  	s4 =	ssub.s32 $0x0, s20;
	[sflag:s22] =	ssyncset.done $0x0  }
0xa0: {  	[sflag:s22] =	ssyncadd.s32 s4;
	_ =	sdelay $0x1  }
0xa1: {  	s23 =	simm.s32 $0x1B8B  }
0xa2: {  	_ =	swait.ge [sflag:s23], $0x1  }
0xa3: {  	[sflag:s23] =	ssyncset.done $0x0  }
0xa4: {  	s25 =	simm.s32 $0x1B8E;
	s24 =	sld [smem:$0x3FFE];
	[sflag:s23] =	ssyncadd.s32 $0xFFFFFFFF  }
0xa5: {  	s26 =	simm.s32 $execute0_lowered;
	[smem:$0x3FD2] =	sst s25  }
0xa6: {  	s5 =	sshll.u32 s26, $0x1;
	_ =	strace $0x8000004C;
	[dreg:$0x1] =	wrdreg $0xFFFFFFFF  }
0xa7: {  	s28 =	simm.s32 $_size_execute0_lowered;
	s3 =	sadd.s32 s3, s5;
	[dreg:$0x0] =	wrdreg $0x0  }
0xa8: {  	s5 =	sshll.u32 s28, $0x1;
	[dreg:$0x2] =	wrdreg s3  }
0xa9: {  	[dreg:$0x3] =	wrdreg s5  }
0xaa: {  	[dreg:$0x4] =	wrdreg $0xC0  }
0xab: {  	_ =	task [dreg:s7], $0x5FFFF  }
0xac: {  	[dreg:$0x1] =	wrdreg $0xFFFFFFFF  }
0xad: {  	[dreg:$0x0] =	wrdreg $0x60  }
0xae: {  	[dreg:$0x2] =	wrdreg s24  }
0xaf: {  	[dreg:$0x3] =	wrdreg s2  }
0xb0: {  	[dreg:$0x4] =	wrdreg $0xC2000  }
0xb1: {  	[dreg:$0x5] =	wrdreg $0x9  }
0xb2: {  	_ =	task.clear_ibuf [dreg:s7], $0x6FFFF;
	_ =	strace $0x9000004C  }
0xb3: {  	s29 =	simm.s32 $0x9;
	_ =	strace $0x8000004E  }
0xb4: {  	_ =	swait.ge [sflag:s29], $0x1  }
0xb5: {  	[sflag:s29] =	ssyncadd.s32 $0xFFFFFFFF  }
0xb6: {  	_ =	strace $0x9000004E  }
0xb7: {  	_ =	sfence  }
0xb8: {  	s30 =	sld [smem:$0x0];
	_ =	sdelay $0x2  }
0xb9: {  	s31 =	sshll.u32 s1, $0xD;
	s1 =	sshrl.u32 s1, $0x2  }
0xba: {  	s3 =	sand.u32 $0x4000, s31;
	s1 =	sadd.s32 s1, s30  }
0xbb: {  	s0 =	sor.u32 s3, s0;
	s1 =	sshll.u32 s1, $0x11  }
0xbc: {  	s0 =	sor.u32 s1, s0  }
0xbd: {  	s0 =	sadd.s32 $0x8F2B, s0  }
0xbe: {  	[sflag:s0] =	ssyncadd.remote.s32 $0x1  }
0xbf: {  	_ =	sfence.sel $0xFFFF  }
0xc0: {  	[dreg:$0x0] =	wrdreg $0xFFFFFFFF;
	(pc) =	sbr.abs _section_cstart, $3  }
0xc1: {  	[dreg:$0x1] =	wrdreg $0xFFFFFFFF  }
0xc2: {  	_ =	task.clear_ibuf [dreg:s7], $0x2FFFF;
	_ =	strace $0x9FFFFFFF  }
0xc3: {  	(tm) =	ssettm $0x7FFFFFFF  }
tec
execute0_lowered:
.L_overlay_start_1:
0x0: {  	(tag) =	ssettag $0x1  }
0x1: {  	s0 =	rddreg [dreg:$0x0]  }
0x2: {  	s1 =	rddreg [dreg:$0x1]  }
0x3: {  	s3 =	rddreg [dreg:$0x2]  }
0x4: {  	s4 =	simm.s32 $0x0;
	s2 =	srdreg.scid;
	s15 =	stileid.u32  }
0x5: {  	s11 =	simm.s32 $0x80;
	s17 =	simm.s32 $0x9;
	s28 =	simm.s32 $0x5  }
0x6: {  	s29 =	simm.s32 $0x7;
	s30 =	simm.s32 $0x4200;
	s31 =	simm.s32 $0x6  }
0x7: {  	[smem:$0x7FF] =	sst s4;
	s2 =	sand.u32 $0x1, s2;
	s5 =	sshll.u32 s15, $0x5  }
0x8: {  	s6 =	sshll.u32 s15, $0x7;
	s9 =	smul.u32 $0x13C00, s15;
	s7 =	sadd.s32 $0x46E00, s0  }
0x9: {  	s10 =	sadd.s32 $0x50E00, s0;
	s20 =	smul.u32 $0x4F000, s15;
	s26 =	sshll.u32 s15, $0x6  }
0xa: {  	p0 =	seq.s32 s2, $0x0;
	s5 =	sor.u32 $0x800, s5;
	s8 =	smul.u32 $0x13C000, s2  }
0xb: {  	_ =	strace $0x8000004D;
	[dreg:$0x4] =	wrdreg s10;
	s2 =	ssub.s32 $0x2, s2  }
0xc: {  	s10 =	simm.s32 $0x80;
	s16 =	sor.u32 $0x1C09, s26;
	s5 =	smov.u32 @p0 s6  }
0xd: {  	s6 =	sadd.s32 $0x1F000, s0;
	s19 =	sshrl.u32 s2, $0x1;
	s11 =	simm.s32 @!p0 $0x20  }
0xe: {  	[dreg:$0xd] =	wrdreg s16;
	s12 =	sshll.u32 s5, $0x4;
	s8 =	sadd.s32 s9, s8  }
0xf: {  	s9 =	simm.s32 $0x1FFFF80;
	s2 =	ssub.s32 s2, s19;
	s18 =	sshrl.u32 s11, $0x1  }
0x10: {  	s19 =	simm.s32 $0x0;
	s13 =	sadd.s32 s12, s0;
	s8 =	sshrl.u32 s8, $0x3  }
0x11: {  	s9 =	simm.s32 @!p0 $0x1FFFFE0;
	s14 =	sadd.s32 s1, s12;
	s21 =	sor.u32 $0x10, s12  }
0x12: {  	s12 =	sadd.s32 s7, s12;
	s25 =	smax.u32 s2, $0x1;
	[dreg:$0x5] =	wrdreg s14  }
0x13: {  	s2 =	simm.s32 $0x8200;
	s0 =	sadd.s32 s8, s0;
	[dreg:$0x6] =	wrdreg s12  }
0x14: {  	s22 =	sadd.s32 s1, s21;
	s8 =	sshrl.u32 s20, $0x2;
	[dreg:$0xc] =	wrdreg s25  }
0x15: {  	s23 =	sadd.s32 s7, s21;
	s24 =	sadd.s32 $0x15000, s13;
	[dreg:$0x7] =	wrdreg s22  }
0x16: {  	s21 =	simm.s32 $0x4000;
	s12 =	simm.s32 $0x2;
	[dreg:$0x8] =	wrdreg s23  }
0x17: {  	s13 =	simm.s32 $0x3;
	s14 =	simm.s32 $0x4;
	[dreg:$0x9] =	wrdreg s24  }
0x18: {  	s8 =	sadd.s32 s8, s3;
	s0 =	sadd.s32 $0x53600, s0;
	s22 =	simm.s32 $0x4100  }
0x19: {  	s23 =	simm.s32 $0x4080;
	s24 =	simm.s32 $0x4180;
	[dreg:$0xa] =	wrdreg s8  }
0x1a: {  	[dreg:$0xb] =	wrdreg s0;
	s0 =	simm.s32 $0x8;
	s8 =	simm.s32 $0x1  }
.LBB2_1:
0x1b: {  	[dreg:$0xe] =	wrdreg s19  }
0x1c: {  	s15 =	rddreg [dreg:$0x5]  }
0x1d: {  	[tilespmem:s21], [sflag:$0x5] =	stream.linear.gather [hbm4b:s15+s4], $0x80, $0x38;
	[tilespmem:$0x1FE00] =	vst v63  }
0x1e: {  	s20 =	rddreg [dreg:$0x6]  }
0x1f: {  	[tilespmem:s22], [sflag:$0x7] =	stream.linear.gather [hbm4b:s20+s4], $0x80, $0x38;
	[tilespmem:$0x1FE00] =	vst v63  }
0x20: {  	s25 =	rddreg [dreg:$0x7]  }
0x21: {  	[tilespmem:s23], [sflag:$0x6] =	stream.linear.gather [hbm4b:s25+s4], $0x80, $0x38;
	[tilespmem:$0x1FE00] =	vst v63  }
0x22: {  	s26 =	rddreg [dreg:$0x8]  }
0x23: {  	[tilespmem:s24], [sflag:$0x8] =	stream.linear.gather [hbm4b:s26+s4], $0x80, $0x38;
	[tilespmem:$0x1FE00] =	vst v63  }
0x24: {  	s19 =	rddreg [dreg:$0x9]  }
0x25: {  	[tilespmem:s4], [sflag:$0x9] =	stream.linear.gather [hbm4b:s19+s4], $0x4000, $0x38;
	[tilespmem:$0x1FE00] =	vst v63  }
0x26: {  	_ =	swait.ge [sflag:s17], $0x4000  }
0x27: {  	s20 =	rddreg [dreg:$0xa]  }
0x28: {  	[sflag:s17] =	ssyncset.done $0x0;
	s26 =	rddreg [dreg:$0x4];
	s25 =	sshrl.u32 s20, $0x3  }
0x29: {  	[sflag:s17] =	ssyncadd.s32 $0xFFFFC000;
	[dreg:$0xf] =	wrdreg s25  }
0x2a: {  	[spmem:s25], [sflag:s16] =	dma.local [hbm:s26], $0x2780  }
0x2b: {  	_ =	swait.ge [sflag:s17], $0x2780  }
0x2c: {  	[sflag:s17] =	ssyncset.done $0x0  }
0x2d: {  	[sflag:s17] =	ssyncadd.s32 $0xFFFFD880  }
0x2e: {  	[bflag:$0x0] =	sbarrier.arrive $0xFFFF  }
0x2f: {  	_ =	swait.ge [sflag:s28], $0x80  }
0x30: {  	[sflag:s28] =	ssyncset.done $0x0  }
0x31: {  	[sflag:s28] =	ssyncadd.s32 $0xFFFFFF80  }
0x32: {  	_ =	swait.ge [sflag:s29], $0x80  }
0x33: {  	[sflag:s29] =	ssyncset.done $0x0  }
0x34: {  	[sflag:s29] =	ssyncadd.s32 $0xFFFFFF80  }
0x35: {  	[tilespmem:s30], [sflag:$0x1] =	stream.indirect.gather [hbm4b:s6+s10], $0x80, s21, s10, $0xb8;
	[tilespmem:$0x1FE00] =	vst v63  }
0x36: {  	_ =	swait.ge [sflag:s31], $0x80  }
0x37: {  	[sflag:s31] =	ssyncset.done $0x0  }
0x38: {  	[sflag:s31] =	ssyncadd.s32 $0xFFFFFF80  }
0x39: {  	_ =	swait.ge [sflag:s0], $0x80  }
0x3a: {  	[sflag:s0] =	ssyncset.done $0x0  }
0x3b: {  	s17 =	simm.s32 $0x0;
	[sflag:s0] =	ssyncadd.s32 $0xFFFFFF80  }
0x3c: {  	[tilespmem:s2], [sflag:$0x2] =	stream.indirect.gather [hbm4b:s6+s10], $0x80, s23, s10, $0xb8;
	[tilespmem:$0x1FE00] =	vst v63  }
.LBB2_2:
0x3d: {  	_ =	swait.ge [sflag:s8], $0x4000;
	s16 =	simm.s32 $0x0  }
0x3e: {  	[sflag:s8] =	ssyncset.done $0x0;
	v0 =	vmov s16  }
0x3f: {  	s19 =	simm.s32 $0x4240;
	[sflag:s8] =	ssyncadd.s32 $0xFFFFC000  }
0x40: {  	v4 =	vld [tilespmem:s19+$0x30]  }
0x41: {  	v7 =	vld [tilespmem:s19+$0x10]  }
0x42: {  	v5 =	vld [tilespmem:s19+$0xFFFFFFC0]  }
0x43: {  	v1 =	vld.idx.msk [tilespmem:v0+s22+$0x0], $0xffff  }
0x44: {  	v9 =	vld [tilespmem:s19+$0xFFFFFFE0]  }
0x45: {  	v2 =	vld [tilespmem:s19+$0x20]  }
0x46: {  	v3 =	vld [tilespmem:s19+$0xFFFFFFD0]  }
0x47: {  	v0 =	vld [tilespmem:s19+$0xFFFFFFF0]  }
0x48: {  	v8 =	vmul.f32 v4, v1;
	v4 =	vld [tilespmem:s19+$0x0]  }
0x49: {  	v6 =	vmul.f32 v5, v1  }
0x4a: {  	s20 =	simm.s32 $0x4240;
	s16 =	simm.s32 $0x1;
	v5 =	vmul.f32 v9, v1;
	v7 =	vmul.f32 v7, v1  }
.LBB2_3:
0x4b: {  	p0 =	sne.s32 s16, $0x7F  }
0x4c: {  	v3 =	vmul.f32 v3, v1;
	v2 =	vmul.f32 v2, v1;
	[tilespmem:s19+$0x30] =	vst v8;
	s20 =	sadd.s32 $0x80, s20;
	s25 =	smov.u32 s16;
	s16 =	sadd.s32 $0x1, s16  }
0x4d: {  	[tilespmem:s19+$0xFFFFFFC0] =	vst v6;
	v6 =	vmul.f32 v0, v1;
	v1 =	vmul.f32 v4, v1  }
0x4e: {  	[tilespmem:s19+$0x10] =	vst v7  }
0x4f: {  	v4 =	vmov s25;
	[tilespmem:s19+$0xFFFFFFE0] =	vst v5  }
0x50: {  	v0 =	vld [tilespmem:s20+$0xFFFFFFF0];
	[tilespmem:s19+$0xFFFFFFF0] =	vst v6  }
0x51: {  	v5 =	vld [tilespmem:s20+$0x30];
	[tilespmem:s19+$0x0] =	vst v1  }
0x52: {  	v7 =	vld [tilespmem:s20+$0x10];
	[tilespmem:s19+$0x20] =	vst v2  }
0x53: {  	v6 =	vld [tilespmem:s20+$0xFFFFFFC0];
	[tilespmem:s19+$0xFFFFFFD0] =	vst v3;
	s19 =	smov.u32 s20  }
0x54: {  	v1 =	vld.idx.msk [tilespmem:v4+s22+$0x0], $0xffff  }
0x55: {  	v9 =	vld [tilespmem:s20+$0xFFFFFFE0]  }
0x56: {  	v2 =	vld [tilespmem:s20+$0x20]  }
.Ltmp0:
0x57: {  	v3 =	vld [tilespmem:s20+$0xFFFFFFD0];
	(pc) =	sbr.rel @p0 .LBB2_3-.Ltmp0, $3  }
0x58: {  	v4 =	vld [tilespmem:s20+$0x0];
	_ =	sdelay $0x1  }
0x59: {  	v6 =	vmul.f32 v6, v1;
	v8 =	vmul.f32 v5, v1  }
0x5a: {  	v7 =	vmul.f32 v7, v1;
	v5 =	vmul.f32 v9, v1  }
0x5b: {  	[tilespmem:s19+$0x30] =	vst v8  }
0x5c: {  	[tilespmem:s19+$0xFFFFFFC0] =	vst v6  }
0x5d: {  	v0 =	vmul.f32 v0, v1;
	[tilespmem:s19+$0x10] =	vst v7  }
0x5e: {  	v2 =	vmul.f32 v2, v1;
	[tilespmem:s19+$0xFFFFFFE0] =	vst v5  }
0x5f: {  	v4 =	vmul.f32 v4, v1;
	[tilespmem:s19+$0xFFFFFFF0] =	vst v0  }
0x60: {  	v0 =	vmul.f32 v3, v1;
	[tilespmem:s19+$0x20] =	vst v2  }
0x61: {  	s16 =	sshll.u32 s17, $0xA;
	[tilespmem:s19+$0x0] =	vst v4  }
0x62: {  	s20 =	sshra.s32 s16, $0x2;
	[tilespmem:s19+$0xFFFFFFD0] =	vst v0;
	s19 =	sshll.u32 s17, $0x1  }
0x63: {  	[spmem:s3] =	stream.indirect.scatter.add.f32 [tilespmem:s30], [sflag:$0x3], $0x80, s20, s10, $0xb8;
	[tilespmem:$0x1FE00] =	vst v63  }
0x64: {  	s15 =	sadd.s32 $0x2, s19  }
0x65: {  	s25 =	smov.u32 s9;
	p0 =	slt.u32 s15, s11  }
0x66: {  	s26 =	sadd.s32 s5, s15;
	s25 =	simm.s32 @p0 $0x0  }
0x67: {  	s25 =	sadd.s32 s25, s26  }
0x68: {  	s16 =	sshll.u32 s15, $0x7;
	s25 =	sshll.u32 s25, $0x7  }
0x69: {  	s16 =	sand.u32 $0x300, s16;
	s25 =	sand.u32 $0xFFFFFC00, s25  }
0x6a: {  	s16 =	sor.u32 s16, s25  }
0x6b: {  	s16 =	sshrl.u32 s16, $0x3  }
0x6c: {  	s15 =	simm.s32 $0x0;
	s26 =	sadd.s32 s1, s16  }
0x6d: {  	v0 =	vmov s15;
	[tilespmem:s21], [sflag:$0x5] =	stream.linear.gather [hbm4b:s26+s15], $0x80, $0x38;
	[tilespmem:$0x1FE00] =	vst v63  }
0x6e: {  	v0 =	vand.u32 $0x7F, v0;
	s16 =	sadd.s32 s7, s16  }
0x6f: {  	v0 =	vor.u32 $0x80, v0;
	[tilespmem:s22], [sflag:$0x7] =	stream.linear.gather [hbm4b:s16+s15], $0x80, $0x38;
	[tilespmem:$0x1FE00] =	vst v63  }
0x70: {  	v0 =	vbroadcast v0, $0x0;
	_ =	swait.ge [sflag:s12], $0x4000  }
0x71: {  	[sflag:s12] =	ssyncset.done $0x0  }
0x72: {  	s25 =	simm.s32 $0x8240;
	[sflag:s12] =	ssyncadd.s32 $0xFFFFC000  }
0x73: {  	v4 =	vld [tilespmem:s25+$0x30]  }
0x74: {  	v7 =	vld [tilespmem:s25+$0x10]  }
0x75: {  	v5 =	vld [tilespmem:s25+$0xFFFFFFC0]  }
0x76: {  	v1 =	vld.idx.msk [tilespmem:v0+s22+$0x0], $0xffff  }
0x77: {  	v10 =	vld [tilespmem:s25+$0xFFFFFFE0]  }
0x78: {  	v0 =	vld [tilespmem:s25+$0xFFFFFFF0]  }
0x79: {  	v2 =	vld [tilespmem:s25+$0x20]  }
0x7a: {  	v3 =	vld [tilespmem:s25+$0xFFFFFFD0]  }
0x7b: {  	v8 =	vmul.f32 v4, v1;
	v4 =	vld [tilespmem:s25+$0x0]  }
0x7c: {  	s15 =	simm.s32 $0x1;
	v6 =	vmul.f32 v5, v1  }
0x7d: {  	s26 =	simm.s32 $0x2;
	s16 =	simm.s32 $0x8240;
	v9 =	vmov s15;
	v5 =	vmul.f32 v10, v1;
	v7 =	vmul.f32 v7, v1  }
.LBB2_5:
0x7e: {  	p0 =	sne.s32 s26, $0x7F  }
0x7f: {  	v9 =	vand.u32 $0x7F, v9;
	v3 =	vmul.f32 v3, v1;
	v2 =	vmul.f32 v2, v1;
	[tilespmem:s25+$0x30] =	vst v8;
	s16 =	sadd.s32 $0x80, s16;
	s15 =	smov.u32 s26;
	s26 =	sadd.s32 $0x1, s26  }
0x80: {  	v8 =	vor.u32 $0x80, v9;
	[tilespmem:s25+$0xFFFFFFC0] =	vst v6;
	v6 =	vmul.f32 v0, v1;
	v1 =	vmul.f32 v4, v1  }
0x81: {  	v4 =	vbroadcast v8, $0x0;
	[tilespmem:s25+$0x10] =	vst v7  }
0x82: {  	[tilespmem:s25+$0xFFFFFFE0] =	vst v5  }
0x83: {  	v0 =	vld [tilespmem:s16+$0xFFFFFFF0];
	[tilespmem:s25+$0xFFFFFFF0] =	vst v6  }
0x84: {  	v5 =	vld [tilespmem:s16+$0x30];
	[tilespmem:s25+$0x0] =	vst v1  }
0x85: {  	v7 =	vld [tilespmem:s16+$0x10];
	[tilespmem:s25+$0x20] =	vst v2  }
0x86: {  	v6 =	vld [tilespmem:s16+$0xFFFFFFC0];
	[tilespmem:s25+$0xFFFFFFD0] =	vst v3;
	s25 =	smov.u32 s16  }
0x87: {  	v1 =	vld.idx.msk [tilespmem:v4+s22+$0x0], $0xffff  }
0x88: {  	v10 =	vld [tilespmem:s16+$0xFFFFFFE0]  }
0x89: {  	v2 =	vld [tilespmem:s16+$0x20]  }
.Ltmp1:
0x8a: {  	v3 =	vld [tilespmem:s16+$0xFFFFFFD0];
	(pc) =	sbr.rel @p0 .LBB2_5-.Ltmp1, $3  }
0x8b: {  	v4 =	vld [tilespmem:s16+$0x0];
	_ =	sdelay $0x1  }
0x8c: {  	v6 =	vmul.f32 v6, v1;
	v8 =	vmul.f32 v5, v1  }
0x8d: {  	v9 =	vmov s15;
	v7 =	vmul.f32 v7, v1;
	v5 =	vmul.f32 v10, v1  }
0x8e: {  	[tilespmem:s25+$0x30] =	vst v8;
	v51 =	vand.u32 $0x7F, v9  }
0x8f: {  	[tilespmem:s25+$0xFFFFFFC0] =	vst v6;
	v6 =	vor.u32 $0x80, v51  }
0x90: {  	v0 =	vmul.f32 v0, v1;
	[tilespmem:s25+$0x10] =	vst v7;
	v52 =	vbroadcast v6, $0x0  }
0x91: {  	s15 =	sadd.s32 $0x80, s16;
	[tilespmem:s25+$0xFFFFFFE0] =	vst v5;
	v4 =	vmul.f32 v4, v1  }
0x92: {  	v55 =	vmul.f32 v3, v1;
	v53 =	vld [tilespmem:s15+$0xFFFFFFF0];
	[tilespmem:s25+$0xFFFFFFF0] =	vst v0  }
0x93: {  	v2 =	vmul.f32 v2, v1;
	v54 =	vld [tilespmem:s15+$0x30];
	[tilespmem:s25+$0x0] =	vst v4  }
0x94: {  	v57 =	vld [tilespmem:s15+$0xFFFFFFC0];
	[tilespmem:s25+$0xFFFFFFD0] =	vst v55  }
0x95: {  	v56 =	vld [tilespmem:s15+$0x10];
	[tilespmem:s25+$0x20] =	vst v2  }
0x96: {  	v1 =	vld.idx.msk [tilespmem:v52+s22+$0x0], $0xffff;
	_ =	sdelay $0x2  }
0x97: {  	v4 =	vld [tilespmem:s15+$0xFFFFFFE0];
	_ =	sdelay $0x1  }
0x98: {  	v58 =	vld [tilespmem:s15+$0x0];
	v0 =	vmul.f32 v54, v1  }
0x99: {  	v7 =	vld [tilespmem:s15+$0x20];
	v2 =	vmul.f32 v57, v1  }
0x9a: {  	v59 =	vld [tilespmem:s15+$0xFFFFFFD0];
	v3 =	vmul.f32 v56, v1;
	[tilespmem:s15+$0x30] =	vst v0  }
0x9b: {  	v60 =	vmul.f32 v4, v1;
	[tilespmem:s15+$0xFFFFFFC0] =	vst v2  }
0x9c: {  	v61 =	vmul.f32 v53, v1;
	[tilespmem:s15+$0x10] =	vst v3  }
0x9d: {  	s25 =	sadd.s32 $0x3, s19;
	v62 =	vmul.f32 v58, v1;
	[tilespmem:s15+$0xFFFFFFE0] =	vst v60  }
0x9e: {  	s16 =	smov.u32 s9;
	p0 =	slt.u32 s25, s11;
	v63 =	vmul.f32 v7, v1;
	[tilespmem:s15+$0xFFFFFFF0] =	vst v61  }
0x9f: {  	s19 =	sadd.s32 s5, s25;
	s16 =	simm.s32 @p0 $0x0;
	v1 =	vmul.f32 v59, v1;
	[tilespmem:s15+$0x0] =	vst v62  }
0xa0: {  	s16 =	sadd.s32 s16, s19;
	[tilespmem:s15+$0x20] =	vst v63  }
0xa1: {  	s20 =	sadd.s32 $0x80, s20;
	s16 =	sshll.u32 s16, $0x7;
	[tilespmem:s15+$0xFFFFFFD0] =	vst v1;
	s15 =	sshll.u32 s25, $0x7  }
0xa2: {  	[spmem:s3] =	stream.indirect.scatter.add.f32 [tilespmem:s2], [sflag:$0x4], $0x80, s20, s10, $0xb8;
	[tilespmem:$0x1FE00] =	vst v63  }
0xa3: {  	s16 =	sand.u32 $0xFFFFFC00, s16;
	s15 =	sand.u32 $0x380, s15  }
0xa4: {  	s15 =	sor.u32 s15, s16  }
0xa5: {  	s15 =	sshrl.u32 s15, $0x3  }
0xa6: {  	s26 =	sadd.s32 s1, s15  }
0xa7: {  	[tilespmem:s23], [sflag:$0x6] =	stream.linear.gather [hbm4b:s26+s4], $0x80, $0x38;
	[tilespmem:$0x1FE00] =	vst v63  }
0xa8: {  	s15 =	sadd.s32 s7, s15  }
0xa9: {  	[tilespmem:s24], [sflag:$0x8] =	stream.linear.gather [hbm4b:s15+s4], $0x80, $0x38;
	[tilespmem:$0x1FE00] =	vst v63  }
0xaa: {  	_ =	swait.ge [sflag:s13], $0x4000  }
0xab: {  	[sflag:s13] =	ssyncset.done $0x0  }
0xac: {  	[sflag:s13] =	ssyncadd.s32 $0xFFFFC000  }
0xad: {  	_ =	swait.ge [sflag:s28], $0x80  }
0xae: {  	[sflag:s28] =	ssyncset.done $0x0  }
0xaf: {  	[sflag:s28] =	ssyncadd.s32 $0xFFFFFF80  }
0xb0: {  	_ =	swait.ge [sflag:s29], $0x80  }
0xb1: {  	[sflag:s29] =	ssyncset.done $0x0  }
0xb2: {  	[sflag:s29] =	ssyncadd.s32 $0xFFFFFF80  }
0xb3: {  	[tilespmem:s30], [sflag:$0x1] =	stream.indirect.gather [hbm4b:s6+s10], $0x80, s21, s10, $0xb8;
	[tilespmem:$0x1FE00] =	vst v63  }
0xb4: {  	_ =	swait.ge [sflag:s14], $0x4000  }
0xb5: {  	[sflag:s14] =	ssyncset.done $0x0  }
0xb6: {  	[sflag:s14] =	ssyncadd.s32 $0xFFFFC000  }
0xb7: {  	s17 =	sadd.s32 $0x1, s17;
	_ =	swait.ge [sflag:s31], $0x80  }
0xb8: {  	p0 =	sne.s32 s17, s18;
	[sflag:s31] =	ssyncset.done $0x0  }
.Ltmp2:
0xb9: {  	[sflag:s31] =	ssyncadd.s32 $0xFFFFFF80;
	(pc) =	sbr.rel @p0 .LBB2_2-.Ltmp2, $4  }
0xba: {  	_ =	swait.ge [sflag:s0], $0x80  }
0xbb: {  	[sflag:s0] =	ssyncset.done $0x0  }
0xbc: {  	[sflag:s0] =	ssyncadd.s32 $0xFFFFFF80  }
0xbd: {  	[tilespmem:s2], [sflag:$0x2] =	stream.indirect.gather [hbm4b:s6+s10], $0x80, s23, s10, $0xb8;
	[tilespmem:$0x1FE00] =	vst v63  }
0xbe: {  	_ =	swait.ge [sflag:s8], $0x4000  }
0xbf: {  	[sflag:s8] =	ssyncset.done $0x0  }
0xc0: {  	[sflag:s8] =	ssyncadd.s32 $0xFFFFC000  }
0xc1: {  	_ =	swait.ge [sflag:s12], $0x4000  }
0xc2: {  	[sflag:s12] =	ssyncset.done $0x0  }
0xc3: {  	[sflag:s12] =	ssyncadd.s32 $0xFFFFC000  }
0xc4: {  	[bflag:$0x0] =	sbarrier.arrive $0xFFFF  }
0xc5: {  	s15 =	rddreg [dreg:$0xb]  }
0xc6: {  	s16 =	rddreg [dreg:$0xd]  }
0xc7: {  	s17 =	rddreg [dreg:$0xf]  }
0xc8: {  	[hbm:s15], [sflag:s16] =	dma.local [spmem:s17], $0x2780  }
0xc9: {  	s17 =	simm.s32 $0x9  }
0xca: {  	_ =	swait.ge [sflag:s17], $0x2780  }
0xcb: {  	s19 =	rddreg [dreg:$0xe]  }
0xcc: {  	s26 =	rddreg [dreg:$0xc];
	s19 =	sadd.s32 $0x1, s19  }
0xcd: {  	p0 =	sne.s32 s19, s26  }
.Ltmp3:
0xce: {  	_ = 	snop;
	(pc) =	sbr.rel @p0 .LBB2_1-.Ltmp3, $3  }
0xcf: {  	_ =	sdelay $0x1  }
0xd0: {  	[sflag:s17] =	ssyncset.done $0x0  }
0xd1: {  	[sflag:s17] =	ssyncadd.s32 $0xFFFFD880  }
0xd2: {  	_ =	sfence.sel $0x180000  }
0xd3: {  	[bflag:$0x0] =	sbarrier.arrive $0xFFFF  }
0xd4: {  	_ =	strace $0x9000004D  }
0xd5: {  	s0 =	stileid.u32;
	[bflag:$0x2] =	sbarrier.arrive $0xFFFF  }
0xd6: {  	p0 =	sne.s32 s0, $0x0;
	s0 =	rddreg [dreg:$0x3]  }
0xd7: {  	s0 =	sadd.s32 @!p0 $0x100000, s0  }
0xd8: {  	[sflag:s0] =	ssyncadd.tile.s32 @!p0 $0x1;
	_ =	shalt  }
.Lfunc_end2:
_tile_overlayer_lowered:
.L_overlay_start_2:
0xd9: {  	(tag) =	ssettag $0x2  }
0xda: {  	s0 =	rddreg [dreg:$0x0];
	s2 =	stileid.u32  }
0xdb: {  	s1 =	rddreg [dreg:$0x1];
	p0 =	sne.s32 s2, $0x0  }
0xdc: {  	s3 =	rddreg [dreg:$0x2];
	[bflag:$0x3] =	sbarrier.arrive $0xFFFF;
	s2 =	simm.s32 @!p0 $0x1C09  }
0xdd: {  	[timem:s3], [sflag:s2] =	dma.local @!p0 [hbm:s0], s1  }
0xde: {  	s0 =	simm.s32 @!p0 $0x9  }
0xdf: {  	_ =	swait.ge @!p0 [sflag:s0], s1  }
0xe0: {  	s1 =	ssub.s32 @!p0 $0x0, s1;
	[sflag:s0] =	ssyncset.done @!p0 $0x0  }
0xe1: {  	[sflag:s0] =	ssyncadd.s32 @!p0 s1  }
0xe2: {  	[bflag:$0x3] =	sbarrier.arrive $0xFFFF  }
0xe3: {  	_ =	shalt  }

// kernel: kernel.19.cloned.1.call-start
scs
__scs_entry_jumppad:
0x0: {  	(pc) =	sbr.rel $0x88, $3  }
0x1: {  	(tag) =	ssettag $0x0;
	lr =	simm.s32 $0x1  }
0x2: {  	[smem:$0x3F97] =	sst lr;
	_ =	strace $0xD0000000  }
0x3: {  	_ = 	snop  }
0x4: {  	_ = 	snop  }
0x5: {  	_ = 	snop  }
0x6: {  	_ = 	snop  }
0x7: {  	_ = 	snop  }
__scs_overlays_trampoline_lowered:
0x8: {  	[smem:$0x3FA6] =	sst s0  }
0x9: {  	[smem:$0x3FA7] =	sst s1  }
0xa: {  	[smem:$0x3FA8] =	sst s2  }
0xb: {  	[smem:$0x3FA9] =	sst s3  }
0xc: {  	[smem:$0x3FAA] =	sst s4  }
0xd: {  	[smem:$0x3FAB] =	sst s5  }
0xe: {  	[smem:$0x3FAC] =	sst s6  }
0xf: {  	[smem:$0x3FAD] =	sst s7  }
0x10: {  	[smem:$0x3FAE] =	sst s8  }
0x11: {  	[smem:$0x3FAF] =	sst s9;
	s0 =	simm.s32 @!p0 $0x0  }
0x12: {  	s1 =	sld [smem:$0x3F95];
	s0 =	simm.s32 @p0 $0x1  }
0x13: {  	[smem:$0x3FB0] =	sst s0;
	s0 =	simm.s32 @!p1 $0x0  }
0x14: {  	s2 =	sld [smem:$0x3F94];
	s0 =	simm.s32 @p1 $0x1  }
0x15: {  	[smem:$0x3FB1] =	sst s0;
	s0 =	simm.s32 @!p2 $0x0  }
0x16: {  	s3 =	sld [smem:$0x3FDB];
	s0 =	simm.s32 @p2 $0x1  }
0x17: {  	s4 =	simm.s32 $0x1BF5;
	[smem:$0x3FB3] =	sst s0  }
0x18: {  	s0 =	sld [smem:$0x3F96];
	_ =	swait.ge [sflag:s4], $0x0  }
0x19: {  	s7 =	sld [smem:$0x3F97]  }
0x1a: {  	s8 =	sadd.s32 $0xFFFFE003, lr  }
0x1b: {  	s9 =	sadd.s32 $0xFFFFFEF7, lr;
	s5 =	simm.s32 $0xFFFFFFFF;
	p2 =	slt.u32 s8, $0xFFFFF086  }
0x1c: {  	p1 =	slt.u32 s9, $0xF7A;
	s5 =	simm.s32 @!p2 $0x0  }
0x1d: {  	s5 =	simm.s32 @p1 $0x1;
	p0 =	seq.s32 s7, s2  }
0x1e: {  	s7 =	smul.u32 @!p0 $0xF7A, s2;
	p2 =	seq.s32 @!p0 s5, $0x0  }
0x1f: {  	s9 =	smul.u32 $0xF7A, s1;
	s8 =	simm.s32 @!p0 $0x1BF5;
	p2 =	por !p2, p0  }
0x20: {  	[sflag:s8] =	ssyncset.s32 @!p0 $0xFFFFF086;
	s6 =	sadd.s32 @!p0 s3, s7;
	s7 =	simm.s32 @!p0 $0x108  }
0x21: {  	s3 =	sadd.s32 s3, s9;
	s6 =	sadd.s32 @!p0 $0x88, s6;
	s7 =	simm.s32 @p2 $0x1082  }
0x22: {  	[simem:s7], [sflag:s8] =	dma.local @!p0 [hbm:s6], $0xF7A  }
0x23: {  	s9 =	sor.u32 $0xD0000000, s2;
	s6 =	simm.s32 $0x108;
	_ =	swait.ge @!p0 [sflag:s8], $0x0  }
0x24: {  	s3 =	sadd.s32 $0x88, s3;
	s6 =	simm.s32 @!p1 $0x1082;
	[sflag:s4] =	ssyncset.s32 $0xFFFFF086  }
0x25: {  	[simem:s6], [sflag:s4] =	dma.local [hbm:s3], $0xF7A  }
0x26: {  	[smem:$0x3F97] =	sst s1;
	(tag) =	ssettag s2;
	_ =	strace s9  }
0x27: {  	s1 =	sld [smem:$0x3FA7]  }
0x28: {  	s2 =	sld [smem:$0x3FA8]  }
0x29: {  	s4 =	sld [smem:$0x3FAA]  }
0x2a: {  	p0 =	seq.s32 s5, $0x0;
	s5 =	sld [smem:$0x3FAB]  }
0x2b: {  	s6 =	sld [smem:$0x3FAC]  }
0x2c: {  	s7 =	sld [smem:$0x3FAD]  }
0x2d: {  	s3 =	simm.s32 $0x108;
	s8 =	sld [smem:$0x3FAE]  }
0x2e: {  	s3 =	simm.s32 @!p0 $0x1082;
	s9 =	sld [smem:$0x3FAF]  }
0x2f: {  	lr =	sadd.s32 s0, s3;
	s0 =	sld [smem:$0x3FA6]  }
0x30: {  	s3 =	sld [smem:$0x3FA9]  }
0x31: {  	[smem:$0x3FB2] =	sst s10  }
0x32: {  	s10 =	sld [smem:$0x3FB0];
	_ =	sdelay $0x3  }
0x33: {  	p0 =	seq.s32 s10, $0x1;
	s10 =	sld [smem:$0x3FB2];
	_ =	sdelay $0x3  }
0x34: {  	[smem:$0x3FB2] =	sst s10  }
0x35: {  	s10 =	sld [smem:$0x3FB1];
	_ =	sdelay $0x3  }
0x36: {  	p1 =	seq.s32 s10, $0x1;
	s10 =	sld [smem:$0x3FB2];
	_ =	sdelay $0x3  }
0x37: {  	[smem:$0x3FB2] =	sst s10  }
0x38: {  	s10 =	sld [smem:$0x3FB3]  }
0x39: {  	_ = 	snop;
	(pc) =	sbr.ind lr, $3  }
0x3a: {  	_ = 	snop  }
0x3b: {  	_ = 	snop  }
0x3c: {  	p2 =	seq.s32 s10, $0x1;
	s10 =	sld [smem:$0x3FB2]  }
0x3d: {  	_ =	shalt  }
0x3e: {  	_ =	shalt  }
0x3f: {  	_ =	shalt  }
0x40: {  	_ =	shalt  }
0x41: {  	_ =	shalt  }
0x42: {  	_ =	shalt  }
0x43: {  	_ =	shalt  }
0x44: {  	_ =	shalt  }
0x45: {  	_ =	shalt  }
0x46: {  	_ =	shalt  }
0x47: {  	_ =	shalt  }
0x48: {  	_ =	shalt  }
0x49: {  	_ =	shalt  }
0x4a: {  	_ =	shalt  }
0x4b: {  	_ =	shalt  }
0x4c: {  	_ =	shalt  }
0x4d: {  	_ =	shalt  }
0x4e: {  	_ =	shalt  }
0x4f: {  	_ =	shalt  }
0x50: {  	_ =	shalt  }
0x51: {  	_ =	shalt  }
0x52: {  	_ =	shalt  }
0x53: {  	_ =	shalt  }
0x54: {  	_ =	shalt  }
0x55: {  	_ =	shalt  }
0x56: {  	_ =	shalt  }
0x57: {  	_ =	shalt  }
0x58: {  	_ =	shalt  }
0x59: {  	_ =	shalt  }
0x5a: {  	_ =	shalt  }
0x5b: {  	_ =	shalt  }
0x5c: {  	_ =	shalt  }
0x5d: {  	_ =	shalt  }
0x5e: {  	_ =	shalt  }
0x5f: {  	_ =	shalt  }
0x60: {  	_ =	shalt  }
0x61: {  	_ =	shalt  }
0x62: {  	_ =	shalt  }
0x63: {  	_ =	shalt  }
0x64: {  	_ =	shalt  }
0x65: {  	_ =	shalt  }
0x66: {  	_ =	shalt  }
0x67: {  	_ =	shalt  }
0x68: {  	_ =	shalt  }
0x69: {  	_ =	shalt  }
0x6a: {  	_ =	shalt  }
0x6b: {  	_ =	shalt  }
0x6c: {  	_ =	shalt  }
0x6d: {  	_ =	shalt  }
0x6e: {  	_ =	shalt  }
0x6f: {  	_ =	shalt  }
0x70: {  	_ =	shalt  }
0x71: {  	_ =	shalt  }
0x72: {  	_ =	shalt  }
0x73: {  	_ =	shalt  }
0x74: {  	_ =	shalt  }
0x75: {  	_ =	shalt  }
0x76: {  	_ =	shalt  }
0x77: {  	_ =	shalt  }
0x78: {  	_ =	shalt  }
0x79: {  	_ =	shalt  }
0x7a: {  	_ =	shalt  }
0x7b: {  	_ =	shalt  }
0x7c: {  	_ =	shalt  }
0x7d: {  	_ =	shalt  }
0x7e: {  	_ =	shalt  }
0x7f: {  	_ =	shalt  }
0x80: {  	_ =	shalt  }
0x81: {  	_ =	shalt  }
0x82: {  	_ =	shalt  }
0x83: {  	_ =	shalt  }
0x84: {  	_ =	shalt  }
0x85: {  	_ =	shalt  }
0x86: {  	_ =	shalt  }
0x87: {  	_ =	shalt  }
.Lfunc_end0:
.L_simem_size_0:
called_computation.3_lowered:
.L_overlay_start_0:
0x88: {  	s2 =	sld [smem:$0x3FD9]  }
0x89: {  	s3 =	sld [smem:$0x3FFE];
	_ =	sdelay $0x1  }
0x8a: {  	s1 =	srdreg.scid  }
0x8b: {  	s0 =	sand.u32 $0x1, s1  }
0x8c: {  	s16 =	sshll.u32 s0, $0xA;
	s2 =	sadd.s32 s3, s2  }
0x8d: {  	s2 =	sadd.s32 s2, s16  }
0x8e: {  	[smem:$0x3FBE] =	sst s2  }
0x8f: {  	_ = 	snop  }
0x90: {  	(tm) =	ssettm $0x1  }
0x91: {  	s17 =	sld [smem:$0x3FFB];
	_ =	sdelay $0x3  }
0x92: {  	_ =	strace s17  }
0x93: {  	s2 =	sld [smem:$0x3FFC];
	_ =	sdelay $0x3  }
0x94: {  	_ =	strace s2  }
0x95: {  	s2 =	sld [smem:$0x3FFD];
	_ =	sdelay $0x3  }
0x96: {  	_ =	strace s2  }
0x97: {  	_ =	strace $0x8FFFFFFF  }
0x98: {  	s18 =	sld [smem:$0x3FDB];
	_ =	sdelay $0x1  }
0x99: {  	s19 =	simm.s32 $_scs_section_size  }
0x9a: {  	s4 =	simm.s32 $_size__tile_overlayer_lowered;
	s5 =	simm.s32 $_tile_overlayer_lowered  }
0x9b: {  	s22 =	simm.s32 $0x1BFF;
	s21 =	sshll.u32 s5, $0x1;
	s2 =	sadd.s32 s19, s18  }
0x9c: {  	s6 =	simm.s32 $0x0;
	s20 =	sshll.u32 s4, $0x1;
	s4 =	sadd.s32 s21, s2  }
0x9d: {  	[timem:s6], [sflag:s22] =	dma.local [hbm:s4], s20  }
0x9e: {  	_ =	swait.ge [sflag:s22], s20  }
0x9f: {  	s3 =	ssub.s32 $0x0, s20;
	[sflag:s22] =	ssyncset.done $0x0  }
0xa0: {  	[sflag:s22] =	ssyncadd.s32 s3;
	_ =	sdelay $0x1  }
0xa1: {  	s23 =	simm.s32 $0x1B8B  }
0xa2: {  	_ =	swait.ge [sflag:s23], $0x1  }
0xa3: {  	[sflag:s23] =	ssyncset.done $0x0  }
0xa4: {  	s25 =	simm.s32 $0x1B8E;
	s24 =	sld [smem:$0x3FFE];
	[sflag:s23] =	ssyncadd.s32 $0xFFFFFFFF  }
0xa5: {  	s26 =	simm.s32 $execute0_lowered;
	[smem:$0x3FD2] =	sst s25  }
0xa6: {  	s4 =	sshll.u32 s26, $0x1;
	_ =	strace $0x8000004F;
	[dreg:$0x1] =	wrdreg $0xFFFFFFFF  }
0xa7: {  	s28 =	simm.s32 $_size_execute0_lowered;
	s2 =	sadd.s32 s2, s4;
	[dreg:$0x0] =	wrdreg $0x0  }
0xa8: {  	s4 =	sshll.u32 s28, $0x1;
	[dreg:$0x2] =	wrdreg s2  }
0xa9: {  	[dreg:$0x3] =	wrdreg s4  }
0xaa: {  	[dreg:$0x4] =	wrdreg $0xC0  }
0xab: {  	_ =	task [dreg:s6], $0x5FFFF  }
0xac: {  	[dreg:$0x1] =	wrdreg $0xFFFFFFFF  }
0xad: {  	[dreg:$0x0] =	wrdreg $0x60  }
0xae: {  	[dreg:$0x2] =	wrdreg s24  }
0xaf: {  	[dreg:$0x3] =	wrdreg $0x9  }
0xb0: {  	_ =	task.clear_ibuf [dreg:s6], $0x4FFFF;
	_ =	strace $0x9000004F  }
0xb1: {  	s29 =	simm.s32 $0x9;
	_ =	strace $0x80000051  }
0xb2: {  	_ =	swait.ge [sflag:s29], $0x1  }
0xb3: {  	[sflag:s29] =	ssyncadd.s32 $0xFFFFFFFF  }
0xb4: {  	_ =	strace $0x90000051  }
0xb5: {  	_ =	sfence  }
0xb6: {  	s30 =	sld [smem:$0x0];
	_ =	sdelay $0x2  }
0xb7: {  	s31 =	sshll.u32 s1, $0xD;
	s1 =	sshrl.u32 s1, $0x2  }
0xb8: {  	s3 =	sand.u32 $0x4000, s31;
	s1 =	sadd.s32 s1, s30  }
0xb9: {  	s0 =	sor.u32 s3, s0;
	s1 =	sshll.u32 s1, $0x11  }
0xba: {  	s0 =	sor.u32 s1, s0  }
0xbb: {  	s0 =	sadd.s32 $0x8F2B, s0  }
0xbc: {  	[sflag:s0] =	ssyncadd.remote.s32 $0x1  }
0xbd: {  	_ =	sfence.sel $0xFFFF  }
0xbe: {  	[dreg:$0x0] =	wrdreg $0xFFFFFFFF;
	(pc) =	sbr.abs _section_cstart, $3  }
0xbf: {  	[dreg:$0x1] =	wrdreg $0xFFFFFFFF  }
0xc0: {  	_ =	task.clear_ibuf [dreg:s6], $0x2FFFF;
	_ =	strace $0x9FFFFFFF  }
0xc1: {  	(tm) =	ssettm $0x7FFFFFFF  }
tec
execute0_lowered:
.L_overlay_start_1:
0x0: {  	(tag) =	ssettag $0x1  }
0x1: {  	s0 =	srdreg.scid  }
0x2: {  	s4 =	rddreg [dreg:$0x0];
	s1 =	stileid.u32  }
0x3: {  	s2 =	simm.s32 $0x0;
	s9 =	simm.s32 $0x1;
	s10 =	simm.s32 $0x2780  }
0x4: {  	s11 =	simm.s32 $0x4F00;
	s12 =	simm.s32 $0x7700;
	s3 =	sand.u32 $0x1, s0  }
0x5: {  	s13 =	simm.s32 $0x9F00;
	s14 =	simm.s32 $0x0;
	s5 =	sshll.u32 s3, $0x4  }
0x6: {  	s0 =	rddreg [dreg:$0x1];
	s6 =	ssub.s32 $0x2, s3;
	s5 =	sor.u32 s1, s5  }
0x7: {  	[smem:$0x7FF] =	sst s2;
	s31 =	sshrl.u32 s6, $0x1;
	s5 =	smul.u32 $0x500, s5  }
0x8: {  	_ =	strace $0x80000050;
	s3 =	sadd.s32 $0x46800, s4;
	s8 =	ssub.s32 s6, s31  }
0x9: {  	v0 =	vimm.f32 $1.000000000e+00;
	s8 =	smax.u32 s8, $0x1;
	s7 =	sadd.s32 s5, s4;
	s4 =	sadd.s32 $0x46200, s4  }
0xa: {  	v0 =	vand.u32 $0x7FFFFFFF, v0;
	s5 =	sadd.s32 $0x1000, s7;
	s6 =	sadd.s32 $0xB000, s7;
	s7 =	sadd.s32 $0x46E00, s7  }
.LBB2_1:
0xb: {  	[tilespmem:s2], [sflag:$0x1] =	stream.linear.gather [hbm4b:s3+s2], $0x2780, $0x38;
	[tilespmem:$0xC700] =	vst v63  }
0xc: {  	_ =	swait.ge [sflag:s9], $0x2780  }
0xd: {  	[sflag:s9] =	ssyncset.done $0x0  }
0xe: {  	[sflag:s9] =	ssyncadd.s32 $0xFFFFD880  }
0xf: {  	[tilespmem:s10], [sflag:$0x1] =	stream.linear.gather [hbm4b:s4+s2], $0x2780, $0x38;
	[tilespmem:$0xC700] =	vst v63  }
0x10: {  	_ =	swait.ge [sflag:s9], $0x2780  }
0x11: {  	[sflag:s9] =	ssyncset.done $0x0  }
0x12: {  	[sflag:s9] =	ssyncadd.s32 $0xFFFFD880  }
0x13: {  	[tilespmem:s11], [sflag:$0x1] =	stream.linear.gather [hbm4b:s5+s2], $0x2800, $0x38;
	[tilespmem:$0xC700] =	vst v63  }
0x14: {  	_ =	swait.ge [sflag:s9], $0x2800  }
0x15: {  	[sflag:s9] =	ssyncset.done $0x0  }
0x16: {  	[sflag:s9] =	ssyncadd.s32 $0xFFFFD800  }
0x17: {  	[tilespmem:s12], [sflag:$0x1] =	stream.linear.gather [hbm4b:s6+s2], $0x2800, $0x38;
	[tilespmem:$0xC700] =	vst v63  }
0x18: {  	_ =	swait.ge [sflag:s9], $0x2800  }
0x19: {  	[sflag:s9] =	ssyncset.done $0x0  }
0x1a: {  	s15 =	simm.s32 $0x0;
	[sflag:s9] =	ssyncadd.s32 $0xFFFFD800  }
.LBB2_2:
0x1b: {  	s16 =	sshra.s32 s15, $0x2  }
0x1c: {  	v1 =	vld [tilespmem:s16+$0x7700]  }
0x1d: {  	v2 =	vld [tilespmem:s16+$0x4F00];
	_ =	sdelay $0x6  }
0x1e: {  	v1 =	vld.idx.msk [tilespmem:v1+s2+$0x0], $0xffff  }
0x1f: {  	v2 =	vld.idx.msk [tilespmem:v2+s10+$0x0], $0xffff;
	_ =	sdelay $0x4  }
0x20: {  	v1 =	vadd.f32 v2, v1;
	_ =	sdelay $0x1  }
0x21: {  	v2 =	vand.u32 $0x7FFFFFFF, v1  }
0x22: {  	v2 =	vmin.f32 v2, $2.000000000e+01  }
0x23: {  	v2 =	vadd.f32 v2, v2;
	_ =	sdelay $0x1  }
0x24: {  	v2 =	vmul.f32 $1.442695020e+00, v2;
	_ =	sdelay $0x1  }
0x25: {  	(erf) = vpow2.f32 v2;
	_ =	sdelay $0x8  }
0x26: {  	v2 =	vpop (erf)  }
0x27: {  	v2 =	vadd.f32 $1.000000000e+00, v2;
	_ =	sdelay $0x1  }
0x28: {  	(erf) = vrcp.f32 v2;
	_ =	sdelay $0x8  }
0x29: {  	v3 =	vld [tilespmem:s16+$0x7710];
	v2 =	vpop (erf)  }
0x2a: {  	v4 =	vld [tilespmem:s16+$0x4F10];
	v2 =	vadd.f32 v2, v2  }
0x2b: {  	v5 =	vand.u32 $0x80000000, v1;
	vm0 =	vlt.f32 v1, $0.0e+00;
	vm1 =	vgt.f32 v1, $0.0e+00  }
0x2c: {  	v5 =	vor.u32 v5, v0;
	vm0 =	vmor vm1, vm0;
	v2 =	vsub.f32 $1.000000000e+00, v2  }
0x2d: {  	v1 =	vsel vm0, v5, v1  }
0x2e: {  	v1 =	vmul.f32 v2, v1;
	_ =	sdelay $0x1  }
0x2f: {  	[tilespmem:s16+$0x9F00] =	vst v1  }
0x30: {  	v1 =	vld.idx.msk [tilespmem:v3+s2+$0x0], $0xffff  }
0x31: {  	v2 =	vld.idx.msk [tilespmem:v4+s10+$0x0], $0xffff;
	_ =	sdelay $0x4  }
0x32: {  	v1 =	vadd.f32 v2, v1;
	_ =	sdelay $0x1  }
0x33: {  	v2 =	vand.u32 $0x7FFFFFFF, v1  }
0x34: {  	v2 =	vmin.f32 v2, $2.000000000e+01  }
0x35: {  	v2 =	vadd.f32 v2, v2;
	_ =	sdelay $0x1  }
0x36: {  	v2 =	vmul.f32 $1.442695020e+00, v2;
	_ =	sdelay $0x1  }
0x37: {  	(erf) = vpow2.f32 v2;
	_ =	sdelay $0x8  }
0x38: {  	v2 =	vpop (erf)  }
0x39: {  	v2 =	vadd.f32 $1.000000000e+00, v2;
	_ =	sdelay $0x1  }
0x3a: {  	(erf) = vrcp.f32 v2;
	_ =	sdelay $0x8  }
0x3b: {  	v3 =	vld [tilespmem:s16+$0x7720];
	v2 =	vpop (erf)  }
0x3c: {  	v52 =	vld [tilespmem:s16+$0x4F20];
	v2 =	vadd.f32 v2, v2  }
0x3d: {  	v53 =	vand.u32 $0x80000000, v1;
	vm14 =	vlt.f32 v1, $0.0e+00;
	vm15 =	vgt.f32 v1, $0.0e+00  }
0x3e: {  	v5 =	vor.u32 v53, v0;
	vm0 =	vmor vm15, vm14;
	v2 =	vsub.f32 $1.000000000e+00, v2  }
0x3f: {  	v1 =	vsel vm0, v5, v1  }
0x40: {  	v1 =	vmul.f32 v2, v1;
	_ =	sdelay $0x1  }
0x41: {  	[tilespmem:s16+$0x9F10] =	vst v1  }
0x42: {  	v1 =	vld.idx.msk [tilespmem:v3+s2+$0x0], $0xffff  }
0x43: {  	v2 =	vld.idx.msk [tilespmem:v52+s10+$0x0], $0xffff;
	_ =	sdelay $0x4  }
0x44: {  	v1 =	vadd.f32 v2, v1;
	_ =	sdelay $0x1  }
0x45: {  	v2 =	vand.u32 $0x7FFFFFFF, v1  }
0x46: {  	v2 =	vmin.f32 v2, $2.000000000e+01  }
0x47: {  	v2 =	vadd.f32 v2, v2;
	_ =	sdelay $0x1  }
0x48: {  	v2 =	vmul.f32 $1.442695020e+00, v2;
	_ =	sdelay $0x1  }
0x49: {  	(erf) = vpow2.f32 v2;
	_ =	sdelay $0x8  }
0x4a: {  	v2 =	vpop (erf)  }
0x4b: {  	v2 =	vadd.f32 $1.000000000e+00, v2;
	_ =	sdelay $0x1  }
0x4c: {  	(erf) = vrcp.f32 v2;
	_ =	sdelay $0x8  }
0x4d: {  	v3 =	vld [tilespmem:s16+$0x7730];
	v2 =	vpop (erf)  }
0x4e: {  	v54 =	vld [tilespmem:s16+$0x4F30];
	v2 =	vadd.f32 v2, v2  }
0x4f: {  	v55 =	vand.u32 $0x80000000, v1;
	vm4 =	vlt.f32 v1, $0.0e+00;
	vm5 =	vgt.f32 v1, $0.0e+00  }
0x50: {  	v5 =	vor.u32 v55, v0;
	vm0 =	vmor vm5, vm4;
	v2 =	vsub.f32 $1.000000000e+00, v2  }
0x51: {  	v1 =	vsel vm0, v5, v1  }
0x52: {  	v1 =	vmul.f32 v2, v1;
	_ =	sdelay $0x1  }
0x53: {  	[tilespmem:s16+$0x9F20] =	vst v1  }
0x54: {  	v1 =	vld.idx.msk [tilespmem:v3+s2+$0x0], $0xffff  }
0x55: {  	v2 =	vld.idx.msk [tilespmem:v54+s10+$0x0], $0xffff;
	_ =	sdelay $0x4  }
0x56: {  	v1 =	vadd.f32 v2, v1;
	_ =	sdelay $0x1  }
0x57: {  	v2 =	vand.u32 $0x7FFFFFFF, v1  }
0x58: {  	v2 =	vmin.f32 v2, $2.000000000e+01  }
0x59: {  	v2 =	vadd.f32 v2, v2;
	_ =	sdelay $0x1  }
0x5a: {  	v2 =	vmul.f32 $1.442695020e+00, v2;
	_ =	sdelay $0x1  }
0x5b: {  	(erf) = vpow2.f32 v2;
	_ =	sdelay $0x8  }
0x5c: {  	v2 =	vpop (erf)  }
0x5d: {  	v2 =	vadd.f32 $1.000000000e+00, v2;
	_ =	sdelay $0x1  }
0x5e: {  	(erf) = vrcp.f32 v2;
	_ =	sdelay $0x8  }
0x5f: {  	v3 =	vld [tilespmem:s16+$0x7740];
	v2 =	vpop (erf)  }
0x60: {  	v56 =	vld [tilespmem:s16+$0x4F40];
	v2 =	vadd.f32 v2, v2  }
0x61: {  	v57 =	vand.u32 $0x80000000, v1;
	vm6 =	vlt.f32 v1, $0.0e+00;
	vm7 =	vgt.f32 v1, $0.0e+00  }
0x62: {  	v5 =	vor.u32 v57, v0;
	vm0 =	vmor vm7, vm6;
	v2 =	vsub.f32 $1.000000000e+00, v2  }
0x63: {  	v1 =	vsel vm0, v5, v1  }
0x64: {  	v1 =	vmul.f32 v2, v1;
	_ =	sdelay $0x1  }
0x65: {  	[tilespmem:s16+$0x9F30] =	vst v1  }
0x66: {  	v1 =	vld.idx.msk [tilespmem:v3+s2+$0x0], $0xffff  }
0x67: {  	v2 =	vld.idx.msk [tilespmem:v56+s10+$0x0], $0xffff;
	_ =	sdelay $0x4  }
0x68: {  	v1 =	vadd.f32 v2, v1;
	_ =	sdelay $0x1  }
0x69: {  	v2 =	vand.u32 $0x7FFFFFFF, v1  }
0x6a: {  	v2 =	vmin.f32 v2, $2.000000000e+01  }
0x6b: {  	v2 =	vadd.f32 v2, v2;
	_ =	sdelay $0x1  }
0x6c: {  	v2 =	vmul.f32 $1.442695020e+00, v2;
	_ =	sdelay $0x1  }
0x6d: {  	(erf) = vpow2.f32 v2;
	_ =	sdelay $0x8  }
0x6e: {  	v2 =	vpop (erf)  }
0x6f: {  	v2 =	vadd.f32 $1.000000000e+00, v2;
	_ =	sdelay $0x1  }
0x70: {  	(erf) = vrcp.f32 v2;
	_ =	sdelay $0x8  }
0x71: {  	v3 =	vld [tilespmem:s16+$0x7750];
	v2 =	vpop (erf)  }
0x72: {  	v58 =	vld [tilespmem:s16+$0x4F50];
	v2 =	vadd.f32 v2, v2  }
0x73: {  	v59 =	vand.u32 $0x80000000, v1;
	vm8 =	vlt.f32 v1, $0.0e+00;
	vm9 =	vgt.f32 v1, $0.0e+00  }
0x74: {  	v5 =	vor.u32 v59, v0;
	vm0 =	vmor vm9, vm8;
	v2 =	vsub.f32 $1.000000000e+00, v2  }
0x75: {  	v1 =	vsel vm0, v5, v1  }
0x76: {  	v1 =	vmul.f32 v2, v1;
	_ =	sdelay $0x1  }
0x77: {  	[tilespmem:s16+$0x9F40] =	vst v1  }
0x78: {  	v1 =	vld.idx.msk [tilespmem:v3+s2+$0x0], $0xffff  }
0x79: {  	v2 =	vld.idx.msk [tilespmem:v58+s10+$0x0], $0xffff;
	_ =	sdelay $0x4  }
0x7a: {  	v1 =	vadd.f32 v2, v1;
	_ =	sdelay $0x1  }
0x7b: {  	v2 =	vand.u32 $0x7FFFFFFF, v1  }
0x7c: {  	v2 =	vmin.f32 v2, $2.000000000e+01  }
0x7d: {  	v2 =	vadd.f32 v2, v2;
	_ =	sdelay $0x1  }
0x7e: {  	v2 =	vmul.f32 $1.442695020e+00, v2;
	_ =	sdelay $0x1  }
0x7f: {  	(erf) = vpow2.f32 v2;
	_ =	sdelay $0x8  }
0x80: {  	v2 =	vpop (erf)  }
0x81: {  	v2 =	vadd.f32 $1.000000000e+00, v2;
	_ =	sdelay $0x1  }
0x82: {  	(erf) = vrcp.f32 v2;
	_ =	sdelay $0x8  }
0x83: {  	v3 =	vld [tilespmem:s16+$0x7760];
	v2 =	vpop (erf)  }
0x84: {  	v60 =	vld [tilespmem:s16+$0x4F60];
	v2 =	vadd.f32 v2, v2  }
0x85: {  	v61 =	vand.u32 $0x80000000, v1;
	vm10 =	vlt.f32 v1, $0.0e+00;
	vm11 =	vgt.f32 v1, $0.0e+00  }
0x86: {  	v5 =	vor.u32 v61, v0;
	vm0 =	vmor vm11, vm10;
	v2 =	vsub.f32 $1.000000000e+00, v2  }
0x87: {  	v1 =	vsel vm0, v5, v1  }
0x88: {  	v1 =	vmul.f32 v2, v1;
	_ =	sdelay $0x1  }
0x89: {  	[tilespmem:s16+$0x9F50] =	vst v1  }
0x8a: {  	v1 =	vld.idx.msk [tilespmem:v3+s2+$0x0], $0xffff  }
0x8b: {  	v2 =	vld.idx.msk [tilespmem:v60+s10+$0x0], $0xffff;
	_ =	sdelay $0x4  }
0x8c: {  	v1 =	vadd.f32 v2, v1;
	_ =	sdelay $0x1  }
0x8d: {  	v2 =	vand.u32 $0x7FFFFFFF, v1  }
0x8e: {  	v2 =	vmin.f32 v2, $2.000000000e+01  }
0x8f: {  	v2 =	vadd.f32 v2, v2;
	_ =	sdelay $0x1  }
0x90: {  	v2 =	vmul.f32 $1.442695020e+00, v2;
	_ =	sdelay $0x1  }
0x91: {  	(erf) = vpow2.f32 v2;
	_ =	sdelay $0x8  }
0x92: {  	v2 =	vpop (erf)  }
0x93: {  	v2 =	vadd.f32 $1.000000000e+00, v2;
	_ =	sdelay $0x1  }
0x94: {  	(erf) = vrcp.f32 v2;
	_ =	sdelay $0x8  }
0x95: {  	v3 =	vld [tilespmem:s16+$0x7770];
	v2 =	vpop (erf)  }
0x96: {  	v62 =	vld [tilespmem:s16+$0x4F70];
	v2 =	vadd.f32 v2, v2  }
0x97: {  	v63 =	vand.u32 $0x80000000, v1;
	vm12 =	vlt.f32 v1, $0.0e+00;
	vm13 =	vgt.f32 v1, $0.0e+00  }
0x98: {  	vm0 =	vmor vm13, vm12;
	v5 =	vor.u32 v63, v0;
	v2 =	vsub.f32 $1.000000000e+00, v2  }
0x99: {  	v1 =	vsel vm0, v5, v1  }
0x9a: {  	v1 =	vmul.f32 v2, v1;
	_ =	sdelay $0x1  }
0x9b: {  	[tilespmem:s16+$0x9F60] =	vst v1  }
0x9c: {  	v1 =	vld.idx.msk [tilespmem:v3+s2+$0x0], $0xffff  }
0x9d: {  	v2 =	vld.idx.msk [tilespmem:v62+s10+$0x0], $0xffff;
	_ =	sdelay $0x4  }
0x9e: {  	v1 =	vadd.f32 v2, v1;
	_ =	sdelay $0x1  }
0x9f: {  	v2 =	vand.u32 $0x7FFFFFFF, v1  }
0xa0: {  	v2 =	vmin.f32 v2, $2.000000000e+01  }
0xa1: {  	v2 =	vadd.f32 v2, v2;
	_ =	sdelay $0x1  }
0xa2: {  	v2 =	vmul.f32 $1.442695020e+00, v2;
	_ =	sdelay $0x1  }
0xa3: {  	(erf) = vpow2.f32 v2;
	_ =	sdelay $0x8  }
0xa4: {  	v2 =	vpop (erf)  }
0xa5: {  	v2 =	vadd.f32 $1.000000000e+00, v2;
	_ =	sdelay $0x1  }
0xa6: {  	(erf) = vrcp.f32 v2;
	_ =	sdelay $0x8  }
0xa7: {  	v2 =	vpop (erf)  }
0xa8: {  	v2 =	vadd.f32 v2, v2  }
0xa9: {  	p0 =	sne.s32 s15, $0x9E00;
	v3 =	vand.u32 $0x80000000, v1;
	vm14 =	vlt.f32 v1, $0.0e+00;
	vm15 =	vgt.f32 v1, $0.0e+00  }
.Ltmp0:
0xaa: {  	v3 =	vor.u32 v3, v0;
	vm0 =	vmor vm15, vm14;
	v2 =	vsub.f32 $1.000000000e+00, v2;
	(pc) =	sbr.rel @p0 .LBB2_2-.Ltmp0, $3  }
0xab: {  	v1 =	vsel vm0, v3, v1  }
0xac: {  	v1 =	vmul.f32 v2, v1;
	_ =	sdelay $0x1  }
0xad: {  	s15 =	sadd.s32 $0x200, s15;
	[tilespmem:s16+$0x9F70] =	vst v1  }
0xae: {  	s14 =	sadd.s32 $0x1, s14  }
0xaf: {  	p0 =	sne.s32 s14, s8  }
.Ltmp1:
0xb0: {  	_ = 	snop;
	(pc) =	sbr.rel @p0 .LBB2_1-.Ltmp1, $4  }
0xb1: {  	[hbm4b:s7+s2] =	stream.linear.scatter [tilespmem:s13], [sflag:$0x1], $0x2800, $0x38;
	[tilespmem:$0xC700] =	vst v63  }
0xb2: {  	_ =	swait.ge [sflag:s9], $0x2800  }
0xb3: {  	[sflag:s9] =	ssyncset.done $0x0  }
0xb4: {  	[sflag:s9] =	ssyncadd.s32 $0xFFFFD800  }
0xb5: {  	_ =	sfence.sel $0x180000  }
0xb6: {  	[bflag:$0x0] =	sbarrier.arrive $0xFFFF  }
0xb7: {  	p0 =	sne.s32 s1, $0x0;
	_ =	strace $0x90000050  }
0xb8: {  	s0 =	sadd.s32 @!p0 $0x100000, s0;
	[bflag:$0x2] =	sbarrier.arrive $0xFFFF  }
0xb9: {  	[sflag:s0] =	ssyncadd.tile.s32 @!p0 $0x1;
	_ =	shalt  }
.Lfunc_end2:
_tile_overlayer_lowered:
.L_overlay_start_2:
0xba: {  	(tag) =	ssettag $0x2  }
0xbb: {  	s0 =	rddreg [dreg:$0x0];
	s2 =	stileid.u32  }
0xbc: {  	s1 =	rddreg [dreg:$0x1];
	p0 =	sne.s32 s2, $0x0  }
0xbd: {  	s3 =	rddreg [dreg:$0x2];
	[bflag:$0x3] =	sbarrier.arrive $0xFFFF;
	s2 =	simm.s32 @!p0 $0x1C01  }
0xbe: {  	[timem:s3], [sflag:s2] =	dma.local @!p0 [hbm:s0], s1  }
0xbf: {  	s0 =	simm.s32 @!p0 $0x1  }
0xc0: {  	_ =	swait.ge @!p0 [sflag:s0], s1  }
0xc1: {  	s1 =	ssub.s32 @!p0 $0x0, s1;
	[sflag:s0] =	ssyncset.done @!p0 $0x0  }
0xc2: {  	[sflag:s0] =	ssyncadd.s32 @!p0 s1  }
0xc3: {  	[bflag:$0x3] =	sbarrier.arrive $0xFFFF  }
0xc4: {  	_ =	shalt  }

// kernel: kernel.22.cloned.1.call-start
scs
__scs_entry_jumppad:
0x0: {  	(pc) =	sbr.rel $0x88, $3  }
0x1: {  	(tag) =	ssettag $0x0;
	lr =	simm.s32 $0x1  }
0x2: {  	[smem:$0x3F97] =	sst lr;
	_ =	strace $0xD0000000  }
0x3: {  	_ = 	snop  }
0x4: {  	_ = 	snop  }
0x5: {  	_ = 	snop  }
0x6: {  	_ = 	snop  }
0x7: {  	_ = 	snop  }
__scs_overlays_trampoline_lowered:
0x8: {  	[smem:$0x3FA6] =	sst s0  }
0x9: {  	[smem:$0x3FA7] =	sst s1  }
0xa: {  	[smem:$0x3FA8] =	sst s2  }
0xb: {  	[smem:$0x3FA9] =	sst s3  }
0xc: {  	[smem:$0x3FAA] =	sst s4  }
0xd: {  	[smem:$0x3FAB] =	sst s5  }
0xe: {  	[smem:$0x3FAC] =	sst s6  }
0xf: {  	[smem:$0x3FAD] =	sst s7  }
0x10: {  	[smem:$0x3FAE] =	sst s8  }
0x11: {  	[smem:$0x3FAF] =	sst s9;
	s0 =	simm.s32 @!p0 $0x0  }
0x12: {  	s1 =	sld [smem:$0x3F95];
	s0 =	simm.s32 @p0 $0x1  }
0x13: {  	[smem:$0x3FB0] =	sst s0;
	s0 =	simm.s32 @!p1 $0x0  }
0x14: {  	s2 =	sld [smem:$0x3F94];
	s0 =	simm.s32 @p1 $0x1  }
0x15: {  	[smem:$0x3FB1] =	sst s0;
	s0 =	simm.s32 @!p2 $0x0  }
0x16: {  	s3 =	sld [smem:$0x3FDB];
	s0 =	simm.s32 @p2 $0x1  }
0x17: {  	s4 =	simm.s32 $0x1BF5;
	[smem:$0x3FB3] =	sst s0  }
0x18: {  	s0 =	sld [smem:$0x3F96];
	_ =	swait.ge [sflag:s4], $0x0  }
0x19: {  	s7 =	sld [smem:$0x3F97]  }
0x1a: {  	s8 =	sadd.s32 $0xFFFFE003, lr  }
0x1b: {  	s9 =	sadd.s32 $0xFFFFFEF7, lr;
	s5 =	simm.s32 $0xFFFFFFFF;
	p2 =	slt.u32 s8, $0xFFFFF086  }
0x1c: {  	p1 =	slt.u32 s9, $0xF7A;
	s5 =	simm.s32 @!p2 $0x0  }
0x1d: {  	s5 =	simm.s32 @p1 $0x1;
	p0 =	seq.s32 s7, s2  }
0x1e: {  	s7 =	smul.u32 @!p0 $0xF7A, s2;
	p2 =	seq.s32 @!p0 s5, $0x0  }
0x1f: {  	s9 =	smul.u32 $0xF7A, s1;
	s8 =	simm.s32 @!p0 $0x1BF5;
	p2 =	por !p2, p0  }
0x20: {  	[sflag:s8] =	ssyncset.s32 @!p0 $0xFFFFF086;
	s6 =	sadd.s32 @!p0 s3, s7;
	s7 =	simm.s32 @!p0 $0x108  }
0x21: {  	s3 =	sadd.s32 s3, s9;
	s6 =	sadd.s32 @!p0 $0x88, s6;
	s7 =	simm.s32 @p2 $0x1082  }
0x22: {  	[simem:s7], [sflag:s8] =	dma.local @!p0 [hbm:s6], $0xF7A  }
0x23: {  	s9 =	sor.u32 $0xD0000000, s2;
	s6 =	simm.s32 $0x108;
	_ =	swait.ge @!p0 [sflag:s8], $0x0  }
0x24: {  	s3 =	sadd.s32 $0x88, s3;
	s6 =	simm.s32 @!p1 $0x1082;
	[sflag:s4] =	ssyncset.s32 $0xFFFFF086  }
0x25: {  	[simem:s6], [sflag:s4] =	dma.local [hbm:s3], $0xF7A  }
0x26: {  	[smem:$0x3F97] =	sst s1;
	(tag) =	ssettag s2;
	_ =	strace s9  }
0x27: {  	s1 =	sld [smem:$0x3FA7]  }
0x28: {  	s2 =	sld [smem:$0x3FA8]  }
0x29: {  	s4 =	sld [smem:$0x3FAA]  }
0x2a: {  	p0 =	seq.s32 s5, $0x0;
	s5 =	sld [smem:$0x3FAB]  }
0x2b: {  	s6 =	sld [smem:$0x3FAC]  }
0x2c: {  	s7 =	sld [smem:$0x3FAD]  }
0x2d: {  	s3 =	simm.s32 $0x108;
	s8 =	sld [smem:$0x3FAE]  }
0x2e: {  	s3 =	simm.s32 @!p0 $0x1082;
	s9 =	sld [smem:$0x3FAF]  }
0x2f: {  	lr =	sadd.s32 s0, s3;
	s0 =	sld [smem:$0x3FA6]  }
0x30: {  	s3 =	sld [smem:$0x3FA9]  }
0x31: {  	[smem:$0x3FB2] =	sst s10  }
0x32: {  	s10 =	sld [smem:$0x3FB0];
	_ =	sdelay $0x3  }
0x33: {  	p0 =	seq.s32 s10, $0x1;
	s10 =	sld [smem:$0x3FB2];
	_ =	sdelay $0x3  }
0x34: {  	[smem:$0x3FB2] =	sst s10  }
0x35: {  	s10 =	sld [smem:$0x3FB1];
	_ =	sdelay $0x3  }
0x36: {  	p1 =	seq.s32 s10, $0x1;
	s10 =	sld [smem:$0x3FB2];
	_ =	sdelay $0x3  }
0x37: {  	[smem:$0x3FB2] =	sst s10  }
0x38: {  	s10 =	sld [smem:$0x3FB3]  }
0x39: {  	_ = 	snop;
	(pc) =	sbr.ind lr, $3  }
0x3a: {  	_ = 	snop  }
0x3b: {  	_ = 	snop  }
0x3c: {  	p2 =	seq.s32 s10, $0x1;
	s10 =	sld [smem:$0x3FB2]  }
0x3d: {  	_ =	shalt  }
0x3e: {  	_ =	shalt  }
0x3f: {  	_ =	shalt  }
0x40: {  	_ =	shalt  }
0x41: {  	_ =	shalt  }
0x42: {  	_ =	shalt  }
0x43: {  	_ =	shalt  }
0x44: {  	_ =	shalt  }
0x45: {  	_ =	shalt  }
0x46: {  	_ =	shalt  }
0x47: {  	_ =	shalt  }
0x48: {  	_ =	shalt  }
0x49: {  	_ =	shalt  }
0x4a: {  	_ =	shalt  }
0x4b: {  	_ =	shalt  }
0x4c: {  	_ =	shalt  }
0x4d: {  	_ =	shalt  }
0x4e: {  	_ =	shalt  }
0x4f: {  	_ =	shalt  }
0x50: {  	_ =	shalt  }
0x51: {  	_ =	shalt  }
0x52: {  	_ =	shalt  }
0x53: {  	_ =	shalt  }
0x54: {  	_ =	shalt  }
0x55: {  	_ =	shalt  }
0x56: {  	_ =	shalt  }
0x57: {  	_ =	shalt  }
0x58: {  	_ =	shalt  }
0x59: {  	_ =	shalt  }
0x5a: {  	_ =	shalt  }
0x5b: {  	_ =	shalt  }
0x5c: {  	_ =	shalt  }
0x5d: {  	_ =	shalt  }
0x5e: {  	_ =	shalt  }
0x5f: {  	_ =	shalt  }
0x60: {  	_ =	shalt  }
0x61: {  	_ =	shalt  }
0x62: {  	_ =	shalt  }
0x63: {  	_ =	shalt  }
0x64: {  	_ =	shalt  }
0x65: {  	_ =	shalt  }
0x66: {  	_ =	shalt  }
0x67: {  	_ =	shalt  }
0x68: {  	_ =	shalt  }
0x69: {  	_ =	shalt  }
0x6a: {  	_ =	shalt  }
0x6b: {  	_ =	shalt  }
0x6c: {  	_ =	shalt  }
0x6d: {  	_ =	shalt  }
0x6e: {  	_ =	shalt  }
0x6f: {  	_ =	shalt  }
0x70: {  	_ =	shalt  }
0x71: {  	_ =	shalt  }
0x72: {  	_ =	shalt  }
0x73: {  	_ =	shalt  }
0x74: {  	_ =	shalt  }
0x75: {  	_ =	shalt  }
0x76: {  	_ =	shalt  }
0x77: {  	_ =	shalt  }
0x78: {  	_ =	shalt  }
0x79: {  	_ =	shalt  }
0x7a: {  	_ =	shalt  }
0x7b: {  	_ =	shalt  }
0x7c: {  	_ =	shalt  }
0x7d: {  	_ =	shalt  }
0x7e: {  	_ =	shalt  }
0x7f: {  	_ =	shalt  }
0x80: {  	_ =	shalt  }
0x81: {  	_ =	shalt  }
0x82: {  	_ =	shalt  }
0x83: {  	_ =	shalt  }
0x84: {  	_ =	shalt  }
0x85: {  	_ =	shalt  }
0x86: {  	_ =	shalt  }
0x87: {  	_ =	shalt  }
.Lfunc_end0:
.L_simem_size_0:
called_computation.4_lowered:
.L_overlay_start_0:
0x88: {  	s2 =	sld [smem:$0x3FD9]  }
0x89: {  	s3 =	sld [smem:$0x3FFE];
	_ =	sdelay $0x1  }
0x8a: {  	s1 =	srdreg.scid  }
0x8b: {  	s0 =	sand.u32 $0x1, s1  }
0x8c: {  	s17 =	sshll.u32 s0, $0xA;
	s2 =	sadd.s32 s3, s2  }
0x8d: {  	s2 =	sadd.s32 s2, s17  }
0x8e: {  	[smem:$0x3FBE] =	sst s2  }
0x8f: {  	_ = 	snop  }
0x90: {  	s2 =	sld [smem:$0x3FD0];
	(tm) =	ssettm $0x1  }
0x91: {  	s18 =	sld [smem:$0x3FFB];
	_ =	sdelay $0x3  }
0x92: {  	_ =	strace s18  }
0x93: {  	s3 =	sld [smem:$0x3FFC];
	_ =	sdelay $0x3  }
0x94: {  	_ =	strace s3  }
0x95: {  	s3 =	sld [smem:$0x3FFD];
	_ =	sdelay $0x3  }
0x96: {  	_ =	strace s3  }
0x97: {  	_ =	strace $0x8FFFFFFF  }
0x98: {  	s19 =	sld [smem:$0x3FDB];
	_ =	sdelay $0x1  }
0x99: {  	s4 =	simm.s32 $_scs_section_size  }
0x9a: {  	s5 =	simm.s32 $_size__tile_overlayer_lowered;
	s6 =	simm.s32 $_tile_overlayer_lowered  }
0x9b: {  	s22 =	simm.s32 $0x1BFF;
	s21 =	sshll.u32 s6, $0x1;
	s3 =	sadd.s32 s4, s19  }
0x9c: {  	s7 =	simm.s32 $0x0;
	s20 =	sshll.u32 s5, $0x1;
	s5 =	sadd.s32 s21, s3  }
0x9d: {  	[timem:s7], [sflag:s22] =	dma.local [hbm:s5], s20  }
0x9e: {  	_ =	swait.ge [sflag:s22], s20  }
0x9f: {  	s4 =	ssub.s32 $0x0, s20;
	[sflag:s22] =	ssyncset.done $0x0  }
0xa0: {  	[sflag:s22] =	ssyncadd.s32 s4;
	_ =	sdelay $0x1  }
0xa1: {  	s23 =	simm.s32 $0x1B8B  }
0xa2: {  	_ =	swait.ge [sflag:s23], $0x1  }
0xa3: {  	[sflag:s23] =	ssyncset.done $0x0  }
0xa4: {  	s25 =	simm.s32 $0x1B8E;
	s24 =	sld [smem:$0x3FFE];
	[sflag:s23] =	ssyncadd.s32 $0xFFFFFFFF  }
0xa5: {  	s26 =	simm.s32 $execute0_lowered;
	[smem:$0x3FD2] =	sst s25  }
0xa6: {  	s5 =	sshll.u32 s26, $0x1;
	_ =	strace $0x80000052;
	[dreg:$0x1] =	wrdreg $0xFFFFFFFF  }
0xa7: {  	s28 =	simm.s32 $_size_execute0_lowered;
	s3 =	sadd.s32 s3, s5;
	[dreg:$0x0] =	wrdreg $0x0  }
0xa8: {  	s5 =	sshll.u32 s28, $0x1;
	[dreg:$0x2] =	wrdreg s3  }
0xa9: {  	[dreg:$0x3] =	wrdreg s5  }
0xaa: {  	[dreg:$0x4] =	wrdreg $0xC0  }
0xab: {  	_ =	task [dreg:s7], $0x5FFFF  }
0xac: {  	[dreg:$0x1] =	wrdreg $0xFFFFFFFF  }
0xad: {  	[dreg:$0x0] =	wrdreg $0x60  }
0xae: {  	[dreg:$0x2] =	wrdreg s24  }
0xaf: {  	[dreg:$0x3] =	wrdreg s2  }
0xb0: {  	[dreg:$0x4] =	wrdreg $0xC2000  }
0xb1: {  	[dreg:$0x5] =	wrdreg $0x9  }
0xb2: {  	_ =	task.clear_ibuf [dreg:s7], $0x6FFFF;
	_ =	strace $0x90000052  }
0xb3: {  	s29 =	simm.s32 $0x9;
	_ =	strace $0x80000054  }
0xb4: {  	_ =	swait.ge [sflag:s29], $0x1  }
0xb5: {  	[sflag:s29] =	ssyncadd.s32 $0xFFFFFFFF  }
0xb6: {  	_ =	strace $0x90000054  }
0xb7: {  	_ =	sfence  }
0xb8: {  	s30 =	sld [smem:$0x0];
	_ =	sdelay $0x2  }
0xb9: {  	s31 =	sshll.u32 s1, $0xD;
	s1 =	sshrl.u32 s1, $0x2  }
0xba: {  	s3 =	sand.u32 $0x4000, s31;
	s1 =	sadd.s32 s1, s30  }
0xbb: {  	s0 =	sor.u32 s3, s0;
	s1 =	sshll.u32 s1, $0x11  }
0xbc: {  	s0 =	sor.u32 s1, s0  }
0xbd: {  	s0 =	sadd.s32 $0x8F2B, s0  }
0xbe: {  	[sflag:s0] =	ssyncadd.remote.s32 $0x1  }
0xbf: {  	_ =	sfence.sel $0xFFFF  }
0xc0: {  	[dreg:$0x0] =	wrdreg $0xFFFFFFFF;
	(pc) =	sbr.abs _section_cstart, $3  }
0xc1: {  	[dreg:$0x1] =	wrdreg $0xFFFFFFFF  }
0xc2: {  	_ =	task.clear_ibuf [dreg:s7], $0x2FFFF;
	_ =	strace $0x9FFFFFFF  }
0xc3: {  	(tm) =	ssettm $0x7FFFFFFF  }
tec
execute0_lowered:
.L_overlay_start_1:
0x0: {  	(tag) =	ssettag $0x1  }
0x1: {  	s0 =	rddreg [dreg:$0x0]  }
0x2: {  	s1 =	rddreg [dreg:$0x1]  }
0x3: {  	s3 =	rddreg [dreg:$0x2]  }
0x4: {  	s4 =	simm.s32 $0x0;
	s2 =	srdreg.scid;
	s15 =	stileid.u32  }
0x5: {  	s11 =	simm.s32 $0x80;
	s17 =	simm.s32 $0x9;
	s28 =	simm.s32 $0x5  }
0x6: {  	s29 =	simm.s32 $0x7;
	s30 =	simm.s32 $0x4200;
	s31 =	simm.s32 $0x6  }
0x7: {  	[smem:$0x7FF] =	sst s4;
	s2 =	sand.u32 $0x1, s2;
	s5 =	sshll.u32 s15, $0x5  }
0x8: {  	s6 =	sshll.u32 s15, $0x7;
	s9 =	smul.u32 $0x13C00, s15;
	s7 =	sadd.s32 $0x46E00, s0  }
0x9: {  	s10 =	sadd.s32 $0x50E00, s0;
	s20 =	smul.u32 $0x4F000, s15;
	s26 =	sshll.u32 s15, $0x6  }
0xa: {  	p0 =	seq.s32 s2, $0x0;
	s5 =	sor.u32 $0x800, s5;
	s8 =	smul.u32 $0x13C000, s2  }
0xb: {  	_ =	strace $0x80000053;
	[dreg:$0x4] =	wrdreg s10;
	s2 =	ssub.s32 $0x2, s2  }
0xc: {  	s10 =	simm.s32 $0x80;
	s16 =	sor.u32 $0x1C09, s26;
	s5 =	smov.u32 @p0 s6  }
0xd: {  	s6 =	sadd.s32 $0x1F000, s0;
	s19 =	sshrl.u32 s2, $0x1;
	s11 =	simm.s32 @!p0 $0x20  }
0xe: {  	[dreg:$0xd] =	wrdreg s16;
	s12 =	sshll.u32 s5, $0x4;
	s8 =	sadd.s32 s9, s8  }
0xf: {  	s9 =	simm.s32 $0x1FFFF80;
	s2 =	ssub.s32 s2, s19;
	s18 =	sshrl.u32 s11, $0x1  }
0x10: {  	s19 =	simm.s32 $0x0;
	s13 =	sadd.s32 s12, s0;
	s8 =	sshrl.u32 s8, $0x3  }
0x11: {  	s9 =	simm.s32 @!p0 $0x1FFFFE0;
	s14 =	sadd.s32 s1, s12;
	s21 =	sor.u32 $0x10, s12  }
0x12: {  	s12 =	sadd.s32 s7, s12;
	s25 =	smax.u32 s2, $0x1;
	[dreg:$0x5] =	wrdreg s14  }
0x13: {  	s2 =	simm.s32 $0x8200;
	s0 =	sadd.s32 s8, s0;
	[dreg:$0x6] =	wrdreg s12  }
0x14: {  	s22 =	sadd.s32 s1, s21;
	s8 =	sshrl.u32 s20, $0x2;
	[dreg:$0xc] =	wrdreg s25  }
0x15: {  	s23 =	sadd.s32 s7, s21;
	s24 =	sadd.s32 $0x15000, s13;
	[dreg:$0x7] =	wrdreg s22  }
0x16: {  	s21 =	simm.s32 $0x4000;
	s12 =	simm.s32 $0x2;
	[dreg:$0x8] =	wrdreg s23  }
0x17: {  	s13 =	simm.s32 $0x3;
	s14 =	simm.s32 $0x4;
	[dreg:$0x9] =	wrdreg s24  }
0x18: {  	s8 =	sadd.s32 s8, s3;
	s0 =	sadd.s32 $0x53600, s0;
	s22 =	simm.s32 $0x4100  }
0x19: {  	s23 =	simm.s32 $0x4080;
	s24 =	simm.s32 $0x4180;
	[dreg:$0xa] =	wrdreg s8  }
0x1a: {  	[dreg:$0xb] =	wrdreg s0;
	s0 =	simm.s32 $0x8;
	s8 =	simm.s32 $0x1  }
.LBB2_1:
0x1b: {  	[dreg:$0xe] =	wrdreg s19  }
0x1c: {  	s15 =	rddreg [dreg:$0x5]  }
0x1d: {  	[tilespmem:s21], [sflag:$0x5] =	stream.linear.gather [hbm4b:s15+s4], $0x80, $0x38;
	[tilespmem:$0x1FE00] =	vst v63  }
0x1e: {  	s20 =	rddreg [dreg:$0x6]  }
0x1f: {  	[tilespmem:s22], [sflag:$0x7] =	stream.linear.gather [hbm4b:s20+s4], $0x80, $0x38;
	[tilespmem:$0x1FE00] =	vst v63  }
0x20: {  	s25 =	rddreg [dreg:$0x7]  }
0x21: {  	[tilespmem:s23], [sflag:$0x6] =	stream.linear.gather [hbm4b:s25+s4], $0x80, $0x38;
	[tilespmem:$0x1FE00] =	vst v63  }
0x22: {  	s26 =	rddreg [dreg:$0x8]  }
0x23: {  	[tilespmem:s24], [sflag:$0x8] =	stream.linear.gather [hbm4b:s26+s4], $0x80, $0x38;
	[tilespmem:$0x1FE00] =	vst v63  }
0x24: {  	s19 =	rddreg [dreg:$0x9]  }
0x25: {  	[tilespmem:s4], [sflag:$0x9] =	stream.linear.gather [hbm4b:s19+s4], $0x4000, $0x38;
	[tilespmem:$0x1FE00] =	vst v63  }
0x26: {  	_ =	swait.ge [sflag:s17], $0x4000  }
0x27: {  	s20 =	rddreg [dreg:$0xa]  }
0x28: {  	[sflag:s17] =	ssyncset.done $0x0;
	s26 =	rddreg [dreg:$0x4];
	s25 =	sshrl.u32 s20, $0x3  }
0x29: {  	[sflag:s17] =	ssyncadd.s32 $0xFFFFC000;
	[dreg:$0xf] =	wrdreg s25  }
0x2a: {  	[spmem:s25], [sflag:s16] =	dma.local [hbm:s26], $0x2780  }
0x2b: {  	_ =	swait.ge [sflag:s17], $0x2780  }
0x2c: {  	[sflag:s17] =	ssyncset.done $0x0  }
0x2d: {  	[sflag:s17] =	ssyncadd.s32 $0xFFFFD880  }
0x2e: {  	[bflag:$0x0] =	sbarrier.arrive $0xFFFF  }
0x2f: {  	_ =	swait.ge [sflag:s28], $0x80  }
0x30: {  	[sflag:s28] =	ssyncset.done $0x0  }
0x31: {  	[sflag:s28] =	ssyncadd.s32 $0xFFFFFF80  }
0x32: {  	_ =	swait.ge [sflag:s29], $0x80  }
0x33: {  	[sflag:s29] =	ssyncset.done $0x0  }
0x34: {  	[sflag:s29] =	ssyncadd.s32 $0xFFFFFF80  }
0x35: {  	[tilespmem:s30], [sflag:$0x1] =	stream.indirect.gather [hbm4b:s6+s10], $0x80, s21, s10, $0xb8;
	[tilespmem:$0x1FE00] =	vst v63  }
0x36: {  	_ =	swait.ge [sflag:s31], $0x80  }
0x37: {  	[sflag:s31] =	ssyncset.done $0x0  }
0x38: {  	[sflag:s31] =	ssyncadd.s32 $0xFFFFFF80  }
0x39: {  	_ =	swait.ge [sflag:s0], $0x80  }
0x3a: {  	[sflag:s0] =	ssyncset.done $0x0  }
0x3b: {  	s17 =	simm.s32 $0x0;
	[sflag:s0] =	ssyncadd.s32 $0xFFFFFF80  }
0x3c: {  	[tilespmem:s2], [sflag:$0x2] =	stream.indirect.gather [hbm4b:s6+s10], $0x80, s23, s10, $0xb8;
	[tilespmem:$0x1FE00] =	vst v63  }
.LBB2_2:
0x3d: {  	_ =	swait.ge [sflag:s8], $0x4000;
	s16 =	simm.s32 $0x0  }
0x3e: {  	[sflag:s8] =	ssyncset.done $0x0;
	v0 =	vmov s16  }
0x3f: {  	s19 =	simm.s32 $0x4240;
	[sflag:s8] =	ssyncadd.s32 $0xFFFFC000  }
0x40: {  	v4 =	vld [tilespmem:s19+$0x30]  }
0x41: {  	v7 =	vld [tilespmem:s19+$0x10]  }
0x42: {  	v5 =	vld [tilespmem:s19+$0xFFFFFFC0]  }
0x43: {  	v1 =	vld.idx.msk [tilespmem:v0+s22+$0x0], $0xffff  }
0x44: {  	v9 =	vld [tilespmem:s19+$0xFFFFFFE0]  }
0x45: {  	v2 =	vld [tilespmem:s19+$0x20]  }
0x46: {  	v3 =	vld [tilespmem:s19+$0xFFFFFFD0]  }
0x47: {  	v0 =	vld [tilespmem:s19+$0xFFFFFFF0]  }
0x48: {  	v8 =	vmul.f32 v4, v1;
	v4 =	vld [tilespmem:s19+$0x0]  }
0x49: {  	v6 =	vmul.f32 v5, v1  }
0x4a: {  	s20 =	simm.s32 $0x4240;
	s16 =	simm.s32 $0x1;
	v5 =	vmul.f32 v9, v1;
	v7 =	vmul.f32 v7, v1  }
.LBB2_3:
0x4b: {  	p0 =	sne.s32 s16, $0x7F  }
0x4c: {  	v3 =	vmul.f32 v3, v1;
	v2 =	vmul.f32 v2, v1;
	[tilespmem:s19+$0x30] =	vst v8;
	s20 =	sadd.s32 $0x80, s20;
	s25 =	smov.u32 s16;
	s16 =	sadd.s32 $0x1, s16  }
0x4d: {  	[tilespmem:s19+$0xFFFFFFC0] =	vst v6;
	v6 =	vmul.f32 v0, v1;
	v1 =	vmul.f32 v4, v1  }
0x4e: {  	[tilespmem:s19+$0x10] =	vst v7  }
0x4f: {  	v4 =	vmov s25;
	[tilespmem:s19+$0xFFFFFFE0] =	vst v5  }
0x50: {  	v0 =	vld [tilespmem:s20+$0xFFFFFFF0];
	[tilespmem:s19+$0xFFFFFFF0] =	vst v6  }
0x51: {  	v5 =	vld [tilespmem:s20+$0x30];
	[tilespmem:s19+$0x0] =	vst v1  }
0x52: {  	v7 =	vld [tilespmem:s20+$0x10];
	[tilespmem:s19+$0x20] =	vst v2  }
0x53: {  	v6 =	vld [tilespmem:s20+$0xFFFFFFC0];
	[tilespmem:s19+$0xFFFFFFD0] =	vst v3;
	s19 =	smov.u32 s20  }
0x54: {  	v1 =	vld.idx.msk [tilespmem:v4+s22+$0x0], $0xffff  }
0x55: {  	v9 =	vld [tilespmem:s20+$0xFFFFFFE0]  }
0x56: {  	v2 =	vld [tilespmem:s20+$0x20]  }
.Ltmp0:
0x57: {  	v3 =	vld [tilespmem:s20+$0xFFFFFFD0];
	(pc) =	sbr.rel @p0 .LBB2_3-.Ltmp0, $3  }
0x58: {  	v4 =	vld [tilespmem:s20+$0x0];
	_ =	sdelay $0x1  }
0x59: {  	v6 =	vmul.f32 v6, v1;
	v8 =	vmul.f32 v5, v1  }
0x5a: {  	v7 =	vmul.f32 v7, v1;
	v5 =	vmul.f32 v9, v1  }
0x5b: {  	[tilespmem:s19+$0x30] =	vst v8  }
0x5c: {  	[tilespmem:s19+$0xFFFFFFC0] =	vst v6  }
0x5d: {  	v0 =	vmul.f32 v0, v1;
	[tilespmem:s19+$0x10] =	vst v7  }
0x5e: {  	v2 =	vmul.f32 v2, v1;
	[tilespmem:s19+$0xFFFFFFE0] =	vst v5  }
0x5f: {  	v4 =	vmul.f32 v4, v1;
	[tilespmem:s19+$0xFFFFFFF0] =	vst v0  }
0x60: {  	v0 =	vmul.f32 v3, v1;
	[tilespmem:s19+$0x20] =	vst v2  }
0x61: {  	s16 =	sshll.u32 s17, $0xA;
	[tilespmem:s19+$0x0] =	vst v4  }
0x62: {  	s20 =	sshra.s32 s16, $0x2;
	[tilespmem:s19+$0xFFFFFFD0] =	vst v0;
	s19 =	sshll.u32 s17, $0x1  }
0x63: {  	[spmem:s3] =	stream.indirect.scatter.add.f32 [tilespmem:s30], [sflag:$0x3], $0x80, s20, s10, $0xb8;
	[tilespmem:$0x1FE00] =	vst v63  }
0x64: {  	s15 =	sadd.s32 $0x2, s19  }
0x65: {  	s25 =	smov.u32 s9;
	p0 =	slt.u32 s15, s11  }
0x66: {  	s26 =	sadd.s32 s5, s15;
	s25 =	simm.s32 @p0 $0x0  }
0x67: {  	s25 =	sadd.s32 s25, s26  }
0x68: {  	s16 =	sshll.u32 s15, $0x7;
	s25 =	sshll.u32 s25, $0x7  }
0x69: {  	s16 =	sand.u32 $0x300, s16;
	s25 =	sand.u32 $0xFFFFFC00, s25  }
0x6a: {  	s16 =	sor.u32 s16, s25  }
0x6b: {  	s16 =	sshrl.u32 s16, $0x3  }
0x6c: {  	s15 =	simm.s32 $0x0;
	s26 =	sadd.s32 s1, s16  }
0x6d: {  	v0 =	vmov s15;
	[tilespmem:s21], [sflag:$0x5] =	stream.linear.gather [hbm4b:s26+s15], $0x80, $0x38;
	[tilespmem:$0x1FE00] =	vst v63  }
0x6e: {  	v0 =	vand.u32 $0x7F, v0;
	s16 =	sadd.s32 s7, s16  }
0x6f: {  	v0 =	vor.u32 $0x80, v0;
	[tilespmem:s22], [sflag:$0x7] =	stream.linear.gather [hbm4b:s16+s15], $0x80, $0x38;
	[tilespmem:$0x1FE00] =	vst v63  }
0x70: {  	v0 =	vbroadcast v0, $0x0;
	_ =	swait.ge [sflag:s12], $0x4000  }
0x71: {  	[sflag:s12] =	ssyncset.done $0x0  }
0x72: {  	s25 =	simm.s32 $0x8240;
	[sflag:s12] =	ssyncadd.s32 $0xFFFFC000  }
0x73: {  	v4 =	vld [tilespmem:s25+$0x30]  }
0x74: {  	v7 =	vld [tilespmem:s25+$0x10]  }
0x75: {  	v5 =	vld [tilespmem:s25+$0xFFFFFFC0]  }
0x76: {  	v1 =	vld.idx.msk [tilespmem:v0+s22+$0x0], $0xffff  }
0x77: {  	v10 =	vld [tilespmem:s25+$0xFFFFFFE0]  }
0x78: {  	v0 =	vld [tilespmem:s25+$0xFFFFFFF0]  }
0x79: {  	v2 =	vld [tilespmem:s25+$0x20]  }
0x7a: {  	v3 =	vld [tilespmem:s25+$0xFFFFFFD0]  }
0x7b: {  	v8 =	vmul.f32 v4, v1;
	v4 =	vld [tilespmem:s25+$0x0]  }
0x7c: {  	s15 =	simm.s32 $0x1;
	v6 =	vmul.f32 v5, v1  }
0x7d: {  	s26 =	simm.s32 $0x2;
	s16 =	simm.s32 $0x8240;
	v9 =	vmov s15;
	v5 =	vmul.f32 v10, v1;
	v7 =	vmul.f32 v7, v1  }
.LBB2_5:
0x7e: {  	p0 =	sne.s32 s26, $0x7F  }
0x7f: {  	v9 =	vand.u32 $0x7F, v9;
	v3 =	vmul.f32 v3, v1;
	v2 =	vmul.f32 v2, v1;
	[tilespmem:s25+$0x30] =	vst v8;
	s16 =	sadd.s32 $0x80, s16;
	s15 =	smov.u32 s26;
	s26 =	sadd.s32 $0x1, s26  }
0x80: {  	v8 =	vor.u32 $0x80, v9;
	[tilespmem:s25+$0xFFFFFFC0] =	vst v6;
	v6 =	vmul.f32 v0, v1;
	v1 =	vmul.f32 v4, v1  }
0x81: {  	v4 =	vbroadcast v8, $0x0;
	[tilespmem:s25+$0x10] =	vst v7  }
0x82: {  	[tilespmem:s25+$0xFFFFFFE0] =	vst v5  }
0x83: {  	v0 =	vld [tilespmem:s16+$0xFFFFFFF0];
	[tilespmem:s25+$0xFFFFFFF0] =	vst v6  }
0x84: {  	v5 =	vld [tilespmem:s16+$0x30];
	[tilespmem:s25+$0x0] =	vst v1  }
0x85: {  	v7 =	vld [tilespmem:s16+$0x10];
	[tilespmem:s25+$0x20] =	vst v2  }
0x86: {  	v6 =	vld [tilespmem:s16+$0xFFFFFFC0];
	[tilespmem:s25+$0xFFFFFFD0] =	vst v3;
	s25 =	smov.u32 s16  }
0x87: {  	v1 =	vld.idx.msk [tilespmem:v4+s22+$0x0], $0xffff  }
0x88: {  	v10 =	vld [tilespmem:s16+$0xFFFFFFE0]  }
0x89: {  	v2 =	vld [tilespmem:s16+$0x20]  }
.Ltmp1:
0x8a: {  	v3 =	vld [tilespmem:s16+$0xFFFFFFD0];
	(pc) =	sbr.rel @p0 .LBB2_5-.Ltmp1, $3  }
0x8b: {  	v4 =	vld [tilespmem:s16+$0x0];
	_ =	sdelay $0x1  }
0x8c: {  	v6 =	vmul.f32 v6, v1;
	v8 =	vmul.f32 v5, v1  }
0x8d: {  	v9 =	vmov s15;
	v7 =	vmul.f32 v7, v1;
	v5 =	vmul.f32 v10, v1  }
0x8e: {  	[tilespmem:s25+$0x30] =	vst v8;
	v51 =	vand.u32 $0x7F, v9  }
0x8f: {  	[tilespmem:s25+$0xFFFFFFC0] =	vst v6;
	v6 =	vor.u32 $0x80, v51  }
0x90: {  	v0 =	vmul.f32 v0, v1;
	[tilespmem:s25+$0x10] =	vst v7;
	v52 =	vbroadcast v6, $0x0  }
0x91: {  	s15 =	sadd.s32 $0x80, s16;
	[tilespmem:s25+$0xFFFFFFE0] =	vst v5;
	v4 =	vmul.f32 v4, v1  }
0x92: {  	v55 =	vmul.f32 v3, v1;
	v53 =	vld [tilespmem:s15+$0xFFFFFFF0];
	[tilespmem:s25+$0xFFFFFFF0] =	vst v0  }
0x93: {  	v2 =	vmul.f32 v2, v1;
	v54 =	vld [tilespmem:s15+$0x30];
	[tilespmem:s25+$0x0] =	vst v4  }
0x94: {  	v57 =	vld [tilespmem:s15+$0xFFFFFFC0];
	[tilespmem:s25+$0xFFFFFFD0] =	vst v55  }
0x95: {  	v56 =	vld [tilespmem:s15+$0x10];
	[tilespmem:s25+$0x20] =	vst v2  }
0x96: {  	v1 =	vld.idx.msk [tilespmem:v52+s22+$0x0], $0xffff;
	_ =	sdelay $0x2  }
0x97: {  	v4 =	vld [tilespmem:s15+$0xFFFFFFE0];
	_ =	sdelay $0x1  }
0x98: {  	v58 =	vld [tilespmem:s15+$0x0];
	v0 =	vmul.f32 v54, v1  }
0x99: {  	v7 =	vld [tilespmem:s15+$0x20];
	v2 =	vmul.f32 v57, v1  }
0x9a: {  	v59 =	vld [tilespmem:s15+$0xFFFFFFD0];
	v3 =	vmul.f32 v56, v1;
	[tilespmem:s15+$0x30] =	vst v0  }
0x9b: {  	v60 =	vmul.f32 v4, v1;
	[tilespmem:s15+$0xFFFFFFC0] =	vst v2  }
0x9c: {  	v61 =	vmul.f32 v53, v1;
	[tilespmem:s15+$0x10] =	vst v3  }
0x9d: {  	s25 =	sadd.s32 $0x3, s19;
	v62 =	vmul.f32 v58, v1;
	[tilespmem:s15+$0xFFFFFFE0] =	vst v60  }
0x9e: {  	s16 =	smov.u32 s9;
	p0 =	slt.u32 s25, s11;
	v63 =	vmul.f32 v7, v1;
	[tilespmem:s15+$0xFFFFFFF0] =	vst v61  }
0x9f: {  	s19 =	sadd.s32 s5, s25;
	s16 =	simm.s32 @p0 $0x0;
	v1 =	vmul.f32 v59, v1;
	[tilespmem:s15+$0x0] =	vst v62  }
0xa0: {  	s16 =	sadd.s32 s16, s19;
	[tilespmem:s15+$0x20] =	vst v63  }
0xa1: {  	s20 =	sadd.s32 $0x80, s20;
	s16 =	sshll.u32 s16, $0x7;
	[tilespmem:s15+$0xFFFFFFD0] =	vst v1;
	s15 =	sshll.u32 s25, $0x7  }
0xa2: {  	[spmem:s3] =	stream.indirect.scatter.add.f32 [tilespmem:s2], [sflag:$0x4], $0x80, s20, s10, $0xb8;
	[tilespmem:$0x1FE00] =	vst v63  }
0xa3: {  	s16 =	sand.u32 $0xFFFFFC00, s16;
	s15 =	sand.u32 $0x380, s15  }
0xa4: {  	s15 =	sor.u32 s15, s16  }
0xa5: {  	s15 =	sshrl.u32 s15, $0x3  }
0xa6: {  	s26 =	sadd.s32 s1, s15  }
0xa7: {  	[tilespmem:s23], [sflag:$0x6] =	stream.linear.gather [hbm4b:s26+s4], $0x80, $0x38;
	[tilespmem:$0x1FE00] =	vst v63  }
0xa8: {  	s15 =	sadd.s32 s7, s15  }
0xa9: {  	[tilespmem:s24], [sflag:$0x8] =	stream.linear.gather [hbm4b:s15+s4], $0x80, $0x38;
	[tilespmem:$0x1FE00] =	vst v63  }
0xaa: {  	_ =	swait.ge [sflag:s13], $0x4000  }
0xab: {  	[sflag:s13] =	ssyncset.done $0x0  }
0xac: {  	[sflag:s13] =	ssyncadd.s32 $0xFFFFC000  }
0xad: {  	_ =	swait.ge [sflag:s28], $0x80  }
0xae: {  	[sflag:s28] =	ssyncset.done $0x0  }
0xaf: {  	[sflag:s28] =	ssyncadd.s32 $0xFFFFFF80  }
0xb0: {  	_ =	swait.ge [sflag:s29], $0x80  }
0xb1: {  	[sflag:s29] =	ssyncset.done $0x0  }
0xb2: {  	[sflag:s29] =	ssyncadd.s32 $0xFFFFFF80  }
0xb3: {  	[tilespmem:s30], [sflag:$0x1] =	stream.indirect.gather [hbm4b:s6+s10], $0x80, s21, s10, $0xb8;
	[tilespmem:$0x1FE00] =	vst v63  }
0xb4: {  	_ =	swait.ge [sflag:s14], $0x4000  }
0xb5: {  	[sflag:s14] =	ssyncset.done $0x0  }
0xb6: {  	[sflag:s14] =	ssyncadd.s32 $0xFFFFC000  }
0xb7: {  	s17 =	sadd.s32 $0x1, s17;
	_ =	swait.ge [sflag:s31], $0x80  }
0xb8: {  	p0 =	sne.s32 s17, s18;
	[sflag:s31] =	ssyncset.done $0x0  }
.Ltmp2:
0xb9: {  	[sflag:s31] =	ssyncadd.s32 $0xFFFFFF80;
	(pc) =	sbr.rel @p0 .LBB2_2-.Ltmp2, $4  }
0xba: {  	_ =	swait.ge [sflag:s0], $0x80  }
0xbb: {  	[sflag:s0] =	ssyncset.done $0x0  }
0xbc: {  	[sflag:s0] =	ssyncadd.s32 $0xFFFFFF80  }
0xbd: {  	[tilespmem:s2], [sflag:$0x2] =	stream.indirect.gather [hbm4b:s6+s10], $0x80, s23, s10, $0xb8;
	[tilespmem:$0x1FE00] =	vst v63  }
0xbe: {  	_ =	swait.ge [sflag:s8], $0x4000  }
0xbf: {  	[sflag:s8] =	ssyncset.done $0x0  }
0xc0: {  	[sflag:s8] =	ssyncadd.s32 $0xFFFFC000  }
0xc1: {  	_ =	swait.ge [sflag:s12], $0x4000  }
0xc2: {  	[sflag:s12] =	ssyncset.done $0x0  }
0xc3: {  	[sflag:s12] =	ssyncadd.s32 $0xFFFFC000  }
0xc4: {  	[bflag:$0x0] =	sbarrier.arrive $0xFFFF  }
0xc5: {  	s15 =	rddreg [dreg:$0xb]  }
0xc6: {  	s16 =	rddreg [dreg:$0xd]  }
0xc7: {  	s17 =	rddreg [dreg:$0xf]  }
0xc8: {  	[hbm:s15], [sflag:s16] =	dma.local [spmem:s17], $0x2780  }
0xc9: {  	s17 =	simm.s32 $0x9  }
0xca: {  	_ =	swait.ge [sflag:s17], $0x2780  }
0xcb: {  	s19 =	rddreg [dreg:$0xe]  }
0xcc: {  	s26 =	rddreg [dreg:$0xc];
	s19 =	sadd.s32 $0x1, s19  }
0xcd: {  	p0 =	sne.s32 s19, s26  }
.Ltmp3:
0xce: {  	_ = 	snop;
	(pc) =	sbr.rel @p0 .LBB2_1-.Ltmp3, $3  }
0xcf: {  	_ =	sdelay $0x1  }
0xd0: {  	[sflag:s17] =	ssyncset.done $0x0  }
0xd1: {  	[sflag:s17] =	ssyncadd.s32 $0xFFFFD880  }
0xd2: {  	_ =	sfence.sel $0x180000  }
0xd3: {  	[bflag:$0x0] =	sbarrier.arrive $0xFFFF  }
0xd4: {  	_ =	strace $0x90000053  }
0xd5: {  	s0 =	stileid.u32;
	[bflag:$0x2] =	sbarrier.arrive $0xFFFF  }
0xd6: {  	p0 =	sne.s32 s0, $0x0;
	s0 =	rddreg [dreg:$0x3]  }
0xd7: {  	s0 =	sadd.s32 @!p0 $0x100000, s0  }
0xd8: {  	[sflag:s0] =	ssyncadd.tile.s32 @!p0 $0x1;
	_ =	shalt  }
.Lfunc_end2:
_tile_overlayer_lowered:
.L_overlay_start_2:
0xd9: {  	(tag) =	ssettag $0x2  }
0xda: {  	s0 =	rddreg [dreg:$0x0];
	s2 =	stileid.u32  }
0xdb: {  	s1 =	rddreg [dreg:$0x1];
	p0 =	sne.s32 s2, $0x0  }
0xdc: {  	s3 =	rddreg [dreg:$0x2];
	[bflag:$0x3] =	sbarrier.arrive $0xFFFF;
	s2 =	simm.s32 @!p0 $0x1C09  }
0xdd: {  	[timem:s3], [sflag:s2] =	dma.local @!p0 [hbm:s0], s1  }
0xde: {  	s0 =	simm.s32 @!p0 $0x9  }
0xdf: {  	_ =	swait.ge @!p0 [sflag:s0], s1  }
0xe0: {  	s1 =	ssub.s32 @!p0 $0x0, s1;
	[sflag:s0] =	ssyncset.done @!p0 $0x0  }
0xe1: {  	[sflag:s0] =	ssyncadd.s32 @!p0 s1  }
0xe2: {  	[bflag:$0x3] =	sbarrier.arrive $0xFFFF  }
0xe3: {  	_ =	shalt  }

</sc_bundles>
